<compile_context>
chip_gen: v7x
topology: tpu7x:2x2x1
jax: 0.10.2.dev20260603
libtpu: 0.0.44.dev20260713+nightly
codegen_flags: <defaults>
</compile_context>

<pallas_src>
import functools
import jax
import jax.numpy as jnp
from jax import lax
from jax.experimental import pallas as pl
from jax.experimental.pallas import tpu as pltpu
from jax.experimental.pallas import tpu_sc as plsc

_B, _T, _C, _H, _W = 2, 8, 32, 24, 24
_K = 8192
_N = _B * _T * _H * _W
_BM = 512
_GRID = _N // _BM

_NC, _NS = 2, 16
_NW = _NC * _NS
_BPW = _N // _NW
_DP = 128


_LB = 128
_NT = _K // _LB
_RH = 128


def _argmin_kernel(zf_ref, cbt_ref, idx_ref, cnorm_ref, dscr_ref):
    @pl.when(pl.program_id(0) == 0)
    def _():
        cbt0 = cbt_ref[...]
        cnorm_ref[...] = jnp.sum(cbt0 * cbt0, axis=0, keepdims=True)

    zf = zf_ref[...]
    rnorm = jnp.sum(zf * zf, axis=1, keepdims=True)
    zf2 = zf + zf
    dscr_ref[...] = jax.lax.dot_general(
        zf2, cbt_ref[...], (((1,), (0,)), ((), ())),
        preferred_element_type=jnp.float32)
    idsf = jax.lax.broadcasted_iota(
        jnp.int32, (1, _LB), 1).astype(jnp.float32)
    for r in range(_BM // _RH):
        rn = jax.lax.slice_in_dim(rnorm, r * _RH, (r + 1) * _RH, axis=0)
        acc_v = jnp.full((_RH, _LB), jnp.inf, jnp.float32)
        acc_i = jnp.zeros((_RH, _LB), jnp.float32)
        for t in range(_NT):
            cn = cnorm_ref[:, pl.ds(t * _LB, _LB)]
            dt = dscr_ref[pl.ds(r * _RH, _RH), pl.ds(t * _LB, _LB)]
            v = (rn + cn) - dt
            cmp = v < acc_v
            acc_v = jnp.where(cmp, v, acc_v)
            acc_i = jnp.where(cmp, idsf + jnp.float32(t * _LB), acc_i)
        m = jnp.min(acc_v, axis=1, keepdims=True)
        cand = jnp.where(acc_v == m, acc_i, jnp.float32(_K))
        idx = jnp.min(cand, axis=1).astype(jnp.int32)
        idx_ref[0, 0, pl.ds(r * _RH, _RH)] = idx


@functools.partial(
    pl.kernel,
    out_type=jax.ShapeDtypeStruct((_N, _DP), jnp.float32),
    mesh=plsc.VectorSubcoreMesh(core_axis_name="c", subcore_axis_name="s"),
    scratch_types=[
        pltpu.VMEM((_BPW,), jnp.int32),
        pltpu.VMEM((_BPW, _DP), jnp.float32),
        pltpu.SemaphoreType.DMA,
    ],
)
def _gather_kernel(cb_hbm, idx_hbm, out_hbm, idx_v, rows_v, sem):
    wid = lax.axis_index("s") * _NC + lax.axis_index("c")
    base = wid * _BPW
    pltpu.sync_copy(idx_hbm.at[pl.ds(base, _BPW)], idx_v)
    pltpu.async_copy(cb_hbm.at[idx_v], rows_v, sem).wait()
    pltpu.sync_copy(rows_v, out_hbm.at[pl.ds(base, _BPW)])


def kernel(z, codebook):
    c = z.shape[1]
    zf = jnp.transpose(z, (0, 2, 3, 1)).reshape(_N, c)
    cbt = jnp.transpose(codebook, (1, 0))
    idx3 = pl.pallas_call(
        _argmin_kernel,
        grid=(_GRID,),
        in_specs=[
            pl.BlockSpec((_BM, _C), lambda i: (i, 0)),
            pl.BlockSpec((_C, _K), lambda i: (0, 0)),
        ],
        out_specs=pl.BlockSpec((1, 1, _BM), lambda i: (i, 0, 0)),
        out_shape=jax.ShapeDtypeStruct((_GRID, 1, _BM), jnp.int32),
        scratch_shapes=[
            pltpu.VMEM((1, _K), jnp.float32),
            pltpu.VMEM((_BM, _K), jnp.float32),
        ],
    )(zf, cbt)
    idx_flat = idx3.reshape(_N)
    cb_pad = jnp.pad(codebook, ((0, 0), (0, _DP - _C)))
    feats = _gather_kernel(cb_pad, idx_flat)[:, :_C]
    L = _H * _W
    indices = idx_flat.reshape(_B, _T, L)
    features = feats.reshape(_B, _T, L, c)
    return indices, features

# --- scband reference (transcript-rebuilt; emitter-appended) ---
"""Pipeline reference for scband-tokenizer-31808527794804 (READ-ONLY COPY).

The authoritative reference and input builder live on the scoring server;
editing this copy changes nothing except your own understanding.
"""

import jax, jax.numpy as jnp
import numpy as np

B, T, C, H, W = 2, 8, 32, 24, 24
K = 8192

def setup_inputs(seed: int = 0) -> dict:
    key = jax.random.key(seed)
    k1, k2 = jax.random.split(key)
    z = jax.random.normal(k1, (B * T, C, H, W), dtype=jnp.float32)
    codebook = jax.random.normal(k2, (K, C), dtype=jnp.float32) * 0.02
    return {"z": z, "codebook": codebook}

def reference(z, codebook):
    # encode_to_z core: per-frame latents are quantized against the codebook,
    # producing flat indices and gathered codebook features, then rearranged:
    #   indices:  (b h w) -> b (h w) -> b t L
    #   features: (b h w) c -> b (h w) c -> b t L c
    c = z.shape[1]
    # 'b c h w -> (b h w) c'
    zf = jnp.transpose(z, (0, 2, 3, 1)).reshape(-1, c)
    # squared L2 distance to every codebook entry
    d = (jnp.sum(zf ** 2, axis=1, keepdims=True)
         + jnp.sum(codebook ** 2, axis=1)[None, :]
         - 2.0 * (zf @ codebook.T))
    indices = jnp.argmin(d, axis=1)
    features = jnp.take(codebook, indices, axis=0)
    L = H * W
    indices = indices.reshape(B, T, L)
    features = features.reshape(B, T, L, c)
    return indices, features

if __name__ == "__main__":
    import jax
    _d = setup_inputs()
    print(jax.jit(kernel)(*tuple(_d.values())))

</pallas_src>

<mosaic_0001>
#map = affine_map<(d0, d1) -> (0, 0)>
#map1 = affine_map<(d0, d1) -> (0)>
module attributes {stable_mosaic.version = 14 : i64} {
  func.func @_gather_kernel(%arg0: i32, %arg1: i32, %arg2: memref<8192x128xf32, #tpu.memory_space<hbm>>, %arg3: memref<9216xi32, #tpu.memory_space<hbm>>, %arg4: memref<9216x128xf32, #tpu.memory_space<hbm>>, %arg5: memref<288xi32, #tpu.memory_space<vmem>>, %arg6: memref<288x128xf32, #tpu.memory_space<vmem>>, %arg7: memref<!tpu.dma_semaphore, #tpu.memory_space<semaphore_mem>>) attributes {dimension_semantics = [#tpu.dimension_semantics<core_parallel>, #tpu.dimension_semantics<subcore_parallel>], iteration_bounds = array<i64: 2, 16>, scalar_prefetch = 0 : i64, scratch_operands = 3 : i64, tpu.core_type = #tpu.core_type<sc_vector_subcore>, window_params = [{transform_indices = #map}, {transform_indices = #map1}, {transform_indices = #map}]} {
    %mul3A = arith.constant 2 : i32
    %mul3A_0 = arith.muli %arg1, %mul3A : i32
    %add3A = arith.addi %mul3A_0, %arg0 : i32
    %mul3A_1 = arith.constant 288 : i32
    %mul3A_2 = arith.muli %add3A, %mul3A_1 : i32
    "tpu.region"() ({
      %run_scoped3A = tpu.sem_alloc : memref<!tpu.dma_semaphore, #tpu.memory_space<semaphore_mem>>
      %dma_start3A_7 = tpu.memref_slice %arg3[%mul3A_2] : memref<9216xi32, #tpu.memory_space<hbm>> -> memref<288xi32, #tpu.memory_space<hbm>>
      %dma_start3A_8 = tpu.memref_slice %arg3[%mul3A_2] : memref<9216xi32, #tpu.memory_space<hbm>> -> memref<288xi32, #tpu.memory_space<hbm>>
      tpu.enqueue_dma source(%dma_start3A_8 : memref<288xi32, #tpu.memory_space<hbm>>) target(%arg5 : memref<288xi32, #tpu.memory_space<vmem>>) target_semaphore(%run_scoped3A : memref<!tpu.dma_semaphore, #tpu.memory_space<semaphore_mem>>)
      %dma_wait3A_9 = tpu.memref_slice %arg3[%mul3A_2] : memref<9216xi32, #tpu.memory_space<hbm>> -> memref<288xi32, #tpu.memory_space<hbm>>
      %dma_wait3A_10 = tpu.memref_slice %arg3[%mul3A_2] : memref<9216xi32, #tpu.memory_space<hbm>> -> memref<288xi32, #tpu.memory_space<hbm>>
      tpu.wait_dma2 semaphore(%run_scoped3A : memref<!tpu.dma_semaphore, #tpu.memory_space<semaphore_mem>>) src(%dma_wait3A_10 : memref<288xi32, #tpu.memory_space<hbm>>) dst(%arg5 : memref<288xi32, #tpu.memory_space<vmem>>)
      tpu.yield
    }) : () -> ()
    %dma_start3A = arith.constant 0 : i32
    %dma_start3A_3 = arith.constant 0 : i32
    %dma_start3A_4 = tpu.memref_slice %arg2[%dma_start3A, %dma_start3A_3] : memref<8192x128xf32, #tpu.memory_space<hbm>> -> memref<8192x128xf32, #tpu.memory_space<hbm>>
    tpu.enqueue_indirect_dma source(%dma_start3A_4 : memref<8192x128xf32, #tpu.memory_space<hbm>>) target(%arg6 : memref<288x128xf32, #tpu.memory_space<vmem>>) offsets(%arg5 : memref<288xi32, #tpu.memory_space<vmem>>) semaphore(%arg7 : memref<!tpu.dma_semaphore, #tpu.memory_space<semaphore_mem>>)
    %dma_wait3A = arith.constant 0 : i32
    %dma_wait3A_5 = arith.constant 0 : i32
    %dma_wait3A_6 = tpu.memref_slice %arg2[%dma_wait3A, %dma_wait3A_5] : memref<8192x128xf32, #tpu.memory_space<hbm>> -> memref<8192x128xf32, #tpu.memory_space<hbm>>
    tpu.wait_indirect_dma semaphore(%arg7 : memref<!tpu.dma_semaphore, #tpu.memory_space<semaphore_mem>>) src(%dma_wait3A_6 : memref<8192x128xf32, #tpu.memory_space<hbm>>) dst(%arg6 : memref<288x128xf32, #tpu.memory_space<vmem>>)
    "tpu.region"() ({
      %run_scoped3A = tpu.sem_alloc : memref<!tpu.dma_semaphore, #tpu.memory_space<semaphore_mem>>
      %dma_start3A_7 = arith.constant 0 : i32
      %dma_start3A_8 = tpu.memref_slice %arg4[%mul3A_2, %dma_start3A_7] : memref<9216x128xf32, #tpu.memory_space<hbm>> -> memref<288x128xf32, #tpu.memory_space<hbm>>
      %dma_start3A_9 = arith.constant 0 : i32
      %dma_start3A_10 = tpu.memref_slice %arg4[%mul3A_2, %dma_start3A_9] : memref<9216x128xf32, #tpu.memory_space<hbm>> -> memref<288x128xf32, #tpu.memory_space<hbm>>
      tpu.enqueue_dma source(%arg6 : memref<288x128xf32, #tpu.memory_space<vmem>>) target(%dma_start3A_10 : memref<288x128xf32, #tpu.memory_space<hbm>>) target_semaphore(%run_scoped3A : memref<!tpu.dma_semaphore, #tpu.memory_space<semaphore_mem>>)
      %dma_wait3A_11 = arith.constant 0 : i32
      %dma_wait3A_12 = tpu.memref_slice %arg4[%mul3A_2, %dma_wait3A_11] : memref<9216x128xf32, #tpu.memory_space<hbm>> -> memref<288x128xf32, #tpu.memory_space<hbm>>
      %dma_wait3A_13 = arith.constant 0 : i32
      %dma_wait3A_14 = tpu.memref_slice %arg4[%mul3A_2, %dma_wait3A_13] : memref<9216x128xf32, #tpu.memory_space<hbm>> -> memref<288x128xf32, #tpu.memory_space<hbm>>
      tpu.wait_dma2 semaphore(%run_scoped3A : memref<!tpu.dma_semaphore, #tpu.memory_space<semaphore_mem>>) src(%arg6 : memref<288x128xf32, #tpu.memory_space<vmem>>) dst(%dma_wait3A_14 : memref<288x128xf32, #tpu.memory_space<hbm>>)
      tpu.yield
    }) : () -> ()
    return
  }
}

module attributes {stable_mosaic.version = 14 : i64} {
  func.func @_argmin_kernel(%arg0: i32, %arg1: memref<512x32xf32, #tpu.memory_space<vmem>>, %arg2: memref<32x8192xf32, #tpu.memory_space<vmem>>, %arg3: memref<1x1x512xi32, #tpu.memory_space<vmem>>, %arg4: memref<1x8192xf32, #tpu.memory_space<vmem>>, %arg5: memref<512x8192xf32, #tpu.memory_space<vmem>>) attributes {dimension_semantics = [#tpu.dimension_semantics<arbitrary>], iteration_bounds = array<i64: 18>, scalar_prefetch = 0 : i64, scratch_operands = 2 : i64, tpu.core_type = #tpu.core_type<tc>, window_params = [{transform_indices = @transform_0, window_bounds = array<i64: 512, 32>}, {pipeline_mode = #tpu.pipeline_mode<synchronous>, transform_indices = @transform_1, window_bounds = array<i64: 32, 8192>}, {transform_indices = @transform_2, window_bounds = array<i64: 1, 1, 512>}]} {
    %eq3A = arith.constant 0 : i32
    %eq3A_0 = arith.cmpi eq, %arg0, %eq3A : i32
    %convert_element_type3A = arith.extui %eq3A_0 : i1 to i32
    %cond3A = arith.constant 0 : i32
    %cond3A_1 = arith.cmpi ne, %convert_element_type3A, %cond3A : i32
    scf.if %cond3A_1 {
      %get3A_4702 = arith.constant 0 : index
      %get3A_4703 = arith.constant 0 : index
      %get3A_4704 = vector.load %arg2[%get3A_4702, %get3A_4703] : memref<32x8192xf32, #tpu.memory_space<vmem>>, vector<32x8192xf32>
      %mul3A_4705 = arith.mulf %get3A_4704, %get3A_4704 : vector<32x8192xf32>
      %reduce_sum3A_4706 = arith.constant dense<0.000000e+00> : vector<8192xf32>
      %reduce_sum3A_4707 = vector.multi_reduction <add>, %mul3A_4705, %reduce_sum3A_4706 [0] : vector<32x8192xf32> to vector<8192xf32>
      %broadcast_in_dim3A_4708 = vector.shape_cast %reduce_sum3A_4707 : vector<8192xf32> to vector<1x8192xf32>
      %swap3A_4709 = arith.constant 0 : index
      %swap3A_4710 = arith.constant 0 : index
      %swap3A_4711 = vector.load %arg4[%swap3A_4709, %swap3A_4710] : memref<1x8192xf32, #tpu.memory_space<vmem>>, vector<1x8192xf32>
      tpu.vector_store %arg4[%swap3A_4709, %swap3A_4710], %broadcast_in_dim3A_4708 {strides = array<i32>} : memref<1x8192xf32, #tpu.memory_space<vmem>>, vector<1x8192xf32>,
    } else {
    }
    %get3A = arith.constant 0 : index
    %get3A_2 = arith.constant 0 : index
    %get3A_3 = vector.load %arg1[%get3A, %get3A_2] : memref<512x32xf32, #tpu.memory_space<vmem>>, vector<512x32xf32>
    %mul3A = arith.mulf %get3A_3, %get3A_3 : vector<512x32xf32>
    %reduce_sum3A = arith.constant dense<0.000000e+00> : vector<512xf32>
    %reduce_sum3A_4 = vector.multi_reduction <add>, %mul3A, %reduce_sum3A [1] : vector<512x32xf32> to vector<512xf32>
    %broadcast_in_dim3A = vector.shape_cast %reduce_sum3A_4 : vector<512xf32> to vector<512x1xf32>
    %add3A = arith.addf %get3A_3, %get3A_3 : vector<512x32xf32>
    %get3A_5 = arith.constant 0 : index
    %get3A_6 = arith.constant 0 : index
    %get3A_7 = vector.load %arg2[%get3A_5, %get3A_6] : memref<32x8192xf32, #tpu.memory_space<vmem>>, vector<32x8192xf32>
    %dot_general3A = arith.constant dense<0.000000e+00> : vector<512x8192xf32>
    %dot_general3A_8 = tpu.matmul %add3A, %get3A_7, %dot_general3A {dimension_numbers = #tpu.dot_dimension_numbers<[1], [0], [0], [1], [0, 0, 1, 1], [], []>, transpose_lhs_hint = false} : vector<512x32xf32>, vector<32x8192xf32>, vector<512x8192xf32> -> vector<512x8192xf32>
    %swap3A = arith.constant 0 : index
    %swap3A_9 = arith.constant 0 : index
    %swap3A_10 = vector.load %arg5[%swap3A, %swap3A_9] : memref<512x8192xf32, #tpu.memory_space<vmem>>, vector<512x8192xf32>
    tpu.vector_store %arg5[%swap3A, %swap3A_9], %dot_general3A_8 {strides = array<i32>} : memref<512x8192xf32, #tpu.memory_space<vmem>>, vector<512x8192xf32>,
    %iota3A = tpu.iota {dimensions = array<i32: 1>} : vector<1x128xi32>
    %convert_element_type3A_11 = arith.sitofp %iota3A : vector<1x128xi32> to vector<1x128xf32>
    %slice3A = vector.extract_strided_slice %broadcast_in_dim3A {offsets = [0, 0], sizes = [128, 1], strides = [1, 1]} : vector<512x1xf32> to vector<128x1xf32>
    %broadcast_in_dim3A_12 = arith.constant 0x7F800000 : f32
    %broadcast_in_dim3A_13 = vector.broadcast %broadcast_in_dim3A_12 : f32 to vector<128x128xf32>
    %broadcast_in_dim3A_14 = arith.constant 0.000000e+00 : f32
    %broadcast_in_dim3A_15 = vector.broadcast %broadcast_in_dim3A_14 : f32 to vector<128x128xf32>
    %get3A_16 = arith.constant 0 : index
    %get3A_17 = arith.constant 0 : index
    %get3A_18 = vector.load %arg4[%get3A_16, %get3A_17] : memref<1x8192xf32, #tpu.memory_space<vmem>>, vector<1x128xf32>
    %get3A_19 = arith.constant 0 : index
    %get3A_20 = arith.constant 0 : index
    %get3A_21 = vector.load %arg5[%get3A_19, %get3A_20] : memref<512x8192xf32, #tpu.memory_space<vmem>>, vector<128x128xf32>
    %add3A_22 = vector.broadcast %slice3A : vector<128x1xf32> to vector<128x128xf32>
    %add3A_23 = vector.broadcast %get3A_18 : vector<1x128xf32> to vector<128x128xf32>
    %add3A_24 = arith.addf %add3A_22, %add3A_23 : vector<128x128xf32>
    %sub3A = arith.subf %add3A_24, %get3A_21 : vector<128x128xf32>
    %lt3A = arith.cmpf olt, %sub3A, %broadcast_in_dim3A_13 : vector<128x128xf32>
    %select_n3A = arith.select %lt3A, %sub3A, %broadcast_in_dim3A_13 : vector<128x128xi1>, vector<128x128xf32>
    %add3A_25 = arith.constant 0.000000e+00 : f32
    %add3A_26 = vector.broadcast %add3A_25 : f32 to vector<1x128xf32>
    %add3A_27 = arith.addf %convert_element_type3A_11, %add3A_26 : vector<1x128xf32>
    %broadcast_in_dim3A_28 = vector.shape_cast %add3A_27 : vector<1x128xf32> to vector<1x128xf32>
    %broadcast_in_dim3A_29 = vector.broadcast %broadcast_in_dim3A_28 : vector<1x128xf32> to vector<128x128xf32>
    %select_n3A_30 = arith.select %lt3A, %broadcast_in_dim3A_29, %broadcast_in_dim3A_15 : vector<128x128xi1>, vector<128x128xf32>
    %get3A_31 = arith.constant 0 : index
    %get3A_32 = arith.constant 128 : index
    %get3A_33 = vector.load %arg4[%get3A_31, %get3A_32] : memref<1x8192xf32, #tpu.memory_space<vmem>>, vector<1x128xf32>
    %get3A_34 = arith.constant 0 : index
    %get3A_35 = arith.constant 128 : index
    %get3A_36 = vector.load %arg5[%get3A_34, %get3A_35] : memref<512x8192xf32, #tpu.memory_space<vmem>>, vector<128x128xf32>
    %add3A_37 = vector.broadcast %slice3A : vector<128x1xf32> to vector<128x128xf32>
    %add3A_38 = vector.broadcast %get3A_33 : vector<1x128xf32> to vector<128x128xf32>
    %add3A_39 = arith.addf %add3A_37, %add3A_38 : vector<128x128xf32>
    %sub3A_40 = arith.subf %add3A_39, %get3A_36 : vector<128x128xf32>
    %lt3A_41 = arith.cmpf olt, %sub3A_40, %select_n3A : vector<128x128xf32>
    %select_n3A_42 = arith.select %lt3A_41, %sub3A_40, %select_n3A : vector<128x128xi1>, vector<128x128xf32>
    %add3A_43 = arith.constant 1.280000e+02 : f32
    %add3A_44 = vector.broadcast %add3A_43 : f32 to vector<1x128xf32>
    %add3A_45 = arith.addf %convert_element_type3A_11, %add3A_44 : vector<1x128xf32>
    %broadcast_in_dim3A_46 = vector.shape_cast %add3A_45 : vector<1x128xf32> to vector<1x128xf32>
    %broadcast_in_dim3A_47 = vector.broadcast %broadcast_in_dim3A_46 : vector<1x128xf32> to vector<128x128xf32>
    %select_n3A_48 = arith.select %lt3A_41, %broadcast_in_dim3A_47, %select_n3A_30 : vector<128x128xi1>, vector<128x128xf32>
    %get3A_49 = arith.constant 0 : index
    %get3A_50 = arith.constant 256 : index
    %get3A_51 = vector.load %arg4[%get3A_49, %get3A_50] : memref<1x8192xf32, #tpu.memory_space<vmem>>, vector<1x128xf32>
    %get3A_52 = arith.constant 0 : index
    %get3A_53 = arith.constant 256 : index
    %get3A_54 = vector.load %arg5[%get3A_52, %get3A_53] : memref<512x8192xf32, #tpu.memory_space<vmem>>, vector<128x128xf32>
    %add3A_55 = vector.broadcast %slice3A : vector<128x1xf32> to vector<128x128xf32>
    %add3A_56 = vector.broadcast %get3A_51 : vector<1x128xf32> to vector<128x128xf32>
    %add3A_57 = arith.addf %add3A_55, %add3A_56 : vector<128x128xf32>
    %sub3A_58 = arith.subf %add3A_57, %get3A_54 : vector<128x128xf32>
    %lt3A_59 = arith.cmpf olt, %sub3A_58, %select_n3A_42 : vector<128x128xf32>
    %select_n3A_60 = arith.select %lt3A_59, %sub3A_58, %select_n3A_42 : vector<128x128xi1>, vector<128x128xf32>
    %add3A_61 = arith.constant 2.560000e+02 : f32
    %add3A_62 = vector.broadcast %add3A_61 : f32 to vector<1x128xf32>
    %add3A_63 = arith.addf %convert_element_type3A_11, %add3A_62 : vector<1x128xf32>
    %broadcast_in_dim3A_64 = vector.shape_cast %add3A_63 : vector<1x128xf32> to vector<1x128xf32>
    %broadcast_in_dim3A_65 = vector.broadcast %broadcast_in_dim3A_64 : vector<1x128xf32> to vector<128x128xf32>
    %select_n3A_66 = arith.select %lt3A_59, %broadcast_in_dim3A_65, %select_n3A_48 : vector<128x128xi1>, vector<128x128xf32>
    %get3A_67 = arith.constant 0 : index
    %get3A_68 = arith.constant 384 : index
    %get3A_69 = vector.load %arg4[%get3A_67, %get3A_68] : memref<1x8192xf32, #tpu.memory_space<vmem>>, vector<1x128xf32>
    %get3A_70 = arith.constant 0 : index
    %get3A_71 = arith.constant 384 : index
    %get3A_72 = vector.load %arg5[%get3A_70, %get3A_71] : memref<512x8192xf32, #tpu.memory_space<vmem>>, vector<128x128xf32>
    %add3A_73 = vector.broadcast %slice3A : vector<128x1xf32> to vector<128x128xf32>
    %add3A_74 = vector.broadcast %get3A_69 : vector<1x128xf32> to vector<128x128xf32>
    %add3A_75 = arith.addf %add3A_73, %add3A_74 : vector<128x128xf32>
    %sub3A_76 = arith.subf %add3A_75, %get3A_72 : vector<128x128xf32>
    %lt3A_77 = arith.cmpf olt, %sub3A_76, %select_n3A_60 : vector<128x128xf32>
    %select_n3A_78 = arith.select %lt3A_77, %sub3A_76, %select_n3A_60 : vector<128x128xi1>, vector<128x128xf32>
    %add3A_79 = arith.constant 3.840000e+02 : f32
    %add3A_80 = vector.broadcast %add3A_79 : f32 to vector<1x128xf32>
    %add3A_81 = arith.addf %convert_element_type3A_11, %add3A_80 : vector<1x128xf32>
    %broadcast_in_dim3A_82 = vector.shape_cast %add3A_81 : vector<1x128xf32> to vector<1x128xf32>
    %broadcast_in_dim3A_83 = vector.broadcast %broadcast_in_dim3A_82 : vector<1x128xf32> to vector<128x128xf32>
    %select_n3A_84 = arith.select %lt3A_77, %broadcast_in_dim3A_83, %select_n3A_66 : vector<128x128xi1>, vector<128x128xf32>
    %get3A_85 = arith.constant 0 : index
    %get3A_86 = arith.constant 512 : index
    %get3A_87 = vector.load %arg4[%get3A_85, %get3A_86] : memref<1x8192xf32, #tpu.memory_space<vmem>>, vector<1x128xf32>
    %get3A_88 = arith.constant 0 : index
    %get3A_89 = arith.constant 512 : index
    %get3A_90 = vector.load %arg5[%get3A_88, %get3A_89] : memref<512x8192xf32, #tpu.memory_space<vmem>>, vector<128x128xf32>
    %add3A_91 = vector.broadcast %slice3A : vector<128x1xf32> to vector<128x128xf32>
    %add3A_92 = vector.broadcast %get3A_87 : vector<1x128xf32> to vector<128x128xf32>
    %add3A_93 = arith.addf %add3A_91, %add3A_92 : vector<128x128xf32>
    %sub3A_94 = arith.subf %add3A_93, %get3A_90 : vector<128x128xf32>
    %lt3A_95 = arith.cmpf olt, %sub3A_94, %select_n3A_78 : vector<128x128xf32>
    %select_n3A_96 = arith.select %lt3A_95, %sub3A_94, %select_n3A_78 : vector<128x128xi1>, vector<128x128xf32>
    %add3A_97 = arith.constant 5.120000e+02 : f32
    %add3A_98 = vector.broadcast %add3A_97 : f32 to vector<1x128xf32>
    %add3A_99 = arith.addf %convert_element_type3A_11, %add3A_98 : vector<1x128xf32>
    %broadcast_in_dim3A_100 = vector.shape_cast %add3A_99 : vector<1x128xf32> to vector<1x128xf32>
    %broadcast_in_dim3A_101 = vector.broadcast %broadcast_in_dim3A_100 : vector<1x128xf32> to vector<128x128xf32>
    %select_n3A_102 = arith.select %lt3A_95, %broadcast_in_dim3A_101, %select_n3A_84 : vector<128x128xi1>, vector<128x128xf32>
    %get3A_103 = arith.constant 0 : index
    %get3A_104 = arith.constant 640 : index
    %get3A_105 = vector.load %arg4[%get3A_103, %get3A_104] : memref<1x8192xf32, #tpu.memory_space<vmem>>, vector<1x128xf32>
    %get3A_106 = arith.constant 0 : index
    %get3A_107 = arith.constant 640 : index
    %get3A_108 = vector.load %arg5[%get3A_106, %get3A_107] : memref<512x8192xf32, #tpu.memory_space<vmem>>, vector<128x128xf32>
    %add3A_109 = vector.broadcast %slice3A : vector<128x1xf32> to vector<128x128xf32>
    %add3A_110 = vector.broadcast %get3A_105 : vector<1x128xf32> to vector<128x128xf32>
    %add3A_111 = arith.addf %add3A_109, %add3A_110 : vector<128x128xf32>
    %sub3A_112 = arith.subf %add3A_111, %get3A_108 : vector<128x128xf32>
    %lt3A_113 = arith.cmpf olt, %sub3A_112, %select_n3A_96 : vector<128x128xf32>
    %select_n3A_114 = arith.select %lt3A_113, %sub3A_112, %select_n3A_96 : vector<128x128xi1>, vector<128x128xf32>
    %add3A_115 = arith.constant 6.400000e+02 : f32
    %add3A_116 = vector.broadcast %add3A_115 : f32 to vector<1x128xf32>
    %add3A_117 = arith.addf %convert_element_type3A_11, %add3A_116 : vector<1x128xf32>
    %broadcast_in_dim3A_118 = vector.shape_cast %add3A_117 : vector<1x128xf32> to vector<1x128xf32>
    %broadcast_in_dim3A_119 = vector.broadcast %broadcast_in_dim3A_118 : vector<1x128xf32> to vector<128x128xf32>
    %select_n3A_120 = arith.select %lt3A_113, %broadcast_in_dim3A_119, %select_n3A_102 : vector<128x128xi1>, vector<128x128xf32>
    %get3A_121 = arith.constant 0 : index
    %get3A_122 = arith.constant 768 : index
    %get3A_123 = vector.load %arg4[%get3A_121, %get3A_122] : memref<1x8192xf32, #tpu.memory_space<vmem>>, vector<1x128xf32>
    %get3A_124 = arith.constant 0 : index
    %get3A_125 = arith.constant 768 : index
    %get3A_126 = vector.load %arg5[%get3A_124, %get3A_125] : memref<512x8192xf32, #tpu.memory_space<vmem>>, vector<128x128xf32>
    %add3A_127 = vector.broadcast %slice3A : vector<128x1xf32> to vector<128x128xf32>
    %add3A_128 = vector.broadcast %get3A_123 : vector<1x128xf32> to vector<128x128xf32>
    %add3A_129 = arith.addf %add3A_127, %add3A_128 : vector<128x128xf32>
    %sub3A_130 = arith.subf %add3A_129, %get3A_126 : vector<128x128xf32>
    %lt3A_131 = arith.cmpf olt, %sub3A_130, %select_n3A_114 : vector<128x128xf32>
    %select_n3A_132 = arith.select %lt3A_131, %sub3A_130, %select_n3A_114 : vector<128x128xi1>, vector<128x128xf32>
    %add3A_133 = arith.constant 7.680000e+02 : f32
    %add3A_134 = vector.broadcast %add3A_133 : f32 to vector<1x128xf32>
    %add3A_135 = arith.addf %convert_element_type3A_11, %add3A_134 : vector<1x128xf32>
    %broadcast_in_dim3A_136 = vector.shape_cast %add3A_135 : vector<1x128xf32> to vector<1x128xf32>
    %broadcast_in_dim3A_137 = vector.broadcast %broadcast_in_dim3A_136 : vector<1x128xf32> to vector<128x128xf32>
    %select_n3A_138 = arith.select %lt3A_131, %broadcast_in_dim3A_137, %select_n3A_120 : vector<128x128xi1>, vector<128x128xf32>
    %get3A_139 = arith.constant 0 : index
    %get3A_140 = arith.constant 896 : index
    %get3A_141 = vector.load %arg4[%get3A_139, %get3A_140] : memref<1x8192xf32, #tpu.memory_space<vmem>>, vector<1x128xf32>
    %get3A_142 = arith.constant 0 : index
    %get3A_143 = arith.constant 896 : index
    %get3A_144 = vector.load %arg5[%get3A_142, %get3A_143] : memref<512x8192xf32, #tpu.memory_space<vmem>>, vector<128x128xf32>
    %add3A_145 = vector.broadcast %slice3A : vector<128x1xf32> to vector<128x128xf32>
    %add3A_146 = vector.broadcast %get3A_141 : vector<1x128xf32> to vector<128x128xf32>
    %add3A_147 = arith.addf %add3A_145, %add3A_146 : vector<128x128xf32>
    %sub3A_148 = arith.subf %add3A_147, %get3A_144 : vector<128x128xf32>
    %lt3A_149 = arith.cmpf olt, %sub3A_148, %select_n3A_132 : vector<128x128xf32>
    %select_n3A_150 = arith.select %lt3A_149, %sub3A_148, %select_n3A_132 : vector<128x128xi1>, vector<128x128xf32>
    %add3A_151 = arith.constant 8.960000e+02 : f32
    %add3A_152 = vector.broadcast %add3A_151 : f32 to vector<1x128xf32>
    %add3A_153 = arith.addf %convert_element_type3A_11, %add3A_152 : vector<1x128xf32>
    %broadcast_in_dim3A_154 = vector.shape_cast %add3A_153 : vector<1x128xf32> to vector<1x128xf32>
    %broadcast_in_dim3A_155 = vector.broadcast %broadcast_in_dim3A_154 : vector<1x128xf32> to vector<128x128xf32>
    %select_n3A_156 = arith.select %lt3A_149, %broadcast_in_dim3A_155, %select_n3A_138 : vector<128x128xi1>, vector<128x128xf32>
    %get3A_157 = arith.constant 0 : index
    %get3A_158 = arith.constant 1024 : index
    %get3A_159 = vector.load %arg4[%get3A_157, %get3A_158] : memref<1x8192xf32, #tpu.memory_space<vmem>>, vector<1x128xf32>
    %get3A_160 = arith.constant 0 : index
    %get3A_161 = arith.constant 1024 : index
    %get3A_162 = vector.load %arg5[%get3A_160, %get3A_161] : memref<512x8192xf32, #tpu.memory_space<vmem>>, vector<128x128xf32>
    %add3A_163 = vector.broadcast %slice3A : vector<128x1xf32> to vector<128x128xf32>
    %add3A_164 = vector.broadcast %get3A_159 : vector<1x128xf32> to vector<128x128xf32>
    %add3A_165 = arith.addf %add3A_163, %add3A_164 : vector<128x128xf32>
    %sub3A_166 = arith.subf %add3A_165, %get3A_162 : vector<128x128xf32>
    %lt3A_167 = arith.cmpf olt, %sub3A_166, %select_n3A_150 : vector<128x128xf32>
    %select_n3A_168 = arith.select %lt3A_167, %sub3A_166, %select_n3A_150 : vector<128x128xi1>, vector<128x128xf32>
    %add3A_169 = arith.constant 1.024000e+03 : f32
    %add3A_170 = vector.broadcast %add3A_169 : f32 to vector<1x128xf32>
    %add3A_171 = arith.addf %convert_element_type3A_11, %add3A_170 : vector<1x128xf32>
    %broadcast_in_dim3A_172 = vector.shape_cast %add3A_171 : vector<1x128xf32> to vector<1x128xf32>
    %broadcast_in_dim3A_173 = vector.broadcast %broadcast_in_dim3A_172 : vector<1x128xf32> to vector<128x128xf32>
    %select_n3A_174 = arith.select %lt3A_167, %broadcast_in_dim3A_173, %select_n3A_156 : vector<128x128xi1>, vector<128x128xf32>
    %get3A_175 = arith.constant 0 : index
    %get3A_176 = arith.constant 1152 : index
    %get3A_177 = vector.load %arg4[%get3A_175, %get3A_176] : memref<1x8192xf32, #tpu.memory_space<vmem>>, vector<1x128xf32>
    %get3A_178 = arith.constant 0 : index
    %get3A_179 = arith.constant 1152 : index
    %get3A_180 = vector.load %arg5[%get3A_178, %get3A_179] : memref<512x8192xf32, #tpu.memory_space<vmem>>, vector<128x128xf32>
    %add3A_181 = vector.broadcast %slice3A : vector<128x1xf32> to vector<128x128xf32>
    %add3A_182 = vector.broadcast %get3A_177 : vector<1x128xf32> to vector<128x128xf32>
    %add3A_183 = arith.addf %add3A_181, %add3A_182 : vector<128x128xf32>
    %sub3A_184 = arith.subf %add3A_183, %get3A_180 : vector<128x128xf32>
    %lt3A_185 = arith.cmpf olt, %sub3A_184, %select_n3A_168 : vector<128x128xf32>
    %select_n3A_186 = arith.select %lt3A_185, %sub3A_184, %select_n3A_168 : vector<128x128xi1>, vector<128x128xf32>
    %add3A_187 = arith.constant 1.152000e+03 : f32
    %add3A_188 = vector.broadcast %add3A_187 : f32 to vector<1x128xf32>
    %add3A_189 = arith.addf %convert_element_type3A_11, %add3A_188 : vector<1x128xf32>
    %broadcast_in_dim3A_190 = vector.shape_cast %add3A_189 : vector<1x128xf32> to vector<1x128xf32>
    %broadcast_in_dim3A_191 = vector.broadcast %broadcast_in_dim3A_190 : vector<1x128xf32> to vector<128x128xf32>
    %select_n3A_192 = arith.select %lt3A_185, %broadcast_in_dim3A_191, %select_n3A_174 : vector<128x128xi1>, vector<128x128xf32>
    %get3A_193 = arith.constant 0 : index
    %get3A_194 = arith.constant 1280 : index
    %get3A_195 = vector.load %arg4[%get3A_193, %get3A_194] : memref<1x8192xf32, #tpu.memory_space<vmem>>, vector<1x128xf32>
    %get3A_196 = arith.constant 0 : index
    %get3A_197 = arith.constant 1280 : index
    %get3A_198 = vector.load %arg5[%get3A_196, %get3A_197] : memref<512x8192xf32, #tpu.memory_space<vmem>>, vector<128x128xf32>
    %add3A_199 = vector.broadcast %slice3A : vector<128x1xf32> to vector<128x128xf32>
    %add3A_200 = vector.broadcast %get3A_195 : vector<1x128xf32> to vector<128x128xf32>
    %add3A_201 = arith.addf %add3A_199, %add3A_200 : vector<128x128xf32>
    %sub3A_202 = arith.subf %add3A_201, %get3A_198 : vector<128x128xf32>
    %lt3A_203 = arith.cmpf olt, %sub3A_202, %select_n3A_186 : vector<128x128xf32>
    %select_n3A_204 = arith.select %lt3A_203, %sub3A_202, %select_n3A_186 : vector<128x128xi1>, vector<128x128xf32>
    %add3A_205 = arith.constant 1.280000e+03 : f32
    %add3A_206 = vector.broadcast %add3A_205 : f32 to vector<1x128xf32>
    %add3A_207 = arith.addf %convert_element_type3A_11, %add3A_206 : vector<1x128xf32>
    %broadcast_in_dim3A_208 = vector.shape_cast %add3A_207 : vector<1x128xf32> to vector<1x128xf32>
    %broadcast_in_dim3A_209 = vector.broadcast %broadcast_in_dim3A_208 : vector<1x128xf32> to vector<128x128xf32>
    %select_n3A_210 = arith.select %lt3A_203, %broadcast_in_dim3A_209, %select_n3A_192 : vector<128x128xi1>, vector<128x128xf32>
    %get3A_211 = arith.constant 0 : index
    %get3A_212 = arith.constant 1408 : index
    %get3A_213 = vector.load %arg4[%get3A_211, %get3A_212] : memref<1x8192xf32, #tpu.memory_space<vmem>>, vector<1x128xf32>
    %get3A_214 = arith.constant 0 : index
    %get3A_215 = arith.constant 1408 : index
    %get3A_216 = vector.load %arg5[%get3A_214, %get3A_215] : memref<512x8192xf32, #tpu.memory_space<vmem>>, vector<128x128xf32>
    %add3A_217 = vector.broadcast %slice3A : vector<128x1xf32> to vector<128x128xf32>
    %add3A_218 = vector.broadcast %get3A_213 : vector<1x128xf32> to vector<128x128xf32>
    %add3A_219 = arith.addf %add3A_217, %add3A_218 : vector<128x128xf32>
    %sub3A_220 = arith.subf %add3A_219, %get3A_216 : vector<128x128xf32>
    %lt3A_221 = arith.cmpf olt, %sub3A_220, %select_n3A_204 : vector<128x128xf32>
    %select_n3A_222 = arith.select %lt3A_221, %sub3A_220, %select_n3A_204 : vector<128x128xi1>, vector<128x128xf32>
    %add3A_223 = arith.constant 1.408000e+03 : f32
    %add3A_224 = vector.broadcast %add3A_223 : f32 to vector<1x128xf32>
    %add3A_225 = arith.addf %convert_element_type3A_11, %add3A_224 : vector<1x128xf32>
    %broadcast_in_dim3A_226 = vector.shape_cast %add3A_225 : vector<1x128xf32> to vector<1x128xf32>
    %broadcast_in_dim3A_227 = vector.broadcast %broadcast_in_dim3A_226 : vector<1x128xf32> to vector<128x128xf32>
    %select_n3A_228 = arith.select %lt3A_221, %broadcast_in_dim3A_227, %select_n3A_210 : vector<128x128xi1>, vector<128x128xf32>
    %get3A_229 = arith.constant 0 : index
    %get3A_230 = arith.constant 1536 : index
    %get3A_231 = vector.load %arg4[%get3A_229, %get3A_230] : memref<1x8192xf32, #tpu.memory_space<vmem>>, vector<1x128xf32>
    %get3A_232 = arith.constant 0 : index
    %get3A_233 = arith.constant 1536 : index
    %get3A_234 = vector.load %arg5[%get3A_232, %get3A_233] : memref<512x8192xf32, #tpu.memory_space<vmem>>, vector<128x128xf32>
    %add3A_235 = vector.broadcast %slice3A : vector<128x1xf32> to vector<128x128xf32>
    %add3A_236 = vector.broadcast %get3A_231 : vector<1x128xf32> to vector<128x128xf32>
    %add3A_237 = arith.addf %add3A_235, %add3A_236 : vector<128x128xf32>
    %sub3A_238 = arith.subf %add3A_237, %get3A_234 : vector<128x128xf32>
    %lt3A_239 = arith.cmpf olt, %sub3A_238, %select_n3A_222 : vector<128x128xf32>
    %select_n3A_240 = arith.select %lt3A_239, %sub3A_238, %select_n3A_222 : vector<128x128xi1>, vector<128x128xf32>
    %add3A_241 = arith.constant 1.536000e+03 : f32
    %add3A_242 = vector.broadcast %add3A_241 : f32 to vector<1x128xf32>
    %add3A_243 = arith.addf %convert_element_type3A_11, %add3A_242 : vector<1x128xf32>
    %broadcast_in_dim3A_244 = vector.shape_cast %add3A_243 : vector<1x128xf32> to vector<1x128xf32>
    %broadcast_in_dim3A_245 = vector.broadcast %broadcast_in_dim3A_244 : vector<1x128xf32> to vector<128x128xf32>
    %select_n3A_246 = arith.select %lt3A_239, %broadcast_in_dim3A_245, %select_n3A_228 : vector<128x128xi1>, vector<128x128xf32>
    %get3A_247 = arith.constant 0 : index
    %get3A_248 = arith.constant 1664 : index
    %get3A_249 = vector.load %arg4[%get3A_247, %get3A_248] : memref<1x8192xf32, #tpu.memory_space<vmem>>, vector<1x128xf32>
    %get3A_250 = arith.constant 0 : index
    %get3A_251 = arith.constant 1664 : index
    %get3A_252 = vector.load %arg5[%get3A_250, %get3A_251] : memref<512x8192xf32, #tpu.memory_space<vmem>>, vector<128x128xf32>
    %add3A_253 = vector.broadcast %slice3A : vector<128x1xf32> to vector<128x128xf32>
    %add3A_254 = vector.broadcast %get3A_249 : vector<1x128xf32> to vector<128x128xf32>
    %add3A_255 = arith.addf %add3A_253, %add3A_254 : vector<128x128xf32>
    %sub3A_256 = arith.subf %add3A_255, %get3A_252 : vector<128x128xf32>
    %lt3A_257 = arith.cmpf olt, %sub3A_256, %select_n3A_240 : vector<128x128xf32>
    %select_n3A_258 = arith.select %lt3A_257, %sub3A_256, %select_n3A_240 : vector<128x128xi1>, vector<128x128xf32>
    %add3A_259 = arith.constant 1.664000e+03 : f32
    %add3A_260 = vector.broadcast %add3A_259 : f32 to vector<1x128xf32>
    %add3A_261 = arith.addf %convert_element_type3A_11, %add3A_260 : vector<1x128xf32>
    %broadcast_in_dim3A_262 = vector.shape_cast %add3A_261 : vector<1x128xf32> to vector<1x128xf32>
    %broadcast_in_dim3A_263 = vector.broadcast %broadcast_in_dim3A_262 : vector<1x128xf32> to vector<128x128xf32>
    %select_n3A_264 = arith.select %lt3A_257, %broadcast_in_dim3A_263, %select_n3A_246 : vector<128x128xi1>, vector<128x128xf32>
    %get3A_265 = arith.constant 0 : index
    %get3A_266 = arith.constant 1792 : index
    %get3A_267 = vector.load %arg4[%get3A_265, %get3A_266] : memref<1x8192xf32, #tpu.memory_space<vmem>>, vector<1x128xf32>
    %get3A_268 = arith.constant 0 : index
    %get3A_269 = arith.constant 1792 : index
    %get3A_270 = vector.load %arg5[%get3A_268, %get3A_269] : memref<512x8192xf32, #tpu.memory_space<vmem>>, vector<128x128xf32>
    %add3A_271 = vector.broadcast %slice3A : vector<128x1xf32> to vector<128x128xf32>
    %add3A_272 = vector.broadcast %get3A_267 : vector<1x128xf32> to vector<128x128xf32>
    %add3A_273 = arith.addf %add3A_271, %add3A_272 : vector<128x128xf32>
    %sub3A_274 = arith.subf %add3A_273, %get3A_270 : vector<128x128xf32>
    %lt3A_275 = arith.cmpf olt, %sub3A_274, %select_n3A_258 : vector<128x128xf32>
    %select_n3A_276 = arith.select %lt3A_275, %sub3A_274, %select_n3A_258 : vector<128x128xi1>, vector<128x128xf32>
    %add3A_277 = arith.constant 1.792000e+03 : f32
    %add3A_278 = vector.broadcast %add3A_277 : f32 to vector<1x128xf32>
    %add3A_279 = arith.addf %convert_element_type3A_11, %add3A_278 : vector<1x128xf32>
    %broadcast_in_dim3A_280 = vector.shape_cast %add3A_279 : vector<1x128xf32> to vector<1x128xf32>
    %broadcast_in_dim3A_281 = vector.broadcast %broadcast_in_dim3A_280 : vector<1x128xf32> to vector<128x128xf32>
    %select_n3A_282 = arith.select %lt3A_275, %broadcast_in_dim3A_281, %select_n3A_264 : vector<128x128xi1>, vector<128x128xf32>
    %get3A_283 = arith.constant 0 : index
    %get3A_284 = arith.constant 1920 : index
    %get3A_285 = vector.load %arg4[%get3A_283, %get3A_284] : memref<1x8192xf32, #tpu.memory_space<vmem>>, vector<1x128xf32>
    %get3A_286 = arith.constant 0 : index
    %get3A_287 = arith.constant 1920 : index
    %get3A_288 = vector.load %arg5[%get3A_286, %get3A_287] : memref<512x8192xf32, #tpu.memory_space<vmem>>, vector<128x128xf32>
    %add3A_289 = vector.broadcast %slice3A : vector<128x1xf32> to vector<128x128xf32>
    %add3A_290 = vector.broadcast %get3A_285 : vector<1x128xf32> to vector<128x128xf32>
    %add3A_291 = arith.addf %add3A_289, %add3A_290 : vector<128x128xf32>
    %sub3A_292 = arith.subf %add3A_291, %get3A_288 : vector<128x128xf32>
    %lt3A_293 = arith.cmpf olt, %sub3A_292, %select_n3A_276 : vector<128x128xf32>
    %select_n3A_294 = arith.select %lt3A_293, %sub3A_292, %select_n3A_276 : vector<128x128xi1>, vector<128x128xf32>
    %add3A_295 = arith.constant 1.920000e+03 : f32
    %add3A_296 = vector.broadcast %add3A_295 : f32 to vector<1x128xf32>
    %add3A_297 = arith.addf %convert_element_type3A_11, %add3A_296 : vector<1x128xf32>
    %broadcast_in_dim3A_298 = vector.shape_cast %add3A_297 : vector<1x128xf32> to vector<1x128xf32>
    %broadcast_in_dim3A_299 = vector.broadcast %broadcast_in_dim3A_298 : vector<1x128xf32> to vector<128x128xf32>
    %select_n3A_300 = arith.select %lt3A_293, %broadcast_in_dim3A_299, %select_n3A_282 : vector<128x128xi1>, vector<128x128xf32>
    %get3A_301 = arith.constant 0 : index
    %get3A_302 = arith.constant 2048 : index
    %get3A_303 = vector.load %arg4[%get3A_301, %get3A_302] : memref<1x8192xf32, #tpu.memory_space<vmem>>, vector<1x128xf32>
    %get3A_304 = arith.constant 0 : index
    %get3A_305 = arith.constant 2048 : index
    %get3A_306 = vector.load %arg5[%get3A_304, %get3A_305] : memref<512x8192xf32, #tpu.memory_space<vmem>>, vector<128x128xf32>
    %add3A_307 = vector.broadcast %slice3A : vector<128x1xf32> to vector<128x128xf32>
    %add3A_308 = vector.broadcast %get3A_303 : vector<1x128xf32> to vector<128x128xf32>
    %add3A_309 = arith.addf %add3A_307, %add3A_308 : vector<128x128xf32>
    %sub3A_310 = arith.subf %add3A_309, %get3A_306 : vector<128x128xf32>
    %lt3A_311 = arith.cmpf olt, %sub3A_310, %select_n3A_294 : vector<128x128xf32>
    %select_n3A_312 = arith.select %lt3A_311, %sub3A_310, %select_n3A_294 : vector<128x128xi1>, vector<128x128xf32>
    %add3A_313 = arith.constant 2.048000e+03 : f32
    %add3A_314 = vector.broadcast %add3A_313 : f32 to vector<1x128xf32>
    %add3A_315 = arith.addf %convert_element_type3A_11, %add3A_314 : vector<1x128xf32>
    %broadcast_in_dim3A_316 = vector.shape_cast %add3A_315 : vector<1x128xf32> to vector<1x128xf32>
    %broadcast_in_dim3A_317 = vector.broadcast %broadcast_in_dim3A_316 : vector<1x128xf32> to vector<128x128xf32>
    %select_n3A_318 = arith.select %lt3A_311, %broadcast_in_dim3A_317, %select_n3A_300 : vector<128x128xi1>, vector<128x128xf32>
    %get3A_319 = arith.constant 0 : index
    %get3A_320 = arith.constant 2176 : index
    %get3A_321 = vector.load %arg4[%get3A_319, %get3A_320] : memref<1x8192xf32, #tpu.memory_space<vmem>>, vector<1x128xf32>
    %get3A_322 = arith.constant 0 : index
    %get3A_323 = arith.constant 2176 : index
    %get3A_324 = vector.load %arg5[%get3A_322, %get3A_323] : memref<512x8192xf32, #tpu.memory_space<vmem>>, vector<128x128xf32>
    %add3A_325 = vector.broadcast %slice3A : vector<128x1xf32> to vector<128x128xf32>
    %add3A_326 = vector.broadcast %get3A_321 : vector<1x128xf32> to vector<128x128xf32>
    %add3A_327 = arith.addf %add3A_325, %add3A_326 : vector<128x128xf32>
    %sub3A_328 = arith.subf %add3A_327, %get3A_324 : vector<128x128xf32>
    %lt3A_329 = arith.cmpf olt, %sub3A_328, %select_n3A_312 : vector<128x128xf32>
    %select_n3A_330 = arith.select %lt3A_329, %sub3A_328, %select_n3A_312 : vector<128x128xi1>, vector<128x128xf32>
    %add3A_331 = arith.constant 2.176000e+03 : f32
    %add3A_332 = vector.broadcast %add3A_331 : f32 to vector<1x128xf32>
    %add3A_333 = arith.addf %convert_element_type3A_11, %add3A_332 : vector<1x128xf32>
    %broadcast_in_dim3A_334 = vector.shape_cast %add3A_333 : vector<1x128xf32> to vector<1x128xf32>
    %broadcast_in_dim3A_335 = vector.broadcast %broadcast_in_dim3A_334 : vector<1x128xf32> to vector<128x128xf32>
    %select_n3A_336 = arith.select %lt3A_329, %broadcast_in_dim3A_335, %select_n3A_318 : vector<128x128xi1>, vector<128x128xf32>
    %get3A_337 = arith.constant 0 : index
    %get3A_338 = arith.constant 2304 : index
    %get3A_339 = vector.load %arg4[%get3A_337, %get3A_338] : memref<1x8192xf32, #tpu.memory_space<vmem>>, vector<1x128xf32>
    %get3A_340 = arith.constant 0 : index
    %get3A_341 = arith.constant 2304 : index
    %get3A_342 = vector.load %arg5[%get3A_340, %get3A_341] : memref<512x8192xf32, #tpu.memory_space<vmem>>, vector<128x128xf32>
    %add3A_343 = vector.broadcast %slice3A : vector<128x1xf32> to vector<128x128xf32>
    %add3A_344 = vector.broadcast %get3A_339 : vector<1x128xf32> to vector<128x128xf32>
    %add3A_345 = arith.addf %add3A_343, %add3A_344 : vector<128x128xf32>
    %sub3A_346 = arith.subf %add3A_345, %get3A_342 : vector<128x128xf32>
    %lt3A_347 = arith.cmpf olt, %sub3A_346, %select_n3A_330 : vector<128x128xf32>
    %select_n3A_348 = arith.select %lt3A_347, %sub3A_346, %select_n3A_330 : vector<128x128xi1>, vector<128x128xf32>
    %add3A_349 = arith.constant 2.304000e+03 : f32
    %add3A_350 = vector.broadcast %add3A_349 : f32 to vector<1x128xf32>
    %add3A_351 = arith.addf %convert_element_type3A_11, %add3A_350 : vector<1x128xf32>
    %broadcast_in_dim3A_352 = vector.shape_cast %add3A_351 : vector<1x128xf32> to vector<1x128xf32>
    %broadcast_in_dim3A_353 = vector.broadcast %broadcast_in_dim3A_352 : vector<1x128xf32> to vector<128x128xf32>
    %select_n3A_354 = arith.select %lt3A_347, %broadcast_in_dim3A_353, %select_n3A_336 : vector<128x128xi1>, vector<128x128xf32>
    %get3A_355 = arith.constant 0 : index
    %get3A_356 = arith.constant 2432 : index
    %get3A_357 = vector.load %arg4[%get3A_355, %get3A_356] : memref<1x8192xf32, #tpu.memory_space<vmem>>, vector<1x128xf32>
    %get3A_358 = arith.constant 0 : index
    %get3A_359 = arith.constant 2432 : index
    %get3A_360 = vector.load %arg5[%get3A_358, %get3A_359] : memref<512x8192xf32, #tpu.memory_space<vmem>>, vector<128x128xf32>
    %add3A_361 = vector.broadcast %slice3A : vector<128x1xf32> to vector<128x128xf32>
    %add3A_362 = vector.broadcast %get3A_357 : vector<1x128xf32> to vector<128x128xf32>
    %add3A_363 = arith.addf %add3A_361, %add3A_362 : vector<128x128xf32>
    %sub3A_364 = arith.subf %add3A_363, %get3A_360 : vector<128x128xf32>
    %lt3A_365 = arith.cmpf olt, %sub3A_364, %select_n3A_348 : vector<128x128xf32>
    %select_n3A_366 = arith.select %lt3A_365, %sub3A_364, %select_n3A_348 : vector<128x128xi1>, vector<128x128xf32>
    %add3A_367 = arith.constant 2.432000e+03 : f32
    %add3A_368 = vector.broadcast %add3A_367 : f32 to vector<1x128xf32>
    %add3A_369 = arith.addf %convert_element_type3A_11, %add3A_368 : vector<1x128xf32>
    %broadcast_in_dim3A_370 = vector.shape_cast %add3A_369 : vector<1x128xf32> to vector<1x128xf32>
    %broadcast_in_dim3A_371 = vector.broadcast %broadcast_in_dim3A_370 : vector<1x128xf32> to vector<128x128xf32>
    %select_n3A_372 = arith.select %lt3A_365, %broadcast_in_dim3A_371, %select_n3A_354 : vector<128x128xi1>, vector<128x128xf32>
    %get3A_373 = arith.constant 0 : index
    %get3A_374 = arith.constant 2560 : index
    %get3A_375 = vector.load %arg4[%get3A_373, %get3A_374] : memref<1x8192xf32, #tpu.memory_space<vmem>>, vector<1x128xf32>
    %get3A_376 = arith.constant 0 : index
    %get3A_377 = arith.constant 2560 : index
    %get3A_378 = vector.load %arg5[%get3A_376, %get3A_377] : memref<512x8192xf32, #tpu.memory_space<vmem>>, vector<128x128xf32>
    %add3A_379 = vector.broadcast %slice3A : vector<128x1xf32> to vector<128x128xf32>
    %add3A_380 = vector.broadcast %get3A_375 : vector<1x128xf32> to vector<128x128xf32>
    %add3A_381 = arith.addf %add3A_379, %add3A_380 : vector<128x128xf32>
    %sub3A_382 = arith.subf %add3A_381, %get3A_378 : vector<128x128xf32>
    %lt3A_383 = arith.cmpf olt, %sub3A_382, %select_n3A_366 : vector<128x128xf32>
    %select_n3A_384 = arith.select %lt3A_383, %sub3A_382, %select_n3A_366 : vector<128x128xi1>, vector<128x128xf32>
    %add3A_385 = arith.constant 2.560000e+03 : f32
    %add3A_386 = vector.broadcast %add3A_385 : f32 to vector<1x128xf32>
    %add3A_387 = arith.addf %convert_element_type3A_11, %add3A_386 : vector<1x128xf32>
    %broadcast_in_dim3A_388 = vector.shape_cast %add3A_387 : vector<1x128xf32> to vector<1x128xf32>
    %broadcast_in_dim3A_389 = vector.broadcast %broadcast_in_dim3A_388 : vector<1x128xf32> to vector<128x128xf32>
    %select_n3A_390 = arith.select %lt3A_383, %broadcast_in_dim3A_389, %select_n3A_372 : vector<128x128xi1>, vector<128x128xf32>
    %get3A_391 = arith.constant 0 : index
    %get3A_392 = arith.constant 2688 : index
    %get3A_393 = vector.load %arg4[%get3A_391, %get3A_392] : memref<1x8192xf32, #tpu.memory_space<vmem>>, vector<1x128xf32>
    %get3A_394 = arith.constant 0 : index
    %get3A_395 = arith.constant 2688 : index
    %get3A_396 = vector.load %arg5[%get3A_394, %get3A_395] : memref<512x8192xf32, #tpu.memory_space<vmem>>, vector<128x128xf32>
    %add3A_397 = vector.broadcast %slice3A : vector<128x1xf32> to vector<128x128xf32>
    %add3A_398 = vector.broadcast %get3A_393 : vector<1x128xf32> to vector<128x128xf32>
    %add3A_399 = arith.addf %add3A_397, %add3A_398 : vector<128x128xf32>
    %sub3A_400 = arith.subf %add3A_399, %get3A_396 : vector<128x128xf32>
    %lt3A_401 = arith.cmpf olt, %sub3A_400, %select_n3A_384 : vector<128x128xf32>
    %select_n3A_402 = arith.select %lt3A_401, %sub3A_400, %select_n3A_384 : vector<128x128xi1>, vector<128x128xf32>
    %add3A_403 = arith.constant 2.688000e+03 : f32
    %add3A_404 = vector.broadcast %add3A_403 : f32 to vector<1x128xf32>
    %add3A_405 = arith.addf %convert_element_type3A_11, %add3A_404 : vector<1x128xf32>
    %broadcast_in_dim3A_406 = vector.shape_cast %add3A_405 : vector<1x128xf32> to vector<1x128xf32>
    %broadcast_in_dim3A_407 = vector.broadcast %broadcast_in_dim3A_406 : vector<1x128xf32> to vector<128x128xf32>
    %select_n3A_408 = arith.select %lt3A_401, %broadcast_in_dim3A_407, %select_n3A_390 : vector<128x128xi1>, vector<128x128xf32>
    %get3A_409 = arith.constant 0 : index
    %get3A_410 = arith.constant 2816 : index
    %get3A_411 = vector.load %arg4[%get3A_409, %get3A_410] : memref<1x8192xf32, #tpu.memory_space<vmem>>, vector<1x128xf32>
    %get3A_412 = arith.constant 0 : index
    %get3A_413 = arith.constant 2816 : index
    %get3A_414 = vector.load %arg5[%get3A_412, %get3A_413] : memref<512x8192xf32, #tpu.memory_space<vmem>>, vector<128x128xf32>
    %add3A_415 = vector.broadcast %slice3A : vector<128x1xf32> to vector<128x128xf32>
    %add3A_416 = vector.broadcast %get3A_411 : vector<1x128xf32> to vector<128x128xf32>
    %add3A_417 = arith.addf %add3A_415, %add3A_416 : vector<128x128xf32>
    %sub3A_418 = arith.subf %add3A_417, %get3A_414 : vector<128x128xf32>
    %lt3A_419 = arith.cmpf olt, %sub3A_418, %select_n3A_402 : vector<128x128xf32>
    %select_n3A_420 = arith.select %lt3A_419, %sub3A_418, %select_n3A_402 : vector<128x128xi1>, vector<128x128xf32>
    %add3A_421 = arith.constant 2.816000e+03 : f32
    %add3A_422 = vector.broadcast %add3A_421 : f32 to vector<1x128xf32>
    %add3A_423 = arith.addf %convert_element_type3A_11, %add3A_422 : vector<1x128xf32>
    %broadcast_in_dim3A_424 = vector.shape_cast %add3A_423 : vector<1x128xf32> to vector<1x128xf32>
    %broadcast_in_dim3A_425 = vector.broadcast %broadcast_in_dim3A_424 : vector<1x128xf32> to vector<128x128xf32>
    %select_n3A_426 = arith.select %lt3A_419, %broadcast_in_dim3A_425, %select_n3A_408 : vector<128x128xi1>, vector<128x128xf32>
    %get3A_427 = arith.constant 0 : index
    %get3A_428 = arith.constant 2944 : index
    %get3A_429 = vector.load %arg4[%get3A_427, %get3A_428] : memref<1x8192xf32, #tpu.memory_space<vmem>>, vector<1x128xf32>
    %get3A_430 = arith.constant 0 : index
    %get3A_431 = arith.constant 2944 : index
    %get3A_432 = vector.load %arg5[%get3A_430, %get3A_431] : memref<512x8192xf32, #tpu.memory_space<vmem>>, vector<128x128xf32>
    %add3A_433 = vector.broadcast %slice3A : vector<128x1xf32> to vector<128x128xf32>
    %add3A_434 = vector.broadcast %get3A_429 : vector<1x128xf32> to vector<128x128xf32>
    %add3A_435 = arith.addf %add3A_433, %add3A_434 : vector<128x128xf32>
    %sub3A_436 = arith.subf %add3A_435, %get3A_432 : vector<128x128xf32>
    %lt3A_437 = arith.cmpf olt, %sub3A_436, %select_n3A_420 : vector<128x128xf32>
    %select_n3A_438 = arith.select %lt3A_437, %sub3A_436, %select_n3A_420 : vector<128x128xi1>, vector<128x128xf32>
    %add3A_439 = arith.constant 2.944000e+03 : f32
    %add3A_440 = vector.broadcast %add3A_439 : f32 to vector<1x128xf32>
    %add3A_441 = arith.addf %convert_element_type3A_11, %add3A_440 : vector<1x128xf32>
    %broadcast_in_dim3A_442 = vector.shape_cast %add3A_441 : vector<1x128xf32> to vector<1x128xf32>
    %broadcast_in_dim3A_443 = vector.broadcast %broadcast_in_dim3A_442 : vector<1x128xf32> to vector<128x128xf32>
    %select_n3A_444 = arith.select %lt3A_437, %broadcast_in_dim3A_443, %select_n3A_426 : vector<128x128xi1>, vector<128x128xf32>
    %get3A_445 = arith.constant 0 : index
    %get3A_446 = arith.constant 3072 : index
    %get3A_447 = vector.load %arg4[%get3A_445, %get3A_446] : memref<1x8192xf32, #tpu.memory_space<vmem>>, vector<1x128xf32>
    %get3A_448 = arith.constant 0 : index
    %get3A_449 = arith.constant 3072 : index
    %get3A_450 = vector.load %arg5[%get3A_448, %get3A_449] : memref<512x8192xf32, #tpu.memory_space<vmem>>, vector<128x128xf32>
    %add3A_451 = vector.broadcast %slice3A : vector<128x1xf32> to vector<128x128xf32>
    %add3A_452 = vector.broadcast %get3A_447 : vector<1x128xf32> to vector<128x128xf32>
    %add3A_453 = arith.addf %add3A_451, %add3A_452 : vector<128x128xf32>
    %sub3A_454 = arith.subf %add3A_453, %get3A_450 : vector<128x128xf32>
    %lt3A_455 = arith.cmpf olt, %sub3A_454, %select_n3A_438 : vector<128x128xf32>
    %select_n3A_456 = arith.select %lt3A_455, %sub3A_454, %select_n3A_438 : vector<128x128xi1>, vector<128x128xf32>
    %add3A_457 = arith.constant 3.072000e+03 : f32
    %add3A_458 = vector.broadcast %add3A_457 : f32 to vector<1x128xf32>
    %add3A_459 = arith.addf %convert_element_type3A_11, %add3A_458 : vector<1x128xf32>
    %broadcast_in_dim3A_460 = vector.shape_cast %add3A_459 : vector<1x128xf32> to vector<1x128xf32>
    %broadcast_in_dim3A_461 = vector.broadcast %broadcast_in_dim3A_460 : vector<1x128xf32> to vector<128x128xf32>
    %select_n3A_462 = arith.select %lt3A_455, %broadcast_in_dim3A_461, %select_n3A_444 : vector<128x128xi1>, vector<128x128xf32>
    %get3A_463 = arith.constant 0 : index
    %get3A_464 = arith.constant 3200 : index
    %get3A_465 = vector.load %arg4[%get3A_463, %get3A_464] : memref<1x8192xf32, #tpu.memory_space<vmem>>, vector<1x128xf32>
    %get3A_466 = arith.constant 0 : index
    %get3A_467 = arith.constant 3200 : index
    %get3A_468 = vector.load %arg5[%get3A_466, %get3A_467] : memref<512x8192xf32, #tpu.memory_space<vmem>>, vector<128x128xf32>
    %add3A_469 = vector.broadcast %slice3A : vector<128x1xf32> to vector<128x128xf32>
    %add3A_470 = vector.broadcast %get3A_465 : vector<1x128xf32> to vector<128x128xf32>
    %add3A_471 = arith.addf %add3A_469, %add3A_470 : vector<128x128xf32>
    %sub3A_472 = arith.subf %add3A_471, %get3A_468 : vector<128x128xf32>
    %lt3A_473 = arith.cmpf olt, %sub3A_472, %select_n3A_456 : vector<128x128xf32>
    %select_n3A_474 = arith.select %lt3A_473, %sub3A_472, %select_n3A_456 : vector<128x128xi1>, vector<128x128xf32>
    %add3A_475 = arith.constant 3.200000e+03 : f32
    %add3A_476 = vector.broadcast %add3A_475 : f32 to vector<1x128xf32>
    %add3A_477 = arith.addf %convert_element_type3A_11, %add3A_476 : vector<1x128xf32>
    %broadcast_in_dim3A_478 = vector.shape_cast %add3A_477 : vector<1x128xf32> to vector<1x128xf32>
    %broadcast_in_dim3A_479 = vector.broadcast %broadcast_in_dim3A_478 : vector<1x128xf32> to vector<128x128xf32>
    %select_n3A_480 = arith.select %lt3A_473, %broadcast_in_dim3A_479, %select_n3A_462 : vector<128x128xi1>, vector<128x128xf32>
    %get3A_481 = arith.constant 0 : index
    %get3A_482 = arith.constant 3328 : index
    %get3A_483 = vector.load %arg4[%get3A_481, %get3A_482] : memref<1x8192xf32, #tpu.memory_space<vmem>>, vector<1x128xf32>
    %get3A_484 = arith.constant 0 : index
    %get3A_485 = arith.constant 3328 : index
    %get3A_486 = vector.load %arg5[%get3A_484, %get3A_485] : memref<512x8192xf32, #tpu.memory_space<vmem>>, vector<128x128xf32>
    %add3A_487 = vector.broadcast %slice3A : vector<128x1xf32> to vector<128x128xf32>
    %add3A_488 = vector.broadcast %get3A_483 : vector<1x128xf32> to vector<128x128xf32>
    %add3A_489 = arith.addf %add3A_487, %add3A_488 : vector<128x128xf32>
    %sub3A_490 = arith.subf %add3A_489, %get3A_486 : vector<128x128xf32>
    %lt3A_491 = arith.cmpf olt, %sub3A_490, %select_n3A_474 : vector<128x128xf32>
    %select_n3A_492 = arith.select %lt3A_491, %sub3A_490, %select_n3A_474 : vector<128x128xi1>, vector<128x128xf32>
    %add3A_493 = arith.constant 3.328000e+03 : f32
    %add3A_494 = vector.broadcast %add3A_493 : f32 to vector<1x128xf32>
    %add3A_495 = arith.addf %convert_element_type3A_11, %add3A_494 : vector<1x128xf32>
    %broadcast_in_dim3A_496 = vector.shape_cast %add3A_495 : vector<1x128xf32> to vector<1x128xf32>
    %broadcast_in_dim3A_497 = vector.broadcast %broadcast_in_dim3A_496 : vector<1x128xf32> to vector<128x128xf32>
    %select_n3A_498 = arith.select %lt3A_491, %broadcast_in_dim3A_497, %select_n3A_480 : vector<128x128xi1>, vector<128x128xf32>
    %get3A_499 = arith.constant 0 : index
    %get3A_500 = arith.constant 3456 : index
    %get3A_501 = vector.load %arg4[%get3A_499, %get3A_500] : memref<1x8192xf32, #tpu.memory_space<vmem>>, vector<1x128xf32>
    %get3A_502 = arith.constant 0 : index
    %get3A_503 = arith.constant 3456 : index
    %get3A_504 = vector.load %arg5[%get3A_502, %get3A_503] : memref<512x8192xf32, #tpu.memory_space<vmem>>, vector<128x128xf32>
    %add3A_505 = vector.broadcast %slice3A : vector<128x1xf32> to vector<128x128xf32>
    %add3A_506 = vector.broadcast %get3A_501 : vector<1x128xf32> to vector<128x128xf32>
    %add3A_507 = arith.addf %add3A_505, %add3A_506 : vector<128x128xf32>
    %sub3A_508 = arith.subf %add3A_507, %get3A_504 : vector<128x128xf32>
    %lt3A_509 = arith.cmpf olt, %sub3A_508, %select_n3A_492 : vector<128x128xf32>
    %select_n3A_510 = arith.select %lt3A_509, %sub3A_508, %select_n3A_492 : vector<128x128xi1>, vector<128x128xf32>
    %add3A_511 = arith.constant 3.456000e+03 : f32
    %add3A_512 = vector.broadcast %add3A_511 : f32 to vector<1x128xf32>
    %add3A_513 = arith.addf %convert_element_type3A_11, %add3A_512 : vector<1x128xf32>
    %broadcast_in_dim3A_514 = vector.shape_cast %add3A_513 : vector<1x128xf32> to vector<1x128xf32>
    %broadcast_in_dim3A_515 = vector.broadcast %broadcast_in_dim3A_514 : vector<1x128xf32> to vector<128x128xf32>
    %select_n3A_516 = arith.select %lt3A_509, %broadcast_in_dim3A_515, %select_n3A_498 : vector<128x128xi1>, vector<128x128xf32>
    %get3A_517 = arith.constant 0 : index
    %get3A_518 = arith.constant 3584 : index
    %get3A_519 = vector.load %arg4[%get3A_517, %get3A_518] : memref<1x8192xf32, #tpu.memory_space<vmem>>, vector<1x128xf32>
    %get3A_520 = arith.constant 0 : index
    %get3A_521 = arith.constant 3584 : index
    %get3A_522 = vector.load %arg5[%get3A_520, %get3A_521] : memref<512x8192xf32, #tpu.memory_space<vmem>>, vector<128x128xf32>
    %add3A_523 = vector.broadcast %slice3A : vector<128x1xf32> to vector<128x128xf32>
    %add3A_524 = vector.broadcast %get3A_519 : vector<1x128xf32> to vector<128x128xf32>
    %add3A_525 = arith.addf %add3A_523, %add3A_524 : vector<128x128xf32>
    %sub3A_526 = arith.subf %add3A_525, %get3A_522 : vector<128x128xf32>
    %lt3A_527 = arith.cmpf olt, %sub3A_526, %select_n3A_510 : vector<128x128xf32>
    %select_n3A_528 = arith.select %lt3A_527, %sub3A_526, %select_n3A_510 : vector<128x128xi1>, vector<128x128xf32>
    %add3A_529 = arith.constant 3.584000e+03 : f32
    %add3A_530 = vector.broadcast %add3A_529 : f32 to vector<1x128xf32>
    %add3A_531 = arith.addf %convert_element_type3A_11, %add3A_530 : vector<1x128xf32>
    %broadcast_in_dim3A_532 = vector.shape_cast %add3A_531 : vector<1x128xf32> to vector<1x128xf32>
    %broadcast_in_dim3A_533 = vector.broadcast %broadcast_in_dim3A_532 : vector<1x128xf32> to vector<128x128xf32>
    %select_n3A_534 = arith.select %lt3A_527, %broadcast_in_dim3A_533, %select_n3A_516 : vector<128x128xi1>, vector<128x128xf32>
    %get3A_535 = arith.constant 0 : index
    %get3A_536 = arith.constant 3712 : index
    %get3A_537 = vector.load %arg4[%get3A_535, %get3A_536] : memref<1x8192xf32, #tpu.memory_space<vmem>>, vector<1x128xf32>
    %get3A_538 = arith.constant 0 : index
    %get3A_539 = arith.constant 3712 : index
    %get3A_540 = vector.load %arg5[%get3A_538, %get3A_539] : memref<512x8192xf32, #tpu.memory_space<vmem>>, vector<128x128xf32>
    %add3A_541 = vector.broadcast %slice3A : vector<128x1xf32> to vector<128x128xf32>
    %add3A_542 = vector.broadcast %get3A_537 : vector<1x128xf32> to vector<128x128xf32>
    %add3A_543 = arith.addf %add3A_541, %add3A_542 : vector<128x128xf32>
    %sub3A_544 = arith.subf %add3A_543, %get3A_540 : vector<128x128xf32>
    %lt3A_545 = arith.cmpf olt, %sub3A_544, %select_n3A_528 : vector<128x128xf32>
    %select_n3A_546 = arith.select %lt3A_545, %sub3A_544, %select_n3A_528 : vector<128x128xi1>, vector<128x128xf32>
    %add3A_547 = arith.constant 3.712000e+03 : f32
    %add3A_548 = vector.broadcast %add3A_547 : f32 to vector<1x128xf32>
    %add3A_549 = arith.addf %convert_element_type3A_11, %add3A_548 : vector<1x128xf32>
    %broadcast_in_dim3A_550 = vector.shape_cast %add3A_549 : vector<1x128xf32> to vector<1x128xf32>
    %broadcast_in_dim3A_551 = vector.broadcast %broadcast_in_dim3A_550 : vector<1x128xf32> to vector<128x128xf32>
    %select_n3A_552 = arith.select %lt3A_545, %broadcast_in_dim3A_551, %select_n3A_534 : vector<128x128xi1>, vector<128x128xf32>
    %get3A_553 = arith.constant 0 : index
    %get3A_554 = arith.constant 3840 : index
    %get3A_555 = vector.load %arg4[%get3A_553, %get3A_554] : memref<1x8192xf32, #tpu.memory_space<vmem>>, vector<1x128xf32>
    %get3A_556 = arith.constant 0 : index
    %get3A_557 = arith.constant 3840 : index
    %get3A_558 = vector.load %arg5[%get3A_556, %get3A_557] : memref<512x8192xf32, #tpu.memory_space<vmem>>, vector<128x128xf32>
    %add3A_559 = vector.broadcast %slice3A : vector<128x1xf32> to vector<128x128xf32>
    %add3A_560 = vector.broadcast %get3A_555 : vector<1x128xf32> to vector<128x128xf32>
    %add3A_561 = arith.addf %add3A_559, %add3A_560 : vector<128x128xf32>
    %sub3A_562 = arith.subf %add3A_561, %get3A_558 : vector<128x128xf32>
    %lt3A_563 = arith.cmpf olt, %sub3A_562, %select_n3A_546 : vector<128x128xf32>
    %select_n3A_564 = arith.select %lt3A_563, %sub3A_562, %select_n3A_546 : vector<128x128xi1>, vector<128x128xf32>
    %add3A_565 = arith.constant 3.840000e+03 : f32
    %add3A_566 = vector.broadcast %add3A_565 : f32 to vector<1x128xf32>
    %add3A_567 = arith.addf %convert_element_type3A_11, %add3A_566 : vector<1x128xf32>
    %broadcast_in_dim3A_568 = vector.shape_cast %add3A_567 : vector<1x128xf32> to vector<1x128xf32>
    %broadcast_in_dim3A_569 = vector.broadcast %broadcast_in_dim3A_568 : vector<1x128xf32> to vector<128x128xf32>
    %select_n3A_570 = arith.select %lt3A_563, %broadcast_in_dim3A_569, %select_n3A_552 : vector<128x128xi1>, vector<128x128xf32>
    %get3A_571 = arith.constant 0 : index
    %get3A_572 = arith.constant 3968 : index
    %get3A_573 = vector.load %arg4[%get3A_571, %get3A_572] : memref<1x8192xf32, #tpu.memory_space<vmem>>, vector<1x128xf32>
    %get3A_574 = arith.constant 0 : index
    %get3A_575 = arith.constant 3968 : index
    %get3A_576 = vector.load %arg5[%get3A_574, %get3A_575] : memref<512x8192xf32, #tpu.memory_space<vmem>>, vector<128x128xf32>
    %add3A_577 = vector.broadcast %slice3A : vector<128x1xf32> to vector<128x128xf32>
    %add3A_578 = vector.broadcast %get3A_573 : vector<1x128xf32> to vector<128x128xf32>
    %add3A_579 = arith.addf %add3A_577, %add3A_578 : vector<128x128xf32>
    %sub3A_580 = arith.subf %add3A_579, %get3A_576 : vector<128x128xf32>
    %lt3A_581 = arith.cmpf olt, %sub3A_580, %select_n3A_564 : vector<128x128xf32>
    %select_n3A_582 = arith.select %lt3A_581, %sub3A_580, %select_n3A_564 : vector<128x128xi1>, vector<128x128xf32>
    %add3A_583 = arith.constant 3.968000e+03 : f32
    %add3A_584 = vector.broadcast %add3A_583 : f32 to vector<1x128xf32>
    %add3A_585 = arith.addf %convert_element_type3A_11, %add3A_584 : vector<1x128xf32>
    %broadcast_in_dim3A_586 = vector.shape_cast %add3A_585 : vector<1x128xf32> to vector<1x128xf32>
    %broadcast_in_dim3A_587 = vector.broadcast %broadcast_in_dim3A_586 : vector<1x128xf32> to vector<128x128xf32>
    %select_n3A_588 = arith.select %lt3A_581, %broadcast_in_dim3A_587, %select_n3A_570 : vector<128x128xi1>, vector<128x128xf32>
    %get3A_589 = arith.constant 0 : index
    %get3A_590 = arith.constant 4096 : index
    %get3A_591 = vector.load %arg4[%get3A_589, %get3A_590] : memref<1x8192xf32, #tpu.memory_space<vmem>>, vector<1x128xf32>
    %get3A_592 = arith.constant 0 : index
    %get3A_593 = arith.constant 4096 : index
    %get3A_594 = vector.load %arg5[%get3A_592, %get3A_593] : memref<512x8192xf32, #tpu.memory_space<vmem>>, vector<128x128xf32>
    %add3A_595 = vector.broadcast %slice3A : vector<128x1xf32> to vector<128x128xf32>
    %add3A_596 = vector.broadcast %get3A_591 : vector<1x128xf32> to vector<128x128xf32>
    %add3A_597 = arith.addf %add3A_595, %add3A_596 : vector<128x128xf32>
    %sub3A_598 = arith.subf %add3A_597, %get3A_594 : vector<128x128xf32>
    %lt3A_599 = arith.cmpf olt, %sub3A_598, %select_n3A_582 : vector<128x128xf32>
    %select_n3A_600 = arith.select %lt3A_599, %sub3A_598, %select_n3A_582 : vector<128x128xi1>, vector<128x128xf32>
    %add3A_601 = arith.constant 4.096000e+03 : f32
    %add3A_602 = vector.broadcast %add3A_601 : f32 to vector<1x128xf32>
    %add3A_603 = arith.addf %convert_element_type3A_11, %add3A_602 : vector<1x128xf32>
    %broadcast_in_dim3A_604 = vector.shape_cast %add3A_603 : vector<1x128xf32> to vector<1x128xf32>
    %broadcast_in_dim3A_605 = vector.broadcast %broadcast_in_dim3A_604 : vector<1x128xf32> to vector<128x128xf32>
    %select_n3A_606 = arith.select %lt3A_599, %broadcast_in_dim3A_605, %select_n3A_588 : vector<128x128xi1>, vector<128x128xf32>
    %get3A_607 = arith.constant 0 : index
    %get3A_608 = arith.constant 4224 : index
    %get3A_609 = vector.load %arg4[%get3A_607, %get3A_608] : memref<1x8192xf32, #tpu.memory_space<vmem>>, vector<1x128xf32>
    %get3A_610 = arith.constant 0 : index
    %get3A_611 = arith.constant 4224 : index
    %get3A_612 = vector.load %arg5[%get3A_610, %get3A_611] : memref<512x8192xf32, #tpu.memory_space<vmem>>, vector<128x128xf32>
    %add3A_613 = vector.broadcast %slice3A : vector<128x1xf32> to vector<128x128xf32>
    %add3A_614 = vector.broadcast %get3A_609 : vector<1x128xf32> to vector<128x128xf32>
    %add3A_615 = arith.addf %add3A_613, %add3A_614 : vector<128x128xf32>
    %sub3A_616 = arith.subf %add3A_615, %get3A_612 : vector<128x128xf32>
    %lt3A_617 = arith.cmpf olt, %sub3A_616, %select_n3A_600 : vector<128x128xf32>
    %select_n3A_618 = arith.select %lt3A_617, %sub3A_616, %select_n3A_600 : vector<128x128xi1>, vector<128x128xf32>
    %add3A_619 = arith.constant 4.224000e+03 : f32
    %add3A_620 = vector.broadcast %add3A_619 : f32 to vector<1x128xf32>
    %add3A_621 = arith.addf %convert_element_type3A_11, %add3A_620 : vector<1x128xf32>
    %broadcast_in_dim3A_622 = vector.shape_cast %add3A_621 : vector<1x128xf32> to vector<1x128xf32>
    %broadcast_in_dim3A_623 = vector.broadcast %broadcast_in_dim3A_622 : vector<1x128xf32> to vector<128x128xf32>
    %select_n3A_624 = arith.select %lt3A_617, %broadcast_in_dim3A_623, %select_n3A_606 : vector<128x128xi1>, vector<128x128xf32>
    %get3A_625 = arith.constant 0 : index
    %get3A_626 = arith.constant 4352 : index
    %get3A_627 = vector.load %arg4[%get3A_625, %get3A_626] : memref<1x8192xf32, #tpu.memory_space<vmem>>, vector<1x128xf32>
    %get3A_628 = arith.constant 0 : index
    %get3A_629 = arith.constant 4352 : index
    %get3A_630 = vector.load %arg5[%get3A_628, %get3A_629] : memref<512x8192xf32, #tpu.memory_space<vmem>>, vector<128x128xf32>
    %add3A_631 = vector.broadcast %slice3A : vector<128x1xf32> to vector<128x128xf32>
    %add3A_632 = vector.broadcast %get3A_627 : vector<1x128xf32> to vector<128x128xf32>
    %add3A_633 = arith.addf %add3A_631, %add3A_632 : vector<128x128xf32>
    %sub3A_634 = arith.subf %add3A_633, %get3A_630 : vector<128x128xf32>
    %lt3A_635 = arith.cmpf olt, %sub3A_634, %select_n3A_618 : vector<128x128xf32>
    %select_n3A_636 = arith.select %lt3A_635, %sub3A_634, %select_n3A_618 : vector<128x128xi1>, vector<128x128xf32>
    %add3A_637 = arith.constant 4.352000e+03 : f32
    %add3A_638 = vector.broadcast %add3A_637 : f32 to vector<1x128xf32>
    %add3A_639 = arith.addf %convert_element_type3A_11, %add3A_638 : vector<1x128xf32>
    %broadcast_in_dim3A_640 = vector.shape_cast %add3A_639 : vector<1x128xf32> to vector<1x128xf32>
    %broadcast_in_dim3A_641 = vector.broadcast %broadcast_in_dim3A_640 : vector<1x128xf32> to vector<128x128xf32>
    %select_n3A_642 = arith.select %lt3A_635, %broadcast_in_dim3A_641, %select_n3A_624 : vector<128x128xi1>, vector<128x128xf32>
    %get3A_643 = arith.constant 0 : index
    %get3A_644 = arith.constant 4480 : index
    %get3A_645 = vector.load %arg4[%get3A_643, %get3A_644] : memref<1x8192xf32, #tpu.memory_space<vmem>>, vector<1x128xf32>
    %get3A_646 = arith.constant 0 : index
    %get3A_647 = arith.constant 4480 : index
    %get3A_648 = vector.load %arg5[%get3A_646, %get3A_647] : memref<512x8192xf32, #tpu.memory_space<vmem>>, vector<128x128xf32>
    %add3A_649 = vector.broadcast %slice3A : vector<128x1xf32> to vector<128x128xf32>
    %add3A_650 = vector.broadcast %get3A_645 : vector<1x128xf32> to vector<128x128xf32>
    %add3A_651 = arith.addf %add3A_649, %add3A_650 : vector<128x128xf32>
    %sub3A_652 = arith.subf %add3A_651, %get3A_648 : vector<128x128xf32>
    %lt3A_653 = arith.cmpf olt, %sub3A_652, %select_n3A_636 : vector<128x128xf32>
    %select_n3A_654 = arith.select %lt3A_653, %sub3A_652, %select_n3A_636 : vector<128x128xi1>, vector<128x128xf32>
    %add3A_655 = arith.constant 4.480000e+03 : f32
    %add3A_656 = vector.broadcast %add3A_655 : f32 to vector<1x128xf32>
    %add3A_657 = arith.addf %convert_element_type3A_11, %add3A_656 : vector<1x128xf32>
    %broadcast_in_dim3A_658 = vector.shape_cast %add3A_657 : vector<1x128xf32> to vector<1x128xf32>
    %broadcast_in_dim3A_659 = vector.broadcast %broadcast_in_dim3A_658 : vector<1x128xf32> to vector<128x128xf32>
    %select_n3A_660 = arith.select %lt3A_653, %broadcast_in_dim3A_659, %select_n3A_642 : vector<128x128xi1>, vector<128x128xf32>
    %get3A_661 = arith.constant 0 : index
    %get3A_662 = arith.constant 4608 : index
    %get3A_663 = vector.load %arg4[%get3A_661, %get3A_662] : memref<1x8192xf32, #tpu.memory_space<vmem>>, vector<1x128xf32>
    %get3A_664 = arith.constant 0 : index
    %get3A_665 = arith.constant 4608 : index
    %get3A_666 = vector.load %arg5[%get3A_664, %get3A_665] : memref<512x8192xf32, #tpu.memory_space<vmem>>, vector<128x128xf32>
    %add3A_667 = vector.broadcast %slice3A : vector<128x1xf32> to vector<128x128xf32>
    %add3A_668 = vector.broadcast %get3A_663 : vector<1x128xf32> to vector<128x128xf32>
    %add3A_669 = arith.addf %add3A_667, %add3A_668 : vector<128x128xf32>
    %sub3A_670 = arith.subf %add3A_669, %get3A_666 : vector<128x128xf32>
    %lt3A_671 = arith.cmpf olt, %sub3A_670, %select_n3A_654 : vector<128x128xf32>
    %select_n3A_672 = arith.select %lt3A_671, %sub3A_670, %select_n3A_654 : vector<128x128xi1>, vector<128x128xf32>
    %add3A_673 = arith.constant 4.608000e+03 : f32
    %add3A_674 = vector.broadcast %add3A_673 : f32 to vector<1x128xf32>
    %add3A_675 = arith.addf %convert_element_type3A_11, %add3A_674 : vector<1x128xf32>
    %broadcast_in_dim3A_676 = vector.shape_cast %add3A_675 : vector<1x128xf32> to vector<1x128xf32>
    %broadcast_in_dim3A_677 = vector.broadcast %broadcast_in_dim3A_676 : vector<1x128xf32> to vector<128x128xf32>
    %select_n3A_678 = arith.select %lt3A_671, %broadcast_in_dim3A_677, %select_n3A_660 : vector<128x128xi1>, vector<128x128xf32>
    %get3A_679 = arith.constant 0 : index
    %get3A_680 = arith.constant 4736 : index
    %get3A_681 = vector.load %arg4[%get3A_679, %get3A_680] : memref<1x8192xf32, #tpu.memory_space<vmem>>, vector<1x128xf32>
    %get3A_682 = arith.constant 0 : index
    %get3A_683 = arith.constant 4736 : index
    %get3A_684 = vector.load %arg5[%get3A_682, %get3A_683] : memref<512x8192xf32, #tpu.memory_space<vmem>>, vector<128x128xf32>
    %add3A_685 = vector.broadcast %slice3A : vector<128x1xf32> to vector<128x128xf32>
    %add3A_686 = vector.broadcast %get3A_681 : vector<1x128xf32> to vector<128x128xf32>
    %add3A_687 = arith.addf %add3A_685, %add3A_686 : vector<128x128xf32>
    %sub3A_688 = arith.subf %add3A_687, %get3A_684 : vector<128x128xf32>
    %lt3A_689 = arith.cmpf olt, %sub3A_688, %select_n3A_672 : vector<128x128xf32>
    %select_n3A_690 = arith.select %lt3A_689, %sub3A_688, %select_n3A_672 : vector<128x128xi1>, vector<128x128xf32>
    %add3A_691 = arith.constant 4.736000e+03 : f32
    %add3A_692 = vector.broadcast %add3A_691 : f32 to vector<1x128xf32>
    %add3A_693 = arith.addf %convert_element_type3A_11, %add3A_692 : vector<1x128xf32>
    %broadcast_in_dim3A_694 = vector.shape_cast %add3A_693 : vector<1x128xf32> to vector<1x128xf32>
    %broadcast_in_dim3A_695 = vector.broadcast %broadcast_in_dim3A_694 : vector<1x128xf32> to vector<128x128xf32>
    %select_n3A_696 = arith.select %lt3A_689, %broadcast_in_dim3A_695, %select_n3A_678 : vector<128x128xi1>, vector<128x128xf32>
    %get3A_697 = arith.constant 0 : index
    %get3A_698 = arith.constant 4864 : index
    %get3A_699 = vector.load %arg4[%get3A_697, %get3A_698] : memref<1x8192xf32, #tpu.memory_space<vmem>>, vector<1x128xf32>
    %get3A_700 = arith.constant 0 : index
    %get3A_701 = arith.constant 4864 : index
    %get3A_702 = vector.load %arg5[%get3A_700, %get3A_701] : memref<512x8192xf32, #tpu.memory_space<vmem>>, vector<128x128xf32>
    %add3A_703 = vector.broadcast %slice3A : vector<128x1xf32> to vector<128x128xf32>
    %add3A_704 = vector.broadcast %get3A_699 : vector<1x128xf32> to vector<128x128xf32>
    %add3A_705 = arith.addf %add3A_703, %add3A_704 : vector<128x128xf32>
    %sub3A_706 = arith.subf %add3A_705, %get3A_702 : vector<128x128xf32>
    %lt3A_707 = arith.cmpf olt, %sub3A_706, %select_n3A_690 : vector<128x128xf32>
    %select_n3A_708 = arith.select %lt3A_707, %sub3A_706, %select_n3A_690 : vector<128x128xi1>, vector<128x128xf32>
    %add3A_709 = arith.constant 4.864000e+03 : f32
    %add3A_710 = vector.broadcast %add3A_709 : f32 to vector<1x128xf32>
    %add3A_711 = arith.addf %convert_element_type3A_11, %add3A_710 : vector<1x128xf32>
    %broadcast_in_dim3A_712 = vector.shape_cast %add3A_711 : vector<1x128xf32> to vector<1x128xf32>
    %broadcast_in_dim3A_713 = vector.broadcast %broadcast_in_dim3A_712 : vector<1x128xf32> to vector<128x128xf32>
    %select_n3A_714 = arith.select %lt3A_707, %broadcast_in_dim3A_713, %select_n3A_696 : vector<128x128xi1>, vector<128x128xf32>
    %get3A_715 = arith.constant 0 : index
    %get3A_716 = arith.constant 4992 : index
    %get3A_717 = vector.load %arg4[%get3A_715, %get3A_716] : memref<1x8192xf32, #tpu.memory_space<vmem>>, vector<1x128xf32>
    %get3A_718 = arith.constant 0 : index
    %get3A_719 = arith.constant 4992 : index
    %get3A_720 = vector.load %arg5[%get3A_718, %get3A_719] : memref<512x8192xf32, #tpu.memory_space<vmem>>, vector<128x128xf32>
    %add3A_721 = vector.broadcast %slice3A : vector<128x1xf32> to vector<128x128xf32>
    %add3A_722 = vector.broadcast %get3A_717 : vector<1x128xf32> to vector<128x128xf32>
    %add3A_723 = arith.addf %add3A_721, %add3A_722 : vector<128x128xf32>
    %sub3A_724 = arith.subf %add3A_723, %get3A_720 : vector<128x128xf32>
    %lt3A_725 = arith.cmpf olt, %sub3A_724, %select_n3A_708 : vector<128x128xf32>
    %select_n3A_726 = arith.select %lt3A_725, %sub3A_724, %select_n3A_708 : vector<128x128xi1>, vector<128x128xf32>
    %add3A_727 = arith.constant 4.992000e+03 : f32
    %add3A_728 = vector.broadcast %add3A_727 : f32 to vector<1x128xf32>
    %add3A_729 = arith.addf %convert_element_type3A_11, %add3A_728 : vector<1x128xf32>
    %broadcast_in_dim3A_730 = vector.shape_cast %add3A_729 : vector<1x128xf32> to vector<1x128xf32>
    %broadcast_in_dim3A_731 = vector.broadcast %broadcast_in_dim3A_730 : vector<1x128xf32> to vector<128x128xf32>
    %select_n3A_732 = arith.select %lt3A_725, %broadcast_in_dim3A_731, %select_n3A_714 : vector<128x128xi1>, vector<128x128xf32>
    %get3A_733 = arith.constant 0 : index
    %get3A_734 = arith.constant 5120 : index
    %get3A_735 = vector.load %arg4[%get3A_733, %get3A_734] : memref<1x8192xf32, #tpu.memory_space<vmem>>, vector<1x128xf32>
    %get3A_736 = arith.constant 0 : index
    %get3A_737 = arith.constant 5120 : index
    %get3A_738 = vector.load %arg5[%get3A_736, %get3A_737] : memref<512x8192xf32, #tpu.memory_space<vmem>>, vector<128x128xf32>
    %add3A_739 = vector.broadcast %slice3A : vector<128x1xf32> to vector<128x128xf32>
    %add3A_740 = vector.broadcast %get3A_735 : vector<1x128xf32> to vector<128x128xf32>
    %add3A_741 = arith.addf %add3A_739, %add3A_740 : vector<128x128xf32>
    %sub3A_742 = arith.subf %add3A_741, %get3A_738 : vector<128x128xf32>
    %lt3A_743 = arith.cmpf olt, %sub3A_742, %select_n3A_726 : vector<128x128xf32>
    %select_n3A_744 = arith.select %lt3A_743, %sub3A_742, %select_n3A_726 : vector<128x128xi1>, vector<128x128xf32>
    %add3A_745 = arith.constant 5.120000e+03 : f32
    %add3A_746 = vector.broadcast %add3A_745 : f32 to vector<1x128xf32>
    %add3A_747 = arith.addf %convert_element_type3A_11, %add3A_746 : vector<1x128xf32>
    %broadcast_in_dim3A_748 = vector.shape_cast %add3A_747 : vector<1x128xf32> to vector<1x128xf32>
    %broadcast_in_dim3A_749 = vector.broadcast %broadcast_in_dim3A_748 : vector<1x128xf32> to vector<128x128xf32>
    %select_n3A_750 = arith.select %lt3A_743, %broadcast_in_dim3A_749, %select_n3A_732 : vector<128x128xi1>, vector<128x128xf32>
    %get3A_751 = arith.constant 0 : index
    %get3A_752 = arith.constant 5248 : index
    %get3A_753 = vector.load %arg4[%get3A_751, %get3A_752] : memref<1x8192xf32, #tpu.memory_space<vmem>>, vector<1x128xf32>
    %get3A_754 = arith.constant 0 : index
    %get3A_755 = arith.constant 5248 : index
    %get3A_756 = vector.load %arg5[%get3A_754, %get3A_755] : memref<512x8192xf32, #tpu.memory_space<vmem>>, vector<128x128xf32>
    %add3A_757 = vector.broadcast %slice3A : vector<128x1xf32> to vector<128x128xf32>
    %add3A_758 = vector.broadcast %get3A_753 : vector<1x128xf32> to vector<128x128xf32>
    %add3A_759 = arith.addf %add3A_757, %add3A_758 : vector<128x128xf32>
    %sub3A_760 = arith.subf %add3A_759, %get3A_756 : vector<128x128xf32>
    %lt3A_761 = arith.cmpf olt, %sub3A_760, %select_n3A_744 : vector<128x128xf32>
    %select_n3A_762 = arith.select %lt3A_761, %sub3A_760, %select_n3A_744 : vector<128x128xi1>, vector<128x128xf32>
    %add3A_763 = arith.constant 5.248000e+03 : f32
    %add3A_764 = vector.broadcast %add3A_763 : f32 to vector<1x128xf32>
    %add3A_765 = arith.addf %convert_element_type3A_11, %add3A_764 : vector<1x128xf32>
    %broadcast_in_dim3A_766 = vector.shape_cast %add3A_765 : vector<1x128xf32> to vector<1x128xf32>
    %broadcast_in_dim3A_767 = vector.broadcast %broadcast_in_dim3A_766 : vector<1x128xf32> to vector<128x128xf32>
    %select_n3A_768 = arith.select %lt3A_761, %broadcast_in_dim3A_767, %select_n3A_750 : vector<128x128xi1>, vector<128x128xf32>
    %get3A_769 = arith.constant 0 : index
    %get3A_770 = arith.constant 5376 : index
    %get3A_771 = vector.load %arg4[%get3A_769, %get3A_770] : memref<1x8192xf32, #tpu.memory_space<vmem>>, vector<1x128xf32>
    %get3A_772 = arith.constant 0 : index
    %get3A_773 = arith.constant 5376 : index
    %get3A_774 = vector.load %arg5[%get3A_772, %get3A_773] : memref<512x8192xf32, #tpu.memory_space<vmem>>, vector<128x128xf32>
    %add3A_775 = vector.broadcast %slice3A : vector<128x1xf32> to vector<128x128xf32>
    %add3A_776 = vector.broadcast %get3A_771 : vector<1x128xf32> to vector<128x128xf32>
    %add3A_777 = arith.addf %add3A_775, %add3A_776 : vector<128x128xf32>
    %sub3A_778 = arith.subf %add3A_777, %get3A_774 : vector<128x128xf32>
    %lt3A_779 = arith.cmpf olt, %sub3A_778, %select_n3A_762 : vector<128x128xf32>
    %select_n3A_780 = arith.select %lt3A_779, %sub3A_778, %select_n3A_762 : vector<128x128xi1>, vector<128x128xf32>
    %add3A_781 = arith.constant 5.376000e+03 : f32
    %add3A_782 = vector.broadcast %add3A_781 : f32 to vector<1x128xf32>
    %add3A_783 = arith.addf %convert_element_type3A_11, %add3A_782 : vector<1x128xf32>
    %broadcast_in_dim3A_784 = vector.shape_cast %add3A_783 : vector<1x128xf32> to vector<1x128xf32>
    %broadcast_in_dim3A_785 = vector.broadcast %broadcast_in_dim3A_784 : vector<1x128xf32> to vector<128x128xf32>
    %select_n3A_786 = arith.select %lt3A_779, %broadcast_in_dim3A_785, %select_n3A_768 : vector<128x128xi1>, vector<128x128xf32>
    %get3A_787 = arith.constant 0 : index
    %get3A_788 = arith.constant 5504 : index
    %get3A_789 = vector.load %arg4[%get3A_787, %get3A_788] : memref<1x8192xf32, #tpu.memory_space<vmem>>, vector<1x128xf32>
    %get3A_790 = arith.constant 0 : index
    %get3A_791 = arith.constant 5504 : index
    %get3A_792 = vector.load %arg5[%get3A_790, %get3A_791] : memref<512x8192xf32, #tpu.memory_space<vmem>>, vector<128x128xf32>
    %add3A_793 = vector.broadcast %slice3A : vector<128x1xf32> to vector<128x128xf32>
    %add3A_794 = vector.broadcast %get3A_789 : vector<1x128xf32> to vector<128x128xf32>
    %add3A_795 = arith.addf %add3A_793, %add3A_794 : vector<128x128xf32>
    %sub3A_796 = arith.subf %add3A_795, %get3A_792 : vector<128x128xf32>
    %lt3A_797 = arith.cmpf olt, %sub3A_796, %select_n3A_780 : vector<128x128xf32>
    %select_n3A_798 = arith.select %lt3A_797, %sub3A_796, %select_n3A_780 : vector<128x128xi1>, vector<128x128xf32>
    %add3A_799 = arith.constant 5.504000e+03 : f32
    %add3A_800 = vector.broadcast %add3A_799 : f32 to vector<1x128xf32>
    %add3A_801 = arith.addf %convert_element_type3A_11, %add3A_800 : vector<1x128xf32>
    %broadcast_in_dim3A_802 = vector.shape_cast %add3A_801 : vector<1x128xf32> to vector<1x128xf32>
    %broadcast_in_dim3A_803 = vector.broadcast %broadcast_in_dim3A_802 : vector<1x128xf32> to vector<128x128xf32>
    %select_n3A_804 = arith.select %lt3A_797, %broadcast_in_dim3A_803, %select_n3A_786 : vector<128x128xi1>, vector<128x128xf32>
    %get3A_805 = arith.constant 0 : index
    %get3A_806 = arith.constant 5632 : index
    %get3A_807 = vector.load %arg4[%get3A_805, %get3A_806] : memref<1x8192xf32, #tpu.memory_space<vmem>>, vector<1x128xf32>
    %get3A_808 = arith.constant 0 : index
    %get3A_809 = arith.constant 5632 : index
    %get3A_810 = vector.load %arg5[%get3A_808, %get3A_809] : memref<512x8192xf32, #tpu.memory_space<vmem>>, vector<128x128xf32>
    %add3A_811 = vector.broadcast %slice3A : vector<128x1xf32> to vector<128x128xf32>
    %add3A_812 = vector.broadcast %get3A_807 : vector<1x128xf32> to vector<128x128xf32>
    %add3A_813 = arith.addf %add3A_811, %add3A_812 : vector<128x128xf32>
    %sub3A_814 = arith.subf %add3A_813, %get3A_810 : vector<128x128xf32>
    %lt3A_815 = arith.cmpf olt, %sub3A_814, %select_n3A_798 : vector<128x128xf32>
    %select_n3A_816 = arith.select %lt3A_815, %sub3A_814, %select_n3A_798 : vector<128x128xi1>, vector<128x128xf32>
    %add3A_817 = arith.constant 5.632000e+03 : f32
    %add3A_818 = vector.broadcast %add3A_817 : f32 to vector<1x128xf32>
    %add3A_819 = arith.addf %convert_element_type3A_11, %add3A_818 : vector<1x128xf32>
    %broadcast_in_dim3A_820 = vector.shape_cast %add3A_819 : vector<1x128xf32> to vector<1x128xf32>
    %broadcast_in_dim3A_821 = vector.broadcast %broadcast_in_dim3A_820 : vector<1x128xf32> to vector<128x128xf32>
    %select_n3A_822 = arith.select %lt3A_815, %broadcast_in_dim3A_821, %select_n3A_804 : vector<128x128xi1>, vector<128x128xf32>
    %get3A_823 = arith.constant 0 : index
    %get3A_824 = arith.constant 5760 : index
    %get3A_825 = vector.load %arg4[%get3A_823, %get3A_824] : memref<1x8192xf32, #tpu.memory_space<vmem>>, vector<1x128xf32>
    %get3A_826 = arith.constant 0 : index
    %get3A_827 = arith.constant 5760 : index
    %get3A_828 = vector.load %arg5[%get3A_826, %get3A_827] : memref<512x8192xf32, #tpu.memory_space<vmem>>, vector<128x128xf32>
    %add3A_829 = vector.broadcast %slice3A : vector<128x1xf32> to vector<128x128xf32>
    %add3A_830 = vector.broadcast %get3A_825 : vector<1x128xf32> to vector<128x128xf32>
    %add3A_831 = arith.addf %add3A_829, %add3A_830 : vector<128x128xf32>
    %sub3A_832 = arith.subf %add3A_831, %get3A_828 : vector<128x128xf32>
    %lt3A_833 = arith.cmpf olt, %sub3A_832, %select_n3A_816 : vector<128x128xf32>
    %select_n3A_834 = arith.select %lt3A_833, %sub3A_832, %select_n3A_816 : vector<128x128xi1>, vector<128x128xf32>
    %add3A_835 = arith.constant 5.760000e+03 : f32
    %add3A_836 = vector.broadcast %add3A_835 : f32 to vector<1x128xf32>
    %add3A_837 = arith.addf %convert_element_type3A_11, %add3A_836 : vector<1x128xf32>
    %broadcast_in_dim3A_838 = vector.shape_cast %add3A_837 : vector<1x128xf32> to vector<1x128xf32>
    %broadcast_in_dim3A_839 = vector.broadcast %broadcast_in_dim3A_838 : vector<1x128xf32> to vector<128x128xf32>
    %select_n3A_840 = arith.select %lt3A_833, %broadcast_in_dim3A_839, %select_n3A_822 : vector<128x128xi1>, vector<128x128xf32>
    %get3A_841 = arith.constant 0 : index
    %get3A_842 = arith.constant 5888 : index
    %get3A_843 = vector.load %arg4[%get3A_841, %get3A_842] : memref<1x8192xf32, #tpu.memory_space<vmem>>, vector<1x128xf32>
    %get3A_844 = arith.constant 0 : index
    %get3A_845 = arith.constant 5888 : index
    %get3A_846 = vector.load %arg5[%get3A_844, %get3A_845] : memref<512x8192xf32, #tpu.memory_space<vmem>>, vector<128x128xf32>
    %add3A_847 = vector.broadcast %slice3A : vector<128x1xf32> to vector<128x128xf32>
    %add3A_848 = vector.broadcast %get3A_843 : vector<1x128xf32> to vector<128x128xf32>
    %add3A_849 = arith.addf %add3A_847, %add3A_848 : vector<128x128xf32>
    %sub3A_850 = arith.subf %add3A_849, %get3A_846 : vector<128x128xf32>
    %lt3A_851 = arith.cmpf olt, %sub3A_850, %select_n3A_834 : vector<128x128xf32>
    %select_n3A_852 = arith.select %lt3A_851, %sub3A_850, %select_n3A_834 : vector<128x128xi1>, vector<128x128xf32>
    %add3A_853 = arith.constant 5.888000e+03 : f32
    %add3A_854 = vector.broadcast %add3A_853 : f32 to vector<1x128xf32>
    %add3A_855 = arith.addf %convert_element_type3A_11, %add3A_854 : vector<1x128xf32>
    %broadcast_in_dim3A_856 = vector.shape_cast %add3A_855 : vector<1x128xf32> to vector<1x128xf32>
    %broadcast_in_dim3A_857 = vector.broadcast %broadcast_in_dim3A_856 : vector<1x128xf32> to vector<128x128xf32>
    %select_n3A_858 = arith.select %lt3A_851, %broadcast_in_dim3A_857, %select_n3A_840 : vector<128x128xi1>, vector<128x128xf32>
    %get3A_859 = arith.constant 0 : index
    %get3A_860 = arith.constant 6016 : index
    %get3A_861 = vector.load %arg4[%get3A_859, %get3A_860] : memref<1x8192xf32, #tpu.memory_space<vmem>>, vector<1x128xf32>
    %get3A_862 = arith.constant 0 : index
    %get3A_863 = arith.constant 6016 : index
    %get3A_864 = vector.load %arg5[%get3A_862, %get3A_863] : memref<512x8192xf32, #tpu.memory_space<vmem>>, vector<128x128xf32>
    %add3A_865 = vector.broadcast %slice3A : vector<128x1xf32> to vector<128x128xf32>
    %add3A_866 = vector.broadcast %get3A_861 : vector<1x128xf32> to vector<128x128xf32>
    %add3A_867 = arith.addf %add3A_865, %add3A_866 : vector<128x128xf32>
    %sub3A_868 = arith.subf %add3A_867, %get3A_864 : vector<128x128xf32>
    %lt3A_869 = arith.cmpf olt, %sub3A_868, %select_n3A_852 : vector<128x128xf32>
    %select_n3A_870 = arith.select %lt3A_869, %sub3A_868, %select_n3A_852 : vector<128x128xi1>, vector<128x128xf32>
    %add3A_871 = arith.constant 6.016000e+03 : f32
    %add3A_872 = vector.broadcast %add3A_871 : f32 to vector<1x128xf32>
    %add3A_873 = arith.addf %convert_element_type3A_11, %add3A_872 : vector<1x128xf32>
    %broadcast_in_dim3A_874 = vector.shape_cast %add3A_873 : vector<1x128xf32> to vector<1x128xf32>
    %broadcast_in_dim3A_875 = vector.broadcast %broadcast_in_dim3A_874 : vector<1x128xf32> to vector<128x128xf32>
    %select_n3A_876 = arith.select %lt3A_869, %broadcast_in_dim3A_875, %select_n3A_858 : vector<128x128xi1>, vector<128x128xf32>
    %get3A_877 = arith.constant 0 : index
    %get3A_878 = arith.constant 6144 : index
    %get3A_879 = vector.load %arg4[%get3A_877, %get3A_878] : memref<1x8192xf32, #tpu.memory_space<vmem>>, vector<1x128xf32>
    %get3A_880 = arith.constant 0 : index
    %get3A_881 = arith.constant 6144 : index
    %get3A_882 = vector.load %arg5[%get3A_880, %get3A_881] : memref<512x8192xf32, #tpu.memory_space<vmem>>, vector<128x128xf32>
    %add3A_883 = vector.broadcast %slice3A : vector<128x1xf32> to vector<128x128xf32>
    %add3A_884 = vector.broadcast %get3A_879 : vector<1x128xf32> to vector<128x128xf32>
    %add3A_885 = arith.addf %add3A_883, %add3A_884 : vector<128x128xf32>
    %sub3A_886 = arith.subf %add3A_885, %get3A_882 : vector<128x128xf32>
    %lt3A_887 = arith.cmpf olt, %sub3A_886, %select_n3A_870 : vector<128x128xf32>
    %select_n3A_888 = arith.select %lt3A_887, %sub3A_886, %select_n3A_870 : vector<128x128xi1>, vector<128x128xf32>
    %add3A_889 = arith.constant 6.144000e+03 : f32
    %add3A_890 = vector.broadcast %add3A_889 : f32 to vector<1x128xf32>
    %add3A_891 = arith.addf %convert_element_type3A_11, %add3A_890 : vector<1x128xf32>
    %broadcast_in_dim3A_892 = vector.shape_cast %add3A_891 : vector<1x128xf32> to vector<1x128xf32>
    %broadcast_in_dim3A_893 = vector.broadcast %broadcast_in_dim3A_892 : vector<1x128xf32> to vector<128x128xf32>
    %select_n3A_894 = arith.select %lt3A_887, %broadcast_in_dim3A_893, %select_n3A_876 : vector<128x128xi1>, vector<128x128xf32>
    %get3A_895 = arith.constant 0 : index
    %get3A_896 = arith.constant 6272 : index
    %get3A_897 = vector.load %arg4[%get3A_895, %get3A_896] : memref<1x8192xf32, #tpu.memory_space<vmem>>, vector<1x128xf32>
    %get3A_898 = arith.constant 0 : index
    %get3A_899 = arith.constant 6272 : index
    %get3A_900 = vector.load %arg5[%get3A_898, %get3A_899] : memref<512x8192xf32, #tpu.memory_space<vmem>>, vector<128x128xf32>
    %add3A_901 = vector.broadcast %slice3A : vector<128x1xf32> to vector<128x128xf32>
    %add3A_902 = vector.broadcast %get3A_897 : vector<1x128xf32> to vector<128x128xf32>
    %add3A_903 = arith.addf %add3A_901, %add3A_902 : vector<128x128xf32>
    %sub3A_904 = arith.subf %add3A_903, %get3A_900 : vector<128x128xf32>
    %lt3A_905 = arith.cmpf olt, %sub3A_904, %select_n3A_888 : vector<128x128xf32>
    %select_n3A_906 = arith.select %lt3A_905, %sub3A_904, %select_n3A_888 : vector<128x128xi1>, vector<128x128xf32>
    %add3A_907 = arith.constant 6.272000e+03 : f32
    %add3A_908 = vector.broadcast %add3A_907 : f32 to vector<1x128xf32>
    %add3A_909 = arith.addf %convert_element_type3A_11, %add3A_908 : vector<1x128xf32>
    %broadcast_in_dim3A_910 = vector.shape_cast %add3A_909 : vector<1x128xf32> to vector<1x128xf32>
    %broadcast_in_dim3A_911 = vector.broadcast %broadcast_in_dim3A_910 : vector<1x128xf32> to vector<128x128xf32>
    %select_n3A_912 = arith.select %lt3A_905, %broadcast_in_dim3A_911, %select_n3A_894 : vector<128x128xi1>, vector<128x128xf32>
    %get3A_913 = arith.constant 0 : index
    %get3A_914 = arith.constant 6400 : index
    %get3A_915 = vector.load %arg4[%get3A_913, %get3A_914] : memref<1x8192xf32, #tpu.memory_space<vmem>>, vector<1x128xf32>
    %get3A_916 = arith.constant 0 : index
    %get3A_917 = arith.constant 6400 : index
    %get3A_918 = vector.load %arg5[%get3A_916, %get3A_917] : memref<512x8192xf32, #tpu.memory_space<vmem>>, vector<128x128xf32>
    %add3A_919 = vector.broadcast %slice3A : vector<128x1xf32> to vector<128x128xf32>
    %add3A_920 = vector.broadcast %get3A_915 : vector<1x128xf32> to vector<128x128xf32>
    %add3A_921 = arith.addf %add3A_919, %add3A_920 : vector<128x128xf32>
    %sub3A_922 = arith.subf %add3A_921, %get3A_918 : vector<128x128xf32>
    %lt3A_923 = arith.cmpf olt, %sub3A_922, %select_n3A_906 : vector<128x128xf32>
    %select_n3A_924 = arith.select %lt3A_923, %sub3A_922, %select_n3A_906 : vector<128x128xi1>, vector<128x128xf32>
    %add3A_925 = arith.constant 6.400000e+03 : f32
    %add3A_926 = vector.broadcast %add3A_925 : f32 to vector<1x128xf32>
    %add3A_927 = arith.addf %convert_element_type3A_11, %add3A_926 : vector<1x128xf32>
    %broadcast_in_dim3A_928 = vector.shape_cast %add3A_927 : vector<1x128xf32> to vector<1x128xf32>
    %broadcast_in_dim3A_929 = vector.broadcast %broadcast_in_dim3A_928 : vector<1x128xf32> to vector<128x128xf32>
    %select_n3A_930 = arith.select %lt3A_923, %broadcast_in_dim3A_929, %select_n3A_912 : vector<128x128xi1>, vector<128x128xf32>
    %get3A_931 = arith.constant 0 : index
    %get3A_932 = arith.constant 6528 : index
    %get3A_933 = vector.load %arg4[%get3A_931, %get3A_932] : memref<1x8192xf32, #tpu.memory_space<vmem>>, vector<1x128xf32>
    %get3A_934 = arith.constant 0 : index
    %get3A_935 = arith.constant 6528 : index
    %get3A_936 = vector.load %arg5[%get3A_934, %get3A_935] : memref<512x8192xf32, #tpu.memory_space<vmem>>, vector<128x128xf32>
    %add3A_937 = vector.broadcast %slice3A : vector<128x1xf32> to vector<128x128xf32>
    %add3A_938 = vector.broadcast %get3A_933 : vector<1x128xf32> to vector<128x128xf32>
    %add3A_939 = arith.addf %add3A_937, %add3A_938 : vector<128x128xf32>
    %sub3A_940 = arith.subf %add3A_939, %get3A_936 : vector<128x128xf32>
    %lt3A_941 = arith.cmpf olt, %sub3A_940, %select_n3A_924 : vector<128x128xf32>
    %select_n3A_942 = arith.select %lt3A_941, %sub3A_940, %select_n3A_924 : vector<128x128xi1>, vector<128x128xf32>
    %add3A_943 = arith.constant 6.528000e+03 : f32
    %add3A_944 = vector.broadcast %add3A_943 : f32 to vector<1x128xf32>
    %add3A_945 = arith.addf %convert_element_type3A_11, %add3A_944 : vector<1x128xf32>
    %broadcast_in_dim3A_946 = vector.shape_cast %add3A_945 : vector<1x128xf32> to vector<1x128xf32>
    %broadcast_in_dim3A_947 = vector.broadcast %broadcast_in_dim3A_946 : vector<1x128xf32> to vector<128x128xf32>
    %select_n3A_948 = arith.select %lt3A_941, %broadcast_in_dim3A_947, %select_n3A_930 : vector<128x128xi1>, vector<128x128xf32>
    %get3A_949 = arith.constant 0 : index
    %get3A_950 = arith.constant 6656 : index
    %get3A_951 = vector.load %arg4[%get3A_949, %get3A_950] : memref<1x8192xf32, #tpu.memory_space<vmem>>, vector<1x128xf32>
    %get3A_952 = arith.constant 0 : index
    %get3A_953 = arith.constant 6656 : index
    %get3A_954 = vector.load %arg5[%get3A_952, %get3A_953] : memref<512x8192xf32, #tpu.memory_space<vmem>>, vector<128x128xf32>
    %add3A_955 = vector.broadcast %slice3A : vector<128x1xf32> to vector<128x128xf32>
    %add3A_956 = vector.broadcast %get3A_951 : vector<1x128xf32> to vector<128x128xf32>
    %add3A_957 = arith.addf %add3A_955, %add3A_956 : vector<128x128xf32>
    %sub3A_958 = arith.subf %add3A_957, %get3A_954 : vector<128x128xf32>
    %lt3A_959 = arith.cmpf olt, %sub3A_958, %select_n3A_942 : vector<128x128xf32>
    %select_n3A_960 = arith.select %lt3A_959, %sub3A_958, %select_n3A_942 : vector<128x128xi1>, vector<128x128xf32>
    %add3A_961 = arith.constant 6.656000e+03 : f32
    %add3A_962 = vector.broadcast %add3A_961 : f32 to vector<1x128xf32>
    %add3A_963 = arith.addf %convert_element_type3A_11, %add3A_962 : vector<1x128xf32>
    %broadcast_in_dim3A_964 = vector.shape_cast %add3A_963 : vector<1x128xf32> to vector<1x128xf32>
    %broadcast_in_dim3A_965 = vector.broadcast %broadcast_in_dim3A_964 : vector<1x128xf32> to vector<128x128xf32>
    %select_n3A_966 = arith.select %lt3A_959, %broadcast_in_dim3A_965, %select_n3A_948 : vector<128x128xi1>, vector<128x128xf32>
    %get3A_967 = arith.constant 0 : index
    %get3A_968 = arith.constant 6784 : index
    %get3A_969 = vector.load %arg4[%get3A_967, %get3A_968] : memref<1x8192xf32, #tpu.memory_space<vmem>>, vector<1x128xf32>
    %get3A_970 = arith.constant 0 : index
    %get3A_971 = arith.constant 6784 : index
    %get3A_972 = vector.load %arg5[%get3A_970, %get3A_971] : memref<512x8192xf32, #tpu.memory_space<vmem>>, vector<128x128xf32>
    %add3A_973 = vector.broadcast %slice3A : vector<128x1xf32> to vector<128x128xf32>
    %add3A_974 = vector.broadcast %get3A_969 : vector<1x128xf32> to vector<128x128xf32>
    %add3A_975 = arith.addf %add3A_973, %add3A_974 : vector<128x128xf32>
    %sub3A_976 = arith.subf %add3A_975, %get3A_972 : vector<128x128xf32>
    %lt3A_977 = arith.cmpf olt, %sub3A_976, %select_n3A_960 : vector<128x128xf32>
    %select_n3A_978 = arith.select %lt3A_977, %sub3A_976, %select_n3A_960 : vector<128x128xi1>, vector<128x128xf32>
    %add3A_979 = arith.constant 6.784000e+03 : f32
    %add3A_980 = vector.broadcast %add3A_979 : f32 to vector<1x128xf32>
    %add3A_981 = arith.addf %convert_element_type3A_11, %add3A_980 : vector<1x128xf32>
    %broadcast_in_dim3A_982 = vector.shape_cast %add3A_981 : vector<1x128xf32> to vector<1x128xf32>
    %broadcast_in_dim3A_983 = vector.broadcast %broadcast_in_dim3A_982 : vector<1x128xf32> to vector<128x128xf32>
    %select_n3A_984 = arith.select %lt3A_977, %broadcast_in_dim3A_983, %select_n3A_966 : vector<128x128xi1>, vector<128x128xf32>
    %get3A_985 = arith.constant 0 : index
    %get3A_986 = arith.constant 6912 : index
    %get3A_987 = vector.load %arg4[%get3A_985, %get3A_986] : memref<1x8192xf32, #tpu.memory_space<vmem>>, vector<1x128xf32>
    %get3A_988 = arith.constant 0 : index
    %get3A_989 = arith.constant 6912 : index
    %get3A_990 = vector.load %arg5[%get3A_988, %get3A_989] : memref<512x8192xf32, #tpu.memory_space<vmem>>, vector<128x128xf32>
    %add3A_991 = vector.broadcast %slice3A : vector<128x1xf32> to vector<128x128xf32>
    %add3A_992 = vector.broadcast %get3A_987 : vector<1x128xf32> to vector<128x128xf32>
    %add3A_993 = arith.addf %add3A_991, %add3A_992 : vector<128x128xf32>
    %sub3A_994 = arith.subf %add3A_993, %get3A_990 : vector<128x128xf32>
    %lt3A_995 = arith.cmpf olt, %sub3A_994, %select_n3A_978 : vector<128x128xf32>
    %select_n3A_996 = arith.select %lt3A_995, %sub3A_994, %select_n3A_978 : vector<128x128xi1>, vector<128x128xf32>
    %add3A_997 = arith.constant 6.912000e+03 : f32
    %add3A_998 = vector.broadcast %add3A_997 : f32 to vector<1x128xf32>
    %add3A_999 = arith.addf %convert_element_type3A_11, %add3A_998 : vector<1x128xf32>
    %broadcast_in_dim3A_1000 = vector.shape_cast %add3A_999 : vector<1x128xf32> to vector<1x128xf32>
    %broadcast_in_dim3A_1001 = vector.broadcast %broadcast_in_dim3A_1000 : vector<1x128xf32> to vector<128x128xf32>
    %select_n3A_1002 = arith.select %lt3A_995, %broadcast_in_dim3A_1001, %select_n3A_984 : vector<128x128xi1>, vector<128x128xf32>
    %get3A_1003 = arith.constant 0 : index
    %get3A_1004 = arith.constant 7040 : index
    %get3A_1005 = vector.load %arg4[%get3A_1003, %get3A_1004] : memref<1x8192xf32, #tpu.memory_space<vmem>>, vector<1x128xf32>
    %get3A_1006 = arith.constant 0 : index
    %get3A_1007 = arith.constant 7040 : index
    %get3A_1008 = vector.load %arg5[%get3A_1006, %get3A_1007] : memref<512x8192xf32, #tpu.memory_space<vmem>>, vector<128x128xf32>
    %add3A_1009 = vector.broadcast %slice3A : vector<128x1xf32> to vector<128x128xf32>
    %add3A_1010 = vector.broadcast %get3A_1005 : vector<1x128xf32> to vector<128x128xf32>
    %add3A_1011 = arith.addf %add3A_1009, %add3A_1010 : vector<128x128xf32>
    %sub3A_1012 = arith.subf %add3A_1011, %get3A_1008 : vector<128x128xf32>
    %lt3A_1013 = arith.cmpf olt, %sub3A_1012, %select_n3A_996 : vector<128x128xf32>
    %select_n3A_1014 = arith.select %lt3A_1013, %sub3A_1012, %select_n3A_996 : vector<128x128xi1>, vector<128x128xf32>
    %add3A_1015 = arith.constant 7.040000e+03 : f32
    %add3A_1016 = vector.broadcast %add3A_1015 : f32 to vector<1x128xf32>
    %add3A_1017 = arith.addf %convert_element_type3A_11, %add3A_1016 : vector<1x128xf32>
    %broadcast_in_dim3A_1018 = vector.shape_cast %add3A_1017 : vector<1x128xf32> to vector<1x128xf32>
    %broadcast_in_dim3A_1019 = vector.broadcast %broadcast_in_dim3A_1018 : vector<1x128xf32> to vector<128x128xf32>
    %select_n3A_1020 = arith.select %lt3A_1013, %broadcast_in_dim3A_1019, %select_n3A_1002 : vector<128x128xi1>, vector<128x128xf32>
    %get3A_1021 = arith.constant 0 : index
    %get3A_1022 = arith.constant 7168 : index
    %get3A_1023 = vector.load %arg4[%get3A_1021, %get3A_1022] : memref<1x8192xf32, #tpu.memory_space<vmem>>, vector<1x128xf32>
    %get3A_1024 = arith.constant 0 : index
    %get3A_1025 = arith.constant 7168 : index
    %get3A_1026 = vector.load %arg5[%get3A_1024, %get3A_1025] : memref<512x8192xf32, #tpu.memory_space<vmem>>, vector<128x128xf32>
    %add3A_1027 = vector.broadcast %slice3A : vector<128x1xf32> to vector<128x128xf32>
    %add3A_1028 = vector.broadcast %get3A_1023 : vector<1x128xf32> to vector<128x128xf32>
    %add3A_1029 = arith.addf %add3A_1027, %add3A_1028 : vector<128x128xf32>
    %sub3A_1030 = arith.subf %add3A_1029, %get3A_1026 : vector<128x128xf32>
    %lt3A_1031 = arith.cmpf olt, %sub3A_1030, %select_n3A_1014 : vector<128x128xf32>
    %select_n3A_1032 = arith.select %lt3A_1031, %sub3A_1030, %select_n3A_1014 : vector<128x128xi1>, vector<128x128xf32>
    %add3A_1033 = arith.constant 7.168000e+03 : f32
    %add3A_1034 = vector.broadcast %add3A_1033 : f32 to vector<1x128xf32>
    %add3A_1035 = arith.addf %convert_element_type3A_11, %add3A_1034 : vector<1x128xf32>
    %broadcast_in_dim3A_1036 = vector.shape_cast %add3A_1035 : vector<1x128xf32> to vector<1x128xf32>
    %broadcast_in_dim3A_1037 = vector.broadcast %broadcast_in_dim3A_1036 : vector<1x128xf32> to vector<128x128xf32>
    %select_n3A_1038 = arith.select %lt3A_1031, %broadcast_in_dim3A_1037, %select_n3A_1020 : vector<128x128xi1>, vector<128x128xf32>
    %get3A_1039 = arith.constant 0 : index
    %get3A_1040 = arith.constant 7296 : index
    %get3A_1041 = vector.load %arg4[%get3A_1039, %get3A_1040] : memref<1x8192xf32, #tpu.memory_space<vmem>>, vector<1x128xf32>
    %get3A_1042 = arith.constant 0 : index
    %get3A_1043 = arith.constant 7296 : index
    %get3A_1044 = vector.load %arg5[%get3A_1042, %get3A_1043] : memref<512x8192xf32, #tpu.memory_space<vmem>>, vector<128x128xf32>
    %add3A_1045 = vector.broadcast %slice3A : vector<128x1xf32> to vector<128x128xf32>
    %add3A_1046 = vector.broadcast %get3A_1041 : vector<1x128xf32> to vector<128x128xf32>
    %add3A_1047 = arith.addf %add3A_1045, %add3A_1046 : vector<128x128xf32>
    %sub3A_1048 = arith.subf %add3A_1047, %get3A_1044 : vector<128x128xf32>
    %lt3A_1049 = arith.cmpf olt, %sub3A_1048, %select_n3A_1032 : vector<128x128xf32>
    %select_n3A_1050 = arith.select %lt3A_1049, %sub3A_1048, %select_n3A_1032 : vector<128x128xi1>, vector<128x128xf32>
    %add3A_1051 = arith.constant 7.296000e+03 : f32
    %add3A_1052 = vector.broadcast %add3A_1051 : f32 to vector<1x128xf32>
    %add3A_1053 = arith.addf %convert_element_type3A_11, %add3A_1052 : vector<1x128xf32>
    %broadcast_in_dim3A_1054 = vector.shape_cast %add3A_1053 : vector<1x128xf32> to vector<1x128xf32>
    %broadcast_in_dim3A_1055 = vector.broadcast %broadcast_in_dim3A_1054 : vector<1x128xf32> to vector<128x128xf32>
    %select_n3A_1056 = arith.select %lt3A_1049, %broadcast_in_dim3A_1055, %select_n3A_1038 : vector<128x128xi1>, vector<128x128xf32>
    %get3A_1057 = arith.constant 0 : index
    %get3A_1058 = arith.constant 7424 : index
    %get3A_1059 = vector.load %arg4[%get3A_1057, %get3A_1058] : memref<1x8192xf32, #tpu.memory_space<vmem>>, vector<1x128xf32>
    %get3A_1060 = arith.constant 0 : index
    %get3A_1061 = arith.constant 7424 : index
    %get3A_1062 = vector.load %arg5[%get3A_1060, %get3A_1061] : memref<512x8192xf32, #tpu.memory_space<vmem>>, vector<128x128xf32>
    %add3A_1063 = vector.broadcast %slice3A : vector<128x1xf32> to vector<128x128xf32>
    %add3A_1064 = vector.broadcast %get3A_1059 : vector<1x128xf32> to vector<128x128xf32>
    %add3A_1065 = arith.addf %add3A_1063, %add3A_1064 : vector<128x128xf32>
    %sub3A_1066 = arith.subf %add3A_1065, %get3A_1062 : vector<128x128xf32>
    %lt3A_1067 = arith.cmpf olt, %sub3A_1066, %select_n3A_1050 : vector<128x128xf32>
    %select_n3A_1068 = arith.select %lt3A_1067, %sub3A_1066, %select_n3A_1050 : vector<128x128xi1>, vector<128x128xf32>
    %add3A_1069 = arith.constant 7.424000e+03 : f32
    %add3A_1070 = vector.broadcast %add3A_1069 : f32 to vector<1x128xf32>
    %add3A_1071 = arith.addf %convert_element_type3A_11, %add3A_1070 : vector<1x128xf32>
    %broadcast_in_dim3A_1072 = vector.shape_cast %add3A_1071 : vector<1x128xf32> to vector<1x128xf32>
    %broadcast_in_dim3A_1073 = vector.broadcast %broadcast_in_dim3A_1072 : vector<1x128xf32> to vector<128x128xf32>
    %select_n3A_1074 = arith.select %lt3A_1067, %broadcast_in_dim3A_1073, %select_n3A_1056 : vector<128x128xi1>, vector<128x128xf32>
    %get3A_1075 = arith.constant 0 : index
    %get3A_1076 = arith.constant 7552 : index
    %get3A_1077 = vector.load %arg4[%get3A_1075, %get3A_1076] : memref<1x8192xf32, #tpu.memory_space<vmem>>, vector<1x128xf32>
    %get3A_1078 = arith.constant 0 : index
    %get3A_1079 = arith.constant 7552 : index
    %get3A_1080 = vector.load %arg5[%get3A_1078, %get3A_1079] : memref<512x8192xf32, #tpu.memory_space<vmem>>, vector<128x128xf32>
    %add3A_1081 = vector.broadcast %slice3A : vector<128x1xf32> to vector<128x128xf32>
    %add3A_1082 = vector.broadcast %get3A_1077 : vector<1x128xf32> to vector<128x128xf32>
    %add3A_1083 = arith.addf %add3A_1081, %add3A_1082 : vector<128x128xf32>
    %sub3A_1084 = arith.subf %add3A_1083, %get3A_1080 : vector<128x128xf32>
    %lt3A_1085 = arith.cmpf olt, %sub3A_1084, %select_n3A_1068 : vector<128x128xf32>
    %select_n3A_1086 = arith.select %lt3A_1085, %sub3A_1084, %select_n3A_1068 : vector<128x128xi1>, vector<128x128xf32>
    %add3A_1087 = arith.constant 7.552000e+03 : f32
    %add3A_1088 = vector.broadcast %add3A_1087 : f32 to vector<1x128xf32>
    %add3A_1089 = arith.addf %convert_element_type3A_11, %add3A_1088 : vector<1x128xf32>
    %broadcast_in_dim3A_1090 = vector.shape_cast %add3A_1089 : vector<1x128xf32> to vector<1x128xf32>
    %broadcast_in_dim3A_1091 = vector.broadcast %broadcast_in_dim3A_1090 : vector<1x128xf32> to vector<128x128xf32>
    %select_n3A_1092 = arith.select %lt3A_1085, %broadcast_in_dim3A_1091, %select_n3A_1074 : vector<128x128xi1>, vector<128x128xf32>
    %get3A_1093 = arith.constant 0 : index
    %get3A_1094 = arith.constant 7680 : index
    %get3A_1095 = vector.load %arg4[%get3A_1093, %get3A_1094] : memref<1x8192xf32, #tpu.memory_space<vmem>>, vector<1x128xf32>
    %get3A_1096 = arith.constant 0 : index
    %get3A_1097 = arith.constant 7680 : index
    %get3A_1098 = vector.load %arg5[%get3A_1096, %get3A_1097] : memref<512x8192xf32, #tpu.memory_space<vmem>>, vector<128x128xf32>
    %add3A_1099 = vector.broadcast %slice3A : vector<128x1xf32> to vector<128x128xf32>
    %add3A_1100 = vector.broadcast %get3A_1095 : vector<1x128xf32> to vector<128x128xf32>
    %add3A_1101 = arith.addf %add3A_1099, %add3A_1100 : vector<128x128xf32>
    %sub3A_1102 = arith.subf %add3A_1101, %get3A_1098 : vector<128x128xf32>
    %lt3A_1103 = arith.cmpf olt, %sub3A_1102, %select_n3A_1086 : vector<128x128xf32>
    %select_n3A_1104 = arith.select %lt3A_1103, %sub3A_1102, %select_n3A_1086 : vector<128x128xi1>, vector<128x128xf32>
    %add3A_1105 = arith.constant 7.680000e+03 : f32
    %add3A_1106 = vector.broadcast %add3A_1105 : f32 to vector<1x128xf32>
    %add3A_1107 = arith.addf %convert_element_type3A_11, %add3A_1106 : vector<1x128xf32>
    %broadcast_in_dim3A_1108 = vector.shape_cast %add3A_1107 : vector<1x128xf32> to vector<1x128xf32>
    %broadcast_in_dim3A_1109 = vector.broadcast %broadcast_in_dim3A_1108 : vector<1x128xf32> to vector<128x128xf32>
    %select_n3A_1110 = arith.select %lt3A_1103, %broadcast_in_dim3A_1109, %select_n3A_1092 : vector<128x128xi1>, vector<128x128xf32>
    %get3A_1111 = arith.constant 0 : index
    %get3A_1112 = arith.constant 7808 : index
    %get3A_1113 = vector.load %arg4[%get3A_1111, %get3A_1112] : memref<1x8192xf32, #tpu.memory_space<vmem>>, vector<1x128xf32>
    %get3A_1114 = arith.constant 0 : index
    %get3A_1115 = arith.constant 7808 : index
    %get3A_1116 = vector.load %arg5[%get3A_1114, %get3A_1115] : memref<512x8192xf32, #tpu.memory_space<vmem>>, vector<128x128xf32>
    %add3A_1117 = vector.broadcast %slice3A : vector<128x1xf32> to vector<128x128xf32>
    %add3A_1118 = vector.broadcast %get3A_1113 : vector<1x128xf32> to vector<128x128xf32>
    %add3A_1119 = arith.addf %add3A_1117, %add3A_1118 : vector<128x128xf32>
    %sub3A_1120 = arith.subf %add3A_1119, %get3A_1116 : vector<128x128xf32>
    %lt3A_1121 = arith.cmpf olt, %sub3A_1120, %select_n3A_1104 : vector<128x128xf32>
    %select_n3A_1122 = arith.select %lt3A_1121, %sub3A_1120, %select_n3A_1104 : vector<128x128xi1>, vector<128x128xf32>
    %add3A_1123 = arith.constant 7.808000e+03 : f32
    %add3A_1124 = vector.broadcast %add3A_1123 : f32 to vector<1x128xf32>
    %add3A_1125 = arith.addf %convert_element_type3A_11, %add3A_1124 : vector<1x128xf32>
    %broadcast_in_dim3A_1126 = vector.shape_cast %add3A_1125 : vector<1x128xf32> to vector<1x128xf32>
    %broadcast_in_dim3A_1127 = vector.broadcast %broadcast_in_dim3A_1126 : vector<1x128xf32> to vector<128x128xf32>
    %select_n3A_1128 = arith.select %lt3A_1121, %broadcast_in_dim3A_1127, %select_n3A_1110 : vector<128x128xi1>, vector<128x128xf32>
    %get3A_1129 = arith.constant 0 : index
    %get3A_1130 = arith.constant 7936 : index
    %get3A_1131 = vector.load %arg4[%get3A_1129, %get3A_1130] : memref<1x8192xf32, #tpu.memory_space<vmem>>, vector<1x128xf32>
    %get3A_1132 = arith.constant 0 : index
    %get3A_1133 = arith.constant 7936 : index
    %get3A_1134 = vector.load %arg5[%get3A_1132, %get3A_1133] : memref<512x8192xf32, #tpu.memory_space<vmem>>, vector<128x128xf32>
    %add3A_1135 = vector.broadcast %slice3A : vector<128x1xf32> to vector<128x128xf32>
    %add3A_1136 = vector.broadcast %get3A_1131 : vector<1x128xf32> to vector<128x128xf32>
    %add3A_1137 = arith.addf %add3A_1135, %add3A_1136 : vector<128x128xf32>
    %sub3A_1138 = arith.subf %add3A_1137, %get3A_1134 : vector<128x128xf32>
    %lt3A_1139 = arith.cmpf olt, %sub3A_1138, %select_n3A_1122 : vector<128x128xf32>
    %select_n3A_1140 = arith.select %lt3A_1139, %sub3A_1138, %select_n3A_1122 : vector<128x128xi1>, vector<128x128xf32>
    %add3A_1141 = arith.constant 7.936000e+03 : f32
    %add3A_1142 = vector.broadcast %add3A_1141 : f32 to vector<1x128xf32>
    %add3A_1143 = arith.addf %convert_element_type3A_11, %add3A_1142 : vector<1x128xf32>
    %broadcast_in_dim3A_1144 = vector.shape_cast %add3A_1143 : vector<1x128xf32> to vector<1x128xf32>
    %broadcast_in_dim3A_1145 = vector.broadcast %broadcast_in_dim3A_1144 : vector<1x128xf32> to vector<128x128xf32>
    %select_n3A_1146 = arith.select %lt3A_1139, %broadcast_in_dim3A_1145, %select_n3A_1128 : vector<128x128xi1>, vector<128x128xf32>
    %get3A_1147 = arith.constant 0 : index
    %get3A_1148 = arith.constant 8064 : index
    %get3A_1149 = vector.load %arg4[%get3A_1147, %get3A_1148] : memref<1x8192xf32, #tpu.memory_space<vmem>>, vector<1x128xf32>
    %get3A_1150 = arith.constant 0 : index
    %get3A_1151 = arith.constant 8064 : index
    %get3A_1152 = vector.load %arg5[%get3A_1150, %get3A_1151] : memref<512x8192xf32, #tpu.memory_space<vmem>>, vector<128x128xf32>
    %add3A_1153 = vector.broadcast %slice3A : vector<128x1xf32> to vector<128x128xf32>
    %add3A_1154 = vector.broadcast %get3A_1149 : vector<1x128xf32> to vector<128x128xf32>
    %add3A_1155 = arith.addf %add3A_1153, %add3A_1154 : vector<128x128xf32>
    %sub3A_1156 = arith.subf %add3A_1155, %get3A_1152 : vector<128x128xf32>
    %lt3A_1157 = arith.cmpf olt, %sub3A_1156, %select_n3A_1140 : vector<128x128xf32>
    %select_n3A_1158 = arith.select %lt3A_1157, %sub3A_1156, %select_n3A_1140 : vector<128x128xi1>, vector<128x128xf32>
    %add3A_1159 = arith.constant 8.064000e+03 : f32
    %add3A_1160 = vector.broadcast %add3A_1159 : f32 to vector<1x128xf32>
    %add3A_1161 = arith.addf %convert_element_type3A_11, %add3A_1160 : vector<1x128xf32>
    %broadcast_in_dim3A_1162 = vector.shape_cast %add3A_1161 : vector<1x128xf32> to vector<1x128xf32>
    %broadcast_in_dim3A_1163 = vector.broadcast %broadcast_in_dim3A_1162 : vector<1x128xf32> to vector<128x128xf32>
    %select_n3A_1164 = arith.select %lt3A_1157, %broadcast_in_dim3A_1163, %select_n3A_1146 : vector<128x128xi1>, vector<128x128xf32>
    %reduce_min3A = arith.constant dense<0x7F800000> : vector<128xf32>
    %reduce_min3A_1165 = vector.multi_reduction <minimumf>, %select_n3A_1158, %reduce_min3A [1] : vector<128x128xf32> to vector<128xf32>
    %broadcast_in_dim3A_1166 = vector.shape_cast %reduce_min3A_1165 : vector<128xf32> to vector<128x1xf32>
    %eq3A_1167 = vector.broadcast %broadcast_in_dim3A_1166 : vector<128x1xf32> to vector<128x128xf32>
    %eq3A_1168 = arith.cmpf oeq, %select_n3A_1158, %eq3A_1167 : vector<128x128xf32>
    %jit3A = arith.constant 8.192000e+03 : f32
    %broadcast_in_dim3A_1169 = vector.broadcast %jit3A : f32 to vector<128x128xf32>
    %select_n3A_1170 = arith.select %eq3A_1168, %select_n3A_1164, %broadcast_in_dim3A_1169 : vector<128x128xi1>, vector<128x128xf32>
    %reduce_min3A_1171 = arith.constant dense<0x7F800000> : vector<128xf32>
    %reduce_min3A_1172 = vector.multi_reduction <minimumf>, %select_n3A_1170, %reduce_min3A_1171 [1] : vector<128x128xf32> to vector<128xf32>
    %convert_element_type3A_1173 = arith.fptosi %reduce_min3A_1172 : vector<128xf32> to vector<128xi32>
    %swap3A_1174 = arith.constant 0 : index
    %swap3A_1175 = arith.constant 0 : index
    %swap3A_1176 = arith.constant 0 : index
    %swap3A_1177 = vector.load %arg3[%swap3A_1174, %swap3A_1175, %swap3A_1176] : memref<1x1x512xi32, #tpu.memory_space<vmem>>, vector<1x1x128xi32>
    %swap3A_1178 = vector.shape_cast %swap3A_1177 : vector<1x1x128xi32> to vector<128xi32>
    %swap3A_1179 = vector.shape_cast %convert_element_type3A_1173 : vector<128xi32> to vector<1x1x128xi32>
    tpu.vector_store %arg3[%swap3A_1174, %swap3A_1175, %swap3A_1176], %swap3A_1179 {strides = array<i32>} : memref<1x1x512xi32, #tpu.memory_space<vmem>>, vector<1x1x128xi32>,
    %slice3A_1180 = vector.extract_strided_slice %broadcast_in_dim3A {offsets = [128, 0], sizes = [128, 1], strides = [1, 1]} : vector<512x1xf32> to vector<128x1xf32>
    %broadcast_in_dim3A_1181 = arith.constant 0x7F800000 : f32
    %broadcast_in_dim3A_1182 = vector.broadcast %broadcast_in_dim3A_1181 : f32 to vector<128x128xf32>
    %broadcast_in_dim3A_1183 = arith.constant 0.000000e+00 : f32
    %broadcast_in_dim3A_1184 = vector.broadcast %broadcast_in_dim3A_1183 : f32 to vector<128x128xf32>
    %get3A_1185 = arith.constant 0 : index
    %get3A_1186 = arith.constant 0 : index
    %get3A_1187 = vector.load %arg4[%get3A_1185, %get3A_1186] : memref<1x8192xf32, #tpu.memory_space<vmem>>, vector<1x128xf32>
    %get3A_1188 = arith.constant 128 : index
    %get3A_1189 = arith.constant 0 : index
    %get3A_1190 = vector.load %arg5[%get3A_1188, %get3A_1189] : memref<512x8192xf32, #tpu.memory_space<vmem>>, vector<128x128xf32>
    %add3A_1191 = vector.broadcast %slice3A_1180 : vector<128x1xf32> to vector<128x128xf32>
    %add3A_1192 = vector.broadcast %get3A_1187 : vector<1x128xf32> to vector<128x128xf32>
    %add3A_1193 = arith.addf %add3A_1191, %add3A_1192 : vector<128x128xf32>
    %sub3A_1194 = arith.subf %add3A_1193, %get3A_1190 : vector<128x128xf32>
    %lt3A_1195 = arith.cmpf olt, %sub3A_1194, %broadcast_in_dim3A_1182 : vector<128x128xf32>
    %select_n3A_1196 = arith.select %lt3A_1195, %sub3A_1194, %broadcast_in_dim3A_1182 : vector<128x128xi1>, vector<128x128xf32>
    %add3A_1197 = arith.constant 0.000000e+00 : f32
    %add3A_1198 = vector.broadcast %add3A_1197 : f32 to vector<1x128xf32>
    %add3A_1199 = arith.addf %convert_element_type3A_11, %add3A_1198 : vector<1x128xf32>
    %broadcast_in_dim3A_1200 = vector.shape_cast %add3A_1199 : vector<1x128xf32> to vector<1x128xf32>
    %broadcast_in_dim3A_1201 = vector.broadcast %broadcast_in_dim3A_1200 : vector<1x128xf32> to vector<128x128xf32>
    %select_n3A_1202 = arith.select %lt3A_1195, %broadcast_in_dim3A_1201, %broadcast_in_dim3A_1184 : vector<128x128xi1>, vector<128x128xf32>
    %get3A_1203 = arith.constant 0 : index
    %get3A_1204 = arith.constant 128 : index
    %get3A_1205 = vector.load %arg4[%get3A_1203, %get3A_1204] : memref<1x8192xf32, #tpu.memory_space<vmem>>, vector<1x128xf32>
    %get3A_1206 = arith.constant 128 : index
    %get3A_1207 = arith.constant 128 : index
    %get3A_1208 = vector.load %arg5[%get3A_1206, %get3A_1207] : memref<512x8192xf32, #tpu.memory_space<vmem>>, vector<128x128xf32>
    %add3A_1209 = vector.broadcast %slice3A_1180 : vector<128x1xf32> to vector<128x128xf32>
    %add3A_1210 = vector.broadcast %get3A_1205 : vector<1x128xf32> to vector<128x128xf32>
    %add3A_1211 = arith.addf %add3A_1209, %add3A_1210 : vector<128x128xf32>
    %sub3A_1212 = arith.subf %add3A_1211, %get3A_1208 : vector<128x128xf32>
    %lt3A_1213 = arith.cmpf olt, %sub3A_1212, %select_n3A_1196 : vector<128x128xf32>
    %select_n3A_1214 = arith.select %lt3A_1213, %sub3A_1212, %select_n3A_1196 : vector<128x128xi1>, vector<128x128xf32>
    %add3A_1215 = arith.constant 1.280000e+02 : f32
    %add3A_1216 = vector.broadcast %add3A_1215 : f32 to vector<1x128xf32>
    %add3A_1217 = arith.addf %convert_element_type3A_11, %add3A_1216 : vector<1x128xf32>
    %broadcast_in_dim3A_1218 = vector.shape_cast %add3A_1217 : vector<1x128xf32> to vector<1x128xf32>
    %broadcast_in_dim3A_1219 = vector.broadcast %broadcast_in_dim3A_1218 : vector<1x128xf32> to vector<128x128xf32>
    %select_n3A_1220 = arith.select %lt3A_1213, %broadcast_in_dim3A_1219, %select_n3A_1202 : vector<128x128xi1>, vector<128x128xf32>
    %get3A_1221 = arith.constant 0 : index
    %get3A_1222 = arith.constant 256 : index
    %get3A_1223 = vector.load %arg4[%get3A_1221, %get3A_1222] : memref<1x8192xf32, #tpu.memory_space<vmem>>, vector<1x128xf32>
    %get3A_1224 = arith.constant 128 : index
    %get3A_1225 = arith.constant 256 : index
    %get3A_1226 = vector.load %arg5[%get3A_1224, %get3A_1225] : memref<512x8192xf32, #tpu.memory_space<vmem>>, vector<128x128xf32>
    %add3A_1227 = vector.broadcast %slice3A_1180 : vector<128x1xf32> to vector<128x128xf32>
    %add3A_1228 = vector.broadcast %get3A_1223 : vector<1x128xf32> to vector<128x128xf32>
    %add3A_1229 = arith.addf %add3A_1227, %add3A_1228 : vector<128x128xf32>
    %sub3A_1230 = arith.subf %add3A_1229, %get3A_1226 : vector<128x128xf32>
    %lt3A_1231 = arith.cmpf olt, %sub3A_1230, %select_n3A_1214 : vector<128x128xf32>
    %select_n3A_1232 = arith.select %lt3A_1231, %sub3A_1230, %select_n3A_1214 : vector<128x128xi1>, vector<128x128xf32>
    %add3A_1233 = arith.constant 2.560000e+02 : f32
    %add3A_1234 = vector.broadcast %add3A_1233 : f32 to vector<1x128xf32>
    %add3A_1235 = arith.addf %convert_element_type3A_11, %add3A_1234 : vector<1x128xf32>
    %broadcast_in_dim3A_1236 = vector.shape_cast %add3A_1235 : vector<1x128xf32> to vector<1x128xf32>
    %broadcast_in_dim3A_1237 = vector.broadcast %broadcast_in_dim3A_1236 : vector<1x128xf32> to vector<128x128xf32>
    %select_n3A_1238 = arith.select %lt3A_1231, %broadcast_in_dim3A_1237, %select_n3A_1220 : vector<128x128xi1>, vector<128x128xf32>
    %get3A_1239 = arith.constant 0 : index
    %get3A_1240 = arith.constant 384 : index
    %get3A_1241 = vector.load %arg4[%get3A_1239, %get3A_1240] : memref<1x8192xf32, #tpu.memory_space<vmem>>, vector<1x128xf32>
    %get3A_1242 = arith.constant 128 : index
    %get3A_1243 = arith.constant 384 : index
    %get3A_1244 = vector.load %arg5[%get3A_1242, %get3A_1243] : memref<512x8192xf32, #tpu.memory_space<vmem>>, vector<128x128xf32>
    %add3A_1245 = vector.broadcast %slice3A_1180 : vector<128x1xf32> to vector<128x128xf32>
    %add3A_1246 = vector.broadcast %get3A_1241 : vector<1x128xf32> to vector<128x128xf32>
    %add3A_1247 = arith.addf %add3A_1245, %add3A_1246 : vector<128x128xf32>
    %sub3A_1248 = arith.subf %add3A_1247, %get3A_1244 : vector<128x128xf32>
    %lt3A_1249 = arith.cmpf olt, %sub3A_1248, %select_n3A_1232 : vector<128x128xf32>
    %select_n3A_1250 = arith.select %lt3A_1249, %sub3A_1248, %select_n3A_1232 : vector<128x128xi1>, vector<128x128xf32>
    %add3A_1251 = arith.constant 3.840000e+02 : f32
    %add3A_1252 = vector.broadcast %add3A_1251 : f32 to vector<1x128xf32>
    %add3A_1253 = arith.addf %convert_element_type3A_11, %add3A_1252 : vector<1x128xf32>
    %broadcast_in_dim3A_1254 = vector.shape_cast %add3A_1253 : vector<1x128xf32> to vector<1x128xf32>
    %broadcast_in_dim3A_1255 = vector.broadcast %broadcast_in_dim3A_1254 : vector<1x128xf32> to vector<128x128xf32>
    %select_n3A_1256 = arith.select %lt3A_1249, %broadcast_in_dim3A_1255, %select_n3A_1238 : vector<128x128xi1>, vector<128x128xf32>
    %get3A_1257 = arith.constant 0 : index
    %get3A_1258 = arith.constant 512 : index
    %get3A_1259 = vector.load %arg4[%get3A_1257, %get3A_1258] : memref<1x8192xf32, #tpu.memory_space<vmem>>, vector<1x128xf32>
    %get3A_1260 = arith.constant 128 : index
    %get3A_1261 = arith.constant 512 : index
    %get3A_1262 = vector.load %arg5[%get3A_1260, %get3A_1261] : memref<512x8192xf32, #tpu.memory_space<vmem>>, vector<128x128xf32>
    %add3A_1263 = vector.broadcast %slice3A_1180 : vector<128x1xf32> to vector<128x128xf32>
    %add3A_1264 = vector.broadcast %get3A_1259 : vector<1x128xf32> to vector<128x128xf32>
    %add3A_1265 = arith.addf %add3A_1263, %add3A_1264 : vector<128x128xf32>
    %sub3A_1266 = arith.subf %add3A_1265, %get3A_1262 : vector<128x128xf32>
    %lt3A_1267 = arith.cmpf olt, %sub3A_1266, %select_n3A_1250 : vector<128x128xf32>
    %select_n3A_1268 = arith.select %lt3A_1267, %sub3A_1266, %select_n3A_1250 : vector<128x128xi1>, vector<128x128xf32>
    %add3A_1269 = arith.constant 5.120000e+02 : f32
    %add3A_1270 = vector.broadcast %add3A_1269 : f32 to vector<1x128xf32>
    %add3A_1271 = arith.addf %convert_element_type3A_11, %add3A_1270 : vector<1x128xf32>
    %broadcast_in_dim3A_1272 = vector.shape_cast %add3A_1271 : vector<1x128xf32> to vector<1x128xf32>
    %broadcast_in_dim3A_1273 = vector.broadcast %broadcast_in_dim3A_1272 : vector<1x128xf32> to vector<128x128xf32>
    %select_n3A_1274 = arith.select %lt3A_1267, %broadcast_in_dim3A_1273, %select_n3A_1256 : vector<128x128xi1>, vector<128x128xf32>
    %get3A_1275 = arith.constant 0 : index
    %get3A_1276 = arith.constant 640 : index
    %get3A_1277 = vector.load %arg4[%get3A_1275, %get3A_1276] : memref<1x8192xf32, #tpu.memory_space<vmem>>, vector<1x128xf32>
    %get3A_1278 = arith.constant 128 : index
    %get3A_1279 = arith.constant 640 : index
    %get3A_1280 = vector.load %arg5[%get3A_1278, %get3A_1279] : memref<512x8192xf32, #tpu.memory_space<vmem>>, vector<128x128xf32>
    %add3A_1281 = vector.broadcast %slice3A_1180 : vector<128x1xf32> to vector<128x128xf32>
    %add3A_1282 = vector.broadcast %get3A_1277 : vector<1x128xf32> to vector<128x128xf32>
    %add3A_1283 = arith.addf %add3A_1281, %add3A_1282 : vector<128x128xf32>
    %sub3A_1284 = arith.subf %add3A_1283, %get3A_1280 : vector<128x128xf32>
    %lt3A_1285 = arith.cmpf olt, %sub3A_1284, %select_n3A_1268 : vector<128x128xf32>
    %select_n3A_1286 = arith.select %lt3A_1285, %sub3A_1284, %select_n3A_1268 : vector<128x128xi1>, vector<128x128xf32>
    %add3A_1287 = arith.constant 6.400000e+02 : f32
    %add3A_1288 = vector.broadcast %add3A_1287 : f32 to vector<1x128xf32>
    %add3A_1289 = arith.addf %convert_element_type3A_11, %add3A_1288 : vector<1x128xf32>
    %broadcast_in_dim3A_1290 = vector.shape_cast %add3A_1289 : vector<1x128xf32> to vector<1x128xf32>
    %broadcast_in_dim3A_1291 = vector.broadcast %broadcast_in_dim3A_1290 : vector<1x128xf32> to vector<128x128xf32>
    %select_n3A_1292 = arith.select %lt3A_1285, %broadcast_in_dim3A_1291, %select_n3A_1274 : vector<128x128xi1>, vector<128x128xf32>
    %get3A_1293 = arith.constant 0 : index
    %get3A_1294 = arith.constant 768 : index
    %get3A_1295 = vector.load %arg4[%get3A_1293, %get3A_1294] : memref<1x8192xf32, #tpu.memory_space<vmem>>, vector<1x128xf32>
    %get3A_1296 = arith.constant 128 : index
    %get3A_1297 = arith.constant 768 : index
    %get3A_1298 = vector.load %arg5[%get3A_1296, %get3A_1297] : memref<512x8192xf32, #tpu.memory_space<vmem>>, vector<128x128xf32>
    %add3A_1299 = vector.broadcast %slice3A_1180 : vector<128x1xf32> to vector<128x128xf32>
    %add3A_1300 = vector.broadcast %get3A_1295 : vector<1x128xf32> to vector<128x128xf32>
    %add3A_1301 = arith.addf %add3A_1299, %add3A_1300 : vector<128x128xf32>
    %sub3A_1302 = arith.subf %add3A_1301, %get3A_1298 : vector<128x128xf32>
    %lt3A_1303 = arith.cmpf olt, %sub3A_1302, %select_n3A_1286 : vector<128x128xf32>
    %select_n3A_1304 = arith.select %lt3A_1303, %sub3A_1302, %select_n3A_1286 : vector<128x128xi1>, vector<128x128xf32>
    %add3A_1305 = arith.constant 7.680000e+02 : f32
    %add3A_1306 = vector.broadcast %add3A_1305 : f32 to vector<1x128xf32>
    %add3A_1307 = arith.addf %convert_element_type3A_11, %add3A_1306 : vector<1x128xf32>
    %broadcast_in_dim3A_1308 = vector.shape_cast %add3A_1307 : vector<1x128xf32> to vector<1x128xf32>
    %broadcast_in_dim3A_1309 = vector.broadcast %broadcast_in_dim3A_1308 : vector<1x128xf32> to vector<128x128xf32>
    %select_n3A_1310 = arith.select %lt3A_1303, %broadcast_in_dim3A_1309, %select_n3A_1292 : vector<128x128xi1>, vector<128x128xf32>
    %get3A_1311 = arith.constant 0 : index
    %get3A_1312 = arith.constant 896 : index
    %get3A_1313 = vector.load %arg4[%get3A_1311, %get3A_1312] : memref<1x8192xf32, #tpu.memory_space<vmem>>, vector<1x128xf32>
    %get3A_1314 = arith.constant 128 : index
    %get3A_1315 = arith.constant 896 : index
    %get3A_1316 = vector.load %arg5[%get3A_1314, %get3A_1315] : memref<512x8192xf32, #tpu.memory_space<vmem>>, vector<128x128xf32>
    %add3A_1317 = vector.broadcast %slice3A_1180 : vector<128x1xf32> to vector<128x128xf32>
    %add3A_1318 = vector.broadcast %get3A_1313 : vector<1x128xf32> to vector<128x128xf32>
    %add3A_1319 = arith.addf %add3A_1317, %add3A_1318 : vector<128x128xf32>
    %sub3A_1320 = arith.subf %add3A_1319, %get3A_1316 : vector<128x128xf32>
    %lt3A_1321 = arith.cmpf olt, %sub3A_1320, %select_n3A_1304 : vector<128x128xf32>
    %select_n3A_1322 = arith.select %lt3A_1321, %sub3A_1320, %select_n3A_1304 : vector<128x128xi1>, vector<128x128xf32>
    %add3A_1323 = arith.constant 8.960000e+02 : f32
    %add3A_1324 = vector.broadcast %add3A_1323 : f32 to vector<1x128xf32>
    %add3A_1325 = arith.addf %convert_element_type3A_11, %add3A_1324 : vector<1x128xf32>
    %broadcast_in_dim3A_1326 = vector.shape_cast %add3A_1325 : vector<1x128xf32> to vector<1x128xf32>
    %broadcast_in_dim3A_1327 = vector.broadcast %broadcast_in_dim3A_1326 : vector<1x128xf32> to vector<128x128xf32>
    %select_n3A_1328 = arith.select %lt3A_1321, %broadcast_in_dim3A_1327, %select_n3A_1310 : vector<128x128xi1>, vector<128x128xf32>
    %get3A_1329 = arith.constant 0 : index
    %get3A_1330 = arith.constant 1024 : index
    %get3A_1331 = vector.load %arg4[%get3A_1329, %get3A_1330] : memref<1x8192xf32, #tpu.memory_space<vmem>>, vector<1x128xf32>
    %get3A_1332 = arith.constant 128 : index
    %get3A_1333 = arith.constant 1024 : index
    %get3A_1334 = vector.load %arg5[%get3A_1332, %get3A_1333] : memref<512x8192xf32, #tpu.memory_space<vmem>>, vector<128x128xf32>
    %add3A_1335 = vector.broadcast %slice3A_1180 : vector<128x1xf32> to vector<128x128xf32>
    %add3A_1336 = vector.broadcast %get3A_1331 : vector<1x128xf32> to vector<128x128xf32>
    %add3A_1337 = arith.addf %add3A_1335, %add3A_1336 : vector<128x128xf32>
    %sub3A_1338 = arith.subf %add3A_1337, %get3A_1334 : vector<128x128xf32>
    %lt3A_1339 = arith.cmpf olt, %sub3A_1338, %select_n3A_1322 : vector<128x128xf32>
    %select_n3A_1340 = arith.select %lt3A_1339, %sub3A_1338, %select_n3A_1322 : vector<128x128xi1>, vector<128x128xf32>
    %add3A_1341 = arith.constant 1.024000e+03 : f32
    %add3A_1342 = vector.broadcast %add3A_1341 : f32 to vector<1x128xf32>
    %add3A_1343 = arith.addf %convert_element_type3A_11, %add3A_1342 : vector<1x128xf32>
    %broadcast_in_dim3A_1344 = vector.shape_cast %add3A_1343 : vector<1x128xf32> to vector<1x128xf32>
    %broadcast_in_dim3A_1345 = vector.broadcast %broadcast_in_dim3A_1344 : vector<1x128xf32> to vector<128x128xf32>
    %select_n3A_1346 = arith.select %lt3A_1339, %broadcast_in_dim3A_1345, %select_n3A_1328 : vector<128x128xi1>, vector<128x128xf32>
    %get3A_1347 = arith.constant 0 : index
    %get3A_1348 = arith.constant 1152 : index
    %get3A_1349 = vector.load %arg4[%get3A_1347, %get3A_1348] : memref<1x8192xf32, #tpu.memory_space<vmem>>, vector<1x128xf32>
    %get3A_1350 = arith.constant 128 : index
    %get3A_1351 = arith.constant 1152 : index
    %get3A_1352 = vector.load %arg5[%get3A_1350, %get3A_1351] : memref<512x8192xf32, #tpu.memory_space<vmem>>, vector<128x128xf32>
    %add3A_1353 = vector.broadcast %slice3A_1180 : vector<128x1xf32> to vector<128x128xf32>
    %add3A_1354 = vector.broadcast %get3A_1349 : vector<1x128xf32> to vector<128x128xf32>
    %add3A_1355 = arith.addf %add3A_1353, %add3A_1354 : vector<128x128xf32>
    %sub3A_1356 = arith.subf %add3A_1355, %get3A_1352 : vector<128x128xf32>
    %lt3A_1357 = arith.cmpf olt, %sub3A_1356, %select_n3A_1340 : vector<128x128xf32>
    %select_n3A_1358 = arith.select %lt3A_1357, %sub3A_1356, %select_n3A_1340 : vector<128x128xi1>, vector<128x128xf32>
    %add3A_1359 = arith.constant 1.152000e+03 : f32
    %add3A_1360 = vector.broadcast %add3A_1359 : f32 to vector<1x128xf32>
    %add3A_1361 = arith.addf %convert_element_type3A_11, %add3A_1360 : vector<1x128xf32>
    %broadcast_in_dim3A_1362 = vector.shape_cast %add3A_1361 : vector<1x128xf32> to vector<1x128xf32>
    %broadcast_in_dim3A_1363 = vector.broadcast %broadcast_in_dim3A_1362 : vector<1x128xf32> to vector<128x128xf32>
    %select_n3A_1364 = arith.select %lt3A_1357, %broadcast_in_dim3A_1363, %select_n3A_1346 : vector<128x128xi1>, vector<128x128xf32>
    %get3A_1365 = arith.constant 0 : index
    %get3A_1366 = arith.constant 1280 : index
    %get3A_1367 = vector.load %arg4[%get3A_1365, %get3A_1366] : memref<1x8192xf32, #tpu.memory_space<vmem>>, vector<1x128xf32>
    %get3A_1368 = arith.constant 128 : index
    %get3A_1369 = arith.constant 1280 : index
    %get3A_1370 = vector.load %arg5[%get3A_1368, %get3A_1369] : memref<512x8192xf32, #tpu.memory_space<vmem>>, vector<128x128xf32>
    %add3A_1371 = vector.broadcast %slice3A_1180 : vector<128x1xf32> to vector<128x128xf32>
    %add3A_1372 = vector.broadcast %get3A_1367 : vector<1x128xf32> to vector<128x128xf32>
    %add3A_1373 = arith.addf %add3A_1371, %add3A_1372 : vector<128x128xf32>
    %sub3A_1374 = arith.subf %add3A_1373, %get3A_1370 : vector<128x128xf32>
    %lt3A_1375 = arith.cmpf olt, %sub3A_1374, %select_n3A_1358 : vector<128x128xf32>
    %select_n3A_1376 = arith.select %lt3A_1375, %sub3A_1374, %select_n3A_1358 : vector<128x128xi1>, vector<128x128xf32>
    %add3A_1377 = arith.constant 1.280000e+03 : f32
    %add3A_1378 = vector.broadcast %add3A_1377 : f32 to vector<1x128xf32>
    %add3A_1379 = arith.addf %convert_element_type3A_11, %add3A_1378 : vector<1x128xf32>
    %broadcast_in_dim3A_1380 = vector.shape_cast %add3A_1379 : vector<1x128xf32> to vector<1x128xf32>
    %broadcast_in_dim3A_1381 = vector.broadcast %broadcast_in_dim3A_1380 : vector<1x128xf32> to vector<128x128xf32>
    %select_n3A_1382 = arith.select %lt3A_1375, %broadcast_in_dim3A_1381, %select_n3A_1364 : vector<128x128xi1>, vector<128x128xf32>
    %get3A_1383 = arith.constant 0 : index
    %get3A_1384 = arith.constant 1408 : index
    %get3A_1385 = vector.load %arg4[%get3A_1383, %get3A_1384] : memref<1x8192xf32, #tpu.memory_space<vmem>>, vector<1x128xf32>
    %get3A_1386 = arith.constant 128 : index
    %get3A_1387 = arith.constant 1408 : index
    %get3A_1388 = vector.load %arg5[%get3A_1386, %get3A_1387] : memref<512x8192xf32, #tpu.memory_space<vmem>>, vector<128x128xf32>
    %add3A_1389 = vector.broadcast %slice3A_1180 : vector<128x1xf32> to vector<128x128xf32>
    %add3A_1390 = vector.broadcast %get3A_1385 : vector<1x128xf32> to vector<128x128xf32>
    %add3A_1391 = arith.addf %add3A_1389, %add3A_1390 : vector<128x128xf32>
    %sub3A_1392 = arith.subf %add3A_1391, %get3A_1388 : vector<128x128xf32>
    %lt3A_1393 = arith.cmpf olt, %sub3A_1392, %select_n3A_1376 : vector<128x128xf32>
    %select_n3A_1394 = arith.select %lt3A_1393, %sub3A_1392, %select_n3A_1376 : vector<128x128xi1>, vector<128x128xf32>
    %add3A_1395 = arith.constant 1.408000e+03 : f32
    %add3A_1396 = vector.broadcast %add3A_1395 : f32 to vector<1x128xf32>
    %add3A_1397 = arith.addf %convert_element_type3A_11, %add3A_1396 : vector<1x128xf32>
    %broadcast_in_dim3A_1398 = vector.shape_cast %add3A_1397 : vector<1x128xf32> to vector<1x128xf32>
    %broadcast_in_dim3A_1399 = vector.broadcast %broadcast_in_dim3A_1398 : vector<1x128xf32> to vector<128x128xf32>
    %select_n3A_1400 = arith.select %lt3A_1393, %broadcast_in_dim3A_1399, %select_n3A_1382 : vector<128x128xi1>, vector<128x128xf32>
    %get3A_1401 = arith.constant 0 : index
    %get3A_1402 = arith.constant 1536 : index
    %get3A_1403 = vector.load %arg4[%get3A_1401, %get3A_1402] : memref<1x8192xf32, #tpu.memory_space<vmem>>, vector<1x128xf32>
    %get3A_1404 = arith.constant 128 : index
    %get3A_1405 = arith.constant 1536 : index
    %get3A_1406 = vector.load %arg5[%get3A_1404, %get3A_1405] : memref<512x8192xf32, #tpu.memory_space<vmem>>, vector<128x128xf32>
    %add3A_1407 = vector.broadcast %slice3A_1180 : vector<128x1xf32> to vector<128x128xf32>
    %add3A_1408 = vector.broadcast %get3A_1403 : vector<1x128xf32> to vector<128x128xf32>
    %add3A_1409 = arith.addf %add3A_1407, %add3A_1408 : vector<128x128xf32>
    %sub3A_1410 = arith.subf %add3A_1409, %get3A_1406 : vector<128x128xf32>
    %lt3A_1411 = arith.cmpf olt, %sub3A_1410, %select_n3A_1394 : vector<128x128xf32>
    %select_n3A_1412 = arith.select %lt3A_1411, %sub3A_1410, %select_n3A_1394 : vector<128x128xi1>, vector<128x128xf32>
    %add3A_1413 = arith.constant 1.536000e+03 : f32
    %add3A_1414 = vector.broadcast %add3A_1413 : f32 to vector<1x128xf32>
    %add3A_1415 = arith.addf %convert_element_type3A_11, %add3A_1414 : vector<1x128xf32>
    %broadcast_in_dim3A_1416 = vector.shape_cast %add3A_1415 : vector<1x128xf32> to vector<1x128xf32>
    %broadcast_in_dim3A_1417 = vector.broadcast %broadcast_in_dim3A_1416 : vector<1x128xf32> to vector<128x128xf32>
    %select_n3A_1418 = arith.select %lt3A_1411, %broadcast_in_dim3A_1417, %select_n3A_1400 : vector<128x128xi1>, vector<128x128xf32>
    %get3A_1419 = arith.constant 0 : index
    %get3A_1420 = arith.constant 1664 : index
    %get3A_1421 = vector.load %arg4[%get3A_1419, %get3A_1420] : memref<1x8192xf32, #tpu.memory_space<vmem>>, vector<1x128xf32>
    %get3A_1422 = arith.constant 128 : index
    %get3A_1423 = arith.constant 1664 : index
    %get3A_1424 = vector.load %arg5[%get3A_1422, %get3A_1423] : memref<512x8192xf32, #tpu.memory_space<vmem>>, vector<128x128xf32>
    %add3A_1425 = vector.broadcast %slice3A_1180 : vector<128x1xf32> to vector<128x128xf32>
    %add3A_1426 = vector.broadcast %get3A_1421 : vector<1x128xf32> to vector<128x128xf32>
    %add3A_1427 = arith.addf %add3A_1425, %add3A_1426 : vector<128x128xf32>
    %sub3A_1428 = arith.subf %add3A_1427, %get3A_1424 : vector<128x128xf32>
    %lt3A_1429 = arith.cmpf olt, %sub3A_1428, %select_n3A_1412 : vector<128x128xf32>
    %select_n3A_1430 = arith.select %lt3A_1429, %sub3A_1428, %select_n3A_1412 : vector<128x128xi1>, vector<128x128xf32>
    %add3A_1431 = arith.constant 1.664000e+03 : f32
    %add3A_1432 = vector.broadcast %add3A_1431 : f32 to vector<1x128xf32>
    %add3A_1433 = arith.addf %convert_element_type3A_11, %add3A_1432 : vector<1x128xf32>
    %broadcast_in_dim3A_1434 = vector.shape_cast %add3A_1433 : vector<1x128xf32> to vector<1x128xf32>
    %broadcast_in_dim3A_1435 = vector.broadcast %broadcast_in_dim3A_1434 : vector<1x128xf32> to vector<128x128xf32>
    %select_n3A_1436 = arith.select %lt3A_1429, %broadcast_in_dim3A_1435, %select_n3A_1418 : vector<128x128xi1>, vector<128x128xf32>
    %get3A_1437 = arith.constant 0 : index
    %get3A_1438 = arith.constant 1792 : index
    %get3A_1439 = vector.load %arg4[%get3A_1437, %get3A_1438] : memref<1x8192xf32, #tpu.memory_space<vmem>>, vector<1x128xf32>
    %get3A_1440 = arith.constant 128 : index
    %get3A_1441 = arith.constant 1792 : index
    %get3A_1442 = vector.load %arg5[%get3A_1440, %get3A_1441] : memref<512x8192xf32, #tpu.memory_space<vmem>>, vector<128x128xf32>
    %add3A_1443 = vector.broadcast %slice3A_1180 : vector<128x1xf32> to vector<128x128xf32>
    %add3A_1444 = vector.broadcast %get3A_1439 : vector<1x128xf32> to vector<128x128xf32>
    %add3A_1445 = arith.addf %add3A_1443, %add3A_1444 : vector<128x128xf32>
    %sub3A_1446 = arith.subf %add3A_1445, %get3A_1442 : vector<128x128xf32>
    %lt3A_1447 = arith.cmpf olt, %sub3A_1446, %select_n3A_1430 : vector<128x128xf32>
    %select_n3A_1448 = arith.select %lt3A_1447, %sub3A_1446, %select_n3A_1430 : vector<128x128xi1>, vector<128x128xf32>
    %add3A_1449 = arith.constant 1.792000e+03 : f32
    %add3A_1450 = vector.broadcast %add3A_1449 : f32 to vector<1x128xf32>
    %add3A_1451 = arith.addf %convert_element_type3A_11, %add3A_1450 : vector<1x128xf32>
    %broadcast_in_dim3A_1452 = vector.shape_cast %add3A_1451 : vector<1x128xf32> to vector<1x128xf32>
    %broadcast_in_dim3A_1453 = vector.broadcast %broadcast_in_dim3A_1452 : vector<1x128xf32> to vector<128x128xf32>
    %select_n3A_1454 = arith.select %lt3A_1447, %broadcast_in_dim3A_1453, %select_n3A_1436 : vector<128x128xi1>, vector<128x128xf32>
    %get3A_1455 = arith.constant 0 : index
    %get3A_1456 = arith.constant 1920 : index
    %get3A_1457 = vector.load %arg4[%get3A_1455, %get3A_1456] : memref<1x8192xf32, #tpu.memory_space<vmem>>, vector<1x128xf32>
    %get3A_1458 = arith.constant 128 : index
    %get3A_1459 = arith.constant 1920 : index
    %get3A_1460 = vector.load %arg5[%get3A_1458, %get3A_1459] : memref<512x8192xf32, #tpu.memory_space<vmem>>, vector<128x128xf32>
    %add3A_1461 = vector.broadcast %slice3A_1180 : vector<128x1xf32> to vector<128x128xf32>
    %add3A_1462 = vector.broadcast %get3A_1457 : vector<1x128xf32> to vector<128x128xf32>
    %add3A_1463 = arith.addf %add3A_1461, %add3A_1462 : vector<128x128xf32>
    %sub3A_1464 = arith.subf %add3A_1463, %get3A_1460 : vector<128x128xf32>
    %lt3A_1465 = arith.cmpf olt, %sub3A_1464, %select_n3A_1448 : vector<128x128xf32>
    %select_n3A_1466 = arith.select %lt3A_1465, %sub3A_1464, %select_n3A_1448 : vector<128x128xi1>, vector<128x128xf32>
    %add3A_1467 = arith.constant 1.920000e+03 : f32
    %add3A_1468 = vector.broadcast %add3A_1467 : f32 to vector<1x128xf32>
    %add3A_1469 = arith.addf %convert_element_type3A_11, %add3A_1468 : vector<1x128xf32>
    %broadcast_in_dim3A_1470 = vector.shape_cast %add3A_1469 : vector<1x128xf32> to vector<1x128xf32>
    %broadcast_in_dim3A_1471 = vector.broadcast %broadcast_in_dim3A_1470 : vector<1x128xf32> to vector<128x128xf32>
    %select_n3A_1472 = arith.select %lt3A_1465, %broadcast_in_dim3A_1471, %select_n3A_1454 : vector<128x128xi1>, vector<128x128xf32>
    %get3A_1473 = arith.constant 0 : index
    %get3A_1474 = arith.constant 2048 : index
    %get3A_1475 = vector.load %arg4[%get3A_1473, %get3A_1474] : memref<1x8192xf32, #tpu.memory_space<vmem>>, vector<1x128xf32>
    %get3A_1476 = arith.constant 128 : index
    %get3A_1477 = arith.constant 2048 : index
    %get3A_1478 = vector.load %arg5[%get3A_1476, %get3A_1477] : memref<512x8192xf32, #tpu.memory_space<vmem>>, vector<128x128xf32>
    %add3A_1479 = vector.broadcast %slice3A_1180 : vector<128x1xf32> to vector<128x128xf32>
    %add3A_1480 = vector.broadcast %get3A_1475 : vector<1x128xf32> to vector<128x128xf32>
    %add3A_1481 = arith.addf %add3A_1479, %add3A_1480 : vector<128x128xf32>
    %sub3A_1482 = arith.subf %add3A_1481, %get3A_1478 : vector<128x128xf32>
    %lt3A_1483 = arith.cmpf olt, %sub3A_1482, %select_n3A_1466 : vector<128x128xf32>
    %select_n3A_1484 = arith.select %lt3A_1483, %sub3A_1482, %select_n3A_1466 : vector<128x128xi1>, vector<128x128xf32>
    %add3A_1485 = arith.constant 2.048000e+03 : f32
    %add3A_1486 = vector.broadcast %add3A_1485 : f32 to vector<1x128xf32>
    %add3A_1487 = arith.addf %convert_element_type3A_11, %add3A_1486 : vector<1x128xf32>
    %broadcast_in_dim3A_1488 = vector.shape_cast %add3A_1487 : vector<1x128xf32> to vector<1x128xf32>
    %broadcast_in_dim3A_1489 = vector.broadcast %broadcast_in_dim3A_1488 : vector<1x128xf32> to vector<128x128xf32>
    %select_n3A_1490 = arith.select %lt3A_1483, %broadcast_in_dim3A_1489, %select_n3A_1472 : vector<128x128xi1>, vector<128x128xf32>
    %get3A_1491 = arith.constant 0 : index
    %get3A_1492 = arith.constant 2176 : index
    %get3A_1493 = vector.load %arg4[%get3A_1491, %get3A_1492] : memref<1x8192xf32, #tpu.memory_space<vmem>>, vector<1x128xf32>
    %get3A_1494 = arith.constant 128 : index
    %get3A_1495 = arith.constant 2176 : index
    %get3A_1496 = vector.load %arg5[%get3A_1494, %get3A_1495] : memref<512x8192xf32, #tpu.memory_space<vmem>>, vector<128x128xf32>
    %add3A_1497 = vector.broadcast %slice3A_1180 : vector<128x1xf32> to vector<128x128xf32>
    %add3A_1498 = vector.broadcast %get3A_1493 : vector<1x128xf32> to vector<128x128xf32>
    %add3A_1499 = arith.addf %add3A_1497, %add3A_1498 : vector<128x128xf32>
    %sub3A_1500 = arith.subf %add3A_1499, %get3A_1496 : vector<128x128xf32>
    %lt3A_1501 = arith.cmpf olt, %sub3A_1500, %select_n3A_1484 : vector<128x128xf32>
    %select_n3A_1502 = arith.select %lt3A_1501, %sub3A_1500, %select_n3A_1484 : vector<128x128xi1>, vector<128x128xf32>
    %add3A_1503 = arith.constant 2.176000e+03 : f32
    %add3A_1504 = vector.broadcast %add3A_1503 : f32 to vector<1x128xf32>
    %add3A_1505 = arith.addf %convert_element_type3A_11, %add3A_1504 : vector<1x128xf32>
    %broadcast_in_dim3A_1506 = vector.shape_cast %add3A_1505 : vector<1x128xf32> to vector<1x128xf32>
    %broadcast_in_dim3A_1507 = vector.broadcast %broadcast_in_dim3A_1506 : vector<1x128xf32> to vector<128x128xf32>
    %select_n3A_1508 = arith.select %lt3A_1501, %broadcast_in_dim3A_1507, %select_n3A_1490 : vector<128x128xi1>, vector<128x128xf32>
    %get3A_1509 = arith.constant 0 : index
    %get3A_1510 = arith.constant 2304 : index
    %get3A_1511 = vector.load %arg4[%get3A_1509, %get3A_1510] : memref<1x8192xf32, #tpu.memory_space<vmem>>, vector<1x128xf32>
    %get3A_1512 = arith.constant 128 : index
    %get3A_1513 = arith.constant 2304 : index
    %get3A_1514 = vector.load %arg5[%get3A_1512, %get3A_1513] : memref<512x8192xf32, #tpu.memory_space<vmem>>, vector<128x128xf32>
    %add3A_1515 = vector.broadcast %slice3A_1180 : vector<128x1xf32> to vector<128x128xf32>
    %add3A_1516 = vector.broadcast %get3A_1511 : vector<1x128xf32> to vector<128x128xf32>
    %add3A_1517 = arith.addf %add3A_1515, %add3A_1516 : vector<128x128xf32>
    %sub3A_1518 = arith.subf %add3A_1517, %get3A_1514 : vector<128x128xf32>
    %lt3A_1519 = arith.cmpf olt, %sub3A_1518, %select_n3A_1502 : vector<128x128xf32>
    %select_n3A_1520 = arith.select %lt3A_1519, %sub3A_1518, %select_n3A_1502 : vector<128x128xi1>, vector<128x128xf32>
    %add3A_1521 = arith.constant 2.304000e+03 : f32
    %add3A_1522 = vector.broadcast %add3A_1521 : f32 to vector<1x128xf32>
    %add3A_1523 = arith.addf %convert_element_type3A_11, %add3A_1522 : vector<1x128xf32>
    %broadcast_in_dim3A_1524 = vector.shape_cast %add3A_1523 : vector<1x128xf32> to vector<1x128xf32>
    %broadcast_in_dim3A_1525 = vector.broadcast %broadcast_in_dim3A_1524 : vector<1x128xf32> to vector<128x128xf32>
    %select_n3A_1526 = arith.select %lt3A_1519, %broadcast_in_dim3A_1525, %select_n3A_1508 : vector<128x128xi1>, vector<128x128xf32>
    %get3A_1527 = arith.constant 0 : index
    %get3A_1528 = arith.constant 2432 : index
    %get3A_1529 = vector.load %arg4[%get3A_1527, %get3A_1528] : memref<1x8192xf32, #tpu.memory_space<vmem>>, vector<1x128xf32>
    %get3A_1530 = arith.constant 128 : index
    %get3A_1531 = arith.constant 2432 : index
    %get3A_1532 = vector.load %arg5[%get3A_1530, %get3A_1531] : memref<512x8192xf32, #tpu.memory_space<vmem>>, vector<128x128xf32>
    %add3A_1533 = vector.broadcast %slice3A_1180 : vector<128x1xf32> to vector<128x128xf32>
    %add3A_1534 = vector.broadcast %get3A_1529 : vector<1x128xf32> to vector<128x128xf32>
    %add3A_1535 = arith.addf %add3A_1533, %add3A_1534 : vector<128x128xf32>
    %sub3A_1536 = arith.subf %add3A_1535, %get3A_1532 : vector<128x128xf32>
    %lt3A_1537 = arith.cmpf olt, %sub3A_1536, %select_n3A_1520 : vector<128x128xf32>
    %select_n3A_1538 = arith.select %lt3A_1537, %sub3A_1536, %select_n3A_1520 : vector<128x128xi1>, vector<128x128xf32>
    %add3A_1539 = arith.constant 2.432000e+03 : f32
    %add3A_1540 = vector.broadcast %add3A_1539 : f32 to vector<1x128xf32>
    %add3A_1541 = arith.addf %convert_element_type3A_11, %add3A_1540 : vector<1x128xf32>
    %broadcast_in_dim3A_1542 = vector.shape_cast %add3A_1541 : vector<1x128xf32> to vector<1x128xf32>
    %broadcast_in_dim3A_1543 = vector.broadcast %broadcast_in_dim3A_1542 : vector<1x128xf32> to vector<128x128xf32>
    %select_n3A_1544 = arith.select %lt3A_1537, %broadcast_in_dim3A_1543, %select_n3A_1526 : vector<128x128xi1>, vector<128x128xf32>
    %get3A_1545 = arith.constant 0 : index
    %get3A_1546 = arith.constant 2560 : index
    %get3A_1547 = vector.load %arg4[%get3A_1545, %get3A_1546] : memref<1x8192xf32, #tpu.memory_space<vmem>>, vector<1x128xf32>
    %get3A_1548 = arith.constant 128 : index
    %get3A_1549 = arith.constant 2560 : index
    %get3A_1550 = vector.load %arg5[%get3A_1548, %get3A_1549] : memref<512x8192xf32, #tpu.memory_space<vmem>>, vector<128x128xf32>
    %add3A_1551 = vector.broadcast %slice3A_1180 : vector<128x1xf32> to vector<128x128xf32>
    %add3A_1552 = vector.broadcast %get3A_1547 : vector<1x128xf32> to vector<128x128xf32>
    %add3A_1553 = arith.addf %add3A_1551, %add3A_1552 : vector<128x128xf32>
    %sub3A_1554 = arith.subf %add3A_1553, %get3A_1550 : vector<128x128xf32>
    %lt3A_1555 = arith.cmpf olt, %sub3A_1554, %select_n3A_1538 : vector<128x128xf32>
    %select_n3A_1556 = arith.select %lt3A_1555, %sub3A_1554, %select_n3A_1538 : vector<128x128xi1>, vector<128x128xf32>
    %add3A_1557 = arith.constant 2.560000e+03 : f32
    %add3A_1558 = vector.broadcast %add3A_1557 : f32 to vector<1x128xf32>
    %add3A_1559 = arith.addf %convert_element_type3A_11, %add3A_1558 : vector<1x128xf32>
    %broadcast_in_dim3A_1560 = vector.shape_cast %add3A_1559 : vector<1x128xf32> to vector<1x128xf32>
    %broadcast_in_dim3A_1561 = vector.broadcast %broadcast_in_dim3A_1560 : vector<1x128xf32> to vector<128x128xf32>
    %select_n3A_1562 = arith.select %lt3A_1555, %broadcast_in_dim3A_1561, %select_n3A_1544 : vector<128x128xi1>, vector<128x128xf32>
    %get3A_1563 = arith.constant 0 : index
    %get3A_1564 = arith.constant 2688 : index
    %get3A_1565 = vector.load %arg4[%get3A_1563, %get3A_1564] : memref<1x8192xf32, #tpu.memory_space<vmem>>, vector<1x128xf32>
    %get3A_1566 = arith.constant 128 : index
    %get3A_1567 = arith.constant 2688 : index
    %get3A_1568 = vector.load %arg5[%get3A_1566, %get3A_1567] : memref<512x8192xf32, #tpu.memory_space<vmem>>, vector<128x128xf32>
    %add3A_1569 = vector.broadcast %slice3A_1180 : vector<128x1xf32> to vector<128x128xf32>
    %add3A_1570 = vector.broadcast %get3A_1565 : vector<1x128xf32> to vector<128x128xf32>
    %add3A_1571 = arith.addf %add3A_1569, %add3A_1570 : vector<128x128xf32>
    %sub3A_1572 = arith.subf %add3A_1571, %get3A_1568 : vector<128x128xf32>
    %lt3A_1573 = arith.cmpf olt, %sub3A_1572, %select_n3A_1556 : vector<128x128xf32>
    %select_n3A_1574 = arith.select %lt3A_1573, %sub3A_1572, %select_n3A_1556 : vector<128x128xi1>, vector<128x128xf32>
    %add3A_1575 = arith.constant 2.688000e+03 : f32
    %add3A_1576 = vector.broadcast %add3A_1575 : f32 to vector<1x128xf32>
    %add3A_1577 = arith.addf %convert_element_type3A_11, %add3A_1576 : vector<1x128xf32>
    %broadcast_in_dim3A_1578 = vector.shape_cast %add3A_1577 : vector<1x128xf32> to vector<1x128xf32>
    %broadcast_in_dim3A_1579 = vector.broadcast %broadcast_in_dim3A_1578 : vector<1x128xf32> to vector<128x128xf32>
    %select_n3A_1580 = arith.select %lt3A_1573, %broadcast_in_dim3A_1579, %select_n3A_1562 : vector<128x128xi1>, vector<128x128xf32>
    %get3A_1581 = arith.constant 0 : index
    %get3A_1582 = arith.constant 2816 : index
    %get3A_1583 = vector.load %arg4[%get3A_1581, %get3A_1582] : memref<1x8192xf32, #tpu.memory_space<vmem>>, vector<1x128xf32>
    %get3A_1584 = arith.constant 128 : index
    %get3A_1585 = arith.constant 2816 : index
    %get3A_1586 = vector.load %arg5[%get3A_1584, %get3A_1585] : memref<512x8192xf32, #tpu.memory_space<vmem>>, vector<128x128xf32>
    %add3A_1587 = vector.broadcast %slice3A_1180 : vector<128x1xf32> to vector<128x128xf32>
    %add3A_1588 = vector.broadcast %get3A_1583 : vector<1x128xf32> to vector<128x128xf32>
    %add3A_1589 = arith.addf %add3A_1587, %add3A_1588 : vector<128x128xf32>
    %sub3A_1590 = arith.subf %add3A_1589, %get3A_1586 : vector<128x128xf32>
    %lt3A_1591 = arith.cmpf olt, %sub3A_1590, %select_n3A_1574 : vector<128x128xf32>
    %select_n3A_1592 = arith.select %lt3A_1591, %sub3A_1590, %select_n3A_1574 : vector<128x128xi1>, vector<128x128xf32>
    %add3A_1593 = arith.constant 2.816000e+03 : f32
    %add3A_1594 = vector.broadcast %add3A_1593 : f32 to vector<1x128xf32>
    %add3A_1595 = arith.addf %convert_element_type3A_11, %add3A_1594 : vector<1x128xf32>
    %broadcast_in_dim3A_1596 = vector.shape_cast %add3A_1595 : vector<1x128xf32> to vector<1x128xf32>
    %broadcast_in_dim3A_1597 = vector.broadcast %broadcast_in_dim3A_1596 : vector<1x128xf32> to vector<128x128xf32>
    %select_n3A_1598 = arith.select %lt3A_1591, %broadcast_in_dim3A_1597, %select_n3A_1580 : vector<128x128xi1>, vector<128x128xf32>
    %get3A_1599 = arith.constant 0 : index
    %get3A_1600 = arith.constant 2944 : index
    %get3A_1601 = vector.load %arg4[%get3A_1599, %get3A_1600] : memref<1x8192xf32, #tpu.memory_space<vmem>>, vector<1x128xf32>
    %get3A_1602 = arith.constant 128 : index
    %get3A_1603 = arith.constant 2944 : index
    %get3A_1604 = vector.load %arg5[%get3A_1602, %get3A_1603] : memref<512x8192xf32, #tpu.memory_space<vmem>>, vector<128x128xf32>
    %add3A_1605 = vector.broadcast %slice3A_1180 : vector<128x1xf32> to vector<128x128xf32>
    %add3A_1606 = vector.broadcast %get3A_1601 : vector<1x128xf32> to vector<128x128xf32>
    %add3A_1607 = arith.addf %add3A_1605, %add3A_1606 : vector<128x128xf32>
    %sub3A_1608 = arith.subf %add3A_1607, %get3A_1604 : vector<128x128xf32>
    %lt3A_1609 = arith.cmpf olt, %sub3A_1608, %select_n3A_1592 : vector<128x128xf32>
    %select_n3A_1610 = arith.select %lt3A_1609, %sub3A_1608, %select_n3A_1592 : vector<128x128xi1>, vector<128x128xf32>
    %add3A_1611 = arith.constant 2.944000e+03 : f32
    %add3A_1612 = vector.broadcast %add3A_1611 : f32 to vector<1x128xf32>
    %add3A_1613 = arith.addf %convert_element_type3A_11, %add3A_1612 : vector<1x128xf32>
    %broadcast_in_dim3A_1614 = vector.shape_cast %add3A_1613 : vector<1x128xf32> to vector<1x128xf32>
    %broadcast_in_dim3A_1615 = vector.broadcast %broadcast_in_dim3A_1614 : vector<1x128xf32> to vector<128x128xf32>
    %select_n3A_1616 = arith.select %lt3A_1609, %broadcast_in_dim3A_1615, %select_n3A_1598 : vector<128x128xi1>, vector<128x128xf32>
    %get3A_1617 = arith.constant 0 : index
    %get3A_1618 = arith.constant 3072 : index
    %get3A_1619 = vector.load %arg4[%get3A_1617, %get3A_1618] : memref<1x8192xf32, #tpu.memory_space<vmem>>, vector<1x128xf32>
    %get3A_1620 = arith.constant 128 : index
    %get3A_1621 = arith.constant 3072 : index
    %get3A_1622 = vector.load %arg5[%get3A_1620, %get3A_1621] : memref<512x8192xf32, #tpu.memory_space<vmem>>, vector<128x128xf32>
    %add3A_1623 = vector.broadcast %slice3A_1180 : vector<128x1xf32> to vector<128x128xf32>
    %add3A_1624 = vector.broadcast %get3A_1619 : vector<1x128xf32> to vector<128x128xf32>
    %add3A_1625 = arith.addf %add3A_1623, %add3A_1624 : vector<128x128xf32>
    %sub3A_1626 = arith.subf %add3A_1625, %get3A_1622 : vector<128x128xf32>
    %lt3A_1627 = arith.cmpf olt, %sub3A_1626, %select_n3A_1610 : vector<128x128xf32>
    %select_n3A_1628 = arith.select %lt3A_1627, %sub3A_1626, %select_n3A_1610 : vector<128x128xi1>, vector<128x128xf32>
    %add3A_1629 = arith.constant 3.072000e+03 : f32
    %add3A_1630 = vector.broadcast %add3A_1629 : f32 to vector<1x128xf32>
    %add3A_1631 = arith.addf %convert_element_type3A_11, %add3A_1630 : vector<1x128xf32>
    %broadcast_in_dim3A_1632 = vector.shape_cast %add3A_1631 : vector<1x128xf32> to vector<1x128xf32>
    %broadcast_in_dim3A_1633 = vector.broadcast %broadcast_in_dim3A_1632 : vector<1x128xf32> to vector<128x128xf32>
    %select_n3A_1634 = arith.select %lt3A_1627, %broadcast_in_dim3A_1633, %select_n3A_1616 : vector<128x128xi1>, vector<128x128xf32>
    %get3A_1635 = arith.constant 0 : index
    %get3A_1636 = arith.constant 3200 : index
    %get3A_1637 = vector.load %arg4[%get3A_1635, %get3A_1636] : memref<1x8192xf32, #tpu.memory_space<vmem>>, vector<1x128xf32>
    %get3A_1638 = arith.constant 128 : index
    %get3A_1639 = arith.constant 3200 : index
    %get3A_1640 = vector.load %arg5[%get3A_1638, %get3A_1639] : memref<512x8192xf32, #tpu.memory_space<vmem>>, vector<128x128xf32>
    %add3A_1641 = vector.broadcast %slice3A_1180 : vector<128x1xf32> to vector<128x128xf32>
    %add3A_1642 = vector.broadcast %get3A_1637 : vector<1x128xf32> to vector<128x128xf32>
    %add3A_1643 = arith.addf %add3A_1641, %add3A_1642 : vector<128x128xf32>
    %sub3A_1644 = arith.subf %add3A_1643, %get3A_1640 : vector<128x128xf32>
    %lt3A_1645 = arith.cmpf olt, %sub3A_1644, %select_n3A_1628 : vector<128x128xf32>
    %select_n3A_1646 = arith.select %lt3A_1645, %sub3A_1644, %select_n3A_1628 : vector<128x128xi1>, vector<128x128xf32>
    %add3A_1647 = arith.constant 3.200000e+03 : f32
    %add3A_1648 = vector.broadcast %add3A_1647 : f32 to vector<1x128xf32>
    %add3A_1649 = arith.addf %convert_element_type3A_11, %add3A_1648 : vector<1x128xf32>
    %broadcast_in_dim3A_1650 = vector.shape_cast %add3A_1649 : vector<1x128xf32> to vector<1x128xf32>
    %broadcast_in_dim3A_1651 = vector.broadcast %broadcast_in_dim3A_1650 : vector<1x128xf32> to vector<128x128xf32>
    %select_n3A_1652 = arith.select %lt3A_1645, %broadcast_in_dim3A_1651, %select_n3A_1634 : vector<128x128xi1>, vector<128x128xf32>
    %get3A_1653 = arith.constant 0 : index
    %get3A_1654 = arith.constant 3328 : index
    %get3A_1655 = vector.load %arg4[%get3A_1653, %get3A_1654] : memref<1x8192xf32, #tpu.memory_space<vmem>>, vector<1x128xf32>
    %get3A_1656 = arith.constant 128 : index
    %get3A_1657 = arith.constant 3328 : index
    %get3A_1658 = vector.load %arg5[%get3A_1656, %get3A_1657] : memref<512x8192xf32, #tpu.memory_space<vmem>>, vector<128x128xf32>
    %add3A_1659 = vector.broadcast %slice3A_1180 : vector<128x1xf32> to vector<128x128xf32>
    %add3A_1660 = vector.broadcast %get3A_1655 : vector<1x128xf32> to vector<128x128xf32>
    %add3A_1661 = arith.addf %add3A_1659, %add3A_1660 : vector<128x128xf32>
    %sub3A_1662 = arith.subf %add3A_1661, %get3A_1658 : vector<128x128xf32>
    %lt3A_1663 = arith.cmpf olt, %sub3A_1662, %select_n3A_1646 : vector<128x128xf32>
    %select_n3A_1664 = arith.select %lt3A_1663, %sub3A_1662, %select_n3A_1646 : vector<128x128xi1>, vector<128x128xf32>
    %add3A_1665 = arith.constant 3.328000e+03 : f32
    %add3A_1666 = vector.broadcast %add3A_1665 : f32 to vector<1x128xf32>
    %add3A_1667 = arith.addf %convert_element_type3A_11, %add3A_1666 : vector<1x128xf32>
    %broadcast_in_dim3A_1668 = vector.shape_cast %add3A_1667 : vector<1x128xf32> to vector<1x128xf32>
    %broadcast_in_dim3A_1669 = vector.broadcast %broadcast_in_dim3A_1668 : vector<1x128xf32> to vector<128x128xf32>
    %select_n3A_1670 = arith.select %lt3A_1663, %broadcast_in_dim3A_1669, %select_n3A_1652 : vector<128x128xi1>, vector<128x128xf32>
    %get3A_1671 = arith.constant 0 : index
    %get3A_1672 = arith.constant 3456 : index
    %get3A_1673 = vector.load %arg4[%get3A_1671, %get3A_1672] : memref<1x8192xf32, #tpu.memory_space<vmem>>, vector<1x128xf32>
    %get3A_1674 = arith.constant 128 : index
    %get3A_1675 = arith.constant 3456 : index
    %get3A_1676 = vector.load %arg5[%get3A_1674, %get3A_1675] : memref<512x8192xf32, #tpu.memory_space<vmem>>, vector<128x128xf32>
    %add3A_1677 = vector.broadcast %slice3A_1180 : vector<128x1xf32> to vector<128x128xf32>
    %add3A_1678 = vector.broadcast %get3A_1673 : vector<1x128xf32> to vector<128x128xf32>
    %add3A_1679 = arith.addf %add3A_1677, %add3A_1678 : vector<128x128xf32>
    %sub3A_1680 = arith.subf %add3A_1679, %get3A_1676 : vector<128x128xf32>
    %lt3A_1681 = arith.cmpf olt, %sub3A_1680, %select_n3A_1664 : vector<128x128xf32>
    %select_n3A_1682 = arith.select %lt3A_1681, %sub3A_1680, %select_n3A_1664 : vector<128x128xi1>, vector<128x128xf32>
    %add3A_1683 = arith.constant 3.456000e+03 : f32
    %add3A_1684 = vector.broadcast %add3A_1683 : f32 to vector<1x128xf32>
    %add3A_1685 = arith.addf %convert_element_type3A_11, %add3A_1684 : vector<1x128xf32>
    %broadcast_in_dim3A_1686 = vector.shape_cast %add3A_1685 : vector<1x128xf32> to vector<1x128xf32>
    %broadcast_in_dim3A_1687 = vector.broadcast %broadcast_in_dim3A_1686 : vector<1x128xf32> to vector<128x128xf32>
    %select_n3A_1688 = arith.select %lt3A_1681, %broadcast_in_dim3A_1687, %select_n3A_1670 : vector<128x128xi1>, vector<128x128xf32>
    %get3A_1689 = arith.constant 0 : index
    %get3A_1690 = arith.constant 3584 : index
    %get3A_1691 = vector.load %arg4[%get3A_1689, %get3A_1690] : memref<1x8192xf32, #tpu.memory_space<vmem>>, vector<1x128xf32>
    %get3A_1692 = arith.constant 128 : index
    %get3A_1693 = arith.constant 3584 : index
    %get3A_1694 = vector.load %arg5[%get3A_1692, %get3A_1693] : memref<512x8192xf32, #tpu.memory_space<vmem>>, vector<128x128xf32>
    %add3A_1695 = vector.broadcast %slice3A_1180 : vector<128x1xf32> to vector<128x128xf32>
    %add3A_1696 = vector.broadcast %get3A_1691 : vector<1x128xf32> to vector<128x128xf32>
    %add3A_1697 = arith.addf %add3A_1695, %add3A_1696 : vector<128x128xf32>
    %sub3A_1698 = arith.subf %add3A_1697, %get3A_1694 : vector<128x128xf32>
    %lt3A_1699 = arith.cmpf olt, %sub3A_1698, %select_n3A_1682 : vector<128x128xf32>
    %select_n3A_1700 = arith.select %lt3A_1699, %sub3A_1698, %select_n3A_1682 : vector<128x128xi1>, vector<128x128xf32>
    %add3A_1701 = arith.constant 3.584000e+03 : f32
    %add3A_1702 = vector.broadcast %add3A_1701 : f32 to vector<1x128xf32>
    %add3A_1703 = arith.addf %convert_element_type3A_11, %add3A_1702 : vector<1x128xf32>
    %broadcast_in_dim3A_1704 = vector.shape_cast %add3A_1703 : vector<1x128xf32> to vector<1x128xf32>
    %broadcast_in_dim3A_1705 = vector.broadcast %broadcast_in_dim3A_1704 : vector<1x128xf32> to vector<128x128xf32>
    %select_n3A_1706 = arith.select %lt3A_1699, %broadcast_in_dim3A_1705, %select_n3A_1688 : vector<128x128xi1>, vector<128x128xf32>
    %get3A_1707 = arith.constant 0 : index
    %get3A_1708 = arith.constant 3712 : index
    %get3A_1709 = vector.load %arg4[%get3A_1707, %get3A_1708] : memref<1x8192xf32, #tpu.memory_space<vmem>>, vector<1x128xf32>
    %get3A_1710 = arith.constant 128 : index
    %get3A_1711 = arith.constant 3712 : index
    %get3A_1712 = vector.load %arg5[%get3A_1710, %get3A_1711] : memref<512x8192xf32, #tpu.memory_space<vmem>>, vector<128x128xf32>
    %add3A_1713 = vector.broadcast %slice3A_1180 : vector<128x1xf32> to vector<128x128xf32>
    %add3A_1714 = vector.broadcast %get3A_1709 : vector<1x128xf32> to vector<128x128xf32>
    %add3A_1715 = arith.addf %add3A_1713, %add3A_1714 : vector<128x128xf32>
    %sub3A_1716 = arith.subf %add3A_1715, %get3A_1712 : vector<128x128xf32>
    %lt3A_1717 = arith.cmpf olt, %sub3A_1716, %select_n3A_1700 : vector<128x128xf32>
    %select_n3A_1718 = arith.select %lt3A_1717, %sub3A_1716, %select_n3A_1700 : vector<128x128xi1>, vector<128x128xf32>
    %add3A_1719 = arith.constant 3.712000e+03 : f32
    %add3A_1720 = vector.broadcast %add3A_1719 : f32 to vector<1x128xf32>
    %add3A_1721 = arith.addf %convert_element_type3A_11, %add3A_1720 : vector<1x128xf32>
    %broadcast_in_dim3A_1722 = vector.shape_cast %add3A_1721 : vector<1x128xf32> to vector<1x128xf32>
    %broadcast_in_dim3A_1723 = vector.broadcast %broadcast_in_dim3A_1722 : vector<1x128xf32> to vector<128x128xf32>
    %select_n3A_1724 = arith.select %lt3A_1717, %broadcast_in_dim3A_1723, %select_n3A_1706 : vector<128x128xi1>, vector<128x128xf32>
    %get3A_1725 = arith.constant 0 : index
    %get3A_1726 = arith.constant 3840 : index
    %get3A_1727 = vector.load %arg4[%get3A_1725, %get3A_1726] : memref<1x8192xf32, #tpu.memory_space<vmem>>, vector<1x128xf32>
    %get3A_1728 = arith.constant 128 : index
    %get3A_1729 = arith.constant 3840 : index
    %get3A_1730 = vector.load %arg5[%get3A_1728, %get3A_1729] : memref<512x8192xf32, #tpu.memory_space<vmem>>, vector<128x128xf32>
    %add3A_1731 = vector.broadcast %slice3A_1180 : vector<128x1xf32> to vector<128x128xf32>
    %add3A_1732 = vector.broadcast %get3A_1727 : vector<1x128xf32> to vector<128x128xf32>
    %add3A_1733 = arith.addf %add3A_1731, %add3A_1732 : vector<128x128xf32>
    %sub3A_1734 = arith.subf %add3A_1733, %get3A_1730 : vector<128x128xf32>
    %lt3A_1735 = arith.cmpf olt, %sub3A_1734, %select_n3A_1718 : vector<128x128xf32>
    %select_n3A_1736 = arith.select %lt3A_1735, %sub3A_1734, %select_n3A_1718 : vector<128x128xi1>, vector<128x128xf32>
    %add3A_1737 = arith.constant 3.840000e+03 : f32
    %add3A_1738 = vector.broadcast %add3A_1737 : f32 to vector<1x128xf32>
    %add3A_1739 = arith.addf %convert_element_type3A_11, %add3A_1738 : vector<1x128xf32>
    %broadcast_in_dim3A_1740 = vector.shape_cast %add3A_1739 : vector<1x128xf32> to vector<1x128xf32>
    %broadcast_in_dim3A_1741 = vector.broadcast %broadcast_in_dim3A_1740 : vector<1x128xf32> to vector<128x128xf32>
    %select_n3A_1742 = arith.select %lt3A_1735, %broadcast_in_dim3A_1741, %select_n3A_1724 : vector<128x128xi1>, vector<128x128xf32>
    %get3A_1743 = arith.constant 0 : index
    %get3A_1744 = arith.constant 3968 : index
    %get3A_1745 = vector.load %arg4[%get3A_1743, %get3A_1744] : memref<1x8192xf32, #tpu.memory_space<vmem>>, vector<1x128xf32>
    %get3A_1746 = arith.constant 128 : index
    %get3A_1747 = arith.constant 3968 : index
    %get3A_1748 = vector.load %arg5[%get3A_1746, %get3A_1747] : memref<512x8192xf32, #tpu.memory_space<vmem>>, vector<128x128xf32>
    %add3A_1749 = vector.broadcast %slice3A_1180 : vector<128x1xf32> to vector<128x128xf32>
    %add3A_1750 = vector.broadcast %get3A_1745 : vector<1x128xf32> to vector<128x128xf32>
    %add3A_1751 = arith.addf %add3A_1749, %add3A_1750 : vector<128x128xf32>
    %sub3A_1752 = arith.subf %add3A_1751, %get3A_1748 : vector<128x128xf32>
    %lt3A_1753 = arith.cmpf olt, %sub3A_1752, %select_n3A_1736 : vector<128x128xf32>
    %select_n3A_1754 = arith.select %lt3A_1753, %sub3A_1752, %select_n3A_1736 : vector<128x128xi1>, vector<128x128xf32>
    %add3A_1755 = arith.constant 3.968000e+03 : f32
    %add3A_1756 = vector.broadcast %add3A_1755 : f32 to vector<1x128xf32>
    %add3A_1757 = arith.addf %convert_element_type3A_11, %add3A_1756 : vector<1x128xf32>
    %broadcast_in_dim3A_1758 = vector.shape_cast %add3A_1757 : vector<1x128xf32> to vector<1x128xf32>
    %broadcast_in_dim3A_1759 = vector.broadcast %broadcast_in_dim3A_1758 : vector<1x128xf32> to vector<128x128xf32>
    %select_n3A_1760 = arith.select %lt3A_1753, %broadcast_in_dim3A_1759, %select_n3A_1742 : vector<128x128xi1>, vector<128x128xf32>
    %get3A_1761 = arith.constant 0 : index
    %get3A_1762 = arith.constant 4096 : index
    %get3A_1763 = vector.load %arg4[%get3A_1761, %get3A_1762] : memref<1x8192xf32, #tpu.memory_space<vmem>>, vector<1x128xf32>
    %get3A_1764 = arith.constant 128 : index
    %get3A_1765 = arith.constant 4096 : index
    %get3A_1766 = vector.load %arg5[%get3A_1764, %get3A_1765] : memref<512x8192xf32, #tpu.memory_space<vmem>>, vector<128x128xf32>
    %add3A_1767 = vector.broadcast %slice3A_1180 : vector<128x1xf32> to vector<128x128xf32>
    %add3A_1768 = vector.broadcast %get3A_1763 : vector<1x128xf32> to vector<128x128xf32>
    %add3A_1769 = arith.addf %add3A_1767, %add3A_1768 : vector<128x128xf32>
    %sub3A_1770 = arith.subf %add3A_1769, %get3A_1766 : vector<128x128xf32>
    %lt3A_1771 = arith.cmpf olt, %sub3A_1770, %select_n3A_1754 : vector<128x128xf32>
    %select_n3A_1772 = arith.select %lt3A_1771, %sub3A_1770, %select_n3A_1754 : vector<128x128xi1>, vector<128x128xf32>
    %add3A_1773 = arith.constant 4.096000e+03 : f32
    %add3A_1774 = vector.broadcast %add3A_1773 : f32 to vector<1x128xf32>
    %add3A_1775 = arith.addf %convert_element_type3A_11, %add3A_1774 : vector<1x128xf32>
    %broadcast_in_dim3A_1776 = vector.shape_cast %add3A_1775 : vector<1x128xf32> to vector<1x128xf32>
    %broadcast_in_dim3A_1777 = vector.broadcast %broadcast_in_dim3A_1776 : vector<1x128xf32> to vector<128x128xf32>
    %select_n3A_1778 = arith.select %lt3A_1771, %broadcast_in_dim3A_1777, %select_n3A_1760 : vector<128x128xi1>, vector<128x128xf32>
    %get3A_1779 = arith.constant 0 : index
    %get3A_1780 = arith.constant 4224 : index
    %get3A_1781 = vector.load %arg4[%get3A_1779, %get3A_1780] : memref<1x8192xf32, #tpu.memory_space<vmem>>, vector<1x128xf32>
    %get3A_1782 = arith.constant 128 : index
    %get3A_1783 = arith.constant 4224 : index
    %get3A_1784 = vector.load %arg5[%get3A_1782, %get3A_1783] : memref<512x8192xf32, #tpu.memory_space<vmem>>, vector<128x128xf32>
    %add3A_1785 = vector.broadcast %slice3A_1180 : vector<128x1xf32> to vector<128x128xf32>
    %add3A_1786 = vector.broadcast %get3A_1781 : vector<1x128xf32> to vector<128x128xf32>
    %add3A_1787 = arith.addf %add3A_1785, %add3A_1786 : vector<128x128xf32>
    %sub3A_1788 = arith.subf %add3A_1787, %get3A_1784 : vector<128x128xf32>
    %lt3A_1789 = arith.cmpf olt, %sub3A_1788, %select_n3A_1772 : vector<128x128xf32>
    %select_n3A_1790 = arith.select %lt3A_1789, %sub3A_1788, %select_n3A_1772 : vector<128x128xi1>, vector<128x128xf32>
    %add3A_1791 = arith.constant 4.224000e+03 : f32
    %add3A_1792 = vector.broadcast %add3A_1791 : f32 to vector<1x128xf32>
    %add3A_1793 = arith.addf %convert_element_type3A_11, %add3A_1792 : vector<1x128xf32>
    %broadcast_in_dim3A_1794 = vector.shape_cast %add3A_1793 : vector<1x128xf32> to vector<1x128xf32>
    %broadcast_in_dim3A_1795 = vector.broadcast %broadcast_in_dim3A_1794 : vector<1x128xf32> to vector<128x128xf32>
    %select_n3A_1796 = arith.select %lt3A_1789, %broadcast_in_dim3A_1795, %select_n3A_1778 : vector<128x128xi1>, vector<128x128xf32>
    %get3A_1797 = arith.constant 0 : index
    %get3A_1798 = arith.constant 4352 : index
    %get3A_1799 = vector.load %arg4[%get3A_1797, %get3A_1798] : memref<1x8192xf32, #tpu.memory_space<vmem>>, vector<1x128xf32>
    %get3A_1800 = arith.constant 128 : index
    %get3A_1801 = arith.constant 4352 : index
    %get3A_1802 = vector.load %arg5[%get3A_1800, %get3A_1801] : memref<512x8192xf32, #tpu.memory_space<vmem>>, vector<128x128xf32>
    %add3A_1803 = vector.broadcast %slice3A_1180 : vector<128x1xf32> to vector<128x128xf32>
    %add3A_1804 = vector.broadcast %get3A_1799 : vector<1x128xf32> to vector<128x128xf32>
    %add3A_1805 = arith.addf %add3A_1803, %add3A_1804 : vector<128x128xf32>
    %sub3A_1806 = arith.subf %add3A_1805, %get3A_1802 : vector<128x128xf32>
    %lt3A_1807 = arith.cmpf olt, %sub3A_1806, %select_n3A_1790 : vector<128x128xf32>
    %select_n3A_1808 = arith.select %lt3A_1807, %sub3A_1806, %select_n3A_1790 : vector<128x128xi1>, vector<128x128xf32>
    %add3A_1809 = arith.constant 4.352000e+03 : f32
    %add3A_1810 = vector.broadcast %add3A_1809 : f32 to vector<1x128xf32>
    %add3A_1811 = arith.addf %convert_element_type3A_11, %add3A_1810 : vector<1x128xf32>
    %broadcast_in_dim3A_1812 = vector.shape_cast %add3A_1811 : vector<1x128xf32> to vector<1x128xf32>
    %broadcast_in_dim3A_1813 = vector.broadcast %broadcast_in_dim3A_1812 : vector<1x128xf32> to vector<128x128xf32>
    %select_n3A_1814 = arith.select %lt3A_1807, %broadcast_in_dim3A_1813, %select_n3A_1796 : vector<128x128xi1>, vector<128x128xf32>
    %get3A_1815 = arith.constant 0 : index
    %get3A_1816 = arith.constant 4480 : index
    %get3A_1817 = vector.load %arg4[%get3A_1815, %get3A_1816] : memref<1x8192xf32, #tpu.memory_space<vmem>>, vector<1x128xf32>
    %get3A_1818 = arith.constant 128 : index
    %get3A_1819 = arith.constant 4480 : index
    %get3A_1820 = vector.load %arg5[%get3A_1818, %get3A_1819] : memref<512x8192xf32, #tpu.memory_space<vmem>>, vector<128x128xf32>
    %add3A_1821 = vector.broadcast %slice3A_1180 : vector<128x1xf32> to vector<128x128xf32>
    %add3A_1822 = vector.broadcast %get3A_1817 : vector<1x128xf32> to vector<128x128xf32>
    %add3A_1823 = arith.addf %add3A_1821, %add3A_1822 : vector<128x128xf32>
    %sub3A_1824 = arith.subf %add3A_1823, %get3A_1820 : vector<128x128xf32>
    %lt3A_1825 = arith.cmpf olt, %sub3A_1824, %select_n3A_1808 : vector<128x128xf32>
    %select_n3A_1826 = arith.select %lt3A_1825, %sub3A_1824, %select_n3A_1808 : vector<128x128xi1>, vector<128x128xf32>
    %add3A_1827 = arith.constant 4.480000e+03 : f32
    %add3A_1828 = vector.broadcast %add3A_1827 : f32 to vector<1x128xf32>
    %add3A_1829 = arith.addf %convert_element_type3A_11, %add3A_1828 : vector<1x128xf32>
    %broadcast_in_dim3A_1830 = vector.shape_cast %add3A_1829 : vector<1x128xf32> to vector<1x128xf32>
    %broadcast_in_dim3A_1831 = vector.broadcast %broadcast_in_dim3A_1830 : vector<1x128xf32> to vector<128x128xf32>
    %select_n3A_1832 = arith.select %lt3A_1825, %broadcast_in_dim3A_1831, %select_n3A_1814 : vector<128x128xi1>, vector<128x128xf32>
    %get3A_1833 = arith.constant 0 : index
    %get3A_1834 = arith.constant 4608 : index
    %get3A_1835 = vector.load %arg4[%get3A_1833, %get3A_1834] : memref<1x8192xf32, #tpu.memory_space<vmem>>, vector<1x128xf32>
    %get3A_1836 = arith.constant 128 : index
    %get3A_1837 = arith.constant 4608 : index
    %get3A_1838 = vector.load %arg5[%get3A_1836, %get3A_1837] : memref<512x8192xf32, #tpu.memory_space<vmem>>, vector<128x128xf32>
    %add3A_1839 = vector.broadcast %slice3A_1180 : vector<128x1xf32> to vector<128x128xf32>
    %add3A_1840 = vector.broadcast %get3A_1835 : vector<1x128xf32> to vector<128x128xf32>
    %add3A_1841 = arith.addf %add3A_1839, %add3A_1840 : vector<128x128xf32>
    %sub3A_1842 = arith.subf %add3A_1841, %get3A_1838 : vector<128x128xf32>
    %lt3A_1843 = arith.cmpf olt, %sub3A_1842, %select_n3A_1826 : vector<128x128xf32>
    %select_n3A_1844 = arith.select %lt3A_1843, %sub3A_1842, %select_n3A_1826 : vector<128x128xi1>, vector<128x128xf32>
    %add3A_1845 = arith.constant 4.608000e+03 : f32
    %add3A_1846 = vector.broadcast %add3A_1845 : f32 to vector<1x128xf32>
    %add3A_1847 = arith.addf %convert_element_type3A_11, %add3A_1846 : vector<1x128xf32>
    %broadcast_in_dim3A_1848 = vector.shape_cast %add3A_1847 : vector<1x128xf32> to vector<1x128xf32>
    %broadcast_in_dim3A_1849 = vector.broadcast %broadcast_in_dim3A_1848 : vector<1x128xf32> to vector<128x128xf32>
    %select_n3A_1850 = arith.select %lt3A_1843, %broadcast_in_dim3A_1849, %select_n3A_1832 : vector<128x128xi1>, vector<128x128xf32>
    %get3A_1851 = arith.constant 0 : index
    %get3A_1852 = arith.constant 4736 : index
    %get3A_1853 = vector.load %arg4[%get3A_1851, %get3A_1852] : memref<1x8192xf32, #tpu.memory_space<vmem>>, vector<1x128xf32>
    %get3A_1854 = arith.constant 128 : index
    %get3A_1855 = arith.constant 4736 : index
    %get3A_1856 = vector.load %arg5[%get3A_1854, %get3A_1855] : memref<512x8192xf32, #tpu.memory_space<vmem>>, vector<128x128xf32>
    %add3A_1857 = vector.broadcast %slice3A_1180 : vector<128x1xf32> to vector<128x128xf32>
    %add3A_1858 = vector.broadcast %get3A_1853 : vector<1x128xf32> to vector<128x128xf32>
    %add3A_1859 = arith.addf %add3A_1857, %add3A_1858 : vector<128x128xf32>
    %sub3A_1860 = arith.subf %add3A_1859, %get3A_1856 : vector<128x128xf32>
    %lt3A_1861 = arith.cmpf olt, %sub3A_1860, %select_n3A_1844 : vector<128x128xf32>
    %select_n3A_1862 = arith.select %lt3A_1861, %sub3A_1860, %select_n3A_1844 : vector<128x128xi1>, vector<128x128xf32>
    %add3A_1863 = arith.constant 4.736000e+03 : f32
    %add3A_1864 = vector.broadcast %add3A_1863 : f32 to vector<1x128xf32>
    %add3A_1865 = arith.addf %convert_element_type3A_11, %add3A_1864 : vector<1x128xf32>
    %broadcast_in_dim3A_1866 = vector.shape_cast %add3A_1865 : vector<1x128xf32> to vector<1x128xf32>
    %broadcast_in_dim3A_1867 = vector.broadcast %broadcast_in_dim3A_1866 : vector<1x128xf32> to vector<128x128xf32>
    %select_n3A_1868 = arith.select %lt3A_1861, %broadcast_in_dim3A_1867, %select_n3A_1850 : vector<128x128xi1>, vector<128x128xf32>
    %get3A_1869 = arith.constant 0 : index
    %get3A_1870 = arith.constant 4864 : index
    %get3A_1871 = vector.load %arg4[%get3A_1869, %get3A_1870] : memref<1x8192xf32, #tpu.memory_space<vmem>>, vector<1x128xf32>
    %get3A_1872 = arith.constant 128 : index
    %get3A_1873 = arith.constant 4864 : index
    %get3A_1874 = vector.load %arg5[%get3A_1872, %get3A_1873] : memref<512x8192xf32, #tpu.memory_space<vmem>>, vector<128x128xf32>
    %add3A_1875 = vector.broadcast %slice3A_1180 : vector<128x1xf32> to vector<128x128xf32>
    %add3A_1876 = vector.broadcast %get3A_1871 : vector<1x128xf32> to vector<128x128xf32>
    %add3A_1877 = arith.addf %add3A_1875, %add3A_1876 : vector<128x128xf32>
    %sub3A_1878 = arith.subf %add3A_1877, %get3A_1874 : vector<128x128xf32>
    %lt3A_1879 = arith.cmpf olt, %sub3A_1878, %select_n3A_1862 : vector<128x128xf32>
    %select_n3A_1880 = arith.select %lt3A_1879, %sub3A_1878, %select_n3A_1862 : vector<128x128xi1>, vector<128x128xf32>
    %add3A_1881 = arith.constant 4.864000e+03 : f32
    %add3A_1882 = vector.broadcast %add3A_1881 : f32 to vector<1x128xf32>
    %add3A_1883 = arith.addf %convert_element_type3A_11, %add3A_1882 : vector<1x128xf32>
    %broadcast_in_dim3A_1884 = vector.shape_cast %add3A_1883 : vector<1x128xf32> to vector<1x128xf32>
    %broadcast_in_dim3A_1885 = vector.broadcast %broadcast_in_dim3A_1884 : vector<1x128xf32> to vector<128x128xf32>
    %select_n3A_1886 = arith.select %lt3A_1879, %broadcast_in_dim3A_1885, %select_n3A_1868 : vector<128x128xi1>, vector<128x128xf32>
    %get3A_1887 = arith.constant 0 : index
    %get3A_1888 = arith.constant 4992 : index
    %get3A_1889 = vector.load %arg4[%get3A_1887, %get3A_1888] : memref<1x8192xf32, #tpu.memory_space<vmem>>, vector<1x128xf32>
    %get3A_1890 = arith.constant 128 : index
    %get3A_1891 = arith.constant 4992 : index
    %get3A_1892 = vector.load %arg5[%get3A_1890, %get3A_1891] : memref<512x8192xf32, #tpu.memory_space<vmem>>, vector<128x128xf32>
    %add3A_1893 = vector.broadcast %slice3A_1180 : vector<128x1xf32> to vector<128x128xf32>
    %add3A_1894 = vector.broadcast %get3A_1889 : vector<1x128xf32> to vector<128x128xf32>
    %add3A_1895 = arith.addf %add3A_1893, %add3A_1894 : vector<128x128xf32>
    %sub3A_1896 = arith.subf %add3A_1895, %get3A_1892 : vector<128x128xf32>
    %lt3A_1897 = arith.cmpf olt, %sub3A_1896, %select_n3A_1880 : vector<128x128xf32>
    %select_n3A_1898 = arith.select %lt3A_1897, %sub3A_1896, %select_n3A_1880 : vector<128x128xi1>, vector<128x128xf32>
    %add3A_1899 = arith.constant 4.992000e+03 : f32
    %add3A_1900 = vector.broadcast %add3A_1899 : f32 to vector<1x128xf32>
    %add3A_1901 = arith.addf %convert_element_type3A_11, %add3A_1900 : vector<1x128xf32>
    %broadcast_in_dim3A_1902 = vector.shape_cast %add3A_1901 : vector<1x128xf32> to vector<1x128xf32>
    %broadcast_in_dim3A_1903 = vector.broadcast %broadcast_in_dim3A_1902 : vector<1x128xf32> to vector<128x128xf32>
    %select_n3A_1904 = arith.select %lt3A_1897, %broadcast_in_dim3A_1903, %select_n3A_1886 : vector<128x128xi1>, vector<128x128xf32>
    %get3A_1905 = arith.constant 0 : index
    %get3A_1906 = arith.constant 5120 : index
    %get3A_1907 = vector.load %arg4[%get3A_1905, %get3A_1906] : memref<1x8192xf32, #tpu.memory_space<vmem>>, vector<1x128xf32>
    %get3A_1908 = arith.constant 128 : index
    %get3A_1909 = arith.constant 5120 : index
    %get3A_1910 = vector.load %arg5[%get3A_1908, %get3A_1909] : memref<512x8192xf32, #tpu.memory_space<vmem>>, vector<128x128xf32>
    %add3A_1911 = vector.broadcast %slice3A_1180 : vector<128x1xf32> to vector<128x128xf32>
    %add3A_1912 = vector.broadcast %get3A_1907 : vector<1x128xf32> to vector<128x128xf32>
    %add3A_1913 = arith.addf %add3A_1911, %add3A_1912 : vector<128x128xf32>
    %sub3A_1914 = arith.subf %add3A_1913, %get3A_1910 : vector<128x128xf32>
    %lt3A_1915 = arith.cmpf olt, %sub3A_1914, %select_n3A_1898 : vector<128x128xf32>
    %select_n3A_1916 = arith.select %lt3A_1915, %sub3A_1914, %select_n3A_1898 : vector<128x128xi1>, vector<128x128xf32>
    %add3A_1917 = arith.constant 5.120000e+03 : f32
    %add3A_1918 = vector.broadcast %add3A_1917 : f32 to vector<1x128xf32>
    %add3A_1919 = arith.addf %convert_element_type3A_11, %add3A_1918 : vector<1x128xf32>
    %broadcast_in_dim3A_1920 = vector.shape_cast %add3A_1919 : vector<1x128xf32> to vector<1x128xf32>
    %broadcast_in_dim3A_1921 = vector.broadcast %broadcast_in_dim3A_1920 : vector<1x128xf32> to vector<128x128xf32>
    %select_n3A_1922 = arith.select %lt3A_1915, %broadcast_in_dim3A_1921, %select_n3A_1904 : vector<128x128xi1>, vector<128x128xf32>
    %get3A_1923 = arith.constant 0 : index
    %get3A_1924 = arith.constant 5248 : index
    %get3A_1925 = vector.load %arg4[%get3A_1923, %get3A_1924] : memref<1x8192xf32, #tpu.memory_space<vmem>>, vector<1x128xf32>
    %get3A_1926 = arith.constant 128 : index
    %get3A_1927 = arith.constant 5248 : index
    %get3A_1928 = vector.load %arg5[%get3A_1926, %get3A_1927] : memref<512x8192xf32, #tpu.memory_space<vmem>>, vector<128x128xf32>
    %add3A_1929 = vector.broadcast %slice3A_1180 : vector<128x1xf32> to vector<128x128xf32>
    %add3A_1930 = vector.broadcast %get3A_1925 : vector<1x128xf32> to vector<128x128xf32>
    %add3A_1931 = arith.addf %add3A_1929, %add3A_1930 : vector<128x128xf32>
    %sub3A_1932 = arith.subf %add3A_1931, %get3A_1928 : vector<128x128xf32>
    %lt3A_1933 = arith.cmpf olt, %sub3A_1932, %select_n3A_1916 : vector<128x128xf32>
    %select_n3A_1934 = arith.select %lt3A_1933, %sub3A_1932, %select_n3A_1916 : vector<128x128xi1>, vector<128x128xf32>
    %add3A_1935 = arith.constant 5.248000e+03 : f32
    %add3A_1936 = vector.broadcast %add3A_1935 : f32 to vector<1x128xf32>
    %add3A_1937 = arith.addf %convert_element_type3A_11, %add3A_1936 : vector<1x128xf32>
    %broadcast_in_dim3A_1938 = vector.shape_cast %add3A_1937 : vector<1x128xf32> to vector<1x128xf32>
    %broadcast_in_dim3A_1939 = vector.broadcast %broadcast_in_dim3A_1938 : vector<1x128xf32> to vector<128x128xf32>
    %select_n3A_1940 = arith.select %lt3A_1933, %broadcast_in_dim3A_1939, %select_n3A_1922 : vector<128x128xi1>, vector<128x128xf32>
    %get3A_1941 = arith.constant 0 : index
    %get3A_1942 = arith.constant 5376 : index
    %get3A_1943 = vector.load %arg4[%get3A_1941, %get3A_1942] : memref<1x8192xf32, #tpu.memory_space<vmem>>, vector<1x128xf32>
    %get3A_1944 = arith.constant 128 : index
    %get3A_1945 = arith.constant 5376 : index
    %get3A_1946 = vector.load %arg5[%get3A_1944, %get3A_1945] : memref<512x8192xf32, #tpu.memory_space<vmem>>, vector<128x128xf32>
    %add3A_1947 = vector.broadcast %slice3A_1180 : vector<128x1xf32> to vector<128x128xf32>
    %add3A_1948 = vector.broadcast %get3A_1943 : vector<1x128xf32> to vector<128x128xf32>
    %add3A_1949 = arith.addf %add3A_1947, %add3A_1948 : vector<128x128xf32>
    %sub3A_1950 = arith.subf %add3A_1949, %get3A_1946 : vector<128x128xf32>
    %lt3A_1951 = arith.cmpf olt, %sub3A_1950, %select_n3A_1934 : vector<128x128xf32>
    %select_n3A_1952 = arith.select %lt3A_1951, %sub3A_1950, %select_n3A_1934 : vector<128x128xi1>, vector<128x128xf32>
    %add3A_1953 = arith.constant 5.376000e+03 : f32
    %add3A_1954 = vector.broadcast %add3A_1953 : f32 to vector<1x128xf32>
    %add3A_1955 = arith.addf %convert_element_type3A_11, %add3A_1954 : vector<1x128xf32>
    %broadcast_in_dim3A_1956 = vector.shape_cast %add3A_1955 : vector<1x128xf32> to vector<1x128xf32>
    %broadcast_in_dim3A_1957 = vector.broadcast %broadcast_in_dim3A_1956 : vector<1x128xf32> to vector<128x128xf32>
    %select_n3A_1958 = arith.select %lt3A_1951, %broadcast_in_dim3A_1957, %select_n3A_1940 : vector<128x128xi1>, vector<128x128xf32>
    %get3A_1959 = arith.constant 0 : index
    %get3A_1960 = arith.constant 5504 : index
    %get3A_1961 = vector.load %arg4[%get3A_1959, %get3A_1960] : memref<1x8192xf32, #tpu.memory_space<vmem>>, vector<1x128xf32>
    %get3A_1962 = arith.constant 128 : index
    %get3A_1963 = arith.constant 5504 : index
    %get3A_1964 = vector.load %arg5[%get3A_1962, %get3A_1963] : memref<512x8192xf32, #tpu.memory_space<vmem>>, vector<128x128xf32>
    %add3A_1965 = vector.broadcast %slice3A_1180 : vector<128x1xf32> to vector<128x128xf32>
    %add3A_1966 = vector.broadcast %get3A_1961 : vector<1x128xf32> to vector<128x128xf32>
    %add3A_1967 = arith.addf %add3A_1965, %add3A_1966 : vector<128x128xf32>
    %sub3A_1968 = arith.subf %add3A_1967, %get3A_1964 : vector<128x128xf32>
    %lt3A_1969 = arith.cmpf olt, %sub3A_1968, %select_n3A_1952 : vector<128x128xf32>
    %select_n3A_1970 = arith.select %lt3A_1969, %sub3A_1968, %select_n3A_1952 : vector<128x128xi1>, vector<128x128xf32>
    %add3A_1971 = arith.constant 5.504000e+03 : f32
    %add3A_1972 = vector.broadcast %add3A_1971 : f32 to vector<1x128xf32>
    %add3A_1973 = arith.addf %convert_element_type3A_11, %add3A_1972 : vector<1x128xf32>
    %broadcast_in_dim3A_1974 = vector.shape_cast %add3A_1973 : vector<1x128xf32> to vector<1x128xf32>
    %broadcast_in_dim3A_1975 = vector.broadcast %broadcast_in_dim3A_1974 : vector<1x128xf32> to vector<128x128xf32>
    %select_n3A_1976 = arith.select %lt3A_1969, %broadcast_in_dim3A_1975, %select_n3A_1958 : vector<128x128xi1>, vector<128x128xf32>
    %get3A_1977 = arith.constant 0 : index
    %get3A_1978 = arith.constant 5632 : index
    %get3A_1979 = vector.load %arg4[%get3A_1977, %get3A_1978] : memref<1x8192xf32, #tpu.memory_space<vmem>>, vector<1x128xf32>
    %get3A_1980 = arith.constant 128 : index
    %get3A_1981 = arith.constant 5632 : index
    %get3A_1982 = vector.load %arg5[%get3A_1980, %get3A_1981] : memref<512x8192xf32, #tpu.memory_space<vmem>>, vector<128x128xf32>
    %add3A_1983 = vector.broadcast %slice3A_1180 : vector<128x1xf32> to vector<128x128xf32>
    %add3A_1984 = vector.broadcast %get3A_1979 : vector<1x128xf32> to vector<128x128xf32>
    %add3A_1985 = arith.addf %add3A_1983, %add3A_1984 : vector<128x128xf32>
    %sub3A_1986 = arith.subf %add3A_1985, %get3A_1982 : vector<128x128xf32>
    %lt3A_1987 = arith.cmpf olt, %sub3A_1986, %select_n3A_1970 : vector<128x128xf32>
    %select_n3A_1988 = arith.select %lt3A_1987, %sub3A_1986, %select_n3A_1970 : vector<128x128xi1>, vector<128x128xf32>
    %add3A_1989 = arith.constant 5.632000e+03 : f32
    %add3A_1990 = vector.broadcast %add3A_1989 : f32 to vector<1x128xf32>
    %add3A_1991 = arith.addf %convert_element_type3A_11, %add3A_1990 : vector<1x128xf32>
    %broadcast_in_dim3A_1992 = vector.shape_cast %add3A_1991 : vector<1x128xf32> to vector<1x128xf32>
    %broadcast_in_dim3A_1993 = vector.broadcast %broadcast_in_dim3A_1992 : vector<1x128xf32> to vector<128x128xf32>
    %select_n3A_1994 = arith.select %lt3A_1987, %broadcast_in_dim3A_1993, %select_n3A_1976 : vector<128x128xi1>, vector<128x128xf32>
    %get3A_1995 = arith.constant 0 : index
    %get3A_1996 = arith.constant 5760 : index
    %get3A_1997 = vector.load %arg4[%get3A_1995, %get3A_1996] : memref<1x8192xf32, #tpu.memory_space<vmem>>, vector<1x128xf32>
    %get3A_1998 = arith.constant 128 : index
    %get3A_1999 = arith.constant 5760 : index
    %get3A_2000 = vector.load %arg5[%get3A_1998, %get3A_1999] : memref<512x8192xf32, #tpu.memory_space<vmem>>, vector<128x128xf32>
    %add3A_2001 = vector.broadcast %slice3A_1180 : vector<128x1xf32> to vector<128x128xf32>
    %add3A_2002 = vector.broadcast %get3A_1997 : vector<1x128xf32> to vector<128x128xf32>
    %add3A_2003 = arith.addf %add3A_2001, %add3A_2002 : vector<128x128xf32>
    %sub3A_2004 = arith.subf %add3A_2003, %get3A_2000 : vector<128x128xf32>
    %lt3A_2005 = arith.cmpf olt, %sub3A_2004, %select_n3A_1988 : vector<128x128xf32>
    %select_n3A_2006 = arith.select %lt3A_2005, %sub3A_2004, %select_n3A_1988 : vector<128x128xi1>, vector<128x128xf32>
    %add3A_2007 = arith.constant 5.760000e+03 : f32
    %add3A_2008 = vector.broadcast %add3A_2007 : f32 to vector<1x128xf32>
    %add3A_2009 = arith.addf %convert_element_type3A_11, %add3A_2008 : vector<1x128xf32>
    %broadcast_in_dim3A_2010 = vector.shape_cast %add3A_2009 : vector<1x128xf32> to vector<1x128xf32>
    %broadcast_in_dim3A_2011 = vector.broadcast %broadcast_in_dim3A_2010 : vector<1x128xf32> to vector<128x128xf32>
    %select_n3A_2012 = arith.select %lt3A_2005, %broadcast_in_dim3A_2011, %select_n3A_1994 : vector<128x128xi1>, vector<128x128xf32>
    %get3A_2013 = arith.constant 0 : index
    %get3A_2014 = arith.constant 5888 : index
    %get3A_2015 = vector.load %arg4[%get3A_2013, %get3A_2014] : memref<1x8192xf32, #tpu.memory_space<vmem>>, vector<1x128xf32>
    %get3A_2016 = arith.constant 128 : index
    %get3A_2017 = arith.constant 5888 : index
    %get3A_2018 = vector.load %arg5[%get3A_2016, %get3A_2017] : memref<512x8192xf32, #tpu.memory_space<vmem>>, vector<128x128xf32>
    %add3A_2019 = vector.broadcast %slice3A_1180 : vector<128x1xf32> to vector<128x128xf32>
    %add3A_2020 = vector.broadcast %get3A_2015 : vector<1x128xf32> to vector<128x128xf32>
    %add3A_2021 = arith.addf %add3A_2019, %add3A_2020 : vector<128x128xf32>
    %sub3A_2022 = arith.subf %add3A_2021, %get3A_2018 : vector<128x128xf32>
    %lt3A_2023 = arith.cmpf olt, %sub3A_2022, %select_n3A_2006 : vector<128x128xf32>
    %select_n3A_2024 = arith.select %lt3A_2023, %sub3A_2022, %select_n3A_2006 : vector<128x128xi1>, vector<128x128xf32>
    %add3A_2025 = arith.constant 5.888000e+03 : f32
    %add3A_2026 = vector.broadcast %add3A_2025 : f32 to vector<1x128xf32>
    %add3A_2027 = arith.addf %convert_element_type3A_11, %add3A_2026 : vector<1x128xf32>
    %broadcast_in_dim3A_2028 = vector.shape_cast %add3A_2027 : vector<1x128xf32> to vector<1x128xf32>
    %broadcast_in_dim3A_2029 = vector.broadcast %broadcast_in_dim3A_2028 : vector<1x128xf32> to vector<128x128xf32>
    %select_n3A_2030 = arith.select %lt3A_2023, %broadcast_in_dim3A_2029, %select_n3A_2012 : vector<128x128xi1>, vector<128x128xf32>
    %get3A_2031 = arith.constant 0 : index
    %get3A_2032 = arith.constant 6016 : index
    %get3A_2033 = vector.load %arg4[%get3A_2031, %get3A_2032] : memref<1x8192xf32, #tpu.memory_space<vmem>>, vector<1x128xf32>
    %get3A_2034 = arith.constant 128 : index
    %get3A_2035 = arith.constant 6016 : index
    %get3A_2036 = vector.load %arg5[%get3A_2034, %get3A_2035] : memref<512x8192xf32, #tpu.memory_space<vmem>>, vector<128x128xf32>
    %add3A_2037 = vector.broadcast %slice3A_1180 : vector<128x1xf32> to vector<128x128xf32>
    %add3A_2038 = vector.broadcast %get3A_2033 : vector<1x128xf32> to vector<128x128xf32>
    %add3A_2039 = arith.addf %add3A_2037, %add3A_2038 : vector<128x128xf32>
    %sub3A_2040 = arith.subf %add3A_2039, %get3A_2036 : vector<128x128xf32>
    %lt3A_2041 = arith.cmpf olt, %sub3A_2040, %select_n3A_2024 : vector<128x128xf32>
    %select_n3A_2042 = arith.select %lt3A_2041, %sub3A_2040, %select_n3A_2024 : vector<128x128xi1>, vector<128x128xf32>
    %add3A_2043 = arith.constant 6.016000e+03 : f32
    %add3A_2044 = vector.broadcast %add3A_2043 : f32 to vector<1x128xf32>
    %add3A_2045 = arith.addf %convert_element_type3A_11, %add3A_2044 : vector<1x128xf32>
    %broadcast_in_dim3A_2046 = vector.shape_cast %add3A_2045 : vector<1x128xf32> to vector<1x128xf32>
    %broadcast_in_dim3A_2047 = vector.broadcast %broadcast_in_dim3A_2046 : vector<1x128xf32> to vector<128x128xf32>
    %select_n3A_2048 = arith.select %lt3A_2041, %broadcast_in_dim3A_2047, %select_n3A_2030 : vector<128x128xi1>, vector<128x128xf32>
    %get3A_2049 = arith.constant 0 : index
    %get3A_2050 = arith.constant 6144 : index
    %get3A_2051 = vector.load %arg4[%get3A_2049, %get3A_2050] : memref<1x8192xf32, #tpu.memory_space<vmem>>, vector<1x128xf32>
    %get3A_2052 = arith.constant 128 : index
    %get3A_2053 = arith.constant 6144 : index
    %get3A_2054 = vector.load %arg5[%get3A_2052, %get3A_2053] : memref<512x8192xf32, #tpu.memory_space<vmem>>, vector<128x128xf32>
    %add3A_2055 = vector.broadcast %slice3A_1180 : vector<128x1xf32> to vector<128x128xf32>
    %add3A_2056 = vector.broadcast %get3A_2051 : vector<1x128xf32> to vector<128x128xf32>
    %add3A_2057 = arith.addf %add3A_2055, %add3A_2056 : vector<128x128xf32>
    %sub3A_2058 = arith.subf %add3A_2057, %get3A_2054 : vector<128x128xf32>
    %lt3A_2059 = arith.cmpf olt, %sub3A_2058, %select_n3A_2042 : vector<128x128xf32>
    %select_n3A_2060 = arith.select %lt3A_2059, %sub3A_2058, %select_n3A_2042 : vector<128x128xi1>, vector<128x128xf32>
    %add3A_2061 = arith.constant 6.144000e+03 : f32
    %add3A_2062 = vector.broadcast %add3A_2061 : f32 to vector<1x128xf32>
    %add3A_2063 = arith.addf %convert_element_type3A_11, %add3A_2062 : vector<1x128xf32>
    %broadcast_in_dim3A_2064 = vector.shape_cast %add3A_2063 : vector<1x128xf32> to vector<1x128xf32>
    %broadcast_in_dim3A_2065 = vector.broadcast %broadcast_in_dim3A_2064 : vector<1x128xf32> to vector<128x128xf32>
    %select_n3A_2066 = arith.select %lt3A_2059, %broadcast_in_dim3A_2065, %select_n3A_2048 : vector<128x128xi1>, vector<128x128xf32>
    %get3A_2067 = arith.constant 0 : index
    %get3A_2068 = arith.constant 6272 : index
    %get3A_2069 = vector.load %arg4[%get3A_2067, %get3A_2068] : memref<1x8192xf32, #tpu.memory_space<vmem>>, vector<1x128xf32>
    %get3A_2070 = arith.constant 128 : index
    %get3A_2071 = arith.constant 6272 : index
    %get3A_2072 = vector.load %arg5[%get3A_2070, %get3A_2071] : memref<512x8192xf32, #tpu.memory_space<vmem>>, vector<128x128xf32>
    %add3A_2073 = vector.broadcast %slice3A_1180 : vector<128x1xf32> to vector<128x128xf32>
    %add3A_2074 = vector.broadcast %get3A_2069 : vector<1x128xf32> to vector<128x128xf32>
    %add3A_2075 = arith.addf %add3A_2073, %add3A_2074 : vector<128x128xf32>
    %sub3A_2076 = arith.subf %add3A_2075, %get3A_2072 : vector<128x128xf32>
    %lt3A_2077 = arith.cmpf olt, %sub3A_2076, %select_n3A_2060 : vector<128x128xf32>
    %select_n3A_2078 = arith.select %lt3A_2077, %sub3A_2076, %select_n3A_2060 : vector<128x128xi1>, vector<128x128xf32>
    %add3A_2079 = arith.constant 6.272000e+03 : f32
    %add3A_2080 = vector.broadcast %add3A_2079 : f32 to vector<1x128xf32>
    %add3A_2081 = arith.addf %convert_element_type3A_11, %add3A_2080 : vector<1x128xf32>
    %broadcast_in_dim3A_2082 = vector.shape_cast %add3A_2081 : vector<1x128xf32> to vector<1x128xf32>
    %broadcast_in_dim3A_2083 = vector.broadcast %broadcast_in_dim3A_2082 : vector<1x128xf32> to vector<128x128xf32>
    %select_n3A_2084 = arith.select %lt3A_2077, %broadcast_in_dim3A_2083, %select_n3A_2066 : vector<128x128xi1>, vector<128x128xf32>
    %get3A_2085 = arith.constant 0 : index
    %get3A_2086 = arith.constant 6400 : index
    %get3A_2087 = vector.load %arg4[%get3A_2085, %get3A_2086] : memref<1x8192xf32, #tpu.memory_space<vmem>>, vector<1x128xf32>
    %get3A_2088 = arith.constant 128 : index
    %get3A_2089 = arith.constant 6400 : index
    %get3A_2090 = vector.load %arg5[%get3A_2088, %get3A_2089] : memref<512x8192xf32, #tpu.memory_space<vmem>>, vector<128x128xf32>
    %add3A_2091 = vector.broadcast %slice3A_1180 : vector<128x1xf32> to vector<128x128xf32>
    %add3A_2092 = vector.broadcast %get3A_2087 : vector<1x128xf32> to vector<128x128xf32>
    %add3A_2093 = arith.addf %add3A_2091, %add3A_2092 : vector<128x128xf32>
    %sub3A_2094 = arith.subf %add3A_2093, %get3A_2090 : vector<128x128xf32>
    %lt3A_2095 = arith.cmpf olt, %sub3A_2094, %select_n3A_2078 : vector<128x128xf32>
    %select_n3A_2096 = arith.select %lt3A_2095, %sub3A_2094, %select_n3A_2078 : vector<128x128xi1>, vector<128x128xf32>
    %add3A_2097 = arith.constant 6.400000e+03 : f32
    %add3A_2098 = vector.broadcast %add3A_2097 : f32 to vector<1x128xf32>
    %add3A_2099 = arith.addf %convert_element_type3A_11, %add3A_2098 : vector<1x128xf32>
    %broadcast_in_dim3A_2100 = vector.shape_cast %add3A_2099 : vector<1x128xf32> to vector<1x128xf32>
    %broadcast_in_dim3A_2101 = vector.broadcast %broadcast_in_dim3A_2100 : vector<1x128xf32> to vector<128x128xf32>
    %select_n3A_2102 = arith.select %lt3A_2095, %broadcast_in_dim3A_2101, %select_n3A_2084 : vector<128x128xi1>, vector<128x128xf32>
    %get3A_2103 = arith.constant 0 : index
    %get3A_2104 = arith.constant 6528 : index
    %get3A_2105 = vector.load %arg4[%get3A_2103, %get3A_2104] : memref<1x8192xf32, #tpu.memory_space<vmem>>, vector<1x128xf32>
    %get3A_2106 = arith.constant 128 : index
    %get3A_2107 = arith.constant 6528 : index
    %get3A_2108 = vector.load %arg5[%get3A_2106, %get3A_2107] : memref<512x8192xf32, #tpu.memory_space<vmem>>, vector<128x128xf32>
    %add3A_2109 = vector.broadcast %slice3A_1180 : vector<128x1xf32> to vector<128x128xf32>
    %add3A_2110 = vector.broadcast %get3A_2105 : vector<1x128xf32> to vector<128x128xf32>
    %add3A_2111 = arith.addf %add3A_2109, %add3A_2110 : vector<128x128xf32>
    %sub3A_2112 = arith.subf %add3A_2111, %get3A_2108 : vector<128x128xf32>
    %lt3A_2113 = arith.cmpf olt, %sub3A_2112, %select_n3A_2096 : vector<128x128xf32>
    %select_n3A_2114 = arith.select %lt3A_2113, %sub3A_2112, %select_n3A_2096 : vector<128x128xi1>, vector<128x128xf32>
    %add3A_2115 = arith.constant 6.528000e+03 : f32
    %add3A_2116 = vector.broadcast %add3A_2115 : f32 to vector<1x128xf32>
    %add3A_2117 = arith.addf %convert_element_type3A_11, %add3A_2116 : vector<1x128xf32>
    %broadcast_in_dim3A_2118 = vector.shape_cast %add3A_2117 : vector<1x128xf32> to vector<1x128xf32>
    %broadcast_in_dim3A_2119 = vector.broadcast %broadcast_in_dim3A_2118 : vector<1x128xf32> to vector<128x128xf32>
    %select_n3A_2120 = arith.select %lt3A_2113, %broadcast_in_dim3A_2119, %select_n3A_2102 : vector<128x128xi1>, vector<128x128xf32>
    %get3A_2121 = arith.constant 0 : index
    %get3A_2122 = arith.constant 6656 : index
    %get3A_2123 = vector.load %arg4[%get3A_2121, %get3A_2122] : memref<1x8192xf32, #tpu.memory_space<vmem>>, vector<1x128xf32>
    %get3A_2124 = arith.constant 128 : index
    %get3A_2125 = arith.constant 6656 : index
    %get3A_2126 = vector.load %arg5[%get3A_2124, %get3A_2125] : memref<512x8192xf32, #tpu.memory_space<vmem>>, vector<128x128xf32>
    %add3A_2127 = vector.broadcast %slice3A_1180 : vector<128x1xf32> to vector<128x128xf32>
    %add3A_2128 = vector.broadcast %get3A_2123 : vector<1x128xf32> to vector<128x128xf32>
    %add3A_2129 = arith.addf %add3A_2127, %add3A_2128 : vector<128x128xf32>
    %sub3A_2130 = arith.subf %add3A_2129, %get3A_2126 : vector<128x128xf32>
    %lt3A_2131 = arith.cmpf olt, %sub3A_2130, %select_n3A_2114 : vector<128x128xf32>
    %select_n3A_2132 = arith.select %lt3A_2131, %sub3A_2130, %select_n3A_2114 : vector<128x128xi1>, vector<128x128xf32>
    %add3A_2133 = arith.constant 6.656000e+03 : f32
    %add3A_2134 = vector.broadcast %add3A_2133 : f32 to vector<1x128xf32>
    %add3A_2135 = arith.addf %convert_element_type3A_11, %add3A_2134 : vector<1x128xf32>
    %broadcast_in_dim3A_2136 = vector.shape_cast %add3A_2135 : vector<1x128xf32> to vector<1x128xf32>
    %broadcast_in_dim3A_2137 = vector.broadcast %broadcast_in_dim3A_2136 : vector<1x128xf32> to vector<128x128xf32>
    %select_n3A_2138 = arith.select %lt3A_2131, %broadcast_in_dim3A_2137, %select_n3A_2120 : vector<128x128xi1>, vector<128x128xf32>
    %get3A_2139 = arith.constant 0 : index
    %get3A_2140 = arith.constant 6784 : index
    %get3A_2141 = vector.load %arg4[%get3A_2139, %get3A_2140] : memref<1x8192xf32, #tpu.memory_space<vmem>>, vector<1x128xf32>
    %get3A_2142 = arith.constant 128 : index
    %get3A_2143 = arith.constant 6784 : index
    %get3A_2144 = vector.load %arg5[%get3A_2142, %get3A_2143] : memref<512x8192xf32, #tpu.memory_space<vmem>>, vector<128x128xf32>
    %add3A_2145 = vector.broadcast %slice3A_1180 : vector<128x1xf32> to vector<128x128xf32>
    %add3A_2146 = vector.broadcast %get3A_2141 : vector<1x128xf32> to vector<128x128xf32>
    %add3A_2147 = arith.addf %add3A_2145, %add3A_2146 : vector<128x128xf32>
    %sub3A_2148 = arith.subf %add3A_2147, %get3A_2144 : vector<128x128xf32>
    %lt3A_2149 = arith.cmpf olt, %sub3A_2148, %select_n3A_2132 : vector<128x128xf32>
    %select_n3A_2150 = arith.select %lt3A_2149, %sub3A_2148, %select_n3A_2132 : vector<128x128xi1>, vector<128x128xf32>
    %add3A_2151 = arith.constant 6.784000e+03 : f32
    %add3A_2152 = vector.broadcast %add3A_2151 : f32 to vector<1x128xf32>
    %add3A_2153 = arith.addf %convert_element_type3A_11, %add3A_2152 : vector<1x128xf32>
    %broadcast_in_dim3A_2154 = vector.shape_cast %add3A_2153 : vector<1x128xf32> to vector<1x128xf32>
    %broadcast_in_dim3A_2155 = vector.broadcast %broadcast_in_dim3A_2154 : vector<1x128xf32> to vector<128x128xf32>
    %select_n3A_2156 = arith.select %lt3A_2149, %broadcast_in_dim3A_2155, %select_n3A_2138 : vector<128x128xi1>, vector<128x128xf32>
    %get3A_2157 = arith.constant 0 : index
    %get3A_2158 = arith.constant 6912 : index
    %get3A_2159 = vector.load %arg4[%get3A_2157, %get3A_2158] : memref<1x8192xf32, #tpu.memory_space<vmem>>, vector<1x128xf32>
    %get3A_2160 = arith.constant 128 : index
    %get3A_2161 = arith.constant 6912 : index
    %get3A_2162 = vector.load %arg5[%get3A_2160, %get3A_2161] : memref<512x8192xf32, #tpu.memory_space<vmem>>, vector<128x128xf32>
    %add3A_2163 = vector.broadcast %slice3A_1180 : vector<128x1xf32> to vector<128x128xf32>
    %add3A_2164 = vector.broadcast %get3A_2159 : vector<1x128xf32> to vector<128x128xf32>
    %add3A_2165 = arith.addf %add3A_2163, %add3A_2164 : vector<128x128xf32>
    %sub3A_2166 = arith.subf %add3A_2165, %get3A_2162 : vector<128x128xf32>
    %lt3A_2167 = arith.cmpf olt, %sub3A_2166, %select_n3A_2150 : vector<128x128xf32>
    %select_n3A_2168 = arith.select %lt3A_2167, %sub3A_2166, %select_n3A_2150 : vector<128x128xi1>, vector<128x128xf32>
    %add3A_2169 = arith.constant 6.912000e+03 : f32
    %add3A_2170 = vector.broadcast %add3A_2169 : f32 to vector<1x128xf32>
    %add3A_2171 = arith.addf %convert_element_type3A_11, %add3A_2170 : vector<1x128xf32>
    %broadcast_in_dim3A_2172 = vector.shape_cast %add3A_2171 : vector<1x128xf32> to vector<1x128xf32>
    %broadcast_in_dim3A_2173 = vector.broadcast %broadcast_in_dim3A_2172 : vector<1x128xf32> to vector<128x128xf32>
    %select_n3A_2174 = arith.select %lt3A_2167, %broadcast_in_dim3A_2173, %select_n3A_2156 : vector<128x128xi1>, vector<128x128xf32>
    %get3A_2175 = arith.constant 0 : index
    %get3A_2176 = arith.constant 7040 : index
    %get3A_2177 = vector.load %arg4[%get3A_2175, %get3A_2176] : memref<1x8192xf32, #tpu.memory_space<vmem>>, vector<1x128xf32>
    %get3A_2178 = arith.constant 128 : index
    %get3A_2179 = arith.constant 7040 : index
    %get3A_2180 = vector.load %arg5[%get3A_2178, %get3A_2179] : memref<512x8192xf32, #tpu.memory_space<vmem>>, vector<128x128xf32>
    %add3A_2181 = vector.broadcast %slice3A_1180 : vector<128x1xf32> to vector<128x128xf32>
    %add3A_2182 = vector.broadcast %get3A_2177 : vector<1x128xf32> to vector<128x128xf32>
    %add3A_2183 = arith.addf %add3A_2181, %add3A_2182 : vector<128x128xf32>
    %sub3A_2184 = arith.subf %add3A_2183, %get3A_2180 : vector<128x128xf32>
    %lt3A_2185 = arith.cmpf olt, %sub3A_2184, %select_n3A_2168 : vector<128x128xf32>
    %select_n3A_2186 = arith.select %lt3A_2185, %sub3A_2184, %select_n3A_2168 : vector<128x128xi1>, vector<128x128xf32>
    %add3A_2187 = arith.constant 7.040000e+03 : f32
    %add3A_2188 = vector.broadcast %add3A_2187 : f32 to vector<1x128xf32>
    %add3A_2189 = arith.addf %convert_element_type3A_11, %add3A_2188 : vector<1x128xf32>
    %broadcast_in_dim3A_2190 = vector.shape_cast %add3A_2189 : vector<1x128xf32> to vector<1x128xf32>
    %broadcast_in_dim3A_2191 = vector.broadcast %broadcast_in_dim3A_2190 : vector<1x128xf32> to vector<128x128xf32>
    %select_n3A_2192 = arith.select %lt3A_2185, %broadcast_in_dim3A_2191, %select_n3A_2174 : vector<128x128xi1>, vector<128x128xf32>
    %get3A_2193 = arith.constant 0 : index
    %get3A_2194 = arith.constant 7168 : index
    %get3A_2195 = vector.load %arg4[%get3A_2193, %get3A_2194] : memref<1x8192xf32, #tpu.memory_space<vmem>>, vector<1x128xf32>
    %get3A_2196 = arith.constant 128 : index
    %get3A_2197 = arith.constant 7168 : index
    %get3A_2198 = vector.load %arg5[%get3A_2196, %get3A_2197] : memref<512x8192xf32, #tpu.memory_space<vmem>>, vector<128x128xf32>
    %add3A_2199 = vector.broadcast %slice3A_1180 : vector<128x1xf32> to vector<128x128xf32>
    %add3A_2200 = vector.broadcast %get3A_2195 : vector<1x128xf32> to vector<128x128xf32>
    %add3A_2201 = arith.addf %add3A_2199, %add3A_2200 : vector<128x128xf32>
    %sub3A_2202 = arith.subf %add3A_2201, %get3A_2198 : vector<128x128xf32>
    %lt3A_2203 = arith.cmpf olt, %sub3A_2202, %select_n3A_2186 : vector<128x128xf32>
    %select_n3A_2204 = arith.select %lt3A_2203, %sub3A_2202, %select_n3A_2186 : vector<128x128xi1>, vector<128x128xf32>
    %add3A_2205 = arith.constant 7.168000e+03 : f32
    %add3A_2206 = vector.broadcast %add3A_2205 : f32 to vector<1x128xf32>
    %add3A_2207 = arith.addf %convert_element_type3A_11, %add3A_2206 : vector<1x128xf32>
    %broadcast_in_dim3A_2208 = vector.shape_cast %add3A_2207 : vector<1x128xf32> to vector<1x128xf32>
    %broadcast_in_dim3A_2209 = vector.broadcast %broadcast_in_dim3A_2208 : vector<1x128xf32> to vector<128x128xf32>
    %select_n3A_2210 = arith.select %lt3A_2203, %broadcast_in_dim3A_2209, %select_n3A_2192 : vector<128x128xi1>, vector<128x128xf32>
    %get3A_2211 = arith.constant 0 : index
    %get3A_2212 = arith.constant 7296 : index
    %get3A_2213 = vector.load %arg4[%get3A_2211, %get3A_2212] : memref<1x8192xf32, #tpu.memory_space<vmem>>, vector<1x128xf32>
    %get3A_2214 = arith.constant 128 : index
    %get3A_2215 = arith.constant 7296 : index
    %get3A_2216 = vector.load %arg5[%get3A_2214, %get3A_2215] : memref<512x8192xf32, #tpu.memory_space<vmem>>, vector<128x128xf32>
    %add3A_2217 = vector.broadcast %slice3A_1180 : vector<128x1xf32> to vector<128x128xf32>
    %add3A_2218 = vector.broadcast %get3A_2213 : vector<1x128xf32> to vector<128x128xf32>
    %add3A_2219 = arith.addf %add3A_2217, %add3A_2218 : vector<128x128xf32>
    %sub3A_2220 = arith.subf %add3A_2219, %get3A_2216 : vector<128x128xf32>
    %lt3A_2221 = arith.cmpf olt, %sub3A_2220, %select_n3A_2204 : vector<128x128xf32>
    %select_n3A_2222 = arith.select %lt3A_2221, %sub3A_2220, %select_n3A_2204 : vector<128x128xi1>, vector<128x128xf32>
    %add3A_2223 = arith.constant 7.296000e+03 : f32
    %add3A_2224 = vector.broadcast %add3A_2223 : f32 to vector<1x128xf32>
    %add3A_2225 = arith.addf %convert_element_type3A_11, %add3A_2224 : vector<1x128xf32>
    %broadcast_in_dim3A_2226 = vector.shape_cast %add3A_2225 : vector<1x128xf32> to vector<1x128xf32>
    %broadcast_in_dim3A_2227 = vector.broadcast %broadcast_in_dim3A_2226 : vector<1x128xf32> to vector<128x128xf32>
    %select_n3A_2228 = arith.select %lt3A_2221, %broadcast_in_dim3A_2227, %select_n3A_2210 : vector<128x128xi1>, vector<128x128xf32>
    %get3A_2229 = arith.constant 0 : index
    %get3A_2230 = arith.constant 7424 : index
    %get3A_2231 = vector.load %arg4[%get3A_2229, %get3A_2230] : memref<1x8192xf32, #tpu.memory_space<vmem>>, vector<1x128xf32>
    %get3A_2232 = arith.constant 128 : index
    %get3A_2233 = arith.constant 7424 : index
    %get3A_2234 = vector.load %arg5[%get3A_2232, %get3A_2233] : memref<512x8192xf32, #tpu.memory_space<vmem>>, vector<128x128xf32>
    %add3A_2235 = vector.broadcast %slice3A_1180 : vector<128x1xf32> to vector<128x128xf32>
    %add3A_2236 = vector.broadcast %get3A_2231 : vector<1x128xf32> to vector<128x128xf32>
    %add3A_2237 = arith.addf %add3A_2235, %add3A_2236 : vector<128x128xf32>
    %sub3A_2238 = arith.subf %add3A_2237, %get3A_2234 : vector<128x128xf32>
    %lt3A_2239 = arith.cmpf olt, %sub3A_2238, %select_n3A_2222 : vector<128x128xf32>
    %select_n3A_2240 = arith.select %lt3A_2239, %sub3A_2238, %select_n3A_2222 : vector<128x128xi1>, vector<128x128xf32>
    %add3A_2241 = arith.constant 7.424000e+03 : f32
    %add3A_2242 = vector.broadcast %add3A_2241 : f32 to vector<1x128xf32>
    %add3A_2243 = arith.addf %convert_element_type3A_11, %add3A_2242 : vector<1x128xf32>
    %broadcast_in_dim3A_2244 = vector.shape_cast %add3A_2243 : vector<1x128xf32> to vector<1x128xf32>
    %broadcast_in_dim3A_2245 = vector.broadcast %broadcast_in_dim3A_2244 : vector<1x128xf32> to vector<128x128xf32>
    %select_n3A_2246 = arith.select %lt3A_2239, %broadcast_in_dim3A_2245, %select_n3A_2228 : vector<128x128xi1>, vector<128x128xf32>
    %get3A_2247 = arith.constant 0 : index
    %get3A_2248 = arith.constant 7552 : index
    %get3A_2249 = vector.load %arg4[%get3A_2247, %get3A_2248] : memref<1x8192xf32, #tpu.memory_space<vmem>>, vector<1x128xf32>
    %get3A_2250 = arith.constant 128 : index
    %get3A_2251 = arith.constant 7552 : index
    %get3A_2252 = vector.load %arg5[%get3A_2250, %get3A_2251] : memref<512x8192xf32, #tpu.memory_space<vmem>>, vector<128x128xf32>
    %add3A_2253 = vector.broadcast %slice3A_1180 : vector<128x1xf32> to vector<128x128xf32>
    %add3A_2254 = vector.broadcast %get3A_2249 : vector<1x128xf32> to vector<128x128xf32>
    %add3A_2255 = arith.addf %add3A_2253, %add3A_2254 : vector<128x128xf32>
    %sub3A_2256 = arith.subf %add3A_2255, %get3A_2252 : vector<128x128xf32>
    %lt3A_2257 = arith.cmpf olt, %sub3A_2256, %select_n3A_2240 : vector<128x128xf32>
    %select_n3A_2258 = arith.select %lt3A_2257, %sub3A_2256, %select_n3A_2240 : vector<128x128xi1>, vector<128x128xf32>
    %add3A_2259 = arith.constant 7.552000e+03 : f32
    %add3A_2260 = vector.broadcast %add3A_2259 : f32 to vector<1x128xf32>
    %add3A_2261 = arith.addf %convert_element_type3A_11, %add3A_2260 : vector<1x128xf32>
    %broadcast_in_dim3A_2262 = vector.shape_cast %add3A_2261 : vector<1x128xf32> to vector<1x128xf32>
    %broadcast_in_dim3A_2263 = vector.broadcast %broadcast_in_dim3A_2262 : vector<1x128xf32> to vector<128x128xf32>
    %select_n3A_2264 = arith.select %lt3A_2257, %broadcast_in_dim3A_2263, %select_n3A_2246 : vector<128x128xi1>, vector<128x128xf32>
    %get3A_2265 = arith.constant 0 : index
    %get3A_2266 = arith.constant 7680 : index
    %get3A_2267 = vector.load %arg4[%get3A_2265, %get3A_2266] : memref<1x8192xf32, #tpu.memory_space<vmem>>, vector<1x128xf32>
    %get3A_2268 = arith.constant 128 : index
    %get3A_2269 = arith.constant 7680 : index
    %get3A_2270 = vector.load %arg5[%get3A_2268, %get3A_2269] : memref<512x8192xf32, #tpu.memory_space<vmem>>, vector<128x128xf32>
    %add3A_2271 = vector.broadcast %slice3A_1180 : vector<128x1xf32> to vector<128x128xf32>
    %add3A_2272 = vector.broadcast %get3A_2267 : vector<1x128xf32> to vector<128x128xf32>
    %add3A_2273 = arith.addf %add3A_2271, %add3A_2272 : vector<128x128xf32>
    %sub3A_2274 = arith.subf %add3A_2273, %get3A_2270 : vector<128x128xf32>
    %lt3A_2275 = arith.cmpf olt, %sub3A_2274, %select_n3A_2258 : vector<128x128xf32>
    %select_n3A_2276 = arith.select %lt3A_2275, %sub3A_2274, %select_n3A_2258 : vector<128x128xi1>, vector<128x128xf32>
    %add3A_2277 = arith.constant 7.680000e+03 : f32
    %add3A_2278 = vector.broadcast %add3A_2277 : f32 to vector<1x128xf32>
    %add3A_2279 = arith.addf %convert_element_type3A_11, %add3A_2278 : vector<1x128xf32>
    %broadcast_in_dim3A_2280 = vector.shape_cast %add3A_2279 : vector<1x128xf32> to vector<1x128xf32>
    %broadcast_in_dim3A_2281 = vector.broadcast %broadcast_in_dim3A_2280 : vector<1x128xf32> to vector<128x128xf32>
    %select_n3A_2282 = arith.select %lt3A_2275, %broadcast_in_dim3A_2281, %select_n3A_2264 : vector<128x128xi1>, vector<128x128xf32>
    %get3A_2283 = arith.constant 0 : index
    %get3A_2284 = arith.constant 7808 : index
    %get3A_2285 = vector.load %arg4[%get3A_2283, %get3A_2284] : memref<1x8192xf32, #tpu.memory_space<vmem>>, vector<1x128xf32>
    %get3A_2286 = arith.constant 128 : index
    %get3A_2287 = arith.constant 7808 : index
    %get3A_2288 = vector.load %arg5[%get3A_2286, %get3A_2287] : memref<512x8192xf32, #tpu.memory_space<vmem>>, vector<128x128xf32>
    %add3A_2289 = vector.broadcast %slice3A_1180 : vector<128x1xf32> to vector<128x128xf32>
    %add3A_2290 = vector.broadcast %get3A_2285 : vector<1x128xf32> to vector<128x128xf32>
    %add3A_2291 = arith.addf %add3A_2289, %add3A_2290 : vector<128x128xf32>
    %sub3A_2292 = arith.subf %add3A_2291, %get3A_2288 : vector<128x128xf32>
    %lt3A_2293 = arith.cmpf olt, %sub3A_2292, %select_n3A_2276 : vector<128x128xf32>
    %select_n3A_2294 = arith.select %lt3A_2293, %sub3A_2292, %select_n3A_2276 : vector<128x128xi1>, vector<128x128xf32>
    %add3A_2295 = arith.constant 7.808000e+03 : f32
    %add3A_2296 = vector.broadcast %add3A_2295 : f32 to vector<1x128xf32>
    %add3A_2297 = arith.addf %convert_element_type3A_11, %add3A_2296 : vector<1x128xf32>
    %broadcast_in_dim3A_2298 = vector.shape_cast %add3A_2297 : vector<1x128xf32> to vector<1x128xf32>
    %broadcast_in_dim3A_2299 = vector.broadcast %broadcast_in_dim3A_2298 : vector<1x128xf32> to vector<128x128xf32>
    %select_n3A_2300 = arith.select %lt3A_2293, %broadcast_in_dim3A_2299, %select_n3A_2282 : vector<128x128xi1>, vector<128x128xf32>
    %get3A_2301 = arith.constant 0 : index
    %get3A_2302 = arith.constant 7936 : index
    %get3A_2303 = vector.load %arg4[%get3A_2301, %get3A_2302] : memref<1x8192xf32, #tpu.memory_space<vmem>>, vector<1x128xf32>
    %get3A_2304 = arith.constant 128 : index
    %get3A_2305 = arith.constant 7936 : index
    %get3A_2306 = vector.load %arg5[%get3A_2304, %get3A_2305] : memref<512x8192xf32, #tpu.memory_space<vmem>>, vector<128x128xf32>
    %add3A_2307 = vector.broadcast %slice3A_1180 : vector<128x1xf32> to vector<128x128xf32>
    %add3A_2308 = vector.broadcast %get3A_2303 : vector<1x128xf32> to vector<128x128xf32>
    %add3A_2309 = arith.addf %add3A_2307, %add3A_2308 : vector<128x128xf32>
    %sub3A_2310 = arith.subf %add3A_2309, %get3A_2306 : vector<128x128xf32>
    %lt3A_2311 = arith.cmpf olt, %sub3A_2310, %select_n3A_2294 : vector<128x128xf32>
    %select_n3A_2312 = arith.select %lt3A_2311, %sub3A_2310, %select_n3A_2294 : vector<128x128xi1>, vector<128x128xf32>
    %add3A_2313 = arith.constant 7.936000e+03 : f32
    %add3A_2314 = vector.broadcast %add3A_2313 : f32 to vector<1x128xf32>
    %add3A_2315 = arith.addf %convert_element_type3A_11, %add3A_2314 : vector<1x128xf32>
    %broadcast_in_dim3A_2316 = vector.shape_cast %add3A_2315 : vector<1x128xf32> to vector<1x128xf32>
    %broadcast_in_dim3A_2317 = vector.broadcast %broadcast_in_dim3A_2316 : vector<1x128xf32> to vector<128x128xf32>
    %select_n3A_2318 = arith.select %lt3A_2311, %broadcast_in_dim3A_2317, %select_n3A_2300 : vector<128x128xi1>, vector<128x128xf32>
    %get3A_2319 = arith.constant 0 : index
    %get3A_2320 = arith.constant 8064 : index
    %get3A_2321 = vector.load %arg4[%get3A_2319, %get3A_2320] : memref<1x8192xf32, #tpu.memory_space<vmem>>, vector<1x128xf32>
    %get3A_2322 = arith.constant 128 : index
    %get3A_2323 = arith.constant 8064 : index
    %get3A_2324 = vector.load %arg5[%get3A_2322, %get3A_2323] : memref<512x8192xf32, #tpu.memory_space<vmem>>, vector<128x128xf32>
    %add3A_2325 = vector.broadcast %slice3A_1180 : vector<128x1xf32> to vector<128x128xf32>
    %add3A_2326 = vector.broadcast %get3A_2321 : vector<1x128xf32> to vector<128x128xf32>
    %add3A_2327 = arith.addf %add3A_2325, %add3A_2326 : vector<128x128xf32>
    %sub3A_2328 = arith.subf %add3A_2327, %get3A_2324 : vector<128x128xf32>
    %lt3A_2329 = arith.cmpf olt, %sub3A_2328, %select_n3A_2312 : vector<128x128xf32>
    %select_n3A_2330 = arith.select %lt3A_2329, %sub3A_2328, %select_n3A_2312 : vector<128x128xi1>, vector<128x128xf32>
    %add3A_2331 = arith.constant 8.064000e+03 : f32
    %add3A_2332 = vector.broadcast %add3A_2331 : f32 to vector<1x128xf32>
    %add3A_2333 = arith.addf %convert_element_type3A_11, %add3A_2332 : vector<1x128xf32>
    %broadcast_in_dim3A_2334 = vector.shape_cast %add3A_2333 : vector<1x128xf32> to vector<1x128xf32>
    %broadcast_in_dim3A_2335 = vector.broadcast %broadcast_in_dim3A_2334 : vector<1x128xf32> to vector<128x128xf32>
    %select_n3A_2336 = arith.select %lt3A_2329, %broadcast_in_dim3A_2335, %select_n3A_2318 : vector<128x128xi1>, vector<128x128xf32>
    %reduce_min3A_2337 = arith.constant dense<0x7F800000> : vector<128xf32>
    %reduce_min3A_2338 = vector.multi_reduction <minimumf>, %select_n3A_2330, %reduce_min3A_2337 [1] : vector<128x128xf32> to vector<128xf32>
    %broadcast_in_dim3A_2339 = vector.shape_cast %reduce_min3A_2338 : vector<128xf32> to vector<128x1xf32>
    %eq3A_2340 = vector.broadcast %broadcast_in_dim3A_2339 : vector<128x1xf32> to vector<128x128xf32>
    %eq3A_2341 = arith.cmpf oeq, %select_n3A_2330, %eq3A_2340 : vector<128x128xf32>
    %jit3A_2342 = arith.constant 8.192000e+03 : f32
    %broadcast_in_dim3A_2343 = vector.broadcast %jit3A_2342 : f32 to vector<128x128xf32>
    %select_n3A_2344 = arith.select %eq3A_2341, %select_n3A_2336, %broadcast_in_dim3A_2343 : vector<128x128xi1>, vector<128x128xf32>
    %reduce_min3A_2345 = arith.constant dense<0x7F800000> : vector<128xf32>
    %reduce_min3A_2346 = vector.multi_reduction <minimumf>, %select_n3A_2344, %reduce_min3A_2345 [1] : vector<128x128xf32> to vector<128xf32>
    %convert_element_type3A_2347 = arith.fptosi %reduce_min3A_2346 : vector<128xf32> to vector<128xi32>
    %swap3A_2348 = arith.constant 0 : index
    %swap3A_2349 = arith.constant 0 : index
    %swap3A_2350 = arith.constant 128 : index
    %swap3A_2351 = vector.load %arg3[%swap3A_2348, %swap3A_2349, %swap3A_2350] : memref<1x1x512xi32, #tpu.memory_space<vmem>>, vector<1x1x128xi32>
    %swap3A_2352 = vector.shape_cast %swap3A_2351 : vector<1x1x128xi32> to vector<128xi32>
    %swap3A_2353 = vector.shape_cast %convert_element_type3A_2347 : vector<128xi32> to vector<1x1x128xi32>
    tpu.vector_store %arg3[%swap3A_2348, %swap3A_2349, %swap3A_2350], %swap3A_2353 {strides = array<i32>} : memref<1x1x512xi32, #tpu.memory_space<vmem>>, vector<1x1x128xi32>,
    %slice3A_2354 = vector.extract_strided_slice %broadcast_in_dim3A {offsets = [256, 0], sizes = [128, 1], strides = [1, 1]} : vector<512x1xf32> to vector<128x1xf32>
    %broadcast_in_dim3A_2355 = arith.constant 0x7F800000 : f32
    %broadcast_in_dim3A_2356 = vector.broadcast %broadcast_in_dim3A_2355 : f32 to vector<128x128xf32>
    %broadcast_in_dim3A_2357 = arith.constant 0.000000e+00 : f32
    %broadcast_in_dim3A_2358 = vector.broadcast %broadcast_in_dim3A_2357 : f32 to vector<128x128xf32>
    %get3A_2359 = arith.constant 0 : index
    %get3A_2360 = arith.constant 0 : index
    %get3A_2361 = vector.load %arg4[%get3A_2359, %get3A_2360] : memref<1x8192xf32, #tpu.memory_space<vmem>>, vector<1x128xf32>
    %get3A_2362 = arith.constant 256 : index
    %get3A_2363 = arith.constant 0 : index
    %get3A_2364 = vector.load %arg5[%get3A_2362, %get3A_2363] : memref<512x8192xf32, #tpu.memory_space<vmem>>, vector<128x128xf32>
    %add3A_2365 = vector.broadcast %slice3A_2354 : vector<128x1xf32> to vector<128x128xf32>
    %add3A_2366 = vector.broadcast %get3A_2361 : vector<1x128xf32> to vector<128x128xf32>
    %add3A_2367 = arith.addf %add3A_2365, %add3A_2366 : vector<128x128xf32>
    %sub3A_2368 = arith.subf %add3A_2367, %get3A_2364 : vector<128x128xf32>
    %lt3A_2369 = arith.cmpf olt, %sub3A_2368, %broadcast_in_dim3A_2356 : vector<128x128xf32>
    %select_n3A_2370 = arith.select %lt3A_2369, %sub3A_2368, %broadcast_in_dim3A_2356 : vector<128x128xi1>, vector<128x128xf32>
    %add3A_2371 = arith.constant 0.000000e+00 : f32
    %add3A_2372 = vector.broadcast %add3A_2371 : f32 to vector<1x128xf32>
    %add3A_2373 = arith.addf %convert_element_type3A_11, %add3A_2372 : vector<1x128xf32>
    %broadcast_in_dim3A_2374 = vector.shape_cast %add3A_2373 : vector<1x128xf32> to vector<1x128xf32>
    %broadcast_in_dim3A_2375 = vector.broadcast %broadcast_in_dim3A_2374 : vector<1x128xf32> to vector<128x128xf32>
    %select_n3A_2376 = arith.select %lt3A_2369, %broadcast_in_dim3A_2375, %broadcast_in_dim3A_2358 : vector<128x128xi1>, vector<128x128xf32>
    %get3A_2377 = arith.constant 0 : index
    %get3A_2378 = arith.constant 128 : index
    %get3A_2379 = vector.load %arg4[%get3A_2377, %get3A_2378] : memref<1x8192xf32, #tpu.memory_space<vmem>>, vector<1x128xf32>
    %get3A_2380 = arith.constant 256 : index
    %get3A_2381 = arith.constant 128 : index
    %get3A_2382 = vector.load %arg5[%get3A_2380, %get3A_2381] : memref<512x8192xf32, #tpu.memory_space<vmem>>, vector<128x128xf32>
    %add3A_2383 = vector.broadcast %slice3A_2354 : vector<128x1xf32> to vector<128x128xf32>
    %add3A_2384 = vector.broadcast %get3A_2379 : vector<1x128xf32> to vector<128x128xf32>
    %add3A_2385 = arith.addf %add3A_2383, %add3A_2384 : vector<128x128xf32>
    %sub3A_2386 = arith.subf %add3A_2385, %get3A_2382 : vector<128x128xf32>
    %lt3A_2387 = arith.cmpf olt, %sub3A_2386, %select_n3A_2370 : vector<128x128xf32>
    %select_n3A_2388 = arith.select %lt3A_2387, %sub3A_2386, %select_n3A_2370 : vector<128x128xi1>, vector<128x128xf32>
    %add3A_2389 = arith.constant 1.280000e+02 : f32
    %add3A_2390 = vector.broadcast %add3A_2389 : f32 to vector<1x128xf32>
    %add3A_2391 = arith.addf %convert_element_type3A_11, %add3A_2390 : vector<1x128xf32>
    %broadcast_in_dim3A_2392 = vector.shape_cast %add3A_2391 : vector<1x128xf32> to vector<1x128xf32>
    %broadcast_in_dim3A_2393 = vector.broadcast %broadcast_in_dim3A_2392 : vector<1x128xf32> to vector<128x128xf32>
    %select_n3A_2394 = arith.select %lt3A_2387, %broadcast_in_dim3A_2393, %select_n3A_2376 : vector<128x128xi1>, vector<128x128xf32>
    %get3A_2395 = arith.constant 0 : index
    %get3A_2396 = arith.constant 256 : index
    %get3A_2397 = vector.load %arg4[%get3A_2395, %get3A_2396] : memref<1x8192xf32, #tpu.memory_space<vmem>>, vector<1x128xf32>
    %get3A_2398 = arith.constant 256 : index
    %get3A_2399 = arith.constant 256 : index
    %get3A_2400 = vector.load %arg5[%get3A_2398, %get3A_2399] : memref<512x8192xf32, #tpu.memory_space<vmem>>, vector<128x128xf32>
    %add3A_2401 = vector.broadcast %slice3A_2354 : vector<128x1xf32> to vector<128x128xf32>
    %add3A_2402 = vector.broadcast %get3A_2397 : vector<1x128xf32> to vector<128x128xf32>
    %add3A_2403 = arith.addf %add3A_2401, %add3A_2402 : vector<128x128xf32>
    %sub3A_2404 = arith.subf %add3A_2403, %get3A_2400 : vector<128x128xf32>
    %lt3A_2405 = arith.cmpf olt, %sub3A_2404, %select_n3A_2388 : vector<128x128xf32>
    %select_n3A_2406 = arith.select %lt3A_2405, %sub3A_2404, %select_n3A_2388 : vector<128x128xi1>, vector<128x128xf32>
    %add3A_2407 = arith.constant 2.560000e+02 : f32
    %add3A_2408 = vector.broadcast %add3A_2407 : f32 to vector<1x128xf32>
    %add3A_2409 = arith.addf %convert_element_type3A_11, %add3A_2408 : vector<1x128xf32>
    %broadcast_in_dim3A_2410 = vector.shape_cast %add3A_2409 : vector<1x128xf32> to vector<1x128xf32>
    %broadcast_in_dim3A_2411 = vector.broadcast %broadcast_in_dim3A_2410 : vector<1x128xf32> to vector<128x128xf32>
    %select_n3A_2412 = arith.select %lt3A_2405, %broadcast_in_dim3A_2411, %select_n3A_2394 : vector<128x128xi1>, vector<128x128xf32>
    %get3A_2413 = arith.constant 0 : index
    %get3A_2414 = arith.constant 384 : index
    %get3A_2415 = vector.load %arg4[%get3A_2413, %get3A_2414] : memref<1x8192xf32, #tpu.memory_space<vmem>>, vector<1x128xf32>
    %get3A_2416 = arith.constant 256 : index
    %get3A_2417 = arith.constant 384 : index
    %get3A_2418 = vector.load %arg5[%get3A_2416, %get3A_2417] : memref<512x8192xf32, #tpu.memory_space<vmem>>, vector<128x128xf32>
    %add3A_2419 = vector.broadcast %slice3A_2354 : vector<128x1xf32> to vector<128x128xf32>
    %add3A_2420 = vector.broadcast %get3A_2415 : vector<1x128xf32> to vector<128x128xf32>
    %add3A_2421 = arith.addf %add3A_2419, %add3A_2420 : vector<128x128xf32>
    %sub3A_2422 = arith.subf %add3A_2421, %get3A_2418 : vector<128x128xf32>
    %lt3A_2423 = arith.cmpf olt, %sub3A_2422, %select_n3A_2406 : vector<128x128xf32>
    %select_n3A_2424 = arith.select %lt3A_2423, %sub3A_2422, %select_n3A_2406 : vector<128x128xi1>, vector<128x128xf32>
    %add3A_2425 = arith.constant 3.840000e+02 : f32
    %add3A_2426 = vector.broadcast %add3A_2425 : f32 to vector<1x128xf32>
    %add3A_2427 = arith.addf %convert_element_type3A_11, %add3A_2426 : vector<1x128xf32>
    %broadcast_in_dim3A_2428 = vector.shape_cast %add3A_2427 : vector<1x128xf32> to vector<1x128xf32>
    %broadcast_in_dim3A_2429 = vector.broadcast %broadcast_in_dim3A_2428 : vector<1x128xf32> to vector<128x128xf32>
    %select_n3A_2430 = arith.select %lt3A_2423, %broadcast_in_dim3A_2429, %select_n3A_2412 : vector<128x128xi1>, vector<128x128xf32>
    %get3A_2431 = arith.constant 0 : index
    %get3A_2432 = arith.constant 512 : index
    %get3A_2433 = vector.load %arg4[%get3A_2431, %get3A_2432] : memref<1x8192xf32, #tpu.memory_space<vmem>>, vector<1x128xf32>
    %get3A_2434 = arith.constant 256 : index
    %get3A_2435 = arith.constant 512 : index
    %get3A_2436 = vector.load %arg5[%get3A_2434, %get3A_2435] : memref<512x8192xf32, #tpu.memory_space<vmem>>, vector<128x128xf32>
    %add3A_2437 = vector.broadcast %slice3A_2354 : vector<128x1xf32> to vector<128x128xf32>
    %add3A_2438 = vector.broadcast %get3A_2433 : vector<1x128xf32> to vector<128x128xf32>
    %add3A_2439 = arith.addf %add3A_2437, %add3A_2438 : vector<128x128xf32>
    %sub3A_2440 = arith.subf %add3A_2439, %get3A_2436 : vector<128x128xf32>
    %lt3A_2441 = arith.cmpf olt, %sub3A_2440, %select_n3A_2424 : vector<128x128xf32>
    %select_n3A_2442 = arith.select %lt3A_2441, %sub3A_2440, %select_n3A_2424 : vector<128x128xi1>, vector<128x128xf32>
    %add3A_2443 = arith.constant 5.120000e+02 : f32
    %add3A_2444 = vector.broadcast %add3A_2443 : f32 to vector<1x128xf32>
    %add3A_2445 = arith.addf %convert_element_type3A_11, %add3A_2444 : vector<1x128xf32>
    %broadcast_in_dim3A_2446 = vector.shape_cast %add3A_2445 : vector<1x128xf32> to vector<1x128xf32>
    %broadcast_in_dim3A_2447 = vector.broadcast %broadcast_in_dim3A_2446 : vector<1x128xf32> to vector<128x128xf32>
    %select_n3A_2448 = arith.select %lt3A_2441, %broadcast_in_dim3A_2447, %select_n3A_2430 : vector<128x128xi1>, vector<128x128xf32>
    %get3A_2449 = arith.constant 0 : index
    %get3A_2450 = arith.constant 640 : index
    %get3A_2451 = vector.load %arg4[%get3A_2449, %get3A_2450] : memref<1x8192xf32, #tpu.memory_space<vmem>>, vector<1x128xf32>
    %get3A_2452 = arith.constant 256 : index
    %get3A_2453 = arith.constant 640 : index
    %get3A_2454 = vector.load %arg5[%get3A_2452, %get3A_2453] : memref<512x8192xf32, #tpu.memory_space<vmem>>, vector<128x128xf32>
    %add3A_2455 = vector.broadcast %slice3A_2354 : vector<128x1xf32> to vector<128x128xf32>
    %add3A_2456 = vector.broadcast %get3A_2451 : vector<1x128xf32> to vector<128x128xf32>
    %add3A_2457 = arith.addf %add3A_2455, %add3A_2456 : vector<128x128xf32>
    %sub3A_2458 = arith.subf %add3A_2457, %get3A_2454 : vector<128x128xf32>
    %lt3A_2459 = arith.cmpf olt, %sub3A_2458, %select_n3A_2442 : vector<128x128xf32>
    %select_n3A_2460 = arith.select %lt3A_2459, %sub3A_2458, %select_n3A_2442 : vector<128x128xi1>, vector<128x128xf32>
    %add3A_2461 = arith.constant 6.400000e+02 : f32
    %add3A_2462 = vector.broadcast %add3A_2461 : f32 to vector<1x128xf32>
    %add3A_2463 = arith.addf %convert_element_type3A_11, %add3A_2462 : vector<1x128xf32>
    %broadcast_in_dim3A_2464 = vector.shape_cast %add3A_2463 : vector<1x128xf32> to vector<1x128xf32>
    %broadcast_in_dim3A_2465 = vector.broadcast %broadcast_in_dim3A_2464 : vector<1x128xf32> to vector<128x128xf32>
    %select_n3A_2466 = arith.select %lt3A_2459, %broadcast_in_dim3A_2465, %select_n3A_2448 : vector<128x128xi1>, vector<128x128xf32>
    %get3A_2467 = arith.constant 0 : index
    %get3A_2468 = arith.constant 768 : index
    %get3A_2469 = vector.load %arg4[%get3A_2467, %get3A_2468] : memref<1x8192xf32, #tpu.memory_space<vmem>>, vector<1x128xf32>
    %get3A_2470 = arith.constant 256 : index
    %get3A_2471 = arith.constant 768 : index
    %get3A_2472 = vector.load %arg5[%get3A_2470, %get3A_2471] : memref<512x8192xf32, #tpu.memory_space<vmem>>, vector<128x128xf32>
    %add3A_2473 = vector.broadcast %slice3A_2354 : vector<128x1xf32> to vector<128x128xf32>
    %add3A_2474 = vector.broadcast %get3A_2469 : vector<1x128xf32> to vector<128x128xf32>
    %add3A_2475 = arith.addf %add3A_2473, %add3A_2474 : vector<128x128xf32>
    %sub3A_2476 = arith.subf %add3A_2475, %get3A_2472 : vector<128x128xf32>
    %lt3A_2477 = arith.cmpf olt, %sub3A_2476, %select_n3A_2460 : vector<128x128xf32>
    %select_n3A_2478 = arith.select %lt3A_2477, %sub3A_2476, %select_n3A_2460 : vector<128x128xi1>, vector<128x128xf32>
    %add3A_2479 = arith.constant 7.680000e+02 : f32
    %add3A_2480 = vector.broadcast %add3A_2479 : f32 to vector<1x128xf32>
    %add3A_2481 = arith.addf %convert_element_type3A_11, %add3A_2480 : vector<1x128xf32>
    %broadcast_in_dim3A_2482 = vector.shape_cast %add3A_2481 : vector<1x128xf32> to vector<1x128xf32>
    %broadcast_in_dim3A_2483 = vector.broadcast %broadcast_in_dim3A_2482 : vector<1x128xf32> to vector<128x128xf32>
    %select_n3A_2484 = arith.select %lt3A_2477, %broadcast_in_dim3A_2483, %select_n3A_2466 : vector<128x128xi1>, vector<128x128xf32>
    %get3A_2485 = arith.constant 0 : index
    %get3A_2486 = arith.constant 896 : index
    %get3A_2487 = vector.load %arg4[%get3A_2485, %get3A_2486] : memref<1x8192xf32, #tpu.memory_space<vmem>>, vector<1x128xf32>
    %get3A_2488 = arith.constant 256 : index
    %get3A_2489 = arith.constant 896 : index
    %get3A_2490 = vector.load %arg5[%get3A_2488, %get3A_2489] : memref<512x8192xf32, #tpu.memory_space<vmem>>, vector<128x128xf32>
    %add3A_2491 = vector.broadcast %slice3A_2354 : vector<128x1xf32> to vector<128x128xf32>
    %add3A_2492 = vector.broadcast %get3A_2487 : vector<1x128xf32> to vector<128x128xf32>
    %add3A_2493 = arith.addf %add3A_2491, %add3A_2492 : vector<128x128xf32>
    %sub3A_2494 = arith.subf %add3A_2493, %get3A_2490 : vector<128x128xf32>
    %lt3A_2495 = arith.cmpf olt, %sub3A_2494, %select_n3A_2478 : vector<128x128xf32>
    %select_n3A_2496 = arith.select %lt3A_2495, %sub3A_2494, %select_n3A_2478 : vector<128x128xi1>, vector<128x128xf32>
    %add3A_2497 = arith.constant 8.960000e+02 : f32
    %add3A_2498 = vector.broadcast %add3A_2497 : f32 to vector<1x128xf32>
    %add3A_2499 = arith.addf %convert_element_type3A_11, %add3A_2498 : vector<1x128xf32>
    %broadcast_in_dim3A_2500 = vector.shape_cast %add3A_2499 : vector<1x128xf32> to vector<1x128xf32>
    %broadcast_in_dim3A_2501 = vector.broadcast %broadcast_in_dim3A_2500 : vector<1x128xf32> to vector<128x128xf32>
    %select_n3A_2502 = arith.select %lt3A_2495, %broadcast_in_dim3A_2501, %select_n3A_2484 : vector<128x128xi1>, vector<128x128xf32>
    %get3A_2503 = arith.constant 0 : index
    %get3A_2504 = arith.constant 1024 : index
    %get3A_2505 = vector.load %arg4[%get3A_2503, %get3A_2504] : memref<1x8192xf32, #tpu.memory_space<vmem>>, vector<1x128xf32>
    %get3A_2506 = arith.constant 256 : index
    %get3A_2507 = arith.constant 1024 : index
    %get3A_2508 = vector.load %arg5[%get3A_2506, %get3A_2507] : memref<512x8192xf32, #tpu.memory_space<vmem>>, vector<128x128xf32>
    %add3A_2509 = vector.broadcast %slice3A_2354 : vector<128x1xf32> to vector<128x128xf32>
    %add3A_2510 = vector.broadcast %get3A_2505 : vector<1x128xf32> to vector<128x128xf32>
    %add3A_2511 = arith.addf %add3A_2509, %add3A_2510 : vector<128x128xf32>
    %sub3A_2512 = arith.subf %add3A_2511, %get3A_2508 : vector<128x128xf32>
    %lt3A_2513 = arith.cmpf olt, %sub3A_2512, %select_n3A_2496 : vector<128x128xf32>
    %select_n3A_2514 = arith.select %lt3A_2513, %sub3A_2512, %select_n3A_2496 : vector<128x128xi1>, vector<128x128xf32>
    %add3A_2515 = arith.constant 1.024000e+03 : f32
    %add3A_2516 = vector.broadcast %add3A_2515 : f32 to vector<1x128xf32>
    %add3A_2517 = arith.addf %convert_element_type3A_11, %add3A_2516 : vector<1x128xf32>
    %broadcast_in_dim3A_2518 = vector.shape_cast %add3A_2517 : vector<1x128xf32> to vector<1x128xf32>
    %broadcast_in_dim3A_2519 = vector.broadcast %broadcast_in_dim3A_2518 : vector<1x128xf32> to vector<128x128xf32>
    %select_n3A_2520 = arith.select %lt3A_2513, %broadcast_in_dim3A_2519, %select_n3A_2502 : vector<128x128xi1>, vector<128x128xf32>
    %get3A_2521 = arith.constant 0 : index
    %get3A_2522 = arith.constant 1152 : index
    %get3A_2523 = vector.load %arg4[%get3A_2521, %get3A_2522] : memref<1x8192xf32, #tpu.memory_space<vmem>>, vector<1x128xf32>
    %get3A_2524 = arith.constant 256 : index
    %get3A_2525 = arith.constant 1152 : index
    %get3A_2526 = vector.load %arg5[%get3A_2524, %get3A_2525] : memref<512x8192xf32, #tpu.memory_space<vmem>>, vector<128x128xf32>
    %add3A_2527 = vector.broadcast %slice3A_2354 : vector<128x1xf32> to vector<128x128xf32>
    %add3A_2528 = vector.broadcast %get3A_2523 : vector<1x128xf32> to vector<128x128xf32>
    %add3A_2529 = arith.addf %add3A_2527, %add3A_2528 : vector<128x128xf32>
    %sub3A_2530 = arith.subf %add3A_2529, %get3A_2526 : vector<128x128xf32>
    %lt3A_2531 = arith.cmpf olt, %sub3A_2530, %select_n3A_2514 : vector<128x128xf32>
    %select_n3A_2532 = arith.select %lt3A_2531, %sub3A_2530, %select_n3A_2514 : vector<128x128xi1>, vector<128x128xf32>
    %add3A_2533 = arith.constant 1.152000e+03 : f32
    %add3A_2534 = vector.broadcast %add3A_2533 : f32 to vector<1x128xf32>
    %add3A_2535 = arith.addf %convert_element_type3A_11, %add3A_2534 : vector<1x128xf32>
    %broadcast_in_dim3A_2536 = vector.shape_cast %add3A_2535 : vector<1x128xf32> to vector<1x128xf32>
    %broadcast_in_dim3A_2537 = vector.broadcast %broadcast_in_dim3A_2536 : vector<1x128xf32> to vector<128x128xf32>
    %select_n3A_2538 = arith.select %lt3A_2531, %broadcast_in_dim3A_2537, %select_n3A_2520 : vector<128x128xi1>, vector<128x128xf32>
    %get3A_2539 = arith.constant 0 : index
    %get3A_2540 = arith.constant 1280 : index
    %get3A_2541 = vector.load %arg4[%get3A_2539, %get3A_2540] : memref<1x8192xf32, #tpu.memory_space<vmem>>, vector<1x128xf32>
    %get3A_2542 = arith.constant 256 : index
    %get3A_2543 = arith.constant 1280 : index
    %get3A_2544 = vector.load %arg5[%get3A_2542, %get3A_2543] : memref<512x8192xf32, #tpu.memory_space<vmem>>, vector<128x128xf32>
    %add3A_2545 = vector.broadcast %slice3A_2354 : vector<128x1xf32> to vector<128x128xf32>
    %add3A_2546 = vector.broadcast %get3A_2541 : vector<1x128xf32> to vector<128x128xf32>
    %add3A_2547 = arith.addf %add3A_2545, %add3A_2546 : vector<128x128xf32>
    %sub3A_2548 = arith.subf %add3A_2547, %get3A_2544 : vector<128x128xf32>
    %lt3A_2549 = arith.cmpf olt, %sub3A_2548, %select_n3A_2532 : vector<128x128xf32>
    %select_n3A_2550 = arith.select %lt3A_2549, %sub3A_2548, %select_n3A_2532 : vector<128x128xi1>, vector<128x128xf32>
    %add3A_2551 = arith.constant 1.280000e+03 : f32
    %add3A_2552 = vector.broadcast %add3A_2551 : f32 to vector<1x128xf32>
    %add3A_2553 = arith.addf %convert_element_type3A_11, %add3A_2552 : vector<1x128xf32>
    %broadcast_in_dim3A_2554 = vector.shape_cast %add3A_2553 : vector<1x128xf32> to vector<1x128xf32>
    %broadcast_in_dim3A_2555 = vector.broadcast %broadcast_in_dim3A_2554 : vector<1x128xf32> to vector<128x128xf32>
    %select_n3A_2556 = arith.select %lt3A_2549, %broadcast_in_dim3A_2555, %select_n3A_2538 : vector<128x128xi1>, vector<128x128xf32>
    %get3A_2557 = arith.constant 0 : index
    %get3A_2558 = arith.constant 1408 : index
    %get3A_2559 = vector.load %arg4[%get3A_2557, %get3A_2558] : memref<1x8192xf32, #tpu.memory_space<vmem>>, vector<1x128xf32>
    %get3A_2560 = arith.constant 256 : index
    %get3A_2561 = arith.constant 1408 : index
    %get3A_2562 = vector.load %arg5[%get3A_2560, %get3A_2561] : memref<512x8192xf32, #tpu.memory_space<vmem>>, vector<128x128xf32>
    %add3A_2563 = vector.broadcast %slice3A_2354 : vector<128x1xf32> to vector<128x128xf32>
    %add3A_2564 = vector.broadcast %get3A_2559 : vector<1x128xf32> to vector<128x128xf32>
    %add3A_2565 = arith.addf %add3A_2563, %add3A_2564 : vector<128x128xf32>
    %sub3A_2566 = arith.subf %add3A_2565, %get3A_2562 : vector<128x128xf32>
    %lt3A_2567 = arith.cmpf olt, %sub3A_2566, %select_n3A_2550 : vector<128x128xf32>
    %select_n3A_2568 = arith.select %lt3A_2567, %sub3A_2566, %select_n3A_2550 : vector<128x128xi1>, vector<128x128xf32>
    %add3A_2569 = arith.constant 1.408000e+03 : f32
    %add3A_2570 = vector.broadcast %add3A_2569 : f32 to vector<1x128xf32>
    %add3A_2571 = arith.addf %convert_element_type3A_11, %add3A_2570 : vector<1x128xf32>
    %broadcast_in_dim3A_2572 = vector.shape_cast %add3A_2571 : vector<1x128xf32> to vector<1x128xf32>
    %broadcast_in_dim3A_2573 = vector.broadcast %broadcast_in_dim3A_2572 : vector<1x128xf32> to vector<128x128xf32>
    %select_n3A_2574 = arith.select %lt3A_2567, %broadcast_in_dim3A_2573, %select_n3A_2556 : vector<128x128xi1>, vector<128x128xf32>
    %get3A_2575 = arith.constant 0 : index
    %get3A_2576 = arith.constant 1536 : index
    %get3A_2577 = vector.load %arg4[%get3A_2575, %get3A_2576] : memref<1x8192xf32, #tpu.memory_space<vmem>>, vector<1x128xf32>
    %get3A_2578 = arith.constant 256 : index
    %get3A_2579 = arith.constant 1536 : index
    %get3A_2580 = vector.load %arg5[%get3A_2578, %get3A_2579] : memref<512x8192xf32, #tpu.memory_space<vmem>>, vector<128x128xf32>
    %add3A_2581 = vector.broadcast %slice3A_2354 : vector<128x1xf32> to vector<128x128xf32>
    %add3A_2582 = vector.broadcast %get3A_2577 : vector<1x128xf32> to vector<128x128xf32>
    %add3A_2583 = arith.addf %add3A_2581, %add3A_2582 : vector<128x128xf32>
    %sub3A_2584 = arith.subf %add3A_2583, %get3A_2580 : vector<128x128xf32>
    %lt3A_2585 = arith.cmpf olt, %sub3A_2584, %select_n3A_2568 : vector<128x128xf32>
    %select_n3A_2586 = arith.select %lt3A_2585, %sub3A_2584, %select_n3A_2568 : vector<128x128xi1>, vector<128x128xf32>
    %add3A_2587 = arith.constant 1.536000e+03 : f32
    %add3A_2588 = vector.broadcast %add3A_2587 : f32 to vector<1x128xf32>
    %add3A_2589 = arith.addf %convert_element_type3A_11, %add3A_2588 : vector<1x128xf32>
    %broadcast_in_dim3A_2590 = vector.shape_cast %add3A_2589 : vector<1x128xf32> to vector<1x128xf32>
    %broadcast_in_dim3A_2591 = vector.broadcast %broadcast_in_dim3A_2590 : vector<1x128xf32> to vector<128x128xf32>
    %select_n3A_2592 = arith.select %lt3A_2585, %broadcast_in_dim3A_2591, %select_n3A_2574 : vector<128x128xi1>, vector<128x128xf32>
    %get3A_2593 = arith.constant 0 : index
    %get3A_2594 = arith.constant 1664 : index
    %get3A_2595 = vector.load %arg4[%get3A_2593, %get3A_2594] : memref<1x8192xf32, #tpu.memory_space<vmem>>, vector<1x128xf32>
    %get3A_2596 = arith.constant 256 : index
    %get3A_2597 = arith.constant 1664 : index
    %get3A_2598 = vector.load %arg5[%get3A_2596, %get3A_2597] : memref<512x8192xf32, #tpu.memory_space<vmem>>, vector<128x128xf32>
    %add3A_2599 = vector.broadcast %slice3A_2354 : vector<128x1xf32> to vector<128x128xf32>
    %add3A_2600 = vector.broadcast %get3A_2595 : vector<1x128xf32> to vector<128x128xf32>
    %add3A_2601 = arith.addf %add3A_2599, %add3A_2600 : vector<128x128xf32>
    %sub3A_2602 = arith.subf %add3A_2601, %get3A_2598 : vector<128x128xf32>
    %lt3A_2603 = arith.cmpf olt, %sub3A_2602, %select_n3A_2586 : vector<128x128xf32>
    %select_n3A_2604 = arith.select %lt3A_2603, %sub3A_2602, %select_n3A_2586 : vector<128x128xi1>, vector<128x128xf32>
    %add3A_2605 = arith.constant 1.664000e+03 : f32
    %add3A_2606 = vector.broadcast %add3A_2605 : f32 to vector<1x128xf32>
    %add3A_2607 = arith.addf %convert_element_type3A_11, %add3A_2606 : vector<1x128xf32>
    %broadcast_in_dim3A_2608 = vector.shape_cast %add3A_2607 : vector<1x128xf32> to vector<1x128xf32>
    %broadcast_in_dim3A_2609 = vector.broadcast %broadcast_in_dim3A_2608 : vector<1x128xf32> to vector<128x128xf32>
    %select_n3A_2610 = arith.select %lt3A_2603, %broadcast_in_dim3A_2609, %select_n3A_2592 : vector<128x128xi1>, vector<128x128xf32>
    %get3A_2611 = arith.constant 0 : index
    %get3A_2612 = arith.constant 1792 : index
    %get3A_2613 = vector.load %arg4[%get3A_2611, %get3A_2612] : memref<1x8192xf32, #tpu.memory_space<vmem>>, vector<1x128xf32>
    %get3A_2614 = arith.constant 256 : index
    %get3A_2615 = arith.constant 1792 : index
    %get3A_2616 = vector.load %arg5[%get3A_2614, %get3A_2615] : memref<512x8192xf32, #tpu.memory_space<vmem>>, vector<128x128xf32>
    %add3A_2617 = vector.broadcast %slice3A_2354 : vector<128x1xf32> to vector<128x128xf32>
    %add3A_2618 = vector.broadcast %get3A_2613 : vector<1x128xf32> to vector<128x128xf32>
    %add3A_2619 = arith.addf %add3A_2617, %add3A_2618 : vector<128x128xf32>
    %sub3A_2620 = arith.subf %add3A_2619, %get3A_2616 : vector<128x128xf32>
    %lt3A_2621 = arith.cmpf olt, %sub3A_2620, %select_n3A_2604 : vector<128x128xf32>
    %select_n3A_2622 = arith.select %lt3A_2621, %sub3A_2620, %select_n3A_2604 : vector<128x128xi1>, vector<128x128xf32>
    %add3A_2623 = arith.constant 1.792000e+03 : f32
    %add3A_2624 = vector.broadcast %add3A_2623 : f32 to vector<1x128xf32>
    %add3A_2625 = arith.addf %convert_element_type3A_11, %add3A_2624 : vector<1x128xf32>
    %broadcast_in_dim3A_2626 = vector.shape_cast %add3A_2625 : vector<1x128xf32> to vector<1x128xf32>
    %broadcast_in_dim3A_2627 = vector.broadcast %broadcast_in_dim3A_2626 : vector<1x128xf32> to vector<128x128xf32>
    %select_n3A_2628 = arith.select %lt3A_2621, %broadcast_in_dim3A_2627, %select_n3A_2610 : vector<128x128xi1>, vector<128x128xf32>
    %get3A_2629 = arith.constant 0 : index
    %get3A_2630 = arith.constant 1920 : index
    %get3A_2631 = vector.load %arg4[%get3A_2629, %get3A_2630] : memref<1x8192xf32, #tpu.memory_space<vmem>>, vector<1x128xf32>
    %get3A_2632 = arith.constant 256 : index
    %get3A_2633 = arith.constant 1920 : index
    %get3A_2634 = vector.load %arg5[%get3A_2632, %get3A_2633] : memref<512x8192xf32, #tpu.memory_space<vmem>>, vector<128x128xf32>
    %add3A_2635 = vector.broadcast %slice3A_2354 : vector<128x1xf32> to vector<128x128xf32>
    %add3A_2636 = vector.broadcast %get3A_2631 : vector<1x128xf32> to vector<128x128xf32>
    %add3A_2637 = arith.addf %add3A_2635, %add3A_2636 : vector<128x128xf32>
    %sub3A_2638 = arith.subf %add3A_2637, %get3A_2634 : vector<128x128xf32>
    %lt3A_2639 = arith.cmpf olt, %sub3A_2638, %select_n3A_2622 : vector<128x128xf32>
    %select_n3A_2640 = arith.select %lt3A_2639, %sub3A_2638, %select_n3A_2622 : vector<128x128xi1>, vector<128x128xf32>
    %add3A_2641 = arith.constant 1.920000e+03 : f32
    %add3A_2642 = vector.broadcast %add3A_2641 : f32 to vector<1x128xf32>
    %add3A_2643 = arith.addf %convert_element_type3A_11, %add3A_2642 : vector<1x128xf32>
    %broadcast_in_dim3A_2644 = vector.shape_cast %add3A_2643 : vector<1x128xf32> to vector<1x128xf32>
    %broadcast_in_dim3A_2645 = vector.broadcast %broadcast_in_dim3A_2644 : vector<1x128xf32> to vector<128x128xf32>
    %select_n3A_2646 = arith.select %lt3A_2639, %broadcast_in_dim3A_2645, %select_n3A_2628 : vector<128x128xi1>, vector<128x128xf32>
    %get3A_2647 = arith.constant 0 : index
    %get3A_2648 = arith.constant 2048 : index
    %get3A_2649 = vector.load %arg4[%get3A_2647, %get3A_2648] : memref<1x8192xf32, #tpu.memory_space<vmem>>, vector<1x128xf32>
    %get3A_2650 = arith.constant 256 : index
    %get3A_2651 = arith.constant 2048 : index
    %get3A_2652 = vector.load %arg5[%get3A_2650, %get3A_2651] : memref<512x8192xf32, #tpu.memory_space<vmem>>, vector<128x128xf32>
    %add3A_2653 = vector.broadcast %slice3A_2354 : vector<128x1xf32> to vector<128x128xf32>
    %add3A_2654 = vector.broadcast %get3A_2649 : vector<1x128xf32> to vector<128x128xf32>
    %add3A_2655 = arith.addf %add3A_2653, %add3A_2654 : vector<128x128xf32>
    %sub3A_2656 = arith.subf %add3A_2655, %get3A_2652 : vector<128x128xf32>
    %lt3A_2657 = arith.cmpf olt, %sub3A_2656, %select_n3A_2640 : vector<128x128xf32>
    %select_n3A_2658 = arith.select %lt3A_2657, %sub3A_2656, %select_n3A_2640 : vector<128x128xi1>, vector<128x128xf32>
    %add3A_2659 = arith.constant 2.048000e+03 : f32
    %add3A_2660 = vector.broadcast %add3A_2659 : f32 to vector<1x128xf32>
    %add3A_2661 = arith.addf %convert_element_type3A_11, %add3A_2660 : vector<1x128xf32>
    %broadcast_in_dim3A_2662 = vector.shape_cast %add3A_2661 : vector<1x128xf32> to vector<1x128xf32>
    %broadcast_in_dim3A_2663 = vector.broadcast %broadcast_in_dim3A_2662 : vector<1x128xf32> to vector<128x128xf32>
    %select_n3A_2664 = arith.select %lt3A_2657, %broadcast_in_dim3A_2663, %select_n3A_2646 : vector<128x128xi1>, vector<128x128xf32>
    %get3A_2665 = arith.constant 0 : index
    %get3A_2666 = arith.constant 2176 : index
    %get3A_2667 = vector.load %arg4[%get3A_2665, %get3A_2666] : memref<1x8192xf32, #tpu.memory_space<vmem>>, vector<1x128xf32>
    %get3A_2668 = arith.constant 256 : index
    %get3A_2669 = arith.constant 2176 : index
    %get3A_2670 = vector.load %arg5[%get3A_2668, %get3A_2669] : memref<512x8192xf32, #tpu.memory_space<vmem>>, vector<128x128xf32>
    %add3A_2671 = vector.broadcast %slice3A_2354 : vector<128x1xf32> to vector<128x128xf32>
    %add3A_2672 = vector.broadcast %get3A_2667 : vector<1x128xf32> to vector<128x128xf32>
    %add3A_2673 = arith.addf %add3A_2671, %add3A_2672 : vector<128x128xf32>
    %sub3A_2674 = arith.subf %add3A_2673, %get3A_2670 : vector<128x128xf32>
    %lt3A_2675 = arith.cmpf olt, %sub3A_2674, %select_n3A_2658 : vector<128x128xf32>
    %select_n3A_2676 = arith.select %lt3A_2675, %sub3A_2674, %select_n3A_2658 : vector<128x128xi1>, vector<128x128xf32>
    %add3A_2677 = arith.constant 2.176000e+03 : f32
    %add3A_2678 = vector.broadcast %add3A_2677 : f32 to vector<1x128xf32>
    %add3A_2679 = arith.addf %convert_element_type3A_11, %add3A_2678 : vector<1x128xf32>
    %broadcast_in_dim3A_2680 = vector.shape_cast %add3A_2679 : vector<1x128xf32> to vector<1x128xf32>
    %broadcast_in_dim3A_2681 = vector.broadcast %broadcast_in_dim3A_2680 : vector<1x128xf32> to vector<128x128xf32>
    %select_n3A_2682 = arith.select %lt3A_2675, %broadcast_in_dim3A_2681, %select_n3A_2664 : vector<128x128xi1>, vector<128x128xf32>
    %get3A_2683 = arith.constant 0 : index
    %get3A_2684 = arith.constant 2304 : index
    %get3A_2685 = vector.load %arg4[%get3A_2683, %get3A_2684] : memref<1x8192xf32, #tpu.memory_space<vmem>>, vector<1x128xf32>
    %get3A_2686 = arith.constant 256 : index
    %get3A_2687 = arith.constant 2304 : index
    %get3A_2688 = vector.load %arg5[%get3A_2686, %get3A_2687] : memref<512x8192xf32, #tpu.memory_space<vmem>>, vector<128x128xf32>
    %add3A_2689 = vector.broadcast %slice3A_2354 : vector<128x1xf32> to vector<128x128xf32>
    %add3A_2690 = vector.broadcast %get3A_2685 : vector<1x128xf32> to vector<128x128xf32>
    %add3A_2691 = arith.addf %add3A_2689, %add3A_2690 : vector<128x128xf32>
    %sub3A_2692 = arith.subf %add3A_2691, %get3A_2688 : vector<128x128xf32>
    %lt3A_2693 = arith.cmpf olt, %sub3A_2692, %select_n3A_2676 : vector<128x128xf32>
    %select_n3A_2694 = arith.select %lt3A_2693, %sub3A_2692, %select_n3A_2676 : vector<128x128xi1>, vector<128x128xf32>
    %add3A_2695 = arith.constant 2.304000e+03 : f32
    %add3A_2696 = vector.broadcast %add3A_2695 : f32 to vector<1x128xf32>
    %add3A_2697 = arith.addf %convert_element_type3A_11, %add3A_2696 : vector<1x128xf32>
    %broadcast_in_dim3A_2698 = vector.shape_cast %add3A_2697 : vector<1x128xf32> to vector<1x128xf32>
    %broadcast_in_dim3A_2699 = vector.broadcast %broadcast_in_dim3A_2698 : vector<1x128xf32> to vector<128x128xf32>
    %select_n3A_2700 = arith.select %lt3A_2693, %broadcast_in_dim3A_2699, %select_n3A_2682 : vector<128x128xi1>, vector<128x128xf32>
    %get3A_2701 = arith.constant 0 : index
    %get3A_2702 = arith.constant 2432 : index
    %get3A_2703 = vector.load %arg4[%get3A_2701, %get3A_2702] : memref<1x8192xf32, #tpu.memory_space<vmem>>, vector<1x128xf32>
    %get3A_2704 = arith.constant 256 : index
    %get3A_2705 = arith.constant 2432 : index
    %get3A_2706 = vector.load %arg5[%get3A_2704, %get3A_2705] : memref<512x8192xf32, #tpu.memory_space<vmem>>, vector<128x128xf32>
    %add3A_2707 = vector.broadcast %slice3A_2354 : vector<128x1xf32> to vector<128x128xf32>
    %add3A_2708 = vector.broadcast %get3A_2703 : vector<1x128xf32> to vector<128x128xf32>
    %add3A_2709 = arith.addf %add3A_2707, %add3A_2708 : vector<128x128xf32>
    %sub3A_2710 = arith.subf %add3A_2709, %get3A_2706 : vector<128x128xf32>
    %lt3A_2711 = arith.cmpf olt, %sub3A_2710, %select_n3A_2694 : vector<128x128xf32>
    %select_n3A_2712 = arith.select %lt3A_2711, %sub3A_2710, %select_n3A_2694 : vector<128x128xi1>, vector<128x128xf32>
    %add3A_2713 = arith.constant 2.432000e+03 : f32
    %add3A_2714 = vector.broadcast %add3A_2713 : f32 to vector<1x128xf32>
    %add3A_2715 = arith.addf %convert_element_type3A_11, %add3A_2714 : vector<1x128xf32>
    %broadcast_in_dim3A_2716 = vector.shape_cast %add3A_2715 : vector<1x128xf32> to vector<1x128xf32>
    %broadcast_in_dim3A_2717 = vector.broadcast %broadcast_in_dim3A_2716 : vector<1x128xf32> to vector<128x128xf32>
    %select_n3A_2718 = arith.select %lt3A_2711, %broadcast_in_dim3A_2717, %select_n3A_2700 : vector<128x128xi1>, vector<128x128xf32>
    %get3A_2719 = arith.constant 0 : index
    %get3A_2720 = arith.constant 2560 : index
    %get3A_2721 = vector.load %arg4[%get3A_2719, %get3A_2720] : memref<1x8192xf32, #tpu.memory_space<vmem>>, vector<1x128xf32>
    %get3A_2722 = arith.constant 256 : index
    %get3A_2723 = arith.constant 2560 : index
    %get3A_2724 = vector.load %arg5[%get3A_2722, %get3A_2723] : memref<512x8192xf32, #tpu.memory_space<vmem>>, vector<128x128xf32>
    %add3A_2725 = vector.broadcast %slice3A_2354 : vector<128x1xf32> to vector<128x128xf32>
    %add3A_2726 = vector.broadcast %get3A_2721 : vector<1x128xf32> to vector<128x128xf32>
    %add3A_2727 = arith.addf %add3A_2725, %add3A_2726 : vector<128x128xf32>
    %sub3A_2728 = arith.subf %add3A_2727, %get3A_2724 : vector<128x128xf32>
    %lt3A_2729 = arith.cmpf olt, %sub3A_2728, %select_n3A_2712 : vector<128x128xf32>
    %select_n3A_2730 = arith.select %lt3A_2729, %sub3A_2728, %select_n3A_2712 : vector<128x128xi1>, vector<128x128xf32>
    %add3A_2731 = arith.constant 2.560000e+03 : f32
    %add3A_2732 = vector.broadcast %add3A_2731 : f32 to vector<1x128xf32>
    %add3A_2733 = arith.addf %convert_element_type3A_11, %add3A_2732 : vector<1x128xf32>
    %broadcast_in_dim3A_2734 = vector.shape_cast %add3A_2733 : vector<1x128xf32> to vector<1x128xf32>
    %broadcast_in_dim3A_2735 = vector.broadcast %broadcast_in_dim3A_2734 : vector<1x128xf32> to vector<128x128xf32>
    %select_n3A_2736 = arith.select %lt3A_2729, %broadcast_in_dim3A_2735, %select_n3A_2718 : vector<128x128xi1>, vector<128x128xf32>
    %get3A_2737 = arith.constant 0 : index
    %get3A_2738 = arith.constant 2688 : index
    %get3A_2739 = vector.load %arg4[%get3A_2737, %get3A_2738] : memref<1x8192xf32, #tpu.memory_space<vmem>>, vector<1x128xf32>
    %get3A_2740 = arith.constant 256 : index
    %get3A_2741 = arith.constant 2688 : index
    %get3A_2742 = vector.load %arg5[%get3A_2740, %get3A_2741] : memref<512x8192xf32, #tpu.memory_space<vmem>>, vector<128x128xf32>
    %add3A_2743 = vector.broadcast %slice3A_2354 : vector<128x1xf32> to vector<128x128xf32>
    %add3A_2744 = vector.broadcast %get3A_2739 : vector<1x128xf32> to vector<128x128xf32>
    %add3A_2745 = arith.addf %add3A_2743, %add3A_2744 : vector<128x128xf32>
    %sub3A_2746 = arith.subf %add3A_2745, %get3A_2742 : vector<128x128xf32>
    %lt3A_2747 = arith.cmpf olt, %sub3A_2746, %select_n3A_2730 : vector<128x128xf32>
    %select_n3A_2748 = arith.select %lt3A_2747, %sub3A_2746, %select_n3A_2730 : vector<128x128xi1>, vector<128x128xf32>
    %add3A_2749 = arith.constant 2.688000e+03 : f32
    %add3A_2750 = vector.broadcast %add3A_2749 : f32 to vector<1x128xf32>
    %add3A_2751 = arith.addf %convert_element_type3A_11, %add3A_2750 : vector<1x128xf32>
    %broadcast_in_dim3A_2752 = vector.shape_cast %add3A_2751 : vector<1x128xf32> to vector<1x128xf32>
    %broadcast_in_dim3A_2753 = vector.broadcast %broadcast_in_dim3A_2752 : vector<1x128xf32> to vector<128x128xf32>
    %select_n3A_2754 = arith.select %lt3A_2747, %broadcast_in_dim3A_2753, %select_n3A_2736 : vector<128x128xi1>, vector<128x128xf32>
    %get3A_2755 = arith.constant 0 : index
    %get3A_2756 = arith.constant 2816 : index
    %get3A_2757 = vector.load %arg4[%get3A_2755, %get3A_2756] : memref<1x8192xf32, #tpu.memory_space<vmem>>, vector<1x128xf32>
    %get3A_2758 = arith.constant 256 : index
    %get3A_2759 = arith.constant 2816 : index
    %get3A_2760 = vector.load %arg5[%get3A_2758, %get3A_2759] : memref<512x8192xf32, #tpu.memory_space<vmem>>, vector<128x128xf32>
    %add3A_2761 = vector.broadcast %slice3A_2354 : vector<128x1xf32> to vector<128x128xf32>
    %add3A_2762 = vector.broadcast %get3A_2757 : vector<1x128xf32> to vector<128x128xf32>
    %add3A_2763 = arith.addf %add3A_2761, %add3A_2762 : vector<128x128xf32>
    %sub3A_2764 = arith.subf %add3A_2763, %get3A_2760 : vector<128x128xf32>
    %lt3A_2765 = arith.cmpf olt, %sub3A_2764, %select_n3A_2748 : vector<128x128xf32>
    %select_n3A_2766 = arith.select %lt3A_2765, %sub3A_2764, %select_n3A_2748 : vector<128x128xi1>, vector<128x128xf32>
    %add3A_2767 = arith.constant 2.816000e+03 : f32
    %add3A_2768 = vector.broadcast %add3A_2767 : f32 to vector<1x128xf32>
    %add3A_2769 = arith.addf %convert_element_type3A_11, %add3A_2768 : vector<1x128xf32>
    %broadcast_in_dim3A_2770 = vector.shape_cast %add3A_2769 : vector<1x128xf32> to vector<1x128xf32>
    %broadcast_in_dim3A_2771 = vector.broadcast %broadcast_in_dim3A_2770 : vector<1x128xf32> to vector<128x128xf32>
    %select_n3A_2772 = arith.select %lt3A_2765, %broadcast_in_dim3A_2771, %select_n3A_2754 : vector<128x128xi1>, vector<128x128xf32>
    %get3A_2773 = arith.constant 0 : index
    %get3A_2774 = arith.constant 2944 : index
    %get3A_2775 = vector.load %arg4[%get3A_2773, %get3A_2774] : memref<1x8192xf32, #tpu.memory_space<vmem>>, vector<1x128xf32>
    %get3A_2776 = arith.constant 256 : index
    %get3A_2777 = arith.constant 2944 : index
    %get3A_2778 = vector.load %arg5[%get3A_2776, %get3A_2777] : memref<512x8192xf32, #tpu.memory_space<vmem>>, vector<128x128xf32>
    %add3A_2779 = vector.broadcast %slice3A_2354 : vector<128x1xf32> to vector<128x128xf32>
    %add3A_2780 = vector.broadcast %get3A_2775 : vector<1x128xf32> to vector<128x128xf32>
    %add3A_2781 = arith.addf %add3A_2779, %add3A_2780 : vector<128x128xf32>
    %sub3A_2782 = arith.subf %add3A_2781, %get3A_2778 : vector<128x128xf32>
    %lt3A_2783 = arith.cmpf olt, %sub3A_2782, %select_n3A_2766 : vector<128x128xf32>
    %select_n3A_2784 = arith.select %lt3A_2783, %sub3A_2782, %select_n3A_2766 : vector<128x128xi1>, vector<128x128xf32>
    %add3A_2785 = arith.constant 2.944000e+03 : f32
    %add3A_2786 = vector.broadcast %add3A_2785 : f32 to vector<1x128xf32>
    %add3A_2787 = arith.addf %convert_element_type3A_11, %add3A_2786 : vector<1x128xf32>
    %broadcast_in_dim3A_2788 = vector.shape_cast %add3A_2787 : vector<1x128xf32> to vector<1x128xf32>
    %broadcast_in_dim3A_2789 = vector.broadcast %broadcast_in_dim3A_2788 : vector<1x128xf32> to vector<128x128xf32>
    %select_n3A_2790 = arith.select %lt3A_2783, %broadcast_in_dim3A_2789, %select_n3A_2772 : vector<128x128xi1>, vector<128x128xf32>
    %get3A_2791 = arith.constant 0 : index
    %get3A_2792 = arith.constant 3072 : index
    %get3A_2793 = vector.load %arg4[%get3A_2791, %get3A_2792] : memref<1x8192xf32, #tpu.memory_space<vmem>>, vector<1x128xf32>
    %get3A_2794 = arith.constant 256 : index
    %get3A_2795 = arith.constant 3072 : index
    %get3A_2796 = vector.load %arg5[%get3A_2794, %get3A_2795] : memref<512x8192xf32, #tpu.memory_space<vmem>>, vector<128x128xf32>
    %add3A_2797 = vector.broadcast %slice3A_2354 : vector<128x1xf32> to vector<128x128xf32>
    %add3A_2798 = vector.broadcast %get3A_2793 : vector<1x128xf32> to vector<128x128xf32>
    %add3A_2799 = arith.addf %add3A_2797, %add3A_2798 : vector<128x128xf32>
    %sub3A_2800 = arith.subf %add3A_2799, %get3A_2796 : vector<128x128xf32>
    %lt3A_2801 = arith.cmpf olt, %sub3A_2800, %select_n3A_2784 : vector<128x128xf32>
    %select_n3A_2802 = arith.select %lt3A_2801, %sub3A_2800, %select_n3A_2784 : vector<128x128xi1>, vector<128x128xf32>
    %add3A_2803 = arith.constant 3.072000e+03 : f32
    %add3A_2804 = vector.broadcast %add3A_2803 : f32 to vector<1x128xf32>
    %add3A_2805 = arith.addf %convert_element_type3A_11, %add3A_2804 : vector<1x128xf32>
    %broadcast_in_dim3A_2806 = vector.shape_cast %add3A_2805 : vector<1x128xf32> to vector<1x128xf32>
    %broadcast_in_dim3A_2807 = vector.broadcast %broadcast_in_dim3A_2806 : vector<1x128xf32> to vector<128x128xf32>
    %select_n3A_2808 = arith.select %lt3A_2801, %broadcast_in_dim3A_2807, %select_n3A_2790 : vector<128x128xi1>, vector<128x128xf32>
    %get3A_2809 = arith.constant 0 : index
    %get3A_2810 = arith.constant 3200 : index
    %get3A_2811 = vector.load %arg4[%get3A_2809, %get3A_2810] : memref<1x8192xf32, #tpu.memory_space<vmem>>, vector<1x128xf32>
    %get3A_2812 = arith.constant 256 : index
    %get3A_2813 = arith.constant 3200 : index
    %get3A_2814 = vector.load %arg5[%get3A_2812, %get3A_2813] : memref<512x8192xf32, #tpu.memory_space<vmem>>, vector<128x128xf32>
    %add3A_2815 = vector.broadcast %slice3A_2354 : vector<128x1xf32> to vector<128x128xf32>
    %add3A_2816 = vector.broadcast %get3A_2811 : vector<1x128xf32> to vector<128x128xf32>
    %add3A_2817 = arith.addf %add3A_2815, %add3A_2816 : vector<128x128xf32>
    %sub3A_2818 = arith.subf %add3A_2817, %get3A_2814 : vector<128x128xf32>
    %lt3A_2819 = arith.cmpf olt, %sub3A_2818, %select_n3A_2802 : vector<128x128xf32>
    %select_n3A_2820 = arith.select %lt3A_2819, %sub3A_2818, %select_n3A_2802 : vector<128x128xi1>, vector<128x128xf32>
    %add3A_2821 = arith.constant 3.200000e+03 : f32
    %add3A_2822 = vector.broadcast %add3A_2821 : f32 to vector<1x128xf32>
    %add3A_2823 = arith.addf %convert_element_type3A_11, %add3A_2822 : vector<1x128xf32>
    %broadcast_in_dim3A_2824 = vector.shape_cast %add3A_2823 : vector<1x128xf32> to vector<1x128xf32>
    %broadcast_in_dim3A_2825 = vector.broadcast %broadcast_in_dim3A_2824 : vector<1x128xf32> to vector<128x128xf32>
    %select_n3A_2826 = arith.select %lt3A_2819, %broadcast_in_dim3A_2825, %select_n3A_2808 : vector<128x128xi1>, vector<128x128xf32>
    %get3A_2827 = arith.constant 0 : index
    %get3A_2828 = arith.constant 3328 : index
    %get3A_2829 = vector.load %arg4[%get3A_2827, %get3A_2828] : memref<1x8192xf32, #tpu.memory_space<vmem>>, vector<1x128xf32>
    %get3A_2830 = arith.constant 256 : index
    %get3A_2831 = arith.constant 3328 : index
    %get3A_2832 = vector.load %arg5[%get3A_2830, %get3A_2831] : memref<512x8192xf32, #tpu.memory_space<vmem>>, vector<128x128xf32>
    %add3A_2833 = vector.broadcast %slice3A_2354 : vector<128x1xf32> to vector<128x128xf32>
    %add3A_2834 = vector.broadcast %get3A_2829 : vector<1x128xf32> to vector<128x128xf32>
    %add3A_2835 = arith.addf %add3A_2833, %add3A_2834 : vector<128x128xf32>
    %sub3A_2836 = arith.subf %add3A_2835, %get3A_2832 : vector<128x128xf32>
    %lt3A_2837 = arith.cmpf olt, %sub3A_2836, %select_n3A_2820 : vector<128x128xf32>
    %select_n3A_2838 = arith.select %lt3A_2837, %sub3A_2836, %select_n3A_2820 : vector<128x128xi1>, vector<128x128xf32>
    %add3A_2839 = arith.constant 3.328000e+03 : f32
    %add3A_2840 = vector.broadcast %add3A_2839 : f32 to vector<1x128xf32>
    %add3A_2841 = arith.addf %convert_element_type3A_11, %add3A_2840 : vector<1x128xf32>
    %broadcast_in_dim3A_2842 = vector.shape_cast %add3A_2841 : vector<1x128xf32> to vector<1x128xf32>
    %broadcast_in_dim3A_2843 = vector.broadcast %broadcast_in_dim3A_2842 : vector<1x128xf32> to vector<128x128xf32>
    %select_n3A_2844 = arith.select %lt3A_2837, %broadcast_in_dim3A_2843, %select_n3A_2826 : vector<128x128xi1>, vector<128x128xf32>
    %get3A_2845 = arith.constant 0 : index
    %get3A_2846 = arith.constant 3456 : index
    %get3A_2847 = vector.load %arg4[%get3A_2845, %get3A_2846] : memref<1x8192xf32, #tpu.memory_space<vmem>>, vector<1x128xf32>
    %get3A_2848 = arith.constant 256 : index
    %get3A_2849 = arith.constant 3456 : index
    %get3A_2850 = vector.load %arg5[%get3A_2848, %get3A_2849] : memref<512x8192xf32, #tpu.memory_space<vmem>>, vector<128x128xf32>
    %add3A_2851 = vector.broadcast %slice3A_2354 : vector<128x1xf32> to vector<128x128xf32>
    %add3A_2852 = vector.broadcast %get3A_2847 : vector<1x128xf32> to vector<128x128xf32>
    %add3A_2853 = arith.addf %add3A_2851, %add3A_2852 : vector<128x128xf32>
    %sub3A_2854 = arith.subf %add3A_2853, %get3A_2850 : vector<128x128xf32>
    %lt3A_2855 = arith.cmpf olt, %sub3A_2854, %select_n3A_2838 : vector<128x128xf32>
    %select_n3A_2856 = arith.select %lt3A_2855, %sub3A_2854, %select_n3A_2838 : vector<128x128xi1>, vector<128x128xf32>
    %add3A_2857 = arith.constant 3.456000e+03 : f32
    %add3A_2858 = vector.broadcast %add3A_2857 : f32 to vector<1x128xf32>
    %add3A_2859 = arith.addf %convert_element_type3A_11, %add3A_2858 : vector<1x128xf32>
    %broadcast_in_dim3A_2860 = vector.shape_cast %add3A_2859 : vector<1x128xf32> to vector<1x128xf32>
    %broadcast_in_dim3A_2861 = vector.broadcast %broadcast_in_dim3A_2860 : vector<1x128xf32> to vector<128x128xf32>
    %select_n3A_2862 = arith.select %lt3A_2855, %broadcast_in_dim3A_2861, %select_n3A_2844 : vector<128x128xi1>, vector<128x128xf32>
    %get3A_2863 = arith.constant 0 : index
    %get3A_2864 = arith.constant 3584 : index
    %get3A_2865 = vector.load %arg4[%get3A_2863, %get3A_2864] : memref<1x8192xf32, #tpu.memory_space<vmem>>, vector<1x128xf32>
    %get3A_2866 = arith.constant 256 : index
    %get3A_2867 = arith.constant 3584 : index
    %get3A_2868 = vector.load %arg5[%get3A_2866, %get3A_2867] : memref<512x8192xf32, #tpu.memory_space<vmem>>, vector<128x128xf32>
    %add3A_2869 = vector.broadcast %slice3A_2354 : vector<128x1xf32> to vector<128x128xf32>
    %add3A_2870 = vector.broadcast %get3A_2865 : vector<1x128xf32> to vector<128x128xf32>
    %add3A_2871 = arith.addf %add3A_2869, %add3A_2870 : vector<128x128xf32>
    %sub3A_2872 = arith.subf %add3A_2871, %get3A_2868 : vector<128x128xf32>
    %lt3A_2873 = arith.cmpf olt, %sub3A_2872, %select_n3A_2856 : vector<128x128xf32>
    %select_n3A_2874 = arith.select %lt3A_2873, %sub3A_2872, %select_n3A_2856 : vector<128x128xi1>, vector<128x128xf32>
    %add3A_2875 = arith.constant 3.584000e+03 : f32
    %add3A_2876 = vector.broadcast %add3A_2875 : f32 to vector<1x128xf32>
    %add3A_2877 = arith.addf %convert_element_type3A_11, %add3A_2876 : vector<1x128xf32>
    %broadcast_in_dim3A_2878 = vector.shape_cast %add3A_2877 : vector<1x128xf32> to vector<1x128xf32>
    %broadcast_in_dim3A_2879 = vector.broadcast %broadcast_in_dim3A_2878 : vector<1x128xf32> to vector<128x128xf32>
    %select_n3A_2880 = arith.select %lt3A_2873, %broadcast_in_dim3A_2879, %select_n3A_2862 : vector<128x128xi1>, vector<128x128xf32>
    %get3A_2881 = arith.constant 0 : index
    %get3A_2882 = arith.constant 3712 : index
    %get3A_2883 = vector.load %arg4[%get3A_2881, %get3A_2882] : memref<1x8192xf32, #tpu.memory_space<vmem>>, vector<1x128xf32>
    %get3A_2884 = arith.constant 256 : index
    %get3A_2885 = arith.constant 3712 : index
    %get3A_2886 = vector.load %arg5[%get3A_2884, %get3A_2885] : memref<512x8192xf32, #tpu.memory_space<vmem>>, vector<128x128xf32>
    %add3A_2887 = vector.broadcast %slice3A_2354 : vector<128x1xf32> to vector<128x128xf32>
    %add3A_2888 = vector.broadcast %get3A_2883 : vector<1x128xf32> to vector<128x128xf32>
    %add3A_2889 = arith.addf %add3A_2887, %add3A_2888 : vector<128x128xf32>
    %sub3A_2890 = arith.subf %add3A_2889, %get3A_2886 : vector<128x128xf32>
    %lt3A_2891 = arith.cmpf olt, %sub3A_2890, %select_n3A_2874 : vector<128x128xf32>
    %select_n3A_2892 = arith.select %lt3A_2891, %sub3A_2890, %select_n3A_2874 : vector<128x128xi1>, vector<128x128xf32>
    %add3A_2893 = arith.constant 3.712000e+03 : f32
    %add3A_2894 = vector.broadcast %add3A_2893 : f32 to vector<1x128xf32>
    %add3A_2895 = arith.addf %convert_element_type3A_11, %add3A_2894 : vector<1x128xf32>
    %broadcast_in_dim3A_2896 = vector.shape_cast %add3A_2895 : vector<1x128xf32> to vector<1x128xf32>
    %broadcast_in_dim3A_2897 = vector.broadcast %broadcast_in_dim3A_2896 : vector<1x128xf32> to vector<128x128xf32>
    %select_n3A_2898 = arith.select %lt3A_2891, %broadcast_in_dim3A_2897, %select_n3A_2880 : vector<128x128xi1>, vector<128x128xf32>
    %get3A_2899 = arith.constant 0 : index
    %get3A_2900 = arith.constant 3840 : index
    %get3A_2901 = vector.load %arg4[%get3A_2899, %get3A_2900] : memref<1x8192xf32, #tpu.memory_space<vmem>>, vector<1x128xf32>
    %get3A_2902 = arith.constant 256 : index
    %get3A_2903 = arith.constant 3840 : index
    %get3A_2904 = vector.load %arg5[%get3A_2902, %get3A_2903] : memref<512x8192xf32, #tpu.memory_space<vmem>>, vector<128x128xf32>
    %add3A_2905 = vector.broadcast %slice3A_2354 : vector<128x1xf32> to vector<128x128xf32>
    %add3A_2906 = vector.broadcast %get3A_2901 : vector<1x128xf32> to vector<128x128xf32>
    %add3A_2907 = arith.addf %add3A_2905, %add3A_2906 : vector<128x128xf32>
    %sub3A_2908 = arith.subf %add3A_2907, %get3A_2904 : vector<128x128xf32>
    %lt3A_2909 = arith.cmpf olt, %sub3A_2908, %select_n3A_2892 : vector<128x128xf32>
    %select_n3A_2910 = arith.select %lt3A_2909, %sub3A_2908, %select_n3A_2892 : vector<128x128xi1>, vector<128x128xf32>
    %add3A_2911 = arith.constant 3.840000e+03 : f32
    %add3A_2912 = vector.broadcast %add3A_2911 : f32 to vector<1x128xf32>
    %add3A_2913 = arith.addf %convert_element_type3A_11, %add3A_2912 : vector<1x128xf32>
    %broadcast_in_dim3A_2914 = vector.shape_cast %add3A_2913 : vector<1x128xf32> to vector<1x128xf32>
    %broadcast_in_dim3A_2915 = vector.broadcast %broadcast_in_dim3A_2914 : vector<1x128xf32> to vector<128x128xf32>
    %select_n3A_2916 = arith.select %lt3A_2909, %broadcast_in_dim3A_2915, %select_n3A_2898 : vector<128x128xi1>, vector<128x128xf32>
    %get3A_2917 = arith.constant 0 : index
    %get3A_2918 = arith.constant 3968 : index
    %get3A_2919 = vector.load %arg4[%get3A_2917, %get3A_2918] : memref<1x8192xf32, #tpu.memory_space<vmem>>, vector<1x128xf32>
    %get3A_2920 = arith.constant 256 : index
    %get3A_2921 = arith.constant 3968 : index
    %get3A_2922 = vector.load %arg5[%get3A_2920, %get3A_2921] : memref<512x8192xf32, #tpu.memory_space<vmem>>, vector<128x128xf32>
    %add3A_2923 = vector.broadcast %slice3A_2354 : vector<128x1xf32> to vector<128x128xf32>
    %add3A_2924 = vector.broadcast %get3A_2919 : vector<1x128xf32> to vector<128x128xf32>
    %add3A_2925 = arith.addf %add3A_2923, %add3A_2924 : vector<128x128xf32>
    %sub3A_2926 = arith.subf %add3A_2925, %get3A_2922 : vector<128x128xf32>
    %lt3A_2927 = arith.cmpf olt, %sub3A_2926, %select_n3A_2910 : vector<128x128xf32>
    %select_n3A_2928 = arith.select %lt3A_2927, %sub3A_2926, %select_n3A_2910 : vector<128x128xi1>, vector<128x128xf32>
    %add3A_2929 = arith.constant 3.968000e+03 : f32
    %add3A_2930 = vector.broadcast %add3A_2929 : f32 to vector<1x128xf32>
    %add3A_2931 = arith.addf %convert_element_type3A_11, %add3A_2930 : vector<1x128xf32>
    %broadcast_in_dim3A_2932 = vector.shape_cast %add3A_2931 : vector<1x128xf32> to vector<1x128xf32>
    %broadcast_in_dim3A_2933 = vector.broadcast %broadcast_in_dim3A_2932 : vector<1x128xf32> to vector<128x128xf32>
    %select_n3A_2934 = arith.select %lt3A_2927, %broadcast_in_dim3A_2933, %select_n3A_2916 : vector<128x128xi1>, vector<128x128xf32>
    %get3A_2935 = arith.constant 0 : index
    %get3A_2936 = arith.constant 4096 : index
    %get3A_2937 = vector.load %arg4[%get3A_2935, %get3A_2936] : memref<1x8192xf32, #tpu.memory_space<vmem>>, vector<1x128xf32>
    %get3A_2938 = arith.constant 256 : index
    %get3A_2939 = arith.constant 4096 : index
    %get3A_2940 = vector.load %arg5[%get3A_2938, %get3A_2939] : memref<512x8192xf32, #tpu.memory_space<vmem>>, vector<128x128xf32>
    %add3A_2941 = vector.broadcast %slice3A_2354 : vector<128x1xf32> to vector<128x128xf32>
    %add3A_2942 = vector.broadcast %get3A_2937 : vector<1x128xf32> to vector<128x128xf32>
    %add3A_2943 = arith.addf %add3A_2941, %add3A_2942 : vector<128x128xf32>
    %sub3A_2944 = arith.subf %add3A_2943, %get3A_2940 : vector<128x128xf32>
    %lt3A_2945 = arith.cmpf olt, %sub3A_2944, %select_n3A_2928 : vector<128x128xf32>
    %select_n3A_2946 = arith.select %lt3A_2945, %sub3A_2944, %select_n3A_2928 : vector<128x128xi1>, vector<128x128xf32>
    %add3A_2947 = arith.constant 4.096000e+03 : f32
    %add3A_2948 = vector.broadcast %add3A_2947 : f32 to vector<1x128xf32>
    %add3A_2949 = arith.addf %convert_element_type3A_11, %add3A_2948 : vector<1x128xf32>
    %broadcast_in_dim3A_2950 = vector.shape_cast %add3A_2949 : vector<1x128xf32> to vector<1x128xf32>
    %broadcast_in_dim3A_2951 = vector.broadcast %broadcast_in_dim3A_2950 : vector<1x128xf32> to vector<128x128xf32>
    %select_n3A_2952 = arith.select %lt3A_2945, %broadcast_in_dim3A_2951, %select_n3A_2934 : vector<128x128xi1>, vector<128x128xf32>
    %get3A_2953 = arith.constant 0 : index
    %get3A_2954 = arith.constant 4224 : index
    %get3A_2955 = vector.load %arg4[%get3A_2953, %get3A_2954] : memref<1x8192xf32, #tpu.memory_space<vmem>>, vector<1x128xf32>
    %get3A_2956 = arith.constant 256 : index
    %get3A_2957 = arith.constant 4224 : index
    %get3A_2958 = vector.load %arg5[%get3A_2956, %get3A_2957] : memref<512x8192xf32, #tpu.memory_space<vmem>>, vector<128x128xf32>
    %add3A_2959 = vector.broadcast %slice3A_2354 : vector<128x1xf32> to vector<128x128xf32>
    %add3A_2960 = vector.broadcast %get3A_2955 : vector<1x128xf32> to vector<128x128xf32>
    %add3A_2961 = arith.addf %add3A_2959, %add3A_2960 : vector<128x128xf32>
    %sub3A_2962 = arith.subf %add3A_2961, %get3A_2958 : vector<128x128xf32>
    %lt3A_2963 = arith.cmpf olt, %sub3A_2962, %select_n3A_2946 : vector<128x128xf32>
    %select_n3A_2964 = arith.select %lt3A_2963, %sub3A_2962, %select_n3A_2946 : vector<128x128xi1>, vector<128x128xf32>
    %add3A_2965 = arith.constant 4.224000e+03 : f32
    %add3A_2966 = vector.broadcast %add3A_2965 : f32 to vector<1x128xf32>
    %add3A_2967 = arith.addf %convert_element_type3A_11, %add3A_2966 : vector<1x128xf32>
    %broadcast_in_dim3A_2968 = vector.shape_cast %add3A_2967 : vector<1x128xf32> to vector<1x128xf32>
    %broadcast_in_dim3A_2969 = vector.broadcast %broadcast_in_dim3A_2968 : vector<1x128xf32> to vector<128x128xf32>
    %select_n3A_2970 = arith.select %lt3A_2963, %broadcast_in_dim3A_2969, %select_n3A_2952 : vector<128x128xi1>, vector<128x128xf32>
    %get3A_2971 = arith.constant 0 : index
    %get3A_2972 = arith.constant 4352 : index
    %get3A_2973 = vector.load %arg4[%get3A_2971, %get3A_2972] : memref<1x8192xf32, #tpu.memory_space<vmem>>, vector<1x128xf32>
    %get3A_2974 = arith.constant 256 : index
    %get3A_2975 = arith.constant 4352 : index
    %get3A_2976 = vector.load %arg5[%get3A_2974, %get3A_2975] : memref<512x8192xf32, #tpu.memory_space<vmem>>, vector<128x128xf32>
    %add3A_2977 = vector.broadcast %slice3A_2354 : vector<128x1xf32> to vector<128x128xf32>
    %add3A_2978 = vector.broadcast %get3A_2973 : vector<1x128xf32> to vector<128x128xf32>
    %add3A_2979 = arith.addf %add3A_2977, %add3A_2978 : vector<128x128xf32>
    %sub3A_2980 = arith.subf %add3A_2979, %get3A_2976 : vector<128x128xf32>
    %lt3A_2981 = arith.cmpf olt, %sub3A_2980, %select_n3A_2964 : vector<128x128xf32>
    %select_n3A_2982 = arith.select %lt3A_2981, %sub3A_2980, %select_n3A_2964 : vector<128x128xi1>, vector<128x128xf32>
    %add3A_2983 = arith.constant 4.352000e+03 : f32
    %add3A_2984 = vector.broadcast %add3A_2983 : f32 to vector<1x128xf32>
    %add3A_2985 = arith.addf %convert_element_type3A_11, %add3A_2984 : vector<1x128xf32>
    %broadcast_in_dim3A_2986 = vector.shape_cast %add3A_2985 : vector<1x128xf32> to vector<1x128xf32>
    %broadcast_in_dim3A_2987 = vector.broadcast %broadcast_in_dim3A_2986 : vector<1x128xf32> to vector<128x128xf32>
    %select_n3A_2988 = arith.select %lt3A_2981, %broadcast_in_dim3A_2987, %select_n3A_2970 : vector<128x128xi1>, vector<128x128xf32>
    %get3A_2989 = arith.constant 0 : index
    %get3A_2990 = arith.constant 4480 : index
    %get3A_2991 = vector.load %arg4[%get3A_2989, %get3A_2990] : memref<1x8192xf32, #tpu.memory_space<vmem>>, vector<1x128xf32>
    %get3A_2992 = arith.constant 256 : index
    %get3A_2993 = arith.constant 4480 : index
    %get3A_2994 = vector.load %arg5[%get3A_2992, %get3A_2993] : memref<512x8192xf32, #tpu.memory_space<vmem>>, vector<128x128xf32>
    %add3A_2995 = vector.broadcast %slice3A_2354 : vector<128x1xf32> to vector<128x128xf32>
    %add3A_2996 = vector.broadcast %get3A_2991 : vector<1x128xf32> to vector<128x128xf32>
    %add3A_2997 = arith.addf %add3A_2995, %add3A_2996 : vector<128x128xf32>
    %sub3A_2998 = arith.subf %add3A_2997, %get3A_2994 : vector<128x128xf32>
    %lt3A_2999 = arith.cmpf olt, %sub3A_2998, %select_n3A_2982 : vector<128x128xf32>
    %select_n3A_3000 = arith.select %lt3A_2999, %sub3A_2998, %select_n3A_2982 : vector<128x128xi1>, vector<128x128xf32>
    %add3A_3001 = arith.constant 4.480000e+03 : f32
    %add3A_3002 = vector.broadcast %add3A_3001 : f32 to vector<1x128xf32>
    %add3A_3003 = arith.addf %convert_element_type3A_11, %add3A_3002 : vector<1x128xf32>
    %broadcast_in_dim3A_3004 = vector.shape_cast %add3A_3003 : vector<1x128xf32> to vector<1x128xf32>
    %broadcast_in_dim3A_3005 = vector.broadcast %broadcast_in_dim3A_3004 : vector<1x128xf32> to vector<128x128xf32>
    %select_n3A_3006 = arith.select %lt3A_2999, %broadcast_in_dim3A_3005, %select_n3A_2988 : vector<128x128xi1>, vector<128x128xf32>
    %get3A_3007 = arith.constant 0 : index
    %get3A_3008 = arith.constant 4608 : index
    %get3A_3009 = vector.load %arg4[%get3A_3007, %get3A_3008] : memref<1x8192xf32, #tpu.memory_space<vmem>>, vector<1x128xf32>
    %get3A_3010 = arith.constant 256 : index
    %get3A_3011 = arith.constant 4608 : index
    %get3A_3012 = vector.load %arg5[%get3A_3010, %get3A_3011] : memref<512x8192xf32, #tpu.memory_space<vmem>>, vector<128x128xf32>
    %add3A_3013 = vector.broadcast %slice3A_2354 : vector<128x1xf32> to vector<128x128xf32>
    %add3A_3014 = vector.broadcast %get3A_3009 : vector<1x128xf32> to vector<128x128xf32>
    %add3A_3015 = arith.addf %add3A_3013, %add3A_3014 : vector<128x128xf32>
    %sub3A_3016 = arith.subf %add3A_3015, %get3A_3012 : vector<128x128xf32>
    %lt3A_3017 = arith.cmpf olt, %sub3A_3016, %select_n3A_3000 : vector<128x128xf32>
    %select_n3A_3018 = arith.select %lt3A_3017, %sub3A_3016, %select_n3A_3000 : vector<128x128xi1>, vector<128x128xf32>
    %add3A_3019 = arith.constant 4.608000e+03 : f32
    %add3A_3020 = vector.broadcast %add3A_3019 : f32 to vector<1x128xf32>
    %add3A_3021 = arith.addf %convert_element_type3A_11, %add3A_3020 : vector<1x128xf32>
    %broadcast_in_dim3A_3022 = vector.shape_cast %add3A_3021 : vector<1x128xf32> to vector<1x128xf32>
    %broadcast_in_dim3A_3023 = vector.broadcast %broadcast_in_dim3A_3022 : vector<1x128xf32> to vector<128x128xf32>
    %select_n3A_3024 = arith.select %lt3A_3017, %broadcast_in_dim3A_3023, %select_n3A_3006 : vector<128x128xi1>, vector<128x128xf32>
    %get3A_3025 = arith.constant 0 : index
    %get3A_3026 = arith.constant 4736 : index
    %get3A_3027 = vector.load %arg4[%get3A_3025, %get3A_3026] : memref<1x8192xf32, #tpu.memory_space<vmem>>, vector<1x128xf32>
    %get3A_3028 = arith.constant 256 : index
    %get3A_3029 = arith.constant 4736 : index
    %get3A_3030 = vector.load %arg5[%get3A_3028, %get3A_3029] : memref<512x8192xf32, #tpu.memory_space<vmem>>, vector<128x128xf32>
    %add3A_3031 = vector.broadcast %slice3A_2354 : vector<128x1xf32> to vector<128x128xf32>
    %add3A_3032 = vector.broadcast %get3A_3027 : vector<1x128xf32> to vector<128x128xf32>
    %add3A_3033 = arith.addf %add3A_3031, %add3A_3032 : vector<128x128xf32>
    %sub3A_3034 = arith.subf %add3A_3033, %get3A_3030 : vector<128x128xf32>
    %lt3A_3035 = arith.cmpf olt, %sub3A_3034, %select_n3A_3018 : vector<128x128xf32>
    %select_n3A_3036 = arith.select %lt3A_3035, %sub3A_3034, %select_n3A_3018 : vector<128x128xi1>, vector<128x128xf32>
    %add3A_3037 = arith.constant 4.736000e+03 : f32
    %add3A_3038 = vector.broadcast %add3A_3037 : f32 to vector<1x128xf32>
    %add3A_3039 = arith.addf %convert_element_type3A_11, %add3A_3038 : vector<1x128xf32>
    %broadcast_in_dim3A_3040 = vector.shape_cast %add3A_3039 : vector<1x128xf32> to vector<1x128xf32>
    %broadcast_in_dim3A_3041 = vector.broadcast %broadcast_in_dim3A_3040 : vector<1x128xf32> to vector<128x128xf32>
    %select_n3A_3042 = arith.select %lt3A_3035, %broadcast_in_dim3A_3041, %select_n3A_3024 : vector<128x128xi1>, vector<128x128xf32>
    %get3A_3043 = arith.constant 0 : index
    %get3A_3044 = arith.constant 4864 : index
    %get3A_3045 = vector.load %arg4[%get3A_3043, %get3A_3044] : memref<1x8192xf32, #tpu.memory_space<vmem>>, vector<1x128xf32>
    %get3A_3046 = arith.constant 256 : index
    %get3A_3047 = arith.constant 4864 : index
    %get3A_3048 = vector.load %arg5[%get3A_3046, %get3A_3047] : memref<512x8192xf32, #tpu.memory_space<vmem>>, vector<128x128xf32>
    %add3A_3049 = vector.broadcast %slice3A_2354 : vector<128x1xf32> to vector<128x128xf32>
    %add3A_3050 = vector.broadcast %get3A_3045 : vector<1x128xf32> to vector<128x128xf32>
    %add3A_3051 = arith.addf %add3A_3049, %add3A_3050 : vector<128x128xf32>
    %sub3A_3052 = arith.subf %add3A_3051, %get3A_3048 : vector<128x128xf32>
    %lt3A_3053 = arith.cmpf olt, %sub3A_3052, %select_n3A_3036 : vector<128x128xf32>
    %select_n3A_3054 = arith.select %lt3A_3053, %sub3A_3052, %select_n3A_3036 : vector<128x128xi1>, vector<128x128xf32>
    %add3A_3055 = arith.constant 4.864000e+03 : f32
    %add3A_3056 = vector.broadcast %add3A_3055 : f32 to vector<1x128xf32>
    %add3A_3057 = arith.addf %convert_element_type3A_11, %add3A_3056 : vector<1x128xf32>
    %broadcast_in_dim3A_3058 = vector.shape_cast %add3A_3057 : vector<1x128xf32> to vector<1x128xf32>
    %broadcast_in_dim3A_3059 = vector.broadcast %broadcast_in_dim3A_3058 : vector<1x128xf32> to vector<128x128xf32>
    %select_n3A_3060 = arith.select %lt3A_3053, %broadcast_in_dim3A_3059, %select_n3A_3042 : vector<128x128xi1>, vector<128x128xf32>
    %get3A_3061 = arith.constant 0 : index
    %get3A_3062 = arith.constant 4992 : index
    %get3A_3063 = vector.load %arg4[%get3A_3061, %get3A_3062] : memref<1x8192xf32, #tpu.memory_space<vmem>>, vector<1x128xf32>
    %get3A_3064 = arith.constant 256 : index
    %get3A_3065 = arith.constant 4992 : index
    %get3A_3066 = vector.load %arg5[%get3A_3064, %get3A_3065] : memref<512x8192xf32, #tpu.memory_space<vmem>>, vector<128x128xf32>
    %add3A_3067 = vector.broadcast %slice3A_2354 : vector<128x1xf32> to vector<128x128xf32>
    %add3A_3068 = vector.broadcast %get3A_3063 : vector<1x128xf32> to vector<128x128xf32>
    %add3A_3069 = arith.addf %add3A_3067, %add3A_3068 : vector<128x128xf32>
    %sub3A_3070 = arith.subf %add3A_3069, %get3A_3066 : vector<128x128xf32>
    %lt3A_3071 = arith.cmpf olt, %sub3A_3070, %select_n3A_3054 : vector<128x128xf32>
    %select_n3A_3072 = arith.select %lt3A_3071, %sub3A_3070, %select_n3A_3054 : vector<128x128xi1>, vector<128x128xf32>
    %add3A_3073 = arith.constant 4.992000e+03 : f32
    %add3A_3074 = vector.broadcast %add3A_3073 : f32 to vector<1x128xf32>
    %add3A_3075 = arith.addf %convert_element_type3A_11, %add3A_3074 : vector<1x128xf32>
    %broadcast_in_dim3A_3076 = vector.shape_cast %add3A_3075 : vector<1x128xf32> to vector<1x128xf32>
    %broadcast_in_dim3A_3077 = vector.broadcast %broadcast_in_dim3A_3076 : vector<1x128xf32> to vector<128x128xf32>
    %select_n3A_3078 = arith.select %lt3A_3071, %broadcast_in_dim3A_3077, %select_n3A_3060 : vector<128x128xi1>, vector<128x128xf32>
    %get3A_3079 = arith.constant 0 : index
    %get3A_3080 = arith.constant 5120 : index
    %get3A_3081 = vector.load %arg4[%get3A_3079, %get3A_3080] : memref<1x8192xf32, #tpu.memory_space<vmem>>, vector<1x128xf32>
    %get3A_3082 = arith.constant 256 : index
    %get3A_3083 = arith.constant 5120 : index
    %get3A_3084 = vector.load %arg5[%get3A_3082, %get3A_3083] : memref<512x8192xf32, #tpu.memory_space<vmem>>, vector<128x128xf32>
    %add3A_3085 = vector.broadcast %slice3A_2354 : vector<128x1xf32> to vector<128x128xf32>
    %add3A_3086 = vector.broadcast %get3A_3081 : vector<1x128xf32> to vector<128x128xf32>
    %add3A_3087 = arith.addf %add3A_3085, %add3A_3086 : vector<128x128xf32>
    %sub3A_3088 = arith.subf %add3A_3087, %get3A_3084 : vector<128x128xf32>
    %lt3A_3089 = arith.cmpf olt, %sub3A_3088, %select_n3A_3072 : vector<128x128xf32>
    %select_n3A_3090 = arith.select %lt3A_3089, %sub3A_3088, %select_n3A_3072 : vector<128x128xi1>, vector<128x128xf32>
    %add3A_3091 = arith.constant 5.120000e+03 : f32
    %add3A_3092 = vector.broadcast %add3A_3091 : f32 to vector<1x128xf32>
    %add3A_3093 = arith.addf %convert_element_type3A_11, %add3A_3092 : vector<1x128xf32>
    %broadcast_in_dim3A_3094 = vector.shape_cast %add3A_3093 : vector<1x128xf32> to vector<1x128xf32>
    %broadcast_in_dim3A_3095 = vector.broadcast %broadcast_in_dim3A_3094 : vector<1x128xf32> to vector<128x128xf32>
    %select_n3A_3096 = arith.select %lt3A_3089, %broadcast_in_dim3A_3095, %select_n3A_3078 : vector<128x128xi1>, vector<128x128xf32>
    %get3A_3097 = arith.constant 0 : index
    %get3A_3098 = arith.constant 5248 : index
    %get3A_3099 = vector.load %arg4[%get3A_3097, %get3A_3098] : memref<1x8192xf32, #tpu.memory_space<vmem>>, vector<1x128xf32>
    %get3A_3100 = arith.constant 256 : index
    %get3A_3101 = arith.constant 5248 : index
    %get3A_3102 = vector.load %arg5[%get3A_3100, %get3A_3101] : memref<512x8192xf32, #tpu.memory_space<vmem>>, vector<128x128xf32>
    %add3A_3103 = vector.broadcast %slice3A_2354 : vector<128x1xf32> to vector<128x128xf32>
    %add3A_3104 = vector.broadcast %get3A_3099 : vector<1x128xf32> to vector<128x128xf32>
    %add3A_3105 = arith.addf %add3A_3103, %add3A_3104 : vector<128x128xf32>
    %sub3A_3106 = arith.subf %add3A_3105, %get3A_3102 : vector<128x128xf32>
    %lt3A_3107 = arith.cmpf olt, %sub3A_3106, %select_n3A_3090 : vector<128x128xf32>
    %select_n3A_3108 = arith.select %lt3A_3107, %sub3A_3106, %select_n3A_3090 : vector<128x128xi1>, vector<128x128xf32>
    %add3A_3109 = arith.constant 5.248000e+03 : f32
    %add3A_3110 = vector.broadcast %add3A_3109 : f32 to vector<1x128xf32>
    %add3A_3111 = arith.addf %convert_element_type3A_11, %add3A_3110 : vector<1x128xf32>
    %broadcast_in_dim3A_3112 = vector.shape_cast %add3A_3111 : vector<1x128xf32> to vector<1x128xf32>
    %broadcast_in_dim3A_3113 = vector.broadcast %broadcast_in_dim3A_3112 : vector<1x128xf32> to vector<128x128xf32>
    %select_n3A_3114 = arith.select %lt3A_3107, %broadcast_in_dim3A_3113, %select_n3A_3096 : vector<128x128xi1>, vector<128x128xf32>
    %get3A_3115 = arith.constant 0 : index
    %get3A_3116 = arith.constant 5376 : index
    %get3A_3117 = vector.load %arg4[%get3A_3115, %get3A_3116] : memref<1x8192xf32, #tpu.memory_space<vmem>>, vector<1x128xf32>
    %get3A_3118 = arith.constant 256 : index
    %get3A_3119 = arith.constant 5376 : index
    %get3A_3120 = vector.load %arg5[%get3A_3118, %get3A_3119] : memref<512x8192xf32, #tpu.memory_space<vmem>>, vector<128x128xf32>
    %add3A_3121 = vector.broadcast %slice3A_2354 : vector<128x1xf32> to vector<128x128xf32>
    %add3A_3122 = vector.broadcast %get3A_3117 : vector<1x128xf32> to vector<128x128xf32>
    %add3A_3123 = arith.addf %add3A_3121, %add3A_3122 : vector<128x128xf32>
    %sub3A_3124 = arith.subf %add3A_3123, %get3A_3120 : vector<128x128xf32>
    %lt3A_3125 = arith.cmpf olt, %sub3A_3124, %select_n3A_3108 : vector<128x128xf32>
    %select_n3A_3126 = arith.select %lt3A_3125, %sub3A_3124, %select_n3A_3108 : vector<128x128xi1>, vector<128x128xf32>
    %add3A_3127 = arith.constant 5.376000e+03 : f32
    %add3A_3128 = vector.broadcast %add3A_3127 : f32 to vector<1x128xf32>
    %add3A_3129 = arith.addf %convert_element_type3A_11, %add3A_3128 : vector<1x128xf32>
    %broadcast_in_dim3A_3130 = vector.shape_cast %add3A_3129 : vector<1x128xf32> to vector<1x128xf32>
    %broadcast_in_dim3A_3131 = vector.broadcast %broadcast_in_dim3A_3130 : vector<1x128xf32> to vector<128x128xf32>
    %select_n3A_3132 = arith.select %lt3A_3125, %broadcast_in_dim3A_3131, %select_n3A_3114 : vector<128x128xi1>, vector<128x128xf32>
    %get3A_3133 = arith.constant 0 : index
    %get3A_3134 = arith.constant 5504 : index
    %get3A_3135 = vector.load %arg4[%get3A_3133, %get3A_3134] : memref<1x8192xf32, #tpu.memory_space<vmem>>, vector<1x128xf32>
    %get3A_3136 = arith.constant 256 : index
    %get3A_3137 = arith.constant 5504 : index
    %get3A_3138 = vector.load %arg5[%get3A_3136, %get3A_3137] : memref<512x8192xf32, #tpu.memory_space<vmem>>, vector<128x128xf32>
    %add3A_3139 = vector.broadcast %slice3A_2354 : vector<128x1xf32> to vector<128x128xf32>
    %add3A_3140 = vector.broadcast %get3A_3135 : vector<1x128xf32> to vector<128x128xf32>
    %add3A_3141 = arith.addf %add3A_3139, %add3A_3140 : vector<128x128xf32>
    %sub3A_3142 = arith.subf %add3A_3141, %get3A_3138 : vector<128x128xf32>
    %lt3A_3143 = arith.cmpf olt, %sub3A_3142, %select_n3A_3126 : vector<128x128xf32>
    %select_n3A_3144 = arith.select %lt3A_3143, %sub3A_3142, %select_n3A_3126 : vector<128x128xi1>, vector<128x128xf32>
    %add3A_3145 = arith.constant 5.504000e+03 : f32
    %add3A_3146 = vector.broadcast %add3A_3145 : f32 to vector<1x128xf32>
    %add3A_3147 = arith.addf %convert_element_type3A_11, %add3A_3146 : vector<1x128xf32>
    %broadcast_in_dim3A_3148 = vector.shape_cast %add3A_3147 : vector<1x128xf32> to vector<1x128xf32>
    %broadcast_in_dim3A_3149 = vector.broadcast %broadcast_in_dim3A_3148 : vector<1x128xf32> to vector<128x128xf32>
    %select_n3A_3150 = arith.select %lt3A_3143, %broadcast_in_dim3A_3149, %select_n3A_3132 : vector<128x128xi1>, vector<128x128xf32>
    %get3A_3151 = arith.constant 0 : index
    %get3A_3152 = arith.constant 5632 : index
    %get3A_3153 = vector.load %arg4[%get3A_3151, %get3A_3152] : memref<1x8192xf32, #tpu.memory_space<vmem>>, vector<1x128xf32>
    %get3A_3154 = arith.constant 256 : index
    %get3A_3155 = arith.constant 5632 : index
    %get3A_3156 = vector.load %arg5[%get3A_3154, %get3A_3155] : memref<512x8192xf32, #tpu.memory_space<vmem>>, vector<128x128xf32>
    %add3A_3157 = vector.broadcast %slice3A_2354 : vector<128x1xf32> to vector<128x128xf32>
    %add3A_3158 = vector.broadcast %get3A_3153 : vector<1x128xf32> to vector<128x128xf32>
    %add3A_3159 = arith.addf %add3A_3157, %add3A_3158 : vector<128x128xf32>
    %sub3A_3160 = arith.subf %add3A_3159, %get3A_3156 : vector<128x128xf32>
    %lt3A_3161 = arith.cmpf olt, %sub3A_3160, %select_n3A_3144 : vector<128x128xf32>
    %select_n3A_3162 = arith.select %lt3A_3161, %sub3A_3160, %select_n3A_3144 : vector<128x128xi1>, vector<128x128xf32>
    %add3A_3163 = arith.constant 5.632000e+03 : f32
    %add3A_3164 = vector.broadcast %add3A_3163 : f32 to vector<1x128xf32>
    %add3A_3165 = arith.addf %convert_element_type3A_11, %add3A_3164 : vector<1x128xf32>
    %broadcast_in_dim3A_3166 = vector.shape_cast %add3A_3165 : vector<1x128xf32> to vector<1x128xf32>
    %broadcast_in_dim3A_3167 = vector.broadcast %broadcast_in_dim3A_3166 : vector<1x128xf32> to vector<128x128xf32>
    %select_n3A_3168 = arith.select %lt3A_3161, %broadcast_in_dim3A_3167, %select_n3A_3150 : vector<128x128xi1>, vector<128x128xf32>
    %get3A_3169 = arith.constant 0 : index
    %get3A_3170 = arith.constant 5760 : index
    %get3A_3171 = vector.load %arg4[%get3A_3169, %get3A_3170] : memref<1x8192xf32, #tpu.memory_space<vmem>>, vector<1x128xf32>
    %get3A_3172 = arith.constant 256 : index
    %get3A_3173 = arith.constant 5760 : index
    %get3A_3174 = vector.load %arg5[%get3A_3172, %get3A_3173] : memref<512x8192xf32, #tpu.memory_space<vmem>>, vector<128x128xf32>
    %add3A_3175 = vector.broadcast %slice3A_2354 : vector<128x1xf32> to vector<128x128xf32>
    %add3A_3176 = vector.broadcast %get3A_3171 : vector<1x128xf32> to vector<128x128xf32>
    %add3A_3177 = arith.addf %add3A_3175, %add3A_3176 : vector<128x128xf32>
    %sub3A_3178 = arith.subf %add3A_3177, %get3A_3174 : vector<128x128xf32>
    %lt3A_3179 = arith.cmpf olt, %sub3A_3178, %select_n3A_3162 : vector<128x128xf32>
    %select_n3A_3180 = arith.select %lt3A_3179, %sub3A_3178, %select_n3A_3162 : vector<128x128xi1>, vector<128x128xf32>
    %add3A_3181 = arith.constant 5.760000e+03 : f32
    %add3A_3182 = vector.broadcast %add3A_3181 : f32 to vector<1x128xf32>
    %add3A_3183 = arith.addf %convert_element_type3A_11, %add3A_3182 : vector<1x128xf32>
    %broadcast_in_dim3A_3184 = vector.shape_cast %add3A_3183 : vector<1x128xf32> to vector<1x128xf32>
    %broadcast_in_dim3A_3185 = vector.broadcast %broadcast_in_dim3A_3184 : vector<1x128xf32> to vector<128x128xf32>
    %select_n3A_3186 = arith.select %lt3A_3179, %broadcast_in_dim3A_3185, %select_n3A_3168 : vector<128x128xi1>, vector<128x128xf32>
    %get3A_3187 = arith.constant 0 : index
    %get3A_3188 = arith.constant 5888 : index
    %get3A_3189 = vector.load %arg4[%get3A_3187, %get3A_3188] : memref<1x8192xf32, #tpu.memory_space<vmem>>, vector<1x128xf32>
    %get3A_3190 = arith.constant 256 : index
    %get3A_3191 = arith.constant 5888 : index
    %get3A_3192 = vector.load %arg5[%get3A_3190, %get3A_3191] : memref<512x8192xf32, #tpu.memory_space<vmem>>, vector<128x128xf32>
    %add3A_3193 = vector.broadcast %slice3A_2354 : vector<128x1xf32> to vector<128x128xf32>
    %add3A_3194 = vector.broadcast %get3A_3189 : vector<1x128xf32> to vector<128x128xf32>
    %add3A_3195 = arith.addf %add3A_3193, %add3A_3194 : vector<128x128xf32>
    %sub3A_3196 = arith.subf %add3A_3195, %get3A_3192 : vector<128x128xf32>
    %lt3A_3197 = arith.cmpf olt, %sub3A_3196, %select_n3A_3180 : vector<128x128xf32>
    %select_n3A_3198 = arith.select %lt3A_3197, %sub3A_3196, %select_n3A_3180 : vector<128x128xi1>, vector<128x128xf32>
    %add3A_3199 = arith.constant 5.888000e+03 : f32
    %add3A_3200 = vector.broadcast %add3A_3199 : f32 to vector<1x128xf32>
    %add3A_3201 = arith.addf %convert_element_type3A_11, %add3A_3200 : vector<1x128xf32>
    %broadcast_in_dim3A_3202 = vector.shape_cast %add3A_3201 : vector<1x128xf32> to vector<1x128xf32>
    %broadcast_in_dim3A_3203 = vector.broadcast %broadcast_in_dim3A_3202 : vector<1x128xf32> to vector<128x128xf32>
    %select_n3A_3204 = arith.select %lt3A_3197, %broadcast_in_dim3A_3203, %select_n3A_3186 : vector<128x128xi1>, vector<128x128xf32>
    %get3A_3205 = arith.constant 0 : index
    %get3A_3206 = arith.constant 6016 : index
    %get3A_3207 = vector.load %arg4[%get3A_3205, %get3A_3206] : memref<1x8192xf32, #tpu.memory_space<vmem>>, vector<1x128xf32>
    %get3A_3208 = arith.constant 256 : index
    %get3A_3209 = arith.constant 6016 : index
    %get3A_3210 = vector.load %arg5[%get3A_3208, %get3A_3209] : memref<512x8192xf32, #tpu.memory_space<vmem>>, vector<128x128xf32>
    %add3A_3211 = vector.broadcast %slice3A_2354 : vector<128x1xf32> to vector<128x128xf32>
    %add3A_3212 = vector.broadcast %get3A_3207 : vector<1x128xf32> to vector<128x128xf32>
    %add3A_3213 = arith.addf %add3A_3211, %add3A_3212 : vector<128x128xf32>
    %sub3A_3214 = arith.subf %add3A_3213, %get3A_3210 : vector<128x128xf32>
    %lt3A_3215 = arith.cmpf olt, %sub3A_3214, %select_n3A_3198 : vector<128x128xf32>
    %select_n3A_3216 = arith.select %lt3A_3215, %sub3A_3214, %select_n3A_3198 : vector<128x128xi1>, vector<128x128xf32>
    %add3A_3217 = arith.constant 6.016000e+03 : f32
    %add3A_3218 = vector.broadcast %add3A_3217 : f32 to vector<1x128xf32>
    %add3A_3219 = arith.addf %convert_element_type3A_11, %add3A_3218 : vector<1x128xf32>
    %broadcast_in_dim3A_3220 = vector.shape_cast %add3A_3219 : vector<1x128xf32> to vector<1x128xf32>
    %broadcast_in_dim3A_3221 = vector.broadcast %broadcast_in_dim3A_3220 : vector<1x128xf32> to vector<128x128xf32>
    %select_n3A_3222 = arith.select %lt3A_3215, %broadcast_in_dim3A_3221, %select_n3A_3204 : vector<128x128xi1>, vector<128x128xf32>
    %get3A_3223 = arith.constant 0 : index
    %get3A_3224 = arith.constant 6144 : index
    %get3A_3225 = vector.load %arg4[%get3A_3223, %get3A_3224] : memref<1x8192xf32, #tpu.memory_space<vmem>>, vector<1x128xf32>
    %get3A_3226 = arith.constant 256 : index
    %get3A_3227 = arith.constant 6144 : index
    %get3A_3228 = vector.load %arg5[%get3A_3226, %get3A_3227] : memref<512x8192xf32, #tpu.memory_space<vmem>>, vector<128x128xf32>
    %add3A_3229 = vector.broadcast %slice3A_2354 : vector<128x1xf32> to vector<128x128xf32>
    %add3A_3230 = vector.broadcast %get3A_3225 : vector<1x128xf32> to vector<128x128xf32>
    %add3A_3231 = arith.addf %add3A_3229, %add3A_3230 : vector<128x128xf32>
    %sub3A_3232 = arith.subf %add3A_3231, %get3A_3228 : vector<128x128xf32>
    %lt3A_3233 = arith.cmpf olt, %sub3A_3232, %select_n3A_3216 : vector<128x128xf32>
    %select_n3A_3234 = arith.select %lt3A_3233, %sub3A_3232, %select_n3A_3216 : vector<128x128xi1>, vector<128x128xf32>
    %add3A_3235 = arith.constant 6.144000e+03 : f32
    %add3A_3236 = vector.broadcast %add3A_3235 : f32 to vector<1x128xf32>
    %add3A_3237 = arith.addf %convert_element_type3A_11, %add3A_3236 : vector<1x128xf32>
    %broadcast_in_dim3A_3238 = vector.shape_cast %add3A_3237 : vector<1x128xf32> to vector<1x128xf32>
    %broadcast_in_dim3A_3239 = vector.broadcast %broadcast_in_dim3A_3238 : vector<1x128xf32> to vector<128x128xf32>
    %select_n3A_3240 = arith.select %lt3A_3233, %broadcast_in_dim3A_3239, %select_n3A_3222 : vector<128x128xi1>, vector<128x128xf32>
    %get3A_3241 = arith.constant 0 : index
    %get3A_3242 = arith.constant 6272 : index
    %get3A_3243 = vector.load %arg4[%get3A_3241, %get3A_3242] : memref<1x8192xf32, #tpu.memory_space<vmem>>, vector<1x128xf32>
    %get3A_3244 = arith.constant 256 : index
    %get3A_3245 = arith.constant 6272 : index
    %get3A_3246 = vector.load %arg5[%get3A_3244, %get3A_3245] : memref<512x8192xf32, #tpu.memory_space<vmem>>, vector<128x128xf32>
    %add3A_3247 = vector.broadcast %slice3A_2354 : vector<128x1xf32> to vector<128x128xf32>
    %add3A_3248 = vector.broadcast %get3A_3243 : vector<1x128xf32> to vector<128x128xf32>
    %add3A_3249 = arith.addf %add3A_3247, %add3A_3248 : vector<128x128xf32>
    %sub3A_3250 = arith.subf %add3A_3249, %get3A_3246 : vector<128x128xf32>
    %lt3A_3251 = arith.cmpf olt, %sub3A_3250, %select_n3A_3234 : vector<128x128xf32>
    %select_n3A_3252 = arith.select %lt3A_3251, %sub3A_3250, %select_n3A_3234 : vector<128x128xi1>, vector<128x128xf32>
    %add3A_3253 = arith.constant 6.272000e+03 : f32
    %add3A_3254 = vector.broadcast %add3A_3253 : f32 to vector<1x128xf32>
    %add3A_3255 = arith.addf %convert_element_type3A_11, %add3A_3254 : vector<1x128xf32>
    %broadcast_in_dim3A_3256 = vector.shape_cast %add3A_3255 : vector<1x128xf32> to vector<1x128xf32>
    %broadcast_in_dim3A_3257 = vector.broadcast %broadcast_in_dim3A_3256 : vector<1x128xf32> to vector<128x128xf32>
    %select_n3A_3258 = arith.select %lt3A_3251, %broadcast_in_dim3A_3257, %select_n3A_3240 : vector<128x128xi1>, vector<128x128xf32>
    %get3A_3259 = arith.constant 0 : index
    %get3A_3260 = arith.constant 6400 : index
    %get3A_3261 = vector.load %arg4[%get3A_3259, %get3A_3260] : memref<1x8192xf32, #tpu.memory_space<vmem>>, vector<1x128xf32>
    %get3A_3262 = arith.constant 256 : index
    %get3A_3263 = arith.constant 6400 : index
    %get3A_3264 = vector.load %arg5[%get3A_3262, %get3A_3263] : memref<512x8192xf32, #tpu.memory_space<vmem>>, vector<128x128xf32>
    %add3A_3265 = vector.broadcast %slice3A_2354 : vector<128x1xf32> to vector<128x128xf32>
    %add3A_3266 = vector.broadcast %get3A_3261 : vector<1x128xf32> to vector<128x128xf32>
    %add3A_3267 = arith.addf %add3A_3265, %add3A_3266 : vector<128x128xf32>
    %sub3A_3268 = arith.subf %add3A_3267, %get3A_3264 : vector<128x128xf32>
    %lt3A_3269 = arith.cmpf olt, %sub3A_3268, %select_n3A_3252 : vector<128x128xf32>
    %select_n3A_3270 = arith.select %lt3A_3269, %sub3A_3268, %select_n3A_3252 : vector<128x128xi1>, vector<128x128xf32>
    %add3A_3271 = arith.constant 6.400000e+03 : f32
    %add3A_3272 = vector.broadcast %add3A_3271 : f32 to vector<1x128xf32>
    %add3A_3273 = arith.addf %convert_element_type3A_11, %add3A_3272 : vector<1x128xf32>
    %broadcast_in_dim3A_3274 = vector.shape_cast %add3A_3273 : vector<1x128xf32> to vector<1x128xf32>
    %broadcast_in_dim3A_3275 = vector.broadcast %broadcast_in_dim3A_3274 : vector<1x128xf32> to vector<128x128xf32>
    %select_n3A_3276 = arith.select %lt3A_3269, %broadcast_in_dim3A_3275, %select_n3A_3258 : vector<128x128xi1>, vector<128x128xf32>
    %get3A_3277 = arith.constant 0 : index
    %get3A_3278 = arith.constant 6528 : index
    %get3A_3279 = vector.load %arg4[%get3A_3277, %get3A_3278] : memref<1x8192xf32, #tpu.memory_space<vmem>>, vector<1x128xf32>
    %get3A_3280 = arith.constant 256 : index
    %get3A_3281 = arith.constant 6528 : index
    %get3A_3282 = vector.load %arg5[%get3A_3280, %get3A_3281] : memref<512x8192xf32, #tpu.memory_space<vmem>>, vector<128x128xf32>
    %add3A_3283 = vector.broadcast %slice3A_2354 : vector<128x1xf32> to vector<128x128xf32>
    %add3A_3284 = vector.broadcast %get3A_3279 : vector<1x128xf32> to vector<128x128xf32>
    %add3A_3285 = arith.addf %add3A_3283, %add3A_3284 : vector<128x128xf32>
    %sub3A_3286 = arith.subf %add3A_3285, %get3A_3282 : vector<128x128xf32>
    %lt3A_3287 = arith.cmpf olt, %sub3A_3286, %select_n3A_3270 : vector<128x128xf32>
    %select_n3A_3288 = arith.select %lt3A_3287, %sub3A_3286, %select_n3A_3270 : vector<128x128xi1>, vector<128x128xf32>
    %add3A_3289 = arith.constant 6.528000e+03 : f32
    %add3A_3290 = vector.broadcast %add3A_3289 : f32 to vector<1x128xf32>
    %add3A_3291 = arith.addf %convert_element_type3A_11, %add3A_3290 : vector<1x128xf32>
    %broadcast_in_dim3A_3292 = vector.shape_cast %add3A_3291 : vector<1x128xf32> to vector<1x128xf32>
    %broadcast_in_dim3A_3293 = vector.broadcast %broadcast_in_dim3A_3292 : vector<1x128xf32> to vector<128x128xf32>
    %select_n3A_3294 = arith.select %lt3A_3287, %broadcast_in_dim3A_3293, %select_n3A_3276 : vector<128x128xi1>, vector<128x128xf32>
    %get3A_3295 = arith.constant 0 : index
    %get3A_3296 = arith.constant 6656 : index
    %get3A_3297 = vector.load %arg4[%get3A_3295, %get3A_3296] : memref<1x8192xf32, #tpu.memory_space<vmem>>, vector<1x128xf32>
    %get3A_3298 = arith.constant 256 : index
    %get3A_3299 = arith.constant 6656 : index
    %get3A_3300 = vector.load %arg5[%get3A_3298, %get3A_3299] : memref<512x8192xf32, #tpu.memory_space<vmem>>, vector<128x128xf32>
    %add3A_3301 = vector.broadcast %slice3A_2354 : vector<128x1xf32> to vector<128x128xf32>
    %add3A_3302 = vector.broadcast %get3A_3297 : vector<1x128xf32> to vector<128x128xf32>
    %add3A_3303 = arith.addf %add3A_3301, %add3A_3302 : vector<128x128xf32>
    %sub3A_3304 = arith.subf %add3A_3303, %get3A_3300 : vector<128x128xf32>
    %lt3A_3305 = arith.cmpf olt, %sub3A_3304, %select_n3A_3288 : vector<128x128xf32>
    %select_n3A_3306 = arith.select %lt3A_3305, %sub3A_3304, %select_n3A_3288 : vector<128x128xi1>, vector<128x128xf32>
    %add3A_3307 = arith.constant 6.656000e+03 : f32
    %add3A_3308 = vector.broadcast %add3A_3307 : f32 to vector<1x128xf32>
    %add3A_3309 = arith.addf %convert_element_type3A_11, %add3A_3308 : vector<1x128xf32>
    %broadcast_in_dim3A_3310 = vector.shape_cast %add3A_3309 : vector<1x128xf32> to vector<1x128xf32>
    %broadcast_in_dim3A_3311 = vector.broadcast %broadcast_in_dim3A_3310 : vector<1x128xf32> to vector<128x128xf32>
    %select_n3A_3312 = arith.select %lt3A_3305, %broadcast_in_dim3A_3311, %select_n3A_3294 : vector<128x128xi1>, vector<128x128xf32>
    %get3A_3313 = arith.constant 0 : index
    %get3A_3314 = arith.constant 6784 : index
    %get3A_3315 = vector.load %arg4[%get3A_3313, %get3A_3314] : memref<1x8192xf32, #tpu.memory_space<vmem>>, vector<1x128xf32>
    %get3A_3316 = arith.constant 256 : index
    %get3A_3317 = arith.constant 6784 : index
    %get3A_3318 = vector.load %arg5[%get3A_3316, %get3A_3317] : memref<512x8192xf32, #tpu.memory_space<vmem>>, vector<128x128xf32>
    %add3A_3319 = vector.broadcast %slice3A_2354 : vector<128x1xf32> to vector<128x128xf32>
    %add3A_3320 = vector.broadcast %get3A_3315 : vector<1x128xf32> to vector<128x128xf32>
    %add3A_3321 = arith.addf %add3A_3319, %add3A_3320 : vector<128x128xf32>
    %sub3A_3322 = arith.subf %add3A_3321, %get3A_3318 : vector<128x128xf32>
    %lt3A_3323 = arith.cmpf olt, %sub3A_3322, %select_n3A_3306 : vector<128x128xf32>
    %select_n3A_3324 = arith.select %lt3A_3323, %sub3A_3322, %select_n3A_3306 : vector<128x128xi1>, vector<128x128xf32>
    %add3A_3325 = arith.constant 6.784000e+03 : f32
    %add3A_3326 = vector.broadcast %add3A_3325 : f32 to vector<1x128xf32>
    %add3A_3327 = arith.addf %convert_element_type3A_11, %add3A_3326 : vector<1x128xf32>
    %broadcast_in_dim3A_3328 = vector.shape_cast %add3A_3327 : vector<1x128xf32> to vector<1x128xf32>
    %broadcast_in_dim3A_3329 = vector.broadcast %broadcast_in_dim3A_3328 : vector<1x128xf32> to vector<128x128xf32>
    %select_n3A_3330 = arith.select %lt3A_3323, %broadcast_in_dim3A_3329, %select_n3A_3312 : vector<128x128xi1>, vector<128x128xf32>
    %get3A_3331 = arith.constant 0 : index
    %get3A_3332 = arith.constant 6912 : index
    %get3A_3333 = vector.load %arg4[%get3A_3331, %get3A_3332] : memref<1x8192xf32, #tpu.memory_space<vmem>>, vector<1x128xf32>
    %get3A_3334 = arith.constant 256 : index
    %get3A_3335 = arith.constant 6912 : index
    %get3A_3336 = vector.load %arg5[%get3A_3334, %get3A_3335] : memref<512x8192xf32, #tpu.memory_space<vmem>>, vector<128x128xf32>
    %add3A_3337 = vector.broadcast %slice3A_2354 : vector<128x1xf32> to vector<128x128xf32>
    %add3A_3338 = vector.broadcast %get3A_3333 : vector<1x128xf32> to vector<128x128xf32>
    %add3A_3339 = arith.addf %add3A_3337, %add3A_3338 : vector<128x128xf32>
    %sub3A_3340 = arith.subf %add3A_3339, %get3A_3336 : vector<128x128xf32>
    %lt3A_3341 = arith.cmpf olt, %sub3A_3340, %select_n3A_3324 : vector<128x128xf32>
    %select_n3A_3342 = arith.select %lt3A_3341, %sub3A_3340, %select_n3A_3324 : vector<128x128xi1>, vector<128x128xf32>
    %add3A_3343 = arith.constant 6.912000e+03 : f32
    %add3A_3344 = vector.broadcast %add3A_3343 : f32 to vector<1x128xf32>
    %add3A_3345 = arith.addf %convert_element_type3A_11, %add3A_3344 : vector<1x128xf32>
    %broadcast_in_dim3A_3346 = vector.shape_cast %add3A_3345 : vector<1x128xf32> to vector<1x128xf32>
    %broadcast_in_dim3A_3347 = vector.broadcast %broadcast_in_dim3A_3346 : vector<1x128xf32> to vector<128x128xf32>
    %select_n3A_3348 = arith.select %lt3A_3341, %broadcast_in_dim3A_3347, %select_n3A_3330 : vector<128x128xi1>, vector<128x128xf32>
    %get3A_3349 = arith.constant 0 : index
    %get3A_3350 = arith.constant 7040 : index
    %get3A_3351 = vector.load %arg4[%get3A_3349, %get3A_3350] : memref<1x8192xf32, #tpu.memory_space<vmem>>, vector<1x128xf32>
    %get3A_3352 = arith.constant 256 : index
    %get3A_3353 = arith.constant 7040 : index
    %get3A_3354 = vector.load %arg5[%get3A_3352, %get3A_3353] : memref<512x8192xf32, #tpu.memory_space<vmem>>, vector<128x128xf32>
    %add3A_3355 = vector.broadcast %slice3A_2354 : vector<128x1xf32> to vector<128x128xf32>
    %add3A_3356 = vector.broadcast %get3A_3351 : vector<1x128xf32> to vector<128x128xf32>
    %add3A_3357 = arith.addf %add3A_3355, %add3A_3356 : vector<128x128xf32>
    %sub3A_3358 = arith.subf %add3A_3357, %get3A_3354 : vector<128x128xf32>
    %lt3A_3359 = arith.cmpf olt, %sub3A_3358, %select_n3A_3342 : vector<128x128xf32>
    %select_n3A_3360 = arith.select %lt3A_3359, %sub3A_3358, %select_n3A_3342 : vector<128x128xi1>, vector<128x128xf32>
    %add3A_3361 = arith.constant 7.040000e+03 : f32
    %add3A_3362 = vector.broadcast %add3A_3361 : f32 to vector<1x128xf32>
    %add3A_3363 = arith.addf %convert_element_type3A_11, %add3A_3362 : vector<1x128xf32>
    %broadcast_in_dim3A_3364 = vector.shape_cast %add3A_3363 : vector<1x128xf32> to vector<1x128xf32>
    %broadcast_in_dim3A_3365 = vector.broadcast %broadcast_in_dim3A_3364 : vector<1x128xf32> to vector<128x128xf32>
    %select_n3A_3366 = arith.select %lt3A_3359, %broadcast_in_dim3A_3365, %select_n3A_3348 : vector<128x128xi1>, vector<128x128xf32>
    %get3A_3367 = arith.constant 0 : index
    %get3A_3368 = arith.constant 7168 : index
    %get3A_3369 = vector.load %arg4[%get3A_3367, %get3A_3368] : memref<1x8192xf32, #tpu.memory_space<vmem>>, vector<1x128xf32>
    %get3A_3370 = arith.constant 256 : index
    %get3A_3371 = arith.constant 7168 : index
    %get3A_3372 = vector.load %arg5[%get3A_3370, %get3A_3371] : memref<512x8192xf32, #tpu.memory_space<vmem>>, vector<128x128xf32>
    %add3A_3373 = vector.broadcast %slice3A_2354 : vector<128x1xf32> to vector<128x128xf32>
    %add3A_3374 = vector.broadcast %get3A_3369 : vector<1x128xf32> to vector<128x128xf32>
    %add3A_3375 = arith.addf %add3A_3373, %add3A_3374 : vector<128x128xf32>
    %sub3A_3376 = arith.subf %add3A_3375, %get3A_3372 : vector<128x128xf32>
    %lt3A_3377 = arith.cmpf olt, %sub3A_3376, %select_n3A_3360 : vector<128x128xf32>
    %select_n3A_3378 = arith.select %lt3A_3377, %sub3A_3376, %select_n3A_3360 : vector<128x128xi1>, vector<128x128xf32>
    %add3A_3379 = arith.constant 7.168000e+03 : f32
    %add3A_3380 = vector.broadcast %add3A_3379 : f32 to vector<1x128xf32>
    %add3A_3381 = arith.addf %convert_element_type3A_11, %add3A_3380 : vector<1x128xf32>
    %broadcast_in_dim3A_3382 = vector.shape_cast %add3A_3381 : vector<1x128xf32> to vector<1x128xf32>
    %broadcast_in_dim3A_3383 = vector.broadcast %broadcast_in_dim3A_3382 : vector<1x128xf32> to vector<128x128xf32>
    %select_n3A_3384 = arith.select %lt3A_3377, %broadcast_in_dim3A_3383, %select_n3A_3366 : vector<128x128xi1>, vector<128x128xf32>
    %get3A_3385 = arith.constant 0 : index
    %get3A_3386 = arith.constant 7296 : index
    %get3A_3387 = vector.load %arg4[%get3A_3385, %get3A_3386] : memref<1x8192xf32, #tpu.memory_space<vmem>>, vector<1x128xf32>
    %get3A_3388 = arith.constant 256 : index
    %get3A_3389 = arith.constant 7296 : index
    %get3A_3390 = vector.load %arg5[%get3A_3388, %get3A_3389] : memref<512x8192xf32, #tpu.memory_space<vmem>>, vector<128x128xf32>
    %add3A_3391 = vector.broadcast %slice3A_2354 : vector<128x1xf32> to vector<128x128xf32>
    %add3A_3392 = vector.broadcast %get3A_3387 : vector<1x128xf32> to vector<128x128xf32>
    %add3A_3393 = arith.addf %add3A_3391, %add3A_3392 : vector<128x128xf32>
    %sub3A_3394 = arith.subf %add3A_3393, %get3A_3390 : vector<128x128xf32>
    %lt3A_3395 = arith.cmpf olt, %sub3A_3394, %select_n3A_3378 : vector<128x128xf32>
    %select_n3A_3396 = arith.select %lt3A_3395, %sub3A_3394, %select_n3A_3378 : vector<128x128xi1>, vector<128x128xf32>
    %add3A_3397 = arith.constant 7.296000e+03 : f32
    %add3A_3398 = vector.broadcast %add3A_3397 : f32 to vector<1x128xf32>
    %add3A_3399 = arith.addf %convert_element_type3A_11, %add3A_3398 : vector<1x128xf32>
    %broadcast_in_dim3A_3400 = vector.shape_cast %add3A_3399 : vector<1x128xf32> to vector<1x128xf32>
    %broadcast_in_dim3A_3401 = vector.broadcast %broadcast_in_dim3A_3400 : vector<1x128xf32> to vector<128x128xf32>
    %select_n3A_3402 = arith.select %lt3A_3395, %broadcast_in_dim3A_3401, %select_n3A_3384 : vector<128x128xi1>, vector<128x128xf32>
    %get3A_3403 = arith.constant 0 : index
    %get3A_3404 = arith.constant 7424 : index
    %get3A_3405 = vector.load %arg4[%get3A_3403, %get3A_3404] : memref<1x8192xf32, #tpu.memory_space<vmem>>, vector<1x128xf32>
    %get3A_3406 = arith.constant 256 : index
    %get3A_3407 = arith.constant 7424 : index
    %get3A_3408 = vector.load %arg5[%get3A_3406, %get3A_3407] : memref<512x8192xf32, #tpu.memory_space<vmem>>, vector<128x128xf32>
    %add3A_3409 = vector.broadcast %slice3A_2354 : vector<128x1xf32> to vector<128x128xf32>
    %add3A_3410 = vector.broadcast %get3A_3405 : vector<1x128xf32> to vector<128x128xf32>
    %add3A_3411 = arith.addf %add3A_3409, %add3A_3410 : vector<128x128xf32>
    %sub3A_3412 = arith.subf %add3A_3411, %get3A_3408 : vector<128x128xf32>
    %lt3A_3413 = arith.cmpf olt, %sub3A_3412, %select_n3A_3396 : vector<128x128xf32>
    %select_n3A_3414 = arith.select %lt3A_3413, %sub3A_3412, %select_n3A_3396 : vector<128x128xi1>, vector<128x128xf32>
    %add3A_3415 = arith.constant 7.424000e+03 : f32
    %add3A_3416 = vector.broadcast %add3A_3415 : f32 to vector<1x128xf32>
    %add3A_3417 = arith.addf %convert_element_type3A_11, %add3A_3416 : vector<1x128xf32>
    %broadcast_in_dim3A_3418 = vector.shape_cast %add3A_3417 : vector<1x128xf32> to vector<1x128xf32>
    %broadcast_in_dim3A_3419 = vector.broadcast %broadcast_in_dim3A_3418 : vector<1x128xf32> to vector<128x128xf32>
    %select_n3A_3420 = arith.select %lt3A_3413, %broadcast_in_dim3A_3419, %select_n3A_3402 : vector<128x128xi1>, vector<128x128xf32>
    %get3A_3421 = arith.constant 0 : index
    %get3A_3422 = arith.constant 7552 : index
    %get3A_3423 = vector.load %arg4[%get3A_3421, %get3A_3422] : memref<1x8192xf32, #tpu.memory_space<vmem>>, vector<1x128xf32>
    %get3A_3424 = arith.constant 256 : index
    %get3A_3425 = arith.constant 7552 : index
    %get3A_3426 = vector.load %arg5[%get3A_3424, %get3A_3425] : memref<512x8192xf32, #tpu.memory_space<vmem>>, vector<128x128xf32>
    %add3A_3427 = vector.broadcast %slice3A_2354 : vector<128x1xf32> to vector<128x128xf32>
    %add3A_3428 = vector.broadcast %get3A_3423 : vector<1x128xf32> to vector<128x128xf32>
    %add3A_3429 = arith.addf %add3A_3427, %add3A_3428 : vector<128x128xf32>
    %sub3A_3430 = arith.subf %add3A_3429, %get3A_3426 : vector<128x128xf32>
    %lt3A_3431 = arith.cmpf olt, %sub3A_3430, %select_n3A_3414 : vector<128x128xf32>
    %select_n3A_3432 = arith.select %lt3A_3431, %sub3A_3430, %select_n3A_3414 : vector<128x128xi1>, vector<128x128xf32>
    %add3A_3433 = arith.constant 7.552000e+03 : f32
    %add3A_3434 = vector.broadcast %add3A_3433 : f32 to vector<1x128xf32>
    %add3A_3435 = arith.addf %convert_element_type3A_11, %add3A_3434 : vector<1x128xf32>
    %broadcast_in_dim3A_3436 = vector.shape_cast %add3A_3435 : vector<1x128xf32> to vector<1x128xf32>
    %broadcast_in_dim3A_3437 = vector.broadcast %broadcast_in_dim3A_3436 : vector<1x128xf32> to vector<128x128xf32>
    %select_n3A_3438 = arith.select %lt3A_3431, %broadcast_in_dim3A_3437, %select_n3A_3420 : vector<128x128xi1>, vector<128x128xf32>
    %get3A_3439 = arith.constant 0 : index
    %get3A_3440 = arith.constant 7680 : index
    %get3A_3441 = vector.load %arg4[%get3A_3439, %get3A_3440] : memref<1x8192xf32, #tpu.memory_space<vmem>>, vector<1x128xf32>
    %get3A_3442 = arith.constant 256 : index
    %get3A_3443 = arith.constant 7680 : index
    %get3A_3444 = vector.load %arg5[%get3A_3442, %get3A_3443] : memref<512x8192xf32, #tpu.memory_space<vmem>>, vector<128x128xf32>
    %add3A_3445 = vector.broadcast %slice3A_2354 : vector<128x1xf32> to vector<128x128xf32>
    %add3A_3446 = vector.broadcast %get3A_3441 : vector<1x128xf32> to vector<128x128xf32>
    %add3A_3447 = arith.addf %add3A_3445, %add3A_3446 : vector<128x128xf32>
    %sub3A_3448 = arith.subf %add3A_3447, %get3A_3444 : vector<128x128xf32>
    %lt3A_3449 = arith.cmpf olt, %sub3A_3448, %select_n3A_3432 : vector<128x128xf32>
    %select_n3A_3450 = arith.select %lt3A_3449, %sub3A_3448, %select_n3A_3432 : vector<128x128xi1>, vector<128x128xf32>
    %add3A_3451 = arith.constant 7.680000e+03 : f32
    %add3A_3452 = vector.broadcast %add3A_3451 : f32 to vector<1x128xf32>
    %add3A_3453 = arith.addf %convert_element_type3A_11, %add3A_3452 : vector<1x128xf32>
    %broadcast_in_dim3A_3454 = vector.shape_cast %add3A_3453 : vector<1x128xf32> to vector<1x128xf32>
    %broadcast_in_dim3A_3455 = vector.broadcast %broadcast_in_dim3A_3454 : vector<1x128xf32> to vector<128x128xf32>
    %select_n3A_3456 = arith.select %lt3A_3449, %broadcast_in_dim3A_3455, %select_n3A_3438 : vector<128x128xi1>, vector<128x128xf32>
    %get3A_3457 = arith.constant 0 : index
    %get3A_3458 = arith.constant 7808 : index
    %get3A_3459 = vector.load %arg4[%get3A_3457, %get3A_3458] : memref<1x8192xf32, #tpu.memory_space<vmem>>, vector<1x128xf32>
    %get3A_3460 = arith.constant 256 : index
    %get3A_3461 = arith.constant 7808 : index
    %get3A_3462 = vector.load %arg5[%get3A_3460, %get3A_3461] : memref<512x8192xf32, #tpu.memory_space<vmem>>, vector<128x128xf32>
    %add3A_3463 = vector.broadcast %slice3A_2354 : vector<128x1xf32> to vector<128x128xf32>
    %add3A_3464 = vector.broadcast %get3A_3459 : vector<1x128xf32> to vector<128x128xf32>
    %add3A_3465 = arith.addf %add3A_3463, %add3A_3464 : vector<128x128xf32>
    %sub3A_3466 = arith.subf %add3A_3465, %get3A_3462 : vector<128x128xf32>
    %lt3A_3467 = arith.cmpf olt, %sub3A_3466, %select_n3A_3450 : vector<128x128xf32>
    %select_n3A_3468 = arith.select %lt3A_3467, %sub3A_3466, %select_n3A_3450 : vector<128x128xi1>, vector<128x128xf32>
    %add3A_3469 = arith.constant 7.808000e+03 : f32
    %add3A_3470 = vector.broadcast %add3A_3469 : f32 to vector<1x128xf32>
    %add3A_3471 = arith.addf %convert_element_type3A_11, %add3A_3470 : vector<1x128xf32>
    %broadcast_in_dim3A_3472 = vector.shape_cast %add3A_3471 : vector<1x128xf32> to vector<1x128xf32>
    %broadcast_in_dim3A_3473 = vector.broadcast %broadcast_in_dim3A_3472 : vector<1x128xf32> to vector<128x128xf32>
    %select_n3A_3474 = arith.select %lt3A_3467, %broadcast_in_dim3A_3473, %select_n3A_3456 : vector<128x128xi1>, vector<128x128xf32>
    %get3A_3475 = arith.constant 0 : index
    %get3A_3476 = arith.constant 7936 : index
    %get3A_3477 = vector.load %arg4[%get3A_3475, %get3A_3476] : memref<1x8192xf32, #tpu.memory_space<vmem>>, vector<1x128xf32>
    %get3A_3478 = arith.constant 256 : index
    %get3A_3479 = arith.constant 7936 : index
    %get3A_3480 = vector.load %arg5[%get3A_3478, %get3A_3479] : memref<512x8192xf32, #tpu.memory_space<vmem>>, vector<128x128xf32>
    %add3A_3481 = vector.broadcast %slice3A_2354 : vector<128x1xf32> to vector<128x128xf32>
    %add3A_3482 = vector.broadcast %get3A_3477 : vector<1x128xf32> to vector<128x128xf32>
    %add3A_3483 = arith.addf %add3A_3481, %add3A_3482 : vector<128x128xf32>
    %sub3A_3484 = arith.subf %add3A_3483, %get3A_3480 : vector<128x128xf32>
    %lt3A_3485 = arith.cmpf olt, %sub3A_3484, %select_n3A_3468 : vector<128x128xf32>
    %select_n3A_3486 = arith.select %lt3A_3485, %sub3A_3484, %select_n3A_3468 : vector<128x128xi1>, vector<128x128xf32>
    %add3A_3487 = arith.constant 7.936000e+03 : f32
    %add3A_3488 = vector.broadcast %add3A_3487 : f32 to vector<1x128xf32>
    %add3A_3489 = arith.addf %convert_element_type3A_11, %add3A_3488 : vector<1x128xf32>
    %broadcast_in_dim3A_3490 = vector.shape_cast %add3A_3489 : vector<1x128xf32> to vector<1x128xf32>
    %broadcast_in_dim3A_3491 = vector.broadcast %broadcast_in_dim3A_3490 : vector<1x128xf32> to vector<128x128xf32>
    %select_n3A_3492 = arith.select %lt3A_3485, %broadcast_in_dim3A_3491, %select_n3A_3474 : vector<128x128xi1>, vector<128x128xf32>
    %get3A_3493 = arith.constant 0 : index
    %get3A_3494 = arith.constant 8064 : index
    %get3A_3495 = vector.load %arg4[%get3A_3493, %get3A_3494] : memref<1x8192xf32, #tpu.memory_space<vmem>>, vector<1x128xf32>
    %get3A_3496 = arith.constant 256 : index
    %get3A_3497 = arith.constant 8064 : index
    %get3A_3498 = vector.load %arg5[%get3A_3496, %get3A_3497] : memref<512x8192xf32, #tpu.memory_space<vmem>>, vector<128x128xf32>
    %add3A_3499 = vector.broadcast %slice3A_2354 : vector<128x1xf32> to vector<128x128xf32>
    %add3A_3500 = vector.broadcast %get3A_3495 : vector<1x128xf32> to vector<128x128xf32>
    %add3A_3501 = arith.addf %add3A_3499, %add3A_3500 : vector<128x128xf32>
    %sub3A_3502 = arith.subf %add3A_3501, %get3A_3498 : vector<128x128xf32>
    %lt3A_3503 = arith.cmpf olt, %sub3A_3502, %select_n3A_3486 : vector<128x128xf32>
    %select_n3A_3504 = arith.select %lt3A_3503, %sub3A_3502, %select_n3A_3486 : vector<128x128xi1>, vector<128x128xf32>
    %add3A_3505 = arith.constant 8.064000e+03 : f32
    %add3A_3506 = vector.broadcast %add3A_3505 : f32 to vector<1x128xf32>
    %add3A_3507 = arith.addf %convert_element_type3A_11, %add3A_3506 : vector<1x128xf32>
    %broadcast_in_dim3A_3508 = vector.shape_cast %add3A_3507 : vector<1x128xf32> to vector<1x128xf32>
    %broadcast_in_dim3A_3509 = vector.broadcast %broadcast_in_dim3A_3508 : vector<1x128xf32> to vector<128x128xf32>
    %select_n3A_3510 = arith.select %lt3A_3503, %broadcast_in_dim3A_3509, %select_n3A_3492 : vector<128x128xi1>, vector<128x128xf32>
    %reduce_min3A_3511 = arith.constant dense<0x7F800000> : vector<128xf32>
    %reduce_min3A_3512 = vector.multi_reduction <minimumf>, %select_n3A_3504, %reduce_min3A_3511 [1] : vector<128x128xf32> to vector<128xf32>
    %broadcast_in_dim3A_3513 = vector.shape_cast %reduce_min3A_3512 : vector<128xf32> to vector<128x1xf32>
    %eq3A_3514 = vector.broadcast %broadcast_in_dim3A_3513 : vector<128x1xf32> to vector<128x128xf32>
    %eq3A_3515 = arith.cmpf oeq, %select_n3A_3504, %eq3A_3514 : vector<128x128xf32>
    %jit3A_3516 = arith.constant 8.192000e+03 : f32
    %broadcast_in_dim3A_3517 = vector.broadcast %jit3A_3516 : f32 to vector<128x128xf32>
    %select_n3A_3518 = arith.select %eq3A_3515, %select_n3A_3510, %broadcast_in_dim3A_3517 : vector<128x128xi1>, vector<128x128xf32>
    %reduce_min3A_3519 = arith.constant dense<0x7F800000> : vector<128xf32>
    %reduce_min3A_3520 = vector.multi_reduction <minimumf>, %select_n3A_3518, %reduce_min3A_3519 [1] : vector<128x128xf32> to vector<128xf32>
    %convert_element_type3A_3521 = arith.fptosi %reduce_min3A_3520 : vector<128xf32> to vector<128xi32>
    %swap3A_3522 = arith.constant 0 : index
    %swap3A_3523 = arith.constant 0 : index
    %swap3A_3524 = arith.constant 256 : index
    %swap3A_3525 = vector.load %arg3[%swap3A_3522, %swap3A_3523, %swap3A_3524] : memref<1x1x512xi32, #tpu.memory_space<vmem>>, vector<1x1x128xi32>
    %swap3A_3526 = vector.shape_cast %swap3A_3525 : vector<1x1x128xi32> to vector<128xi32>
    %swap3A_3527 = vector.shape_cast %convert_element_type3A_3521 : vector<128xi32> to vector<1x1x128xi32>
    tpu.vector_store %arg3[%swap3A_3522, %swap3A_3523, %swap3A_3524], %swap3A_3527 {strides = array<i32>} : memref<1x1x512xi32, #tpu.memory_space<vmem>>, vector<1x1x128xi32>,
    %slice3A_3528 = vector.extract_strided_slice %broadcast_in_dim3A {offsets = [384, 0], sizes = [128, 1], strides = [1, 1]} : vector<512x1xf32> to vector<128x1xf32>
    %broadcast_in_dim3A_3529 = arith.constant 0x7F800000 : f32
    %broadcast_in_dim3A_3530 = vector.broadcast %broadcast_in_dim3A_3529 : f32 to vector<128x128xf32>
    %broadcast_in_dim3A_3531 = arith.constant 0.000000e+00 : f32
    %broadcast_in_dim3A_3532 = vector.broadcast %broadcast_in_dim3A_3531 : f32 to vector<128x128xf32>
    %get3A_3533 = arith.constant 0 : index
    %get3A_3534 = arith.constant 0 : index
    %get3A_3535 = vector.load %arg4[%get3A_3533, %get3A_3534] : memref<1x8192xf32, #tpu.memory_space<vmem>>, vector<1x128xf32>
    %get3A_3536 = arith.constant 384 : index
    %get3A_3537 = arith.constant 0 : index
    %get3A_3538 = vector.load %arg5[%get3A_3536, %get3A_3537] : memref<512x8192xf32, #tpu.memory_space<vmem>>, vector<128x128xf32>
    %add3A_3539 = vector.broadcast %slice3A_3528 : vector<128x1xf32> to vector<128x128xf32>
    %add3A_3540 = vector.broadcast %get3A_3535 : vector<1x128xf32> to vector<128x128xf32>
    %add3A_3541 = arith.addf %add3A_3539, %add3A_3540 : vector<128x128xf32>
    %sub3A_3542 = arith.subf %add3A_3541, %get3A_3538 : vector<128x128xf32>
    %lt3A_3543 = arith.cmpf olt, %sub3A_3542, %broadcast_in_dim3A_3530 : vector<128x128xf32>
    %select_n3A_3544 = arith.select %lt3A_3543, %sub3A_3542, %broadcast_in_dim3A_3530 : vector<128x128xi1>, vector<128x128xf32>
    %add3A_3545 = arith.constant 0.000000e+00 : f32
    %add3A_3546 = vector.broadcast %add3A_3545 : f32 to vector<1x128xf32>
    %add3A_3547 = arith.addf %convert_element_type3A_11, %add3A_3546 : vector<1x128xf32>
    %broadcast_in_dim3A_3548 = vector.shape_cast %add3A_3547 : vector<1x128xf32> to vector<1x128xf32>
    %broadcast_in_dim3A_3549 = vector.broadcast %broadcast_in_dim3A_3548 : vector<1x128xf32> to vector<128x128xf32>
    %select_n3A_3550 = arith.select %lt3A_3543, %broadcast_in_dim3A_3549, %broadcast_in_dim3A_3532 : vector<128x128xi1>, vector<128x128xf32>
    %get3A_3551 = arith.constant 0 : index
    %get3A_3552 = arith.constant 128 : index
    %get3A_3553 = vector.load %arg4[%get3A_3551, %get3A_3552] : memref<1x8192xf32, #tpu.memory_space<vmem>>, vector<1x128xf32>
    %get3A_3554 = arith.constant 384 : index
    %get3A_3555 = arith.constant 128 : index
    %get3A_3556 = vector.load %arg5[%get3A_3554, %get3A_3555] : memref<512x8192xf32, #tpu.memory_space<vmem>>, vector<128x128xf32>
    %add3A_3557 = vector.broadcast %slice3A_3528 : vector<128x1xf32> to vector<128x128xf32>
    %add3A_3558 = vector.broadcast %get3A_3553 : vector<1x128xf32> to vector<128x128xf32>
    %add3A_3559 = arith.addf %add3A_3557, %add3A_3558 : vector<128x128xf32>
    %sub3A_3560 = arith.subf %add3A_3559, %get3A_3556 : vector<128x128xf32>
    %lt3A_3561 = arith.cmpf olt, %sub3A_3560, %select_n3A_3544 : vector<128x128xf32>
    %select_n3A_3562 = arith.select %lt3A_3561, %sub3A_3560, %select_n3A_3544 : vector<128x128xi1>, vector<128x128xf32>
    %add3A_3563 = arith.constant 1.280000e+02 : f32
    %add3A_3564 = vector.broadcast %add3A_3563 : f32 to vector<1x128xf32>
    %add3A_3565 = arith.addf %convert_element_type3A_11, %add3A_3564 : vector<1x128xf32>
    %broadcast_in_dim3A_3566 = vector.shape_cast %add3A_3565 : vector<1x128xf32> to vector<1x128xf32>
    %broadcast_in_dim3A_3567 = vector.broadcast %broadcast_in_dim3A_3566 : vector<1x128xf32> to vector<128x128xf32>
    %select_n3A_3568 = arith.select %lt3A_3561, %broadcast_in_dim3A_3567, %select_n3A_3550 : vector<128x128xi1>, vector<128x128xf32>
    %get3A_3569 = arith.constant 0 : index
    %get3A_3570 = arith.constant 256 : index
    %get3A_3571 = vector.load %arg4[%get3A_3569, %get3A_3570] : memref<1x8192xf32, #tpu.memory_space<vmem>>, vector<1x128xf32>
    %get3A_3572 = arith.constant 384 : index
    %get3A_3573 = arith.constant 256 : index
    %get3A_3574 = vector.load %arg5[%get3A_3572, %get3A_3573] : memref<512x8192xf32, #tpu.memory_space<vmem>>, vector<128x128xf32>
    %add3A_3575 = vector.broadcast %slice3A_3528 : vector<128x1xf32> to vector<128x128xf32>
    %add3A_3576 = vector.broadcast %get3A_3571 : vector<1x128xf32> to vector<128x128xf32>
    %add3A_3577 = arith.addf %add3A_3575, %add3A_3576 : vector<128x128xf32>
    %sub3A_3578 = arith.subf %add3A_3577, %get3A_3574 : vector<128x128xf32>
    %lt3A_3579 = arith.cmpf olt, %sub3A_3578, %select_n3A_3562 : vector<128x128xf32>
    %select_n3A_3580 = arith.select %lt3A_3579, %sub3A_3578, %select_n3A_3562 : vector<128x128xi1>, vector<128x128xf32>
    %add3A_3581 = arith.constant 2.560000e+02 : f32
    %add3A_3582 = vector.broadcast %add3A_3581 : f32 to vector<1x128xf32>
    %add3A_3583 = arith.addf %convert_element_type3A_11, %add3A_3582 : vector<1x128xf32>
    %broadcast_in_dim3A_3584 = vector.shape_cast %add3A_3583 : vector<1x128xf32> to vector<1x128xf32>
    %broadcast_in_dim3A_3585 = vector.broadcast %broadcast_in_dim3A_3584 : vector<1x128xf32> to vector<128x128xf32>
    %select_n3A_3586 = arith.select %lt3A_3579, %broadcast_in_dim3A_3585, %select_n3A_3568 : vector<128x128xi1>, vector<128x128xf32>
    %get3A_3587 = arith.constant 0 : index
    %get3A_3588 = arith.constant 384 : index
    %get3A_3589 = vector.load %arg4[%get3A_3587, %get3A_3588] : memref<1x8192xf32, #tpu.memory_space<vmem>>, vector<1x128xf32>
    %get3A_3590 = arith.constant 384 : index
    %get3A_3591 = arith.constant 384 : index
    %get3A_3592 = vector.load %arg5[%get3A_3590, %get3A_3591] : memref<512x8192xf32, #tpu.memory_space<vmem>>, vector<128x128xf32>
    %add3A_3593 = vector.broadcast %slice3A_3528 : vector<128x1xf32> to vector<128x128xf32>
    %add3A_3594 = vector.broadcast %get3A_3589 : vector<1x128xf32> to vector<128x128xf32>
    %add3A_3595 = arith.addf %add3A_3593, %add3A_3594 : vector<128x128xf32>
    %sub3A_3596 = arith.subf %add3A_3595, %get3A_3592 : vector<128x128xf32>
    %lt3A_3597 = arith.cmpf olt, %sub3A_3596, %select_n3A_3580 : vector<128x128xf32>
    %select_n3A_3598 = arith.select %lt3A_3597, %sub3A_3596, %select_n3A_3580 : vector<128x128xi1>, vector<128x128xf32>
    %add3A_3599 = arith.constant 3.840000e+02 : f32
    %add3A_3600 = vector.broadcast %add3A_3599 : f32 to vector<1x128xf32>
    %add3A_3601 = arith.addf %convert_element_type3A_11, %add3A_3600 : vector<1x128xf32>
    %broadcast_in_dim3A_3602 = vector.shape_cast %add3A_3601 : vector<1x128xf32> to vector<1x128xf32>
    %broadcast_in_dim3A_3603 = vector.broadcast %broadcast_in_dim3A_3602 : vector<1x128xf32> to vector<128x128xf32>
    %select_n3A_3604 = arith.select %lt3A_3597, %broadcast_in_dim3A_3603, %select_n3A_3586 : vector<128x128xi1>, vector<128x128xf32>
    %get3A_3605 = arith.constant 0 : index
    %get3A_3606 = arith.constant 512 : index
    %get3A_3607 = vector.load %arg4[%get3A_3605, %get3A_3606] : memref<1x8192xf32, #tpu.memory_space<vmem>>, vector<1x128xf32>
    %get3A_3608 = arith.constant 384 : index
    %get3A_3609 = arith.constant 512 : index
    %get3A_3610 = vector.load %arg5[%get3A_3608, %get3A_3609] : memref<512x8192xf32, #tpu.memory_space<vmem>>, vector<128x128xf32>
    %add3A_3611 = vector.broadcast %slice3A_3528 : vector<128x1xf32> to vector<128x128xf32>
    %add3A_3612 = vector.broadcast %get3A_3607 : vector<1x128xf32> to vector<128x128xf32>
    %add3A_3613 = arith.addf %add3A_3611, %add3A_3612 : vector<128x128xf32>
    %sub3A_3614 = arith.subf %add3A_3613, %get3A_3610 : vector<128x128xf32>
    %lt3A_3615 = arith.cmpf olt, %sub3A_3614, %select_n3A_3598 : vector<128x128xf32>
    %select_n3A_3616 = arith.select %lt3A_3615, %sub3A_3614, %select_n3A_3598 : vector<128x128xi1>, vector<128x128xf32>
    %add3A_3617 = arith.constant 5.120000e+02 : f32
    %add3A_3618 = vector.broadcast %add3A_3617 : f32 to vector<1x128xf32>
    %add3A_3619 = arith.addf %convert_element_type3A_11, %add3A_3618 : vector<1x128xf32>
    %broadcast_in_dim3A_3620 = vector.shape_cast %add3A_3619 : vector<1x128xf32> to vector<1x128xf32>
    %broadcast_in_dim3A_3621 = vector.broadcast %broadcast_in_dim3A_3620 : vector<1x128xf32> to vector<128x128xf32>
    %select_n3A_3622 = arith.select %lt3A_3615, %broadcast_in_dim3A_3621, %select_n3A_3604 : vector<128x128xi1>, vector<128x128xf32>
    %get3A_3623 = arith.constant 0 : index
    %get3A_3624 = arith.constant 640 : index
    %get3A_3625 = vector.load %arg4[%get3A_3623, %get3A_3624] : memref<1x8192xf32, #tpu.memory_space<vmem>>, vector<1x128xf32>
    %get3A_3626 = arith.constant 384 : index
    %get3A_3627 = arith.constant 640 : index
    %get3A_3628 = vector.load %arg5[%get3A_3626, %get3A_3627] : memref<512x8192xf32, #tpu.memory_space<vmem>>, vector<128x128xf32>
    %add3A_3629 = vector.broadcast %slice3A_3528 : vector<128x1xf32> to vector<128x128xf32>
    %add3A_3630 = vector.broadcast %get3A_3625 : vector<1x128xf32> to vector<128x128xf32>
    %add3A_3631 = arith.addf %add3A_3629, %add3A_3630 : vector<128x128xf32>
    %sub3A_3632 = arith.subf %add3A_3631, %get3A_3628 : vector<128x128xf32>
    %lt3A_3633 = arith.cmpf olt, %sub3A_3632, %select_n3A_3616 : vector<128x128xf32>
    %select_n3A_3634 = arith.select %lt3A_3633, %sub3A_3632, %select_n3A_3616 : vector<128x128xi1>, vector<128x128xf32>
    %add3A_3635 = arith.constant 6.400000e+02 : f32
    %add3A_3636 = vector.broadcast %add3A_3635 : f32 to vector<1x128xf32>
    %add3A_3637 = arith.addf %convert_element_type3A_11, %add3A_3636 : vector<1x128xf32>
    %broadcast_in_dim3A_3638 = vector.shape_cast %add3A_3637 : vector<1x128xf32> to vector<1x128xf32>
    %broadcast_in_dim3A_3639 = vector.broadcast %broadcast_in_dim3A_3638 : vector<1x128xf32> to vector<128x128xf32>
    %select_n3A_3640 = arith.select %lt3A_3633, %broadcast_in_dim3A_3639, %select_n3A_3622 : vector<128x128xi1>, vector<128x128xf32>
    %get3A_3641 = arith.constant 0 : index
    %get3A_3642 = arith.constant 768 : index
    %get3A_3643 = vector.load %arg4[%get3A_3641, %get3A_3642] : memref<1x8192xf32, #tpu.memory_space<vmem>>, vector<1x128xf32>
    %get3A_3644 = arith.constant 384 : index
    %get3A_3645 = arith.constant 768 : index
    %get3A_3646 = vector.load %arg5[%get3A_3644, %get3A_3645] : memref<512x8192xf32, #tpu.memory_space<vmem>>, vector<128x128xf32>
    %add3A_3647 = vector.broadcast %slice3A_3528 : vector<128x1xf32> to vector<128x128xf32>
    %add3A_3648 = vector.broadcast %get3A_3643 : vector<1x128xf32> to vector<128x128xf32>
    %add3A_3649 = arith.addf %add3A_3647, %add3A_3648 : vector<128x128xf32>
    %sub3A_3650 = arith.subf %add3A_3649, %get3A_3646 : vector<128x128xf32>
    %lt3A_3651 = arith.cmpf olt, %sub3A_3650, %select_n3A_3634 : vector<128x128xf32>
    %select_n3A_3652 = arith.select %lt3A_3651, %sub3A_3650, %select_n3A_3634 : vector<128x128xi1>, vector<128x128xf32>
    %add3A_3653 = arith.constant 7.680000e+02 : f32
    %add3A_3654 = vector.broadcast %add3A_3653 : f32 to vector<1x128xf32>
    %add3A_3655 = arith.addf %convert_element_type3A_11, %add3A_3654 : vector<1x128xf32>
    %broadcast_in_dim3A_3656 = vector.shape_cast %add3A_3655 : vector<1x128xf32> to vector<1x128xf32>
    %broadcast_in_dim3A_3657 = vector.broadcast %broadcast_in_dim3A_3656 : vector<1x128xf32> to vector<128x128xf32>
    %select_n3A_3658 = arith.select %lt3A_3651, %broadcast_in_dim3A_3657, %select_n3A_3640 : vector<128x128xi1>, vector<128x128xf32>
    %get3A_3659 = arith.constant 0 : index
    %get3A_3660 = arith.constant 896 : index
    %get3A_3661 = vector.load %arg4[%get3A_3659, %get3A_3660] : memref<1x8192xf32, #tpu.memory_space<vmem>>, vector<1x128xf32>
    %get3A_3662 = arith.constant 384 : index
    %get3A_3663 = arith.constant 896 : index
    %get3A_3664 = vector.load %arg5[%get3A_3662, %get3A_3663] : memref<512x8192xf32, #tpu.memory_space<vmem>>, vector<128x128xf32>
    %add3A_3665 = vector.broadcast %slice3A_3528 : vector<128x1xf32> to vector<128x128xf32>
    %add3A_3666 = vector.broadcast %get3A_3661 : vector<1x128xf32> to vector<128x128xf32>
    %add3A_3667 = arith.addf %add3A_3665, %add3A_3666 : vector<128x128xf32>
    %sub3A_3668 = arith.subf %add3A_3667, %get3A_3664 : vector<128x128xf32>
    %lt3A_3669 = arith.cmpf olt, %sub3A_3668, %select_n3A_3652 : vector<128x128xf32>
    %select_n3A_3670 = arith.select %lt3A_3669, %sub3A_3668, %select_n3A_3652 : vector<128x128xi1>, vector<128x128xf32>
    %add3A_3671 = arith.constant 8.960000e+02 : f32
    %add3A_3672 = vector.broadcast %add3A_3671 : f32 to vector<1x128xf32>
    %add3A_3673 = arith.addf %convert_element_type3A_11, %add3A_3672 : vector<1x128xf32>
    %broadcast_in_dim3A_3674 = vector.shape_cast %add3A_3673 : vector<1x128xf32> to vector<1x128xf32>
    %broadcast_in_dim3A_3675 = vector.broadcast %broadcast_in_dim3A_3674 : vector<1x128xf32> to vector<128x128xf32>
    %select_n3A_3676 = arith.select %lt3A_3669, %broadcast_in_dim3A_3675, %select_n3A_3658 : vector<128x128xi1>, vector<128x128xf32>
    %get3A_3677 = arith.constant 0 : index
    %get3A_3678 = arith.constant 1024 : index
    %get3A_3679 = vector.load %arg4[%get3A_3677, %get3A_3678] : memref<1x8192xf32, #tpu.memory_space<vmem>>, vector<1x128xf32>
    %get3A_3680 = arith.constant 384 : index
    %get3A_3681 = arith.constant 1024 : index
    %get3A_3682 = vector.load %arg5[%get3A_3680, %get3A_3681] : memref<512x8192xf32, #tpu.memory_space<vmem>>, vector<128x128xf32>
    %add3A_3683 = vector.broadcast %slice3A_3528 : vector<128x1xf32> to vector<128x128xf32>
    %add3A_3684 = vector.broadcast %get3A_3679 : vector<1x128xf32> to vector<128x128xf32>
    %add3A_3685 = arith.addf %add3A_3683, %add3A_3684 : vector<128x128xf32>
    %sub3A_3686 = arith.subf %add3A_3685, %get3A_3682 : vector<128x128xf32>
    %lt3A_3687 = arith.cmpf olt, %sub3A_3686, %select_n3A_3670 : vector<128x128xf32>
    %select_n3A_3688 = arith.select %lt3A_3687, %sub3A_3686, %select_n3A_3670 : vector<128x128xi1>, vector<128x128xf32>
    %add3A_3689 = arith.constant 1.024000e+03 : f32
    %add3A_3690 = vector.broadcast %add3A_3689 : f32 to vector<1x128xf32>
    %add3A_3691 = arith.addf %convert_element_type3A_11, %add3A_3690 : vector<1x128xf32>
    %broadcast_in_dim3A_3692 = vector.shape_cast %add3A_3691 : vector<1x128xf32> to vector<1x128xf32>
    %broadcast_in_dim3A_3693 = vector.broadcast %broadcast_in_dim3A_3692 : vector<1x128xf32> to vector<128x128xf32>
    %select_n3A_3694 = arith.select %lt3A_3687, %broadcast_in_dim3A_3693, %select_n3A_3676 : vector<128x128xi1>, vector<128x128xf32>
    %get3A_3695 = arith.constant 0 : index
    %get3A_3696 = arith.constant 1152 : index
    %get3A_3697 = vector.load %arg4[%get3A_3695, %get3A_3696] : memref<1x8192xf32, #tpu.memory_space<vmem>>, vector<1x128xf32>
    %get3A_3698 = arith.constant 384 : index
    %get3A_3699 = arith.constant 1152 : index
    %get3A_3700 = vector.load %arg5[%get3A_3698, %get3A_3699] : memref<512x8192xf32, #tpu.memory_space<vmem>>, vector<128x128xf32>
    %add3A_3701 = vector.broadcast %slice3A_3528 : vector<128x1xf32> to vector<128x128xf32>
    %add3A_3702 = vector.broadcast %get3A_3697 : vector<1x128xf32> to vector<128x128xf32>
    %add3A_3703 = arith.addf %add3A_3701, %add3A_3702 : vector<128x128xf32>
    %sub3A_3704 = arith.subf %add3A_3703, %get3A_3700 : vector<128x128xf32>
    %lt3A_3705 = arith.cmpf olt, %sub3A_3704, %select_n3A_3688 : vector<128x128xf32>
    %select_n3A_3706 = arith.select %lt3A_3705, %sub3A_3704, %select_n3A_3688 : vector<128x128xi1>, vector<128x128xf32>
    %add3A_3707 = arith.constant 1.152000e+03 : f32
    %add3A_3708 = vector.broadcast %add3A_3707 : f32 to vector<1x128xf32>
    %add3A_3709 = arith.addf %convert_element_type3A_11, %add3A_3708 : vector<1x128xf32>
    %broadcast_in_dim3A_3710 = vector.shape_cast %add3A_3709 : vector<1x128xf32> to vector<1x128xf32>
    %broadcast_in_dim3A_3711 = vector.broadcast %broadcast_in_dim3A_3710 : vector<1x128xf32> to vector<128x128xf32>
    %select_n3A_3712 = arith.select %lt3A_3705, %broadcast_in_dim3A_3711, %select_n3A_3694 : vector<128x128xi1>, vector<128x128xf32>
    %get3A_3713 = arith.constant 0 : index
    %get3A_3714 = arith.constant 1280 : index
    %get3A_3715 = vector.load %arg4[%get3A_3713, %get3A_3714] : memref<1x8192xf32, #tpu.memory_space<vmem>>, vector<1x128xf32>
    %get3A_3716 = arith.constant 384 : index
    %get3A_3717 = arith.constant 1280 : index
    %get3A_3718 = vector.load %arg5[%get3A_3716, %get3A_3717] : memref<512x8192xf32, #tpu.memory_space<vmem>>, vector<128x128xf32>
    %add3A_3719 = vector.broadcast %slice3A_3528 : vector<128x1xf32> to vector<128x128xf32>
    %add3A_3720 = vector.broadcast %get3A_3715 : vector<1x128xf32> to vector<128x128xf32>
    %add3A_3721 = arith.addf %add3A_3719, %add3A_3720 : vector<128x128xf32>
    %sub3A_3722 = arith.subf %add3A_3721, %get3A_3718 : vector<128x128xf32>
    %lt3A_3723 = arith.cmpf olt, %sub3A_3722, %select_n3A_3706 : vector<128x128xf32>
    %select_n3A_3724 = arith.select %lt3A_3723, %sub3A_3722, %select_n3A_3706 : vector<128x128xi1>, vector<128x128xf32>
    %add3A_3725 = arith.constant 1.280000e+03 : f32
    %add3A_3726 = vector.broadcast %add3A_3725 : f32 to vector<1x128xf32>
    %add3A_3727 = arith.addf %convert_element_type3A_11, %add3A_3726 : vector<1x128xf32>
    %broadcast_in_dim3A_3728 = vector.shape_cast %add3A_3727 : vector<1x128xf32> to vector<1x128xf32>
    %broadcast_in_dim3A_3729 = vector.broadcast %broadcast_in_dim3A_3728 : vector<1x128xf32> to vector<128x128xf32>
    %select_n3A_3730 = arith.select %lt3A_3723, %broadcast_in_dim3A_3729, %select_n3A_3712 : vector<128x128xi1>, vector<128x128xf32>
    %get3A_3731 = arith.constant 0 : index
    %get3A_3732 = arith.constant 1408 : index
    %get3A_3733 = vector.load %arg4[%get3A_3731, %get3A_3732] : memref<1x8192xf32, #tpu.memory_space<vmem>>, vector<1x128xf32>
    %get3A_3734 = arith.constant 384 : index
    %get3A_3735 = arith.constant 1408 : index
    %get3A_3736 = vector.load %arg5[%get3A_3734, %get3A_3735] : memref<512x8192xf32, #tpu.memory_space<vmem>>, vector<128x128xf32>
    %add3A_3737 = vector.broadcast %slice3A_3528 : vector<128x1xf32> to vector<128x128xf32>
    %add3A_3738 = vector.broadcast %get3A_3733 : vector<1x128xf32> to vector<128x128xf32>
    %add3A_3739 = arith.addf %add3A_3737, %add3A_3738 : vector<128x128xf32>
    %sub3A_3740 = arith.subf %add3A_3739, %get3A_3736 : vector<128x128xf32>
    %lt3A_3741 = arith.cmpf olt, %sub3A_3740, %select_n3A_3724 : vector<128x128xf32>
    %select_n3A_3742 = arith.select %lt3A_3741, %sub3A_3740, %select_n3A_3724 : vector<128x128xi1>, vector<128x128xf32>
    %add3A_3743 = arith.constant 1.408000e+03 : f32
    %add3A_3744 = vector.broadcast %add3A_3743 : f32 to vector<1x128xf32>
    %add3A_3745 = arith.addf %convert_element_type3A_11, %add3A_3744 : vector<1x128xf32>
    %broadcast_in_dim3A_3746 = vector.shape_cast %add3A_3745 : vector<1x128xf32> to vector<1x128xf32>
    %broadcast_in_dim3A_3747 = vector.broadcast %broadcast_in_dim3A_3746 : vector<1x128xf32> to vector<128x128xf32>
    %select_n3A_3748 = arith.select %lt3A_3741, %broadcast_in_dim3A_3747, %select_n3A_3730 : vector<128x128xi1>, vector<128x128xf32>
    %get3A_3749 = arith.constant 0 : index
    %get3A_3750 = arith.constant 1536 : index
    %get3A_3751 = vector.load %arg4[%get3A_3749, %get3A_3750] : memref<1x8192xf32, #tpu.memory_space<vmem>>, vector<1x128xf32>
    %get3A_3752 = arith.constant 384 : index
    %get3A_3753 = arith.constant 1536 : index
    %get3A_3754 = vector.load %arg5[%get3A_3752, %get3A_3753] : memref<512x8192xf32, #tpu.memory_space<vmem>>, vector<128x128xf32>
    %add3A_3755 = vector.broadcast %slice3A_3528 : vector<128x1xf32> to vector<128x128xf32>
    %add3A_3756 = vector.broadcast %get3A_3751 : vector<1x128xf32> to vector<128x128xf32>
    %add3A_3757 = arith.addf %add3A_3755, %add3A_3756 : vector<128x128xf32>
    %sub3A_3758 = arith.subf %add3A_3757, %get3A_3754 : vector<128x128xf32>
    %lt3A_3759 = arith.cmpf olt, %sub3A_3758, %select_n3A_3742 : vector<128x128xf32>
    %select_n3A_3760 = arith.select %lt3A_3759, %sub3A_3758, %select_n3A_3742 : vector<128x128xi1>, vector<128x128xf32>
    %add3A_3761 = arith.constant 1.536000e+03 : f32
    %add3A_3762 = vector.broadcast %add3A_3761 : f32 to vector<1x128xf32>
    %add3A_3763 = arith.addf %convert_element_type3A_11, %add3A_3762 : vector<1x128xf32>
    %broadcast_in_dim3A_3764 = vector.shape_cast %add3A_3763 : vector<1x128xf32> to vector<1x128xf32>
    %broadcast_in_dim3A_3765 = vector.broadcast %broadcast_in_dim3A_3764 : vector<1x128xf32> to vector<128x128xf32>
    %select_n3A_3766 = arith.select %lt3A_3759, %broadcast_in_dim3A_3765, %select_n3A_3748 : vector<128x128xi1>, vector<128x128xf32>
    %get3A_3767 = arith.constant 0 : index
    %get3A_3768 = arith.constant 1664 : index
    %get3A_3769 = vector.load %arg4[%get3A_3767, %get3A_3768] : memref<1x8192xf32, #tpu.memory_space<vmem>>, vector<1x128xf32>
    %get3A_3770 = arith.constant 384 : index
    %get3A_3771 = arith.constant 1664 : index
    %get3A_3772 = vector.load %arg5[%get3A_3770, %get3A_3771] : memref<512x8192xf32, #tpu.memory_space<vmem>>, vector<128x128xf32>
    %add3A_3773 = vector.broadcast %slice3A_3528 : vector<128x1xf32> to vector<128x128xf32>
    %add3A_3774 = vector.broadcast %get3A_3769 : vector<1x128xf32> to vector<128x128xf32>
    %add3A_3775 = arith.addf %add3A_3773, %add3A_3774 : vector<128x128xf32>
    %sub3A_3776 = arith.subf %add3A_3775, %get3A_3772 : vector<128x128xf32>
    %lt3A_3777 = arith.cmpf olt, %sub3A_3776, %select_n3A_3760 : vector<128x128xf32>
    %select_n3A_3778 = arith.select %lt3A_3777, %sub3A_3776, %select_n3A_3760 : vector<128x128xi1>, vector<128x128xf32>
    %add3A_3779 = arith.constant 1.664000e+03 : f32
    %add3A_3780 = vector.broadcast %add3A_3779 : f32 to vector<1x128xf32>
    %add3A_3781 = arith.addf %convert_element_type3A_11, %add3A_3780 : vector<1x128xf32>
    %broadcast_in_dim3A_3782 = vector.shape_cast %add3A_3781 : vector<1x128xf32> to vector<1x128xf32>
    %broadcast_in_dim3A_3783 = vector.broadcast %broadcast_in_dim3A_3782 : vector<1x128xf32> to vector<128x128xf32>
    %select_n3A_3784 = arith.select %lt3A_3777, %broadcast_in_dim3A_3783, %select_n3A_3766 : vector<128x128xi1>, vector<128x128xf32>
    %get3A_3785 = arith.constant 0 : index
    %get3A_3786 = arith.constant 1792 : index
    %get3A_3787 = vector.load %arg4[%get3A_3785, %get3A_3786] : memref<1x8192xf32, #tpu.memory_space<vmem>>, vector<1x128xf32>
    %get3A_3788 = arith.constant 384 : index
    %get3A_3789 = arith.constant 1792 : index
    %get3A_3790 = vector.load %arg5[%get3A_3788, %get3A_3789] : memref<512x8192xf32, #tpu.memory_space<vmem>>, vector<128x128xf32>
    %add3A_3791 = vector.broadcast %slice3A_3528 : vector<128x1xf32> to vector<128x128xf32>
    %add3A_3792 = vector.broadcast %get3A_3787 : vector<1x128xf32> to vector<128x128xf32>
    %add3A_3793 = arith.addf %add3A_3791, %add3A_3792 : vector<128x128xf32>
    %sub3A_3794 = arith.subf %add3A_3793, %get3A_3790 : vector<128x128xf32>
    %lt3A_3795 = arith.cmpf olt, %sub3A_3794, %select_n3A_3778 : vector<128x128xf32>
    %select_n3A_3796 = arith.select %lt3A_3795, %sub3A_3794, %select_n3A_3778 : vector<128x128xi1>, vector<128x128xf32>
    %add3A_3797 = arith.constant 1.792000e+03 : f32
    %add3A_3798 = vector.broadcast %add3A_3797 : f32 to vector<1x128xf32>
    %add3A_3799 = arith.addf %convert_element_type3A_11, %add3A_3798 : vector<1x128xf32>
    %broadcast_in_dim3A_3800 = vector.shape_cast %add3A_3799 : vector<1x128xf32> to vector<1x128xf32>
    %broadcast_in_dim3A_3801 = vector.broadcast %broadcast_in_dim3A_3800 : vector<1x128xf32> to vector<128x128xf32>
    %select_n3A_3802 = arith.select %lt3A_3795, %broadcast_in_dim3A_3801, %select_n3A_3784 : vector<128x128xi1>, vector<128x128xf32>
    %get3A_3803 = arith.constant 0 : index
    %get3A_3804 = arith.constant 1920 : index
    %get3A_3805 = vector.load %arg4[%get3A_3803, %get3A_3804] : memref<1x8192xf32, #tpu.memory_space<vmem>>, vector<1x128xf32>
    %get3A_3806 = arith.constant 384 : index
    %get3A_3807 = arith.constant 1920 : index
    %get3A_3808 = vector.load %arg5[%get3A_3806, %get3A_3807] : memref<512x8192xf32, #tpu.memory_space<vmem>>, vector<128x128xf32>
    %add3A_3809 = vector.broadcast %slice3A_3528 : vector<128x1xf32> to vector<128x128xf32>
    %add3A_3810 = vector.broadcast %get3A_3805 : vector<1x128xf32> to vector<128x128xf32>
    %add3A_3811 = arith.addf %add3A_3809, %add3A_3810 : vector<128x128xf32>
    %sub3A_3812 = arith.subf %add3A_3811, %get3A_3808 : vector<128x128xf32>
    %lt3A_3813 = arith.cmpf olt, %sub3A_3812, %select_n3A_3796 : vector<128x128xf32>
    %select_n3A_3814 = arith.select %lt3A_3813, %sub3A_3812, %select_n3A_3796 : vector<128x128xi1>, vector<128x128xf32>
    %add3A_3815 = arith.constant 1.920000e+03 : f32
    %add3A_3816 = vector.broadcast %add3A_3815 : f32 to vector<1x128xf32>
    %add3A_3817 = arith.addf %convert_element_type3A_11, %add3A_3816 : vector<1x128xf32>
    %broadcast_in_dim3A_3818 = vector.shape_cast %add3A_3817 : vector<1x128xf32> to vector<1x128xf32>
    %broadcast_in_dim3A_3819 = vector.broadcast %broadcast_in_dim3A_3818 : vector<1x128xf32> to vector<128x128xf32>
    %select_n3A_3820 = arith.select %lt3A_3813, %broadcast_in_dim3A_3819, %select_n3A_3802 : vector<128x128xi1>, vector<128x128xf32>
    %get3A_3821 = arith.constant 0 : index
    %get3A_3822 = arith.constant 2048 : index
    %get3A_3823 = vector.load %arg4[%get3A_3821, %get3A_3822] : memref<1x8192xf32, #tpu.memory_space<vmem>>, vector<1x128xf32>
    %get3A_3824 = arith.constant 384 : index
    %get3A_3825 = arith.constant 2048 : index
    %get3A_3826 = vector.load %arg5[%get3A_3824, %get3A_3825] : memref<512x8192xf32, #tpu.memory_space<vmem>>, vector<128x128xf32>
    %add3A_3827 = vector.broadcast %slice3A_3528 : vector<128x1xf32> to vector<128x128xf32>
    %add3A_3828 = vector.broadcast %get3A_3823 : vector<1x128xf32> to vector<128x128xf32>
    %add3A_3829 = arith.addf %add3A_3827, %add3A_3828 : vector<128x128xf32>
    %sub3A_3830 = arith.subf %add3A_3829, %get3A_3826 : vector<128x128xf32>
    %lt3A_3831 = arith.cmpf olt, %sub3A_3830, %select_n3A_3814 : vector<128x128xf32>
    %select_n3A_3832 = arith.select %lt3A_3831, %sub3A_3830, %select_n3A_3814 : vector<128x128xi1>, vector<128x128xf32>
    %add3A_3833 = arith.constant 2.048000e+03 : f32
    %add3A_3834 = vector.broadcast %add3A_3833 : f32 to vector<1x128xf32>
    %add3A_3835 = arith.addf %convert_element_type3A_11, %add3A_3834 : vector<1x128xf32>
    %broadcast_in_dim3A_3836 = vector.shape_cast %add3A_3835 : vector<1x128xf32> to vector<1x128xf32>
    %broadcast_in_dim3A_3837 = vector.broadcast %broadcast_in_dim3A_3836 : vector<1x128xf32> to vector<128x128xf32>
    %select_n3A_3838 = arith.select %lt3A_3831, %broadcast_in_dim3A_3837, %select_n3A_3820 : vector<128x128xi1>, vector<128x128xf32>
    %get3A_3839 = arith.constant 0 : index
    %get3A_3840 = arith.constant 2176 : index
    %get3A_3841 = vector.load %arg4[%get3A_3839, %get3A_3840] : memref<1x8192xf32, #tpu.memory_space<vmem>>, vector<1x128xf32>
    %get3A_3842 = arith.constant 384 : index
    %get3A_3843 = arith.constant 2176 : index
    %get3A_3844 = vector.load %arg5[%get3A_3842, %get3A_3843] : memref<512x8192xf32, #tpu.memory_space<vmem>>, vector<128x128xf32>
    %add3A_3845 = vector.broadcast %slice3A_3528 : vector<128x1xf32> to vector<128x128xf32>
    %add3A_3846 = vector.broadcast %get3A_3841 : vector<1x128xf32> to vector<128x128xf32>
    %add3A_3847 = arith.addf %add3A_3845, %add3A_3846 : vector<128x128xf32>
    %sub3A_3848 = arith.subf %add3A_3847, %get3A_3844 : vector<128x128xf32>
    %lt3A_3849 = arith.cmpf olt, %sub3A_3848, %select_n3A_3832 : vector<128x128xf32>
    %select_n3A_3850 = arith.select %lt3A_3849, %sub3A_3848, %select_n3A_3832 : vector<128x128xi1>, vector<128x128xf32>
    %add3A_3851 = arith.constant 2.176000e+03 : f32
    %add3A_3852 = vector.broadcast %add3A_3851 : f32 to vector<1x128xf32>
    %add3A_3853 = arith.addf %convert_element_type3A_11, %add3A_3852 : vector<1x128xf32>
    %broadcast_in_dim3A_3854 = vector.shape_cast %add3A_3853 : vector<1x128xf32> to vector<1x128xf32>
    %broadcast_in_dim3A_3855 = vector.broadcast %broadcast_in_dim3A_3854 : vector<1x128xf32> to vector<128x128xf32>
    %select_n3A_3856 = arith.select %lt3A_3849, %broadcast_in_dim3A_3855, %select_n3A_3838 : vector<128x128xi1>, vector<128x128xf32>
    %get3A_3857 = arith.constant 0 : index
    %get3A_3858 = arith.constant 2304 : index
    %get3A_3859 = vector.load %arg4[%get3A_3857, %get3A_3858] : memref<1x8192xf32, #tpu.memory_space<vmem>>, vector<1x128xf32>
    %get3A_3860 = arith.constant 384 : index
    %get3A_3861 = arith.constant 2304 : index
    %get3A_3862 = vector.load %arg5[%get3A_3860, %get3A_3861] : memref<512x8192xf32, #tpu.memory_space<vmem>>, vector<128x128xf32>
    %add3A_3863 = vector.broadcast %slice3A_3528 : vector<128x1xf32> to vector<128x128xf32>
    %add3A_3864 = vector.broadcast %get3A_3859 : vector<1x128xf32> to vector<128x128xf32>
    %add3A_3865 = arith.addf %add3A_3863, %add3A_3864 : vector<128x128xf32>
    %sub3A_3866 = arith.subf %add3A_3865, %get3A_3862 : vector<128x128xf32>
    %lt3A_3867 = arith.cmpf olt, %sub3A_3866, %select_n3A_3850 : vector<128x128xf32>
    %select_n3A_3868 = arith.select %lt3A_3867, %sub3A_3866, %select_n3A_3850 : vector<128x128xi1>, vector<128x128xf32>
    %add3A_3869 = arith.constant 2.304000e+03 : f32
    %add3A_3870 = vector.broadcast %add3A_3869 : f32 to vector<1x128xf32>
    %add3A_3871 = arith.addf %convert_element_type3A_11, %add3A_3870 : vector<1x128xf32>
    %broadcast_in_dim3A_3872 = vector.shape_cast %add3A_3871 : vector<1x128xf32> to vector<1x128xf32>
    %broadcast_in_dim3A_3873 = vector.broadcast %broadcast_in_dim3A_3872 : vector<1x128xf32> to vector<128x128xf32>
    %select_n3A_3874 = arith.select %lt3A_3867, %broadcast_in_dim3A_3873, %select_n3A_3856 : vector<128x128xi1>, vector<128x128xf32>
    %get3A_3875 = arith.constant 0 : index
    %get3A_3876 = arith.constant 2432 : index
    %get3A_3877 = vector.load %arg4[%get3A_3875, %get3A_3876] : memref<1x8192xf32, #tpu.memory_space<vmem>>, vector<1x128xf32>
    %get3A_3878 = arith.constant 384 : index
    %get3A_3879 = arith.constant 2432 : index
    %get3A_3880 = vector.load %arg5[%get3A_3878, %get3A_3879] : memref<512x8192xf32, #tpu.memory_space<vmem>>, vector<128x128xf32>
    %add3A_3881 = vector.broadcast %slice3A_3528 : vector<128x1xf32> to vector<128x128xf32>
    %add3A_3882 = vector.broadcast %get3A_3877 : vector<1x128xf32> to vector<128x128xf32>
    %add3A_3883 = arith.addf %add3A_3881, %add3A_3882 : vector<128x128xf32>
    %sub3A_3884 = arith.subf %add3A_3883, %get3A_3880 : vector<128x128xf32>
    %lt3A_3885 = arith.cmpf olt, %sub3A_3884, %select_n3A_3868 : vector<128x128xf32>
    %select_n3A_3886 = arith.select %lt3A_3885, %sub3A_3884, %select_n3A_3868 : vector<128x128xi1>, vector<128x128xf32>
    %add3A_3887 = arith.constant 2.432000e+03 : f32
    %add3A_3888 = vector.broadcast %add3A_3887 : f32 to vector<1x128xf32>
    %add3A_3889 = arith.addf %convert_element_type3A_11, %add3A_3888 : vector<1x128xf32>
    %broadcast_in_dim3A_3890 = vector.shape_cast %add3A_3889 : vector<1x128xf32> to vector<1x128xf32>
    %broadcast_in_dim3A_3891 = vector.broadcast %broadcast_in_dim3A_3890 : vector<1x128xf32> to vector<128x128xf32>
    %select_n3A_3892 = arith.select %lt3A_3885, %broadcast_in_dim3A_3891, %select_n3A_3874 : vector<128x128xi1>, vector<128x128xf32>
    %get3A_3893 = arith.constant 0 : index
    %get3A_3894 = arith.constant 2560 : index
    %get3A_3895 = vector.load %arg4[%get3A_3893, %get3A_3894] : memref<1x8192xf32, #tpu.memory_space<vmem>>, vector<1x128xf32>
    %get3A_3896 = arith.constant 384 : index
    %get3A_3897 = arith.constant 2560 : index
    %get3A_3898 = vector.load %arg5[%get3A_3896, %get3A_3897] : memref<512x8192xf32, #tpu.memory_space<vmem>>, vector<128x128xf32>
    %add3A_3899 = vector.broadcast %slice3A_3528 : vector<128x1xf32> to vector<128x128xf32>
    %add3A_3900 = vector.broadcast %get3A_3895 : vector<1x128xf32> to vector<128x128xf32>
    %add3A_3901 = arith.addf %add3A_3899, %add3A_3900 : vector<128x128xf32>
    %sub3A_3902 = arith.subf %add3A_3901, %get3A_3898 : vector<128x128xf32>
    %lt3A_3903 = arith.cmpf olt, %sub3A_3902, %select_n3A_3886 : vector<128x128xf32>
    %select_n3A_3904 = arith.select %lt3A_3903, %sub3A_3902, %select_n3A_3886 : vector<128x128xi1>, vector<128x128xf32>
    %add3A_3905 = arith.constant 2.560000e+03 : f32
    %add3A_3906 = vector.broadcast %add3A_3905 : f32 to vector<1x128xf32>
    %add3A_3907 = arith.addf %convert_element_type3A_11, %add3A_3906 : vector<1x128xf32>
    %broadcast_in_dim3A_3908 = vector.shape_cast %add3A_3907 : vector<1x128xf32> to vector<1x128xf32>
    %broadcast_in_dim3A_3909 = vector.broadcast %broadcast_in_dim3A_3908 : vector<1x128xf32> to vector<128x128xf32>
    %select_n3A_3910 = arith.select %lt3A_3903, %broadcast_in_dim3A_3909, %select_n3A_3892 : vector<128x128xi1>, vector<128x128xf32>
    %get3A_3911 = arith.constant 0 : index
    %get3A_3912 = arith.constant 2688 : index
    %get3A_3913 = vector.load %arg4[%get3A_3911, %get3A_3912] : memref<1x8192xf32, #tpu.memory_space<vmem>>, vector<1x128xf32>
    %get3A_3914 = arith.constant 384 : index
    %get3A_3915 = arith.constant 2688 : index
    %get3A_3916 = vector.load %arg5[%get3A_3914, %get3A_3915] : memref<512x8192xf32, #tpu.memory_space<vmem>>, vector<128x128xf32>
    %add3A_3917 = vector.broadcast %slice3A_3528 : vector<128x1xf32> to vector<128x128xf32>
    %add3A_3918 = vector.broadcast %get3A_3913 : vector<1x128xf32> to vector<128x128xf32>
    %add3A_3919 = arith.addf %add3A_3917, %add3A_3918 : vector<128x128xf32>
    %sub3A_3920 = arith.subf %add3A_3919, %get3A_3916 : vector<128x128xf32>
    %lt3A_3921 = arith.cmpf olt, %sub3A_3920, %select_n3A_3904 : vector<128x128xf32>
    %select_n3A_3922 = arith.select %lt3A_3921, %sub3A_3920, %select_n3A_3904 : vector<128x128xi1>, vector<128x128xf32>
    %add3A_3923 = arith.constant 2.688000e+03 : f32
    %add3A_3924 = vector.broadcast %add3A_3923 : f32 to vector<1x128xf32>
    %add3A_3925 = arith.addf %convert_element_type3A_11, %add3A_3924 : vector<1x128xf32>
    %broadcast_in_dim3A_3926 = vector.shape_cast %add3A_3925 : vector<1x128xf32> to vector<1x128xf32>
    %broadcast_in_dim3A_3927 = vector.broadcast %broadcast_in_dim3A_3926 : vector<1x128xf32> to vector<128x128xf32>
    %select_n3A_3928 = arith.select %lt3A_3921, %broadcast_in_dim3A_3927, %select_n3A_3910 : vector<128x128xi1>, vector<128x128xf32>
    %get3A_3929 = arith.constant 0 : index
    %get3A_3930 = arith.constant 2816 : index
    %get3A_3931 = vector.load %arg4[%get3A_3929, %get3A_3930] : memref<1x8192xf32, #tpu.memory_space<vmem>>, vector<1x128xf32>
    %get3A_3932 = arith.constant 384 : index
    %get3A_3933 = arith.constant 2816 : index
    %get3A_3934 = vector.load %arg5[%get3A_3932, %get3A_3933] : memref<512x8192xf32, #tpu.memory_space<vmem>>, vector<128x128xf32>
    %add3A_3935 = vector.broadcast %slice3A_3528 : vector<128x1xf32> to vector<128x128xf32>
    %add3A_3936 = vector.broadcast %get3A_3931 : vector<1x128xf32> to vector<128x128xf32>
    %add3A_3937 = arith.addf %add3A_3935, %add3A_3936 : vector<128x128xf32>
    %sub3A_3938 = arith.subf %add3A_3937, %get3A_3934 : vector<128x128xf32>
    %lt3A_3939 = arith.cmpf olt, %sub3A_3938, %select_n3A_3922 : vector<128x128xf32>
    %select_n3A_3940 = arith.select %lt3A_3939, %sub3A_3938, %select_n3A_3922 : vector<128x128xi1>, vector<128x128xf32>
    %add3A_3941 = arith.constant 2.816000e+03 : f32
    %add3A_3942 = vector.broadcast %add3A_3941 : f32 to vector<1x128xf32>
    %add3A_3943 = arith.addf %convert_element_type3A_11, %add3A_3942 : vector<1x128xf32>
    %broadcast_in_dim3A_3944 = vector.shape_cast %add3A_3943 : vector<1x128xf32> to vector<1x128xf32>
    %broadcast_in_dim3A_3945 = vector.broadcast %broadcast_in_dim3A_3944 : vector<1x128xf32> to vector<128x128xf32>
    %select_n3A_3946 = arith.select %lt3A_3939, %broadcast_in_dim3A_3945, %select_n3A_3928 : vector<128x128xi1>, vector<128x128xf32>
    %get3A_3947 = arith.constant 0 : index
    %get3A_3948 = arith.constant 2944 : index
    %get3A_3949 = vector.load %arg4[%get3A_3947, %get3A_3948] : memref<1x8192xf32, #tpu.memory_space<vmem>>, vector<1x128xf32>
    %get3A_3950 = arith.constant 384 : index
    %get3A_3951 = arith.constant 2944 : index
    %get3A_3952 = vector.load %arg5[%get3A_3950, %get3A_3951] : memref<512x8192xf32, #tpu.memory_space<vmem>>, vector<128x128xf32>
    %add3A_3953 = vector.broadcast %slice3A_3528 : vector<128x1xf32> to vector<128x128xf32>
    %add3A_3954 = vector.broadcast %get3A_3949 : vector<1x128xf32> to vector<128x128xf32>
    %add3A_3955 = arith.addf %add3A_3953, %add3A_3954 : vector<128x128xf32>
    %sub3A_3956 = arith.subf %add3A_3955, %get3A_3952 : vector<128x128xf32>
    %lt3A_3957 = arith.cmpf olt, %sub3A_3956, %select_n3A_3940 : vector<128x128xf32>
    %select_n3A_3958 = arith.select %lt3A_3957, %sub3A_3956, %select_n3A_3940 : vector<128x128xi1>, vector<128x128xf32>
    %add3A_3959 = arith.constant 2.944000e+03 : f32
    %add3A_3960 = vector.broadcast %add3A_3959 : f32 to vector<1x128xf32>
    %add3A_3961 = arith.addf %convert_element_type3A_11, %add3A_3960 : vector<1x128xf32>
    %broadcast_in_dim3A_3962 = vector.shape_cast %add3A_3961 : vector<1x128xf32> to vector<1x128xf32>
    %broadcast_in_dim3A_3963 = vector.broadcast %broadcast_in_dim3A_3962 : vector<1x128xf32> to vector<128x128xf32>
    %select_n3A_3964 = arith.select %lt3A_3957, %broadcast_in_dim3A_3963, %select_n3A_3946 : vector<128x128xi1>, vector<128x128xf32>
    %get3A_3965 = arith.constant 0 : index
    %get3A_3966 = arith.constant 3072 : index
    %get3A_3967 = vector.load %arg4[%get3A_3965, %get3A_3966] : memref<1x8192xf32, #tpu.memory_space<vmem>>, vector<1x128xf32>
    %get3A_3968 = arith.constant 384 : index
    %get3A_3969 = arith.constant 3072 : index
    %get3A_3970 = vector.load %arg5[%get3A_3968, %get3A_3969] : memref<512x8192xf32, #tpu.memory_space<vmem>>, vector<128x128xf32>
    %add3A_3971 = vector.broadcast %slice3A_3528 : vector<128x1xf32> to vector<128x128xf32>
    %add3A_3972 = vector.broadcast %get3A_3967 : vector<1x128xf32> to vector<128x128xf32>
    %add3A_3973 = arith.addf %add3A_3971, %add3A_3972 : vector<128x128xf32>
    %sub3A_3974 = arith.subf %add3A_3973, %get3A_3970 : vector<128x128xf32>
    %lt3A_3975 = arith.cmpf olt, %sub3A_3974, %select_n3A_3958 : vector<128x128xf32>
    %select_n3A_3976 = arith.select %lt3A_3975, %sub3A_3974, %select_n3A_3958 : vector<128x128xi1>, vector<128x128xf32>
    %add3A_3977 = arith.constant 3.072000e+03 : f32
    %add3A_3978 = vector.broadcast %add3A_3977 : f32 to vector<1x128xf32>
    %add3A_3979 = arith.addf %convert_element_type3A_11, %add3A_3978 : vector<1x128xf32>
    %broadcast_in_dim3A_3980 = vector.shape_cast %add3A_3979 : vector<1x128xf32> to vector<1x128xf32>
    %broadcast_in_dim3A_3981 = vector.broadcast %broadcast_in_dim3A_3980 : vector<1x128xf32> to vector<128x128xf32>
    %select_n3A_3982 = arith.select %lt3A_3975, %broadcast_in_dim3A_3981, %select_n3A_3964 : vector<128x128xi1>, vector<128x128xf32>
    %get3A_3983 = arith.constant 0 : index
    %get3A_3984 = arith.constant 3200 : index
    %get3A_3985 = vector.load %arg4[%get3A_3983, %get3A_3984] : memref<1x8192xf32, #tpu.memory_space<vmem>>, vector<1x128xf32>
    %get3A_3986 = arith.constant 384 : index
    %get3A_3987 = arith.constant 3200 : index
    %get3A_3988 = vector.load %arg5[%get3A_3986, %get3A_3987] : memref<512x8192xf32, #tpu.memory_space<vmem>>, vector<128x128xf32>
    %add3A_3989 = vector.broadcast %slice3A_3528 : vector<128x1xf32> to vector<128x128xf32>
    %add3A_3990 = vector.broadcast %get3A_3985 : vector<1x128xf32> to vector<128x128xf32>
    %add3A_3991 = arith.addf %add3A_3989, %add3A_3990 : vector<128x128xf32>
    %sub3A_3992 = arith.subf %add3A_3991, %get3A_3988 : vector<128x128xf32>
    %lt3A_3993 = arith.cmpf olt, %sub3A_3992, %select_n3A_3976 : vector<128x128xf32>
    %select_n3A_3994 = arith.select %lt3A_3993, %sub3A_3992, %select_n3A_3976 : vector<128x128xi1>, vector<128x128xf32>
    %add3A_3995 = arith.constant 3.200000e+03 : f32
    %add3A_3996 = vector.broadcast %add3A_3995 : f32 to vector<1x128xf32>
    %add3A_3997 = arith.addf %convert_element_type3A_11, %add3A_3996 : vector<1x128xf32>
    %broadcast_in_dim3A_3998 = vector.shape_cast %add3A_3997 : vector<1x128xf32> to vector<1x128xf32>
    %broadcast_in_dim3A_3999 = vector.broadcast %broadcast_in_dim3A_3998 : vector<1x128xf32> to vector<128x128xf32>
    %select_n3A_4000 = arith.select %lt3A_3993, %broadcast_in_dim3A_3999, %select_n3A_3982 : vector<128x128xi1>, vector<128x128xf32>
    %get3A_4001 = arith.constant 0 : index
    %get3A_4002 = arith.constant 3328 : index
    %get3A_4003 = vector.load %arg4[%get3A_4001, %get3A_4002] : memref<1x8192xf32, #tpu.memory_space<vmem>>, vector<1x128xf32>
    %get3A_4004 = arith.constant 384 : index
    %get3A_4005 = arith.constant 3328 : index
    %get3A_4006 = vector.load %arg5[%get3A_4004, %get3A_4005] : memref<512x8192xf32, #tpu.memory_space<vmem>>, vector<128x128xf32>
    %add3A_4007 = vector.broadcast %slice3A_3528 : vector<128x1xf32> to vector<128x128xf32>
    %add3A_4008 = vector.broadcast %get3A_4003 : vector<1x128xf32> to vector<128x128xf32>
    %add3A_4009 = arith.addf %add3A_4007, %add3A_4008 : vector<128x128xf32>
    %sub3A_4010 = arith.subf %add3A_4009, %get3A_4006 : vector<128x128xf32>
    %lt3A_4011 = arith.cmpf olt, %sub3A_4010, %select_n3A_3994 : vector<128x128xf32>
    %select_n3A_4012 = arith.select %lt3A_4011, %sub3A_4010, %select_n3A_3994 : vector<128x128xi1>, vector<128x128xf32>
    %add3A_4013 = arith.constant 3.328000e+03 : f32
    %add3A_4014 = vector.broadcast %add3A_4013 : f32 to vector<1x128xf32>
    %add3A_4015 = arith.addf %convert_element_type3A_11, %add3A_4014 : vector<1x128xf32>
    %broadcast_in_dim3A_4016 = vector.shape_cast %add3A_4015 : vector<1x128xf32> to vector<1x128xf32>
    %broadcast_in_dim3A_4017 = vector.broadcast %broadcast_in_dim3A_4016 : vector<1x128xf32> to vector<128x128xf32>
    %select_n3A_4018 = arith.select %lt3A_4011, %broadcast_in_dim3A_4017, %select_n3A_4000 : vector<128x128xi1>, vector<128x128xf32>
    %get3A_4019 = arith.constant 0 : index
    %get3A_4020 = arith.constant 3456 : index
    %get3A_4021 = vector.load %arg4[%get3A_4019, %get3A_4020] : memref<1x8192xf32, #tpu.memory_space<vmem>>, vector<1x128xf32>
    %get3A_4022 = arith.constant 384 : index
    %get3A_4023 = arith.constant 3456 : index
    %get3A_4024 = vector.load %arg5[%get3A_4022, %get3A_4023] : memref<512x8192xf32, #tpu.memory_space<vmem>>, vector<128x128xf32>
    %add3A_4025 = vector.broadcast %slice3A_3528 : vector<128x1xf32> to vector<128x128xf32>
    %add3A_4026 = vector.broadcast %get3A_4021 : vector<1x128xf32> to vector<128x128xf32>
    %add3A_4027 = arith.addf %add3A_4025, %add3A_4026 : vector<128x128xf32>
    %sub3A_4028 = arith.subf %add3A_4027, %get3A_4024 : vector<128x128xf32>
    %lt3A_4029 = arith.cmpf olt, %sub3A_4028, %select_n3A_4012 : vector<128x128xf32>
    %select_n3A_4030 = arith.select %lt3A_4029, %sub3A_4028, %select_n3A_4012 : vector<128x128xi1>, vector<128x128xf32>
    %add3A_4031 = arith.constant 3.456000e+03 : f32
    %add3A_4032 = vector.broadcast %add3A_4031 : f32 to vector<1x128xf32>
    %add3A_4033 = arith.addf %convert_element_type3A_11, %add3A_4032 : vector<1x128xf32>
    %broadcast_in_dim3A_4034 = vector.shape_cast %add3A_4033 : vector<1x128xf32> to vector<1x128xf32>
    %broadcast_in_dim3A_4035 = vector.broadcast %broadcast_in_dim3A_4034 : vector<1x128xf32> to vector<128x128xf32>
    %select_n3A_4036 = arith.select %lt3A_4029, %broadcast_in_dim3A_4035, %select_n3A_4018 : vector<128x128xi1>, vector<128x128xf32>
    %get3A_4037 = arith.constant 0 : index
    %get3A_4038 = arith.constant 3584 : index
    %get3A_4039 = vector.load %arg4[%get3A_4037, %get3A_4038] : memref<1x8192xf32, #tpu.memory_space<vmem>>, vector<1x128xf32>
    %get3A_4040 = arith.constant 384 : index
    %get3A_4041 = arith.constant 3584 : index
    %get3A_4042 = vector.load %arg5[%get3A_4040, %get3A_4041] : memref<512x8192xf32, #tpu.memory_space<vmem>>, vector<128x128xf32>
    %add3A_4043 = vector.broadcast %slice3A_3528 : vector<128x1xf32> to vector<128x128xf32>
    %add3A_4044 = vector.broadcast %get3A_4039 : vector<1x128xf32> to vector<128x128xf32>
    %add3A_4045 = arith.addf %add3A_4043, %add3A_4044 : vector<128x128xf32>
    %sub3A_4046 = arith.subf %add3A_4045, %get3A_4042 : vector<128x128xf32>
    %lt3A_4047 = arith.cmpf olt, %sub3A_4046, %select_n3A_4030 : vector<128x128xf32>
    %select_n3A_4048 = arith.select %lt3A_4047, %sub3A_4046, %select_n3A_4030 : vector<128x128xi1>, vector<128x128xf32>
    %add3A_4049 = arith.constant 3.584000e+03 : f32
    %add3A_4050 = vector.broadcast %add3A_4049 : f32 to vector<1x128xf32>
    %add3A_4051 = arith.addf %convert_element_type3A_11, %add3A_4050 : vector<1x128xf32>
    %broadcast_in_dim3A_4052 = vector.shape_cast %add3A_4051 : vector<1x128xf32> to vector<1x128xf32>
    %broadcast_in_dim3A_4053 = vector.broadcast %broadcast_in_dim3A_4052 : vector<1x128xf32> to vector<128x128xf32>
    %select_n3A_4054 = arith.select %lt3A_4047, %broadcast_in_dim3A_4053, %select_n3A_4036 : vector<128x128xi1>, vector<128x128xf32>
    %get3A_4055 = arith.constant 0 : index
    %get3A_4056 = arith.constant 3712 : index
    %get3A_4057 = vector.load %arg4[%get3A_4055, %get3A_4056] : memref<1x8192xf32, #tpu.memory_space<vmem>>, vector<1x128xf32>
    %get3A_4058 = arith.constant 384 : index
    %get3A_4059 = arith.constant 3712 : index
    %get3A_4060 = vector.load %arg5[%get3A_4058, %get3A_4059] : memref<512x8192xf32, #tpu.memory_space<vmem>>, vector<128x128xf32>
    %add3A_4061 = vector.broadcast %slice3A_3528 : vector<128x1xf32> to vector<128x128xf32>
    %add3A_4062 = vector.broadcast %get3A_4057 : vector<1x128xf32> to vector<128x128xf32>
    %add3A_4063 = arith.addf %add3A_4061, %add3A_4062 : vector<128x128xf32>
    %sub3A_4064 = arith.subf %add3A_4063, %get3A_4060 : vector<128x128xf32>
    %lt3A_4065 = arith.cmpf olt, %sub3A_4064, %select_n3A_4048 : vector<128x128xf32>
    %select_n3A_4066 = arith.select %lt3A_4065, %sub3A_4064, %select_n3A_4048 : vector<128x128xi1>, vector<128x128xf32>
    %add3A_4067 = arith.constant 3.712000e+03 : f32
    %add3A_4068 = vector.broadcast %add3A_4067 : f32 to vector<1x128xf32>
    %add3A_4069 = arith.addf %convert_element_type3A_11, %add3A_4068 : vector<1x128xf32>
    %broadcast_in_dim3A_4070 = vector.shape_cast %add3A_4069 : vector<1x128xf32> to vector<1x128xf32>
    %broadcast_in_dim3A_4071 = vector.broadcast %broadcast_in_dim3A_4070 : vector<1x128xf32> to vector<128x128xf32>
    %select_n3A_4072 = arith.select %lt3A_4065, %broadcast_in_dim3A_4071, %select_n3A_4054 : vector<128x128xi1>, vector<128x128xf32>
    %get3A_4073 = arith.constant 0 : index
    %get3A_4074 = arith.constant 3840 : index
    %get3A_4075 = vector.load %arg4[%get3A_4073, %get3A_4074] : memref<1x8192xf32, #tpu.memory_space<vmem>>, vector<1x128xf32>
    %get3A_4076 = arith.constant 384 : index
    %get3A_4077 = arith.constant 3840 : index
    %get3A_4078 = vector.load %arg5[%get3A_4076, %get3A_4077] : memref<512x8192xf32, #tpu.memory_space<vmem>>, vector<128x128xf32>
    %add3A_4079 = vector.broadcast %slice3A_3528 : vector<128x1xf32> to vector<128x128xf32>
    %add3A_4080 = vector.broadcast %get3A_4075 : vector<1x128xf32> to vector<128x128xf32>
    %add3A_4081 = arith.addf %add3A_4079, %add3A_4080 : vector<128x128xf32>
    %sub3A_4082 = arith.subf %add3A_4081, %get3A_4078 : vector<128x128xf32>
    %lt3A_4083 = arith.cmpf olt, %sub3A_4082, %select_n3A_4066 : vector<128x128xf32>
    %select_n3A_4084 = arith.select %lt3A_4083, %sub3A_4082, %select_n3A_4066 : vector<128x128xi1>, vector<128x128xf32>
    %add3A_4085 = arith.constant 3.840000e+03 : f32
    %add3A_4086 = vector.broadcast %add3A_4085 : f32 to vector<1x128xf32>
    %add3A_4087 = arith.addf %convert_element_type3A_11, %add3A_4086 : vector<1x128xf32>
    %broadcast_in_dim3A_4088 = vector.shape_cast %add3A_4087 : vector<1x128xf32> to vector<1x128xf32>
    %broadcast_in_dim3A_4089 = vector.broadcast %broadcast_in_dim3A_4088 : vector<1x128xf32> to vector<128x128xf32>
    %select_n3A_4090 = arith.select %lt3A_4083, %broadcast_in_dim3A_4089, %select_n3A_4072 : vector<128x128xi1>, vector<128x128xf32>
    %get3A_4091 = arith.constant 0 : index
    %get3A_4092 = arith.constant 3968 : index
    %get3A_4093 = vector.load %arg4[%get3A_4091, %get3A_4092] : memref<1x8192xf32, #tpu.memory_space<vmem>>, vector<1x128xf32>
    %get3A_4094 = arith.constant 384 : index
    %get3A_4095 = arith.constant 3968 : index
    %get3A_4096 = vector.load %arg5[%get3A_4094, %get3A_4095] : memref<512x8192xf32, #tpu.memory_space<vmem>>, vector<128x128xf32>
    %add3A_4097 = vector.broadcast %slice3A_3528 : vector<128x1xf32> to vector<128x128xf32>
    %add3A_4098 = vector.broadcast %get3A_4093 : vector<1x128xf32> to vector<128x128xf32>
    %add3A_4099 = arith.addf %add3A_4097, %add3A_4098 : vector<128x128xf32>
    %sub3A_4100 = arith.subf %add3A_4099, %get3A_4096 : vector<128x128xf32>
    %lt3A_4101 = arith.cmpf olt, %sub3A_4100, %select_n3A_4084 : vector<128x128xf32>
    %select_n3A_4102 = arith.select %lt3A_4101, %sub3A_4100, %select_n3A_4084 : vector<128x128xi1>, vector<128x128xf32>
    %add3A_4103 = arith.constant 3.968000e+03 : f32
    %add3A_4104 = vector.broadcast %add3A_4103 : f32 to vector<1x128xf32>
    %add3A_4105 = arith.addf %convert_element_type3A_11, %add3A_4104 : vector<1x128xf32>
    %broadcast_in_dim3A_4106 = vector.shape_cast %add3A_4105 : vector<1x128xf32> to vector<1x128xf32>
    %broadcast_in_dim3A_4107 = vector.broadcast %broadcast_in_dim3A_4106 : vector<1x128xf32> to vector<128x128xf32>
    %select_n3A_4108 = arith.select %lt3A_4101, %broadcast_in_dim3A_4107, %select_n3A_4090 : vector<128x128xi1>, vector<128x128xf32>
    %get3A_4109 = arith.constant 0 : index
    %get3A_4110 = arith.constant 4096 : index
    %get3A_4111 = vector.load %arg4[%get3A_4109, %get3A_4110] : memref<1x8192xf32, #tpu.memory_space<vmem>>, vector<1x128xf32>
    %get3A_4112 = arith.constant 384 : index
    %get3A_4113 = arith.constant 4096 : index
    %get3A_4114 = vector.load %arg5[%get3A_4112, %get3A_4113] : memref<512x8192xf32, #tpu.memory_space<vmem>>, vector<128x128xf32>
    %add3A_4115 = vector.broadcast %slice3A_3528 : vector<128x1xf32> to vector<128x128xf32>
    %add3A_4116 = vector.broadcast %get3A_4111 : vector<1x128xf32> to vector<128x128xf32>
    %add3A_4117 = arith.addf %add3A_4115, %add3A_4116 : vector<128x128xf32>
    %sub3A_4118 = arith.subf %add3A_4117, %get3A_4114 : vector<128x128xf32>
    %lt3A_4119 = arith.cmpf olt, %sub3A_4118, %select_n3A_4102 : vector<128x128xf32>
    %select_n3A_4120 = arith.select %lt3A_4119, %sub3A_4118, %select_n3A_4102 : vector<128x128xi1>, vector<128x128xf32>
    %add3A_4121 = arith.constant 4.096000e+03 : f32
    %add3A_4122 = vector.broadcast %add3A_4121 : f32 to vector<1x128xf32>
    %add3A_4123 = arith.addf %convert_element_type3A_11, %add3A_4122 : vector<1x128xf32>
    %broadcast_in_dim3A_4124 = vector.shape_cast %add3A_4123 : vector<1x128xf32> to vector<1x128xf32>
    %broadcast_in_dim3A_4125 = vector.broadcast %broadcast_in_dim3A_4124 : vector<1x128xf32> to vector<128x128xf32>
    %select_n3A_4126 = arith.select %lt3A_4119, %broadcast_in_dim3A_4125, %select_n3A_4108 : vector<128x128xi1>, vector<128x128xf32>
    %get3A_4127 = arith.constant 0 : index
    %get3A_4128 = arith.constant 4224 : index
    %get3A_4129 = vector.load %arg4[%get3A_4127, %get3A_4128] : memref<1x8192xf32, #tpu.memory_space<vmem>>, vector<1x128xf32>
    %get3A_4130 = arith.constant 384 : index
    %get3A_4131 = arith.constant 4224 : index
    %get3A_4132 = vector.load %arg5[%get3A_4130, %get3A_4131] : memref<512x8192xf32, #tpu.memory_space<vmem>>, vector<128x128xf32>
    %add3A_4133 = vector.broadcast %slice3A_3528 : vector<128x1xf32> to vector<128x128xf32>
    %add3A_4134 = vector.broadcast %get3A_4129 : vector<1x128xf32> to vector<128x128xf32>
    %add3A_4135 = arith.addf %add3A_4133, %add3A_4134 : vector<128x128xf32>
    %sub3A_4136 = arith.subf %add3A_4135, %get3A_4132 : vector<128x128xf32>
    %lt3A_4137 = arith.cmpf olt, %sub3A_4136, %select_n3A_4120 : vector<128x128xf32>
    %select_n3A_4138 = arith.select %lt3A_4137, %sub3A_4136, %select_n3A_4120 : vector<128x128xi1>, vector<128x128xf32>
    %add3A_4139 = arith.constant 4.224000e+03 : f32
    %add3A_4140 = vector.broadcast %add3A_4139 : f32 to vector<1x128xf32>
    %add3A_4141 = arith.addf %convert_element_type3A_11, %add3A_4140 : vector<1x128xf32>
    %broadcast_in_dim3A_4142 = vector.shape_cast %add3A_4141 : vector<1x128xf32> to vector<1x128xf32>
    %broadcast_in_dim3A_4143 = vector.broadcast %broadcast_in_dim3A_4142 : vector<1x128xf32> to vector<128x128xf32>
    %select_n3A_4144 = arith.select %lt3A_4137, %broadcast_in_dim3A_4143, %select_n3A_4126 : vector<128x128xi1>, vector<128x128xf32>
    %get3A_4145 = arith.constant 0 : index
    %get3A_4146 = arith.constant 4352 : index
    %get3A_4147 = vector.load %arg4[%get3A_4145, %get3A_4146] : memref<1x8192xf32, #tpu.memory_space<vmem>>, vector<1x128xf32>
    %get3A_4148 = arith.constant 384 : index
    %get3A_4149 = arith.constant 4352 : index
    %get3A_4150 = vector.load %arg5[%get3A_4148, %get3A_4149] : memref<512x8192xf32, #tpu.memory_space<vmem>>, vector<128x128xf32>
    %add3A_4151 = vector.broadcast %slice3A_3528 : vector<128x1xf32> to vector<128x128xf32>
    %add3A_4152 = vector.broadcast %get3A_4147 : vector<1x128xf32> to vector<128x128xf32>
    %add3A_4153 = arith.addf %add3A_4151, %add3A_4152 : vector<128x128xf32>
    %sub3A_4154 = arith.subf %add3A_4153, %get3A_4150 : vector<128x128xf32>
    %lt3A_4155 = arith.cmpf olt, %sub3A_4154, %select_n3A_4138 : vector<128x128xf32>
    %select_n3A_4156 = arith.select %lt3A_4155, %sub3A_4154, %select_n3A_4138 : vector<128x128xi1>, vector<128x128xf32>
    %add3A_4157 = arith.constant 4.352000e+03 : f32
    %add3A_4158 = vector.broadcast %add3A_4157 : f32 to vector<1x128xf32>
    %add3A_4159 = arith.addf %convert_element_type3A_11, %add3A_4158 : vector<1x128xf32>
    %broadcast_in_dim3A_4160 = vector.shape_cast %add3A_4159 : vector<1x128xf32> to vector<1x128xf32>
    %broadcast_in_dim3A_4161 = vector.broadcast %broadcast_in_dim3A_4160 : vector<1x128xf32> to vector<128x128xf32>
    %select_n3A_4162 = arith.select %lt3A_4155, %broadcast_in_dim3A_4161, %select_n3A_4144 : vector<128x128xi1>, vector<128x128xf32>
    %get3A_4163 = arith.constant 0 : index
    %get3A_4164 = arith.constant 4480 : index
    %get3A_4165 = vector.load %arg4[%get3A_4163, %get3A_4164] : memref<1x8192xf32, #tpu.memory_space<vmem>>, vector<1x128xf32>
    %get3A_4166 = arith.constant 384 : index
    %get3A_4167 = arith.constant 4480 : index
    %get3A_4168 = vector.load %arg5[%get3A_4166, %get3A_4167] : memref<512x8192xf32, #tpu.memory_space<vmem>>, vector<128x128xf32>
    %add3A_4169 = vector.broadcast %slice3A_3528 : vector<128x1xf32> to vector<128x128xf32>
    %add3A_4170 = vector.broadcast %get3A_4165 : vector<1x128xf32> to vector<128x128xf32>
    %add3A_4171 = arith.addf %add3A_4169, %add3A_4170 : vector<128x128xf32>
    %sub3A_4172 = arith.subf %add3A_4171, %get3A_4168 : vector<128x128xf32>
    %lt3A_4173 = arith.cmpf olt, %sub3A_4172, %select_n3A_4156 : vector<128x128xf32>
    %select_n3A_4174 = arith.select %lt3A_4173, %sub3A_4172, %select_n3A_4156 : vector<128x128xi1>, vector<128x128xf32>
    %add3A_4175 = arith.constant 4.480000e+03 : f32
    %add3A_4176 = vector.broadcast %add3A_4175 : f32 to vector<1x128xf32>
    %add3A_4177 = arith.addf %convert_element_type3A_11, %add3A_4176 : vector<1x128xf32>
    %broadcast_in_dim3A_4178 = vector.shape_cast %add3A_4177 : vector<1x128xf32> to vector<1x128xf32>
    %broadcast_in_dim3A_4179 = vector.broadcast %broadcast_in_dim3A_4178 : vector<1x128xf32> to vector<128x128xf32>
    %select_n3A_4180 = arith.select %lt3A_4173, %broadcast_in_dim3A_4179, %select_n3A_4162 : vector<128x128xi1>, vector<128x128xf32>
    %get3A_4181 = arith.constant 0 : index
    %get3A_4182 = arith.constant 4608 : index
    %get3A_4183 = vector.load %arg4[%get3A_4181, %get3A_4182] : memref<1x8192xf32, #tpu.memory_space<vmem>>, vector<1x128xf32>
    %get3A_4184 = arith.constant 384 : index
    %get3A_4185 = arith.constant 4608 : index
    %get3A_4186 = vector.load %arg5[%get3A_4184, %get3A_4185] : memref<512x8192xf32, #tpu.memory_space<vmem>>, vector<128x128xf32>
    %add3A_4187 = vector.broadcast %slice3A_3528 : vector<128x1xf32> to vector<128x128xf32>
    %add3A_4188 = vector.broadcast %get3A_4183 : vector<1x128xf32> to vector<128x128xf32>
    %add3A_4189 = arith.addf %add3A_4187, %add3A_4188 : vector<128x128xf32>
    %sub3A_4190 = arith.subf %add3A_4189, %get3A_4186 : vector<128x128xf32>
    %lt3A_4191 = arith.cmpf olt, %sub3A_4190, %select_n3A_4174 : vector<128x128xf32>
    %select_n3A_4192 = arith.select %lt3A_4191, %sub3A_4190, %select_n3A_4174 : vector<128x128xi1>, vector<128x128xf32>
    %add3A_4193 = arith.constant 4.608000e+03 : f32
    %add3A_4194 = vector.broadcast %add3A_4193 : f32 to vector<1x128xf32>
    %add3A_4195 = arith.addf %convert_element_type3A_11, %add3A_4194 : vector<1x128xf32>
    %broadcast_in_dim3A_4196 = vector.shape_cast %add3A_4195 : vector<1x128xf32> to vector<1x128xf32>
    %broadcast_in_dim3A_4197 = vector.broadcast %broadcast_in_dim3A_4196 : vector<1x128xf32> to vector<128x128xf32>
    %select_n3A_4198 = arith.select %lt3A_4191, %broadcast_in_dim3A_4197, %select_n3A_4180 : vector<128x128xi1>, vector<128x128xf32>
    %get3A_4199 = arith.constant 0 : index
    %get3A_4200 = arith.constant 4736 : index
    %get3A_4201 = vector.load %arg4[%get3A_4199, %get3A_4200] : memref<1x8192xf32, #tpu.memory_space<vmem>>, vector<1x128xf32>
    %get3A_4202 = arith.constant 384 : index
    %get3A_4203 = arith.constant 4736 : index
    %get3A_4204 = vector.load %arg5[%get3A_4202, %get3A_4203] : memref<512x8192xf32, #tpu.memory_space<vmem>>, vector<128x128xf32>
    %add3A_4205 = vector.broadcast %slice3A_3528 : vector<128x1xf32> to vector<128x128xf32>
    %add3A_4206 = vector.broadcast %get3A_4201 : vector<1x128xf32> to vector<128x128xf32>
    %add3A_4207 = arith.addf %add3A_4205, %add3A_4206 : vector<128x128xf32>
    %sub3A_4208 = arith.subf %add3A_4207, %get3A_4204 : vector<128x128xf32>
    %lt3A_4209 = arith.cmpf olt, %sub3A_4208, %select_n3A_4192 : vector<128x128xf32>
    %select_n3A_4210 = arith.select %lt3A_4209, %sub3A_4208, %select_n3A_4192 : vector<128x128xi1>, vector<128x128xf32>
    %add3A_4211 = arith.constant 4.736000e+03 : f32
    %add3A_4212 = vector.broadcast %add3A_4211 : f32 to vector<1x128xf32>
    %add3A_4213 = arith.addf %convert_element_type3A_11, %add3A_4212 : vector<1x128xf32>
    %broadcast_in_dim3A_4214 = vector.shape_cast %add3A_4213 : vector<1x128xf32> to vector<1x128xf32>
    %broadcast_in_dim3A_4215 = vector.broadcast %broadcast_in_dim3A_4214 : vector<1x128xf32> to vector<128x128xf32>
    %select_n3A_4216 = arith.select %lt3A_4209, %broadcast_in_dim3A_4215, %select_n3A_4198 : vector<128x128xi1>, vector<128x128xf32>
    %get3A_4217 = arith.constant 0 : index
    %get3A_4218 = arith.constant 4864 : index
    %get3A_4219 = vector.load %arg4[%get3A_4217, %get3A_4218] : memref<1x8192xf32, #tpu.memory_space<vmem>>, vector<1x128xf32>
    %get3A_4220 = arith.constant 384 : index
    %get3A_4221 = arith.constant 4864 : index
    %get3A_4222 = vector.load %arg5[%get3A_4220, %get3A_4221] : memref<512x8192xf32, #tpu.memory_space<vmem>>, vector<128x128xf32>
    %add3A_4223 = vector.broadcast %slice3A_3528 : vector<128x1xf32> to vector<128x128xf32>
    %add3A_4224 = vector.broadcast %get3A_4219 : vector<1x128xf32> to vector<128x128xf32>
    %add3A_4225 = arith.addf %add3A_4223, %add3A_4224 : vector<128x128xf32>
    %sub3A_4226 = arith.subf %add3A_4225, %get3A_4222 : vector<128x128xf32>
    %lt3A_4227 = arith.cmpf olt, %sub3A_4226, %select_n3A_4210 : vector<128x128xf32>
    %select_n3A_4228 = arith.select %lt3A_4227, %sub3A_4226, %select_n3A_4210 : vector<128x128xi1>, vector<128x128xf32>
    %add3A_4229 = arith.constant 4.864000e+03 : f32
    %add3A_4230 = vector.broadcast %add3A_4229 : f32 to vector<1x128xf32>
    %add3A_4231 = arith.addf %convert_element_type3A_11, %add3A_4230 : vector<1x128xf32>
    %broadcast_in_dim3A_4232 = vector.shape_cast %add3A_4231 : vector<1x128xf32> to vector<1x128xf32>
    %broadcast_in_dim3A_4233 = vector.broadcast %broadcast_in_dim3A_4232 : vector<1x128xf32> to vector<128x128xf32>
    %select_n3A_4234 = arith.select %lt3A_4227, %broadcast_in_dim3A_4233, %select_n3A_4216 : vector<128x128xi1>, vector<128x128xf32>
    %get3A_4235 = arith.constant 0 : index
    %get3A_4236 = arith.constant 4992 : index
    %get3A_4237 = vector.load %arg4[%get3A_4235, %get3A_4236] : memref<1x8192xf32, #tpu.memory_space<vmem>>, vector<1x128xf32>
    %get3A_4238 = arith.constant 384 : index
    %get3A_4239 = arith.constant 4992 : index
    %get3A_4240 = vector.load %arg5[%get3A_4238, %get3A_4239] : memref<512x8192xf32, #tpu.memory_space<vmem>>, vector<128x128xf32>
    %add3A_4241 = vector.broadcast %slice3A_3528 : vector<128x1xf32> to vector<128x128xf32>
    %add3A_4242 = vector.broadcast %get3A_4237 : vector<1x128xf32> to vector<128x128xf32>
    %add3A_4243 = arith.addf %add3A_4241, %add3A_4242 : vector<128x128xf32>
    %sub3A_4244 = arith.subf %add3A_4243, %get3A_4240 : vector<128x128xf32>
    %lt3A_4245 = arith.cmpf olt, %sub3A_4244, %select_n3A_4228 : vector<128x128xf32>
    %select_n3A_4246 = arith.select %lt3A_4245, %sub3A_4244, %select_n3A_4228 : vector<128x128xi1>, vector<128x128xf32>
    %add3A_4247 = arith.constant 4.992000e+03 : f32
    %add3A_4248 = vector.broadcast %add3A_4247 : f32 to vector<1x128xf32>
    %add3A_4249 = arith.addf %convert_element_type3A_11, %add3A_4248 : vector<1x128xf32>
    %broadcast_in_dim3A_4250 = vector.shape_cast %add3A_4249 : vector<1x128xf32> to vector<1x128xf32>
    %broadcast_in_dim3A_4251 = vector.broadcast %broadcast_in_dim3A_4250 : vector<1x128xf32> to vector<128x128xf32>
    %select_n3A_4252 = arith.select %lt3A_4245, %broadcast_in_dim3A_4251, %select_n3A_4234 : vector<128x128xi1>, vector<128x128xf32>
    %get3A_4253 = arith.constant 0 : index
    %get3A_4254 = arith.constant 5120 : index
    %get3A_4255 = vector.load %arg4[%get3A_4253, %get3A_4254] : memref<1x8192xf32, #tpu.memory_space<vmem>>, vector<1x128xf32>
    %get3A_4256 = arith.constant 384 : index
    %get3A_4257 = arith.constant 5120 : index
    %get3A_4258 = vector.load %arg5[%get3A_4256, %get3A_4257] : memref<512x8192xf32, #tpu.memory_space<vmem>>, vector<128x128xf32>
    %add3A_4259 = vector.broadcast %slice3A_3528 : vector<128x1xf32> to vector<128x128xf32>
    %add3A_4260 = vector.broadcast %get3A_4255 : vector<1x128xf32> to vector<128x128xf32>
    %add3A_4261 = arith.addf %add3A_4259, %add3A_4260 : vector<128x128xf32>
    %sub3A_4262 = arith.subf %add3A_4261, %get3A_4258 : vector<128x128xf32>
    %lt3A_4263 = arith.cmpf olt, %sub3A_4262, %select_n3A_4246 : vector<128x128xf32>
    %select_n3A_4264 = arith.select %lt3A_4263, %sub3A_4262, %select_n3A_4246 : vector<128x128xi1>, vector<128x128xf32>
    %add3A_4265 = arith.constant 5.120000e+03 : f32
    %add3A_4266 = vector.broadcast %add3A_4265 : f32 to vector<1x128xf32>
    %add3A_4267 = arith.addf %convert_element_type3A_11, %add3A_4266 : vector<1x128xf32>
    %broadcast_in_dim3A_4268 = vector.shape_cast %add3A_4267 : vector<1x128xf32> to vector<1x128xf32>
    %broadcast_in_dim3A_4269 = vector.broadcast %broadcast_in_dim3A_4268 : vector<1x128xf32> to vector<128x128xf32>
    %select_n3A_4270 = arith.select %lt3A_4263, %broadcast_in_dim3A_4269, %select_n3A_4252 : vector<128x128xi1>, vector<128x128xf32>
    %get3A_4271 = arith.constant 0 : index
    %get3A_4272 = arith.constant 5248 : index
    %get3A_4273 = vector.load %arg4[%get3A_4271, %get3A_4272] : memref<1x8192xf32, #tpu.memory_space<vmem>>, vector<1x128xf32>
    %get3A_4274 = arith.constant 384 : index
    %get3A_4275 = arith.constant 5248 : index
    %get3A_4276 = vector.load %arg5[%get3A_4274, %get3A_4275] : memref<512x8192xf32, #tpu.memory_space<vmem>>, vector<128x128xf32>
    %add3A_4277 = vector.broadcast %slice3A_3528 : vector<128x1xf32> to vector<128x128xf32>
    %add3A_4278 = vector.broadcast %get3A_4273 : vector<1x128xf32> to vector<128x128xf32>
    %add3A_4279 = arith.addf %add3A_4277, %add3A_4278 : vector<128x128xf32>
    %sub3A_4280 = arith.subf %add3A_4279, %get3A_4276 : vector<128x128xf32>
    %lt3A_4281 = arith.cmpf olt, %sub3A_4280, %select_n3A_4264 : vector<128x128xf32>
    %select_n3A_4282 = arith.select %lt3A_4281, %sub3A_4280, %select_n3A_4264 : vector<128x128xi1>, vector<128x128xf32>
    %add3A_4283 = arith.constant 5.248000e+03 : f32
    %add3A_4284 = vector.broadcast %add3A_4283 : f32 to vector<1x128xf32>
    %add3A_4285 = arith.addf %convert_element_type3A_11, %add3A_4284 : vector<1x128xf32>
    %broadcast_in_dim3A_4286 = vector.shape_cast %add3A_4285 : vector<1x128xf32> to vector<1x128xf32>
    %broadcast_in_dim3A_4287 = vector.broadcast %broadcast_in_dim3A_4286 : vector<1x128xf32> to vector<128x128xf32>
    %select_n3A_4288 = arith.select %lt3A_4281, %broadcast_in_dim3A_4287, %select_n3A_4270 : vector<128x128xi1>, vector<128x128xf32>
    %get3A_4289 = arith.constant 0 : index
    %get3A_4290 = arith.constant 5376 : index
    %get3A_4291 = vector.load %arg4[%get3A_4289, %get3A_4290] : memref<1x8192xf32, #tpu.memory_space<vmem>>, vector<1x128xf32>
    %get3A_4292 = arith.constant 384 : index
    %get3A_4293 = arith.constant 5376 : index
    %get3A_4294 = vector.load %arg5[%get3A_4292, %get3A_4293] : memref<512x8192xf32, #tpu.memory_space<vmem>>, vector<128x128xf32>
    %add3A_4295 = vector.broadcast %slice3A_3528 : vector<128x1xf32> to vector<128x128xf32>
    %add3A_4296 = vector.broadcast %get3A_4291 : vector<1x128xf32> to vector<128x128xf32>
    %add3A_4297 = arith.addf %add3A_4295, %add3A_4296 : vector<128x128xf32>
    %sub3A_4298 = arith.subf %add3A_4297, %get3A_4294 : vector<128x128xf32>
    %lt3A_4299 = arith.cmpf olt, %sub3A_4298, %select_n3A_4282 : vector<128x128xf32>
    %select_n3A_4300 = arith.select %lt3A_4299, %sub3A_4298, %select_n3A_4282 : vector<128x128xi1>, vector<128x128xf32>
    %add3A_4301 = arith.constant 5.376000e+03 : f32
    %add3A_4302 = vector.broadcast %add3A_4301 : f32 to vector<1x128xf32>
    %add3A_4303 = arith.addf %convert_element_type3A_11, %add3A_4302 : vector<1x128xf32>
    %broadcast_in_dim3A_4304 = vector.shape_cast %add3A_4303 : vector<1x128xf32> to vector<1x128xf32>
    %broadcast_in_dim3A_4305 = vector.broadcast %broadcast_in_dim3A_4304 : vector<1x128xf32> to vector<128x128xf32>
    %select_n3A_4306 = arith.select %lt3A_4299, %broadcast_in_dim3A_4305, %select_n3A_4288 : vector<128x128xi1>, vector<128x128xf32>
    %get3A_4307 = arith.constant 0 : index
    %get3A_4308 = arith.constant 5504 : index
    %get3A_4309 = vector.load %arg4[%get3A_4307, %get3A_4308] : memref<1x8192xf32, #tpu.memory_space<vmem>>, vector<1x128xf32>
    %get3A_4310 = arith.constant 384 : index
    %get3A_4311 = arith.constant 5504 : index
    %get3A_4312 = vector.load %arg5[%get3A_4310, %get3A_4311] : memref<512x8192xf32, #tpu.memory_space<vmem>>, vector<128x128xf32>
    %add3A_4313 = vector.broadcast %slice3A_3528 : vector<128x1xf32> to vector<128x128xf32>
    %add3A_4314 = vector.broadcast %get3A_4309 : vector<1x128xf32> to vector<128x128xf32>
    %add3A_4315 = arith.addf %add3A_4313, %add3A_4314 : vector<128x128xf32>
    %sub3A_4316 = arith.subf %add3A_4315, %get3A_4312 : vector<128x128xf32>
    %lt3A_4317 = arith.cmpf olt, %sub3A_4316, %select_n3A_4300 : vector<128x128xf32>
    %select_n3A_4318 = arith.select %lt3A_4317, %sub3A_4316, %select_n3A_4300 : vector<128x128xi1>, vector<128x128xf32>
    %add3A_4319 = arith.constant 5.504000e+03 : f32
    %add3A_4320 = vector.broadcast %add3A_4319 : f32 to vector<1x128xf32>
    %add3A_4321 = arith.addf %convert_element_type3A_11, %add3A_4320 : vector<1x128xf32>
    %broadcast_in_dim3A_4322 = vector.shape_cast %add3A_4321 : vector<1x128xf32> to vector<1x128xf32>
    %broadcast_in_dim3A_4323 = vector.broadcast %broadcast_in_dim3A_4322 : vector<1x128xf32> to vector<128x128xf32>
    %select_n3A_4324 = arith.select %lt3A_4317, %broadcast_in_dim3A_4323, %select_n3A_4306 : vector<128x128xi1>, vector<128x128xf32>
    %get3A_4325 = arith.constant 0 : index
    %get3A_4326 = arith.constant 5632 : index
    %get3A_4327 = vector.load %arg4[%get3A_4325, %get3A_4326] : memref<1x8192xf32, #tpu.memory_space<vmem>>, vector<1x128xf32>
    %get3A_4328 = arith.constant 384 : index
    %get3A_4329 = arith.constant 5632 : index
    %get3A_4330 = vector.load %arg5[%get3A_4328, %get3A_4329] : memref<512x8192xf32, #tpu.memory_space<vmem>>, vector<128x128xf32>
    %add3A_4331 = vector.broadcast %slice3A_3528 : vector<128x1xf32> to vector<128x128xf32>
    %add3A_4332 = vector.broadcast %get3A_4327 : vector<1x128xf32> to vector<128x128xf32>
    %add3A_4333 = arith.addf %add3A_4331, %add3A_4332 : vector<128x128xf32>
    %sub3A_4334 = arith.subf %add3A_4333, %get3A_4330 : vector<128x128xf32>
    %lt3A_4335 = arith.cmpf olt, %sub3A_4334, %select_n3A_4318 : vector<128x128xf32>
    %select_n3A_4336 = arith.select %lt3A_4335, %sub3A_4334, %select_n3A_4318 : vector<128x128xi1>, vector<128x128xf32>
    %add3A_4337 = arith.constant 5.632000e+03 : f32
    %add3A_4338 = vector.broadcast %add3A_4337 : f32 to vector<1x128xf32>
    %add3A_4339 = arith.addf %convert_element_type3A_11, %add3A_4338 : vector<1x128xf32>
    %broadcast_in_dim3A_4340 = vector.shape_cast %add3A_4339 : vector<1x128xf32> to vector<1x128xf32>
    %broadcast_in_dim3A_4341 = vector.broadcast %broadcast_in_dim3A_4340 : vector<1x128xf32> to vector<128x128xf32>
    %select_n3A_4342 = arith.select %lt3A_4335, %broadcast_in_dim3A_4341, %select_n3A_4324 : vector<128x128xi1>, vector<128x128xf32>
    %get3A_4343 = arith.constant 0 : index
    %get3A_4344 = arith.constant 5760 : index
    %get3A_4345 = vector.load %arg4[%get3A_4343, %get3A_4344] : memref<1x8192xf32, #tpu.memory_space<vmem>>, vector<1x128xf32>
    %get3A_4346 = arith.constant 384 : index
    %get3A_4347 = arith.constant 5760 : index
    %get3A_4348 = vector.load %arg5[%get3A_4346, %get3A_4347] : memref<512x8192xf32, #tpu.memory_space<vmem>>, vector<128x128xf32>
    %add3A_4349 = vector.broadcast %slice3A_3528 : vector<128x1xf32> to vector<128x128xf32>
    %add3A_4350 = vector.broadcast %get3A_4345 : vector<1x128xf32> to vector<128x128xf32>
    %add3A_4351 = arith.addf %add3A_4349, %add3A_4350 : vector<128x128xf32>
    %sub3A_4352 = arith.subf %add3A_4351, %get3A_4348 : vector<128x128xf32>
    %lt3A_4353 = arith.cmpf olt, %sub3A_4352, %select_n3A_4336 : vector<128x128xf32>
    %select_n3A_4354 = arith.select %lt3A_4353, %sub3A_4352, %select_n3A_4336 : vector<128x128xi1>, vector<128x128xf32>
    %add3A_4355 = arith.constant 5.760000e+03 : f32
    %add3A_4356 = vector.broadcast %add3A_4355 : f32 to vector<1x128xf32>
    %add3A_4357 = arith.addf %convert_element_type3A_11, %add3A_4356 : vector<1x128xf32>
    %broadcast_in_dim3A_4358 = vector.shape_cast %add3A_4357 : vector<1x128xf32> to vector<1x128xf32>
    %broadcast_in_dim3A_4359 = vector.broadcast %broadcast_in_dim3A_4358 : vector<1x128xf32> to vector<128x128xf32>
    %select_n3A_4360 = arith.select %lt3A_4353, %broadcast_in_dim3A_4359, %select_n3A_4342 : vector<128x128xi1>, vector<128x128xf32>
    %get3A_4361 = arith.constant 0 : index
    %get3A_4362 = arith.constant 5888 : index
    %get3A_4363 = vector.load %arg4[%get3A_4361, %get3A_4362] : memref<1x8192xf32, #tpu.memory_space<vmem>>, vector<1x128xf32>
    %get3A_4364 = arith.constant 384 : index
    %get3A_4365 = arith.constant 5888 : index
    %get3A_4366 = vector.load %arg5[%get3A_4364, %get3A_4365] : memref<512x8192xf32, #tpu.memory_space<vmem>>, vector<128x128xf32>
    %add3A_4367 = vector.broadcast %slice3A_3528 : vector<128x1xf32> to vector<128x128xf32>
    %add3A_4368 = vector.broadcast %get3A_4363 : vector<1x128xf32> to vector<128x128xf32>
    %add3A_4369 = arith.addf %add3A_4367, %add3A_4368 : vector<128x128xf32>
    %sub3A_4370 = arith.subf %add3A_4369, %get3A_4366 : vector<128x128xf32>
    %lt3A_4371 = arith.cmpf olt, %sub3A_4370, %select_n3A_4354 : vector<128x128xf32>
    %select_n3A_4372 = arith.select %lt3A_4371, %sub3A_4370, %select_n3A_4354 : vector<128x128xi1>, vector<128x128xf32>
    %add3A_4373 = arith.constant 5.888000e+03 : f32
    %add3A_4374 = vector.broadcast %add3A_4373 : f32 to vector<1x128xf32>
    %add3A_4375 = arith.addf %convert_element_type3A_11, %add3A_4374 : vector<1x128xf32>
    %broadcast_in_dim3A_4376 = vector.shape_cast %add3A_4375 : vector<1x128xf32> to vector<1x128xf32>
    %broadcast_in_dim3A_4377 = vector.broadcast %broadcast_in_dim3A_4376 : vector<1x128xf32> to vector<128x128xf32>
    %select_n3A_4378 = arith.select %lt3A_4371, %broadcast_in_dim3A_4377, %select_n3A_4360 : vector<128x128xi1>, vector<128x128xf32>
    %get3A_4379 = arith.constant 0 : index
    %get3A_4380 = arith.constant 6016 : index
    %get3A_4381 = vector.load %arg4[%get3A_4379, %get3A_4380] : memref<1x8192xf32, #tpu.memory_space<vmem>>, vector<1x128xf32>
    %get3A_4382 = arith.constant 384 : index
    %get3A_4383 = arith.constant 6016 : index
    %get3A_4384 = vector.load %arg5[%get3A_4382, %get3A_4383] : memref<512x8192xf32, #tpu.memory_space<vmem>>, vector<128x128xf32>
    %add3A_4385 = vector.broadcast %slice3A_3528 : vector<128x1xf32> to vector<128x128xf32>
    %add3A_4386 = vector.broadcast %get3A_4381 : vector<1x128xf32> to vector<128x128xf32>
    %add3A_4387 = arith.addf %add3A_4385, %add3A_4386 : vector<128x128xf32>
    %sub3A_4388 = arith.subf %add3A_4387, %get3A_4384 : vector<128x128xf32>
    %lt3A_4389 = arith.cmpf olt, %sub3A_4388, %select_n3A_4372 : vector<128x128xf32>
    %select_n3A_4390 = arith.select %lt3A_4389, %sub3A_4388, %select_n3A_4372 : vector<128x128xi1>, vector<128x128xf32>
    %add3A_4391 = arith.constant 6.016000e+03 : f32
    %add3A_4392 = vector.broadcast %add3A_4391 : f32 to vector<1x128xf32>
    %add3A_4393 = arith.addf %convert_element_type3A_11, %add3A_4392 : vector<1x128xf32>
    %broadcast_in_dim3A_4394 = vector.shape_cast %add3A_4393 : vector<1x128xf32> to vector<1x128xf32>
    %broadcast_in_dim3A_4395 = vector.broadcast %broadcast_in_dim3A_4394 : vector<1x128xf32> to vector<128x128xf32>
    %select_n3A_4396 = arith.select %lt3A_4389, %broadcast_in_dim3A_4395, %select_n3A_4378 : vector<128x128xi1>, vector<128x128xf32>
    %get3A_4397 = arith.constant 0 : index
    %get3A_4398 = arith.constant 6144 : index
    %get3A_4399 = vector.load %arg4[%get3A_4397, %get3A_4398] : memref<1x8192xf32, #tpu.memory_space<vmem>>, vector<1x128xf32>
    %get3A_4400 = arith.constant 384 : index
    %get3A_4401 = arith.constant 6144 : index
    %get3A_4402 = vector.load %arg5[%get3A_4400, %get3A_4401] : memref<512x8192xf32, #tpu.memory_space<vmem>>, vector<128x128xf32>
    %add3A_4403 = vector.broadcast %slice3A_3528 : vector<128x1xf32> to vector<128x128xf32>
    %add3A_4404 = vector.broadcast %get3A_4399 : vector<1x128xf32> to vector<128x128xf32>
    %add3A_4405 = arith.addf %add3A_4403, %add3A_4404 : vector<128x128xf32>
    %sub3A_4406 = arith.subf %add3A_4405, %get3A_4402 : vector<128x128xf32>
    %lt3A_4407 = arith.cmpf olt, %sub3A_4406, %select_n3A_4390 : vector<128x128xf32>
    %select_n3A_4408 = arith.select %lt3A_4407, %sub3A_4406, %select_n3A_4390 : vector<128x128xi1>, vector<128x128xf32>
    %add3A_4409 = arith.constant 6.144000e+03 : f32
    %add3A_4410 = vector.broadcast %add3A_4409 : f32 to vector<1x128xf32>
    %add3A_4411 = arith.addf %convert_element_type3A_11, %add3A_4410 : vector<1x128xf32>
    %broadcast_in_dim3A_4412 = vector.shape_cast %add3A_4411 : vector<1x128xf32> to vector<1x128xf32>
    %broadcast_in_dim3A_4413 = vector.broadcast %broadcast_in_dim3A_4412 : vector<1x128xf32> to vector<128x128xf32>
    %select_n3A_4414 = arith.select %lt3A_4407, %broadcast_in_dim3A_4413, %select_n3A_4396 : vector<128x128xi1>, vector<128x128xf32>
    %get3A_4415 = arith.constant 0 : index
    %get3A_4416 = arith.constant 6272 : index
    %get3A_4417 = vector.load %arg4[%get3A_4415, %get3A_4416] : memref<1x8192xf32, #tpu.memory_space<vmem>>, vector<1x128xf32>
    %get3A_4418 = arith.constant 384 : index
    %get3A_4419 = arith.constant 6272 : index
    %get3A_4420 = vector.load %arg5[%get3A_4418, %get3A_4419] : memref<512x8192xf32, #tpu.memory_space<vmem>>, vector<128x128xf32>
    %add3A_4421 = vector.broadcast %slice3A_3528 : vector<128x1xf32> to vector<128x128xf32>
    %add3A_4422 = vector.broadcast %get3A_4417 : vector<1x128xf32> to vector<128x128xf32>
    %add3A_4423 = arith.addf %add3A_4421, %add3A_4422 : vector<128x128xf32>
    %sub3A_4424 = arith.subf %add3A_4423, %get3A_4420 : vector<128x128xf32>
    %lt3A_4425 = arith.cmpf olt, %sub3A_4424, %select_n3A_4408 : vector<128x128xf32>
    %select_n3A_4426 = arith.select %lt3A_4425, %sub3A_4424, %select_n3A_4408 : vector<128x128xi1>, vector<128x128xf32>
    %add3A_4427 = arith.constant 6.272000e+03 : f32
    %add3A_4428 = vector.broadcast %add3A_4427 : f32 to vector<1x128xf32>
    %add3A_4429 = arith.addf %convert_element_type3A_11, %add3A_4428 : vector<1x128xf32>
    %broadcast_in_dim3A_4430 = vector.shape_cast %add3A_4429 : vector<1x128xf32> to vector<1x128xf32>
    %broadcast_in_dim3A_4431 = vector.broadcast %broadcast_in_dim3A_4430 : vector<1x128xf32> to vector<128x128xf32>
    %select_n3A_4432 = arith.select %lt3A_4425, %broadcast_in_dim3A_4431, %select_n3A_4414 : vector<128x128xi1>, vector<128x128xf32>
    %get3A_4433 = arith.constant 0 : index
    %get3A_4434 = arith.constant 6400 : index
    %get3A_4435 = vector.load %arg4[%get3A_4433, %get3A_4434] : memref<1x8192xf32, #tpu.memory_space<vmem>>, vector<1x128xf32>
    %get3A_4436 = arith.constant 384 : index
    %get3A_4437 = arith.constant 6400 : index
    %get3A_4438 = vector.load %arg5[%get3A_4436, %get3A_4437] : memref<512x8192xf32, #tpu.memory_space<vmem>>, vector<128x128xf32>
    %add3A_4439 = vector.broadcast %slice3A_3528 : vector<128x1xf32> to vector<128x128xf32>
    %add3A_4440 = vector.broadcast %get3A_4435 : vector<1x128xf32> to vector<128x128xf32>
    %add3A_4441 = arith.addf %add3A_4439, %add3A_4440 : vector<128x128xf32>
    %sub3A_4442 = arith.subf %add3A_4441, %get3A_4438 : vector<128x128xf32>
    %lt3A_4443 = arith.cmpf olt, %sub3A_4442, %select_n3A_4426 : vector<128x128xf32>
    %select_n3A_4444 = arith.select %lt3A_4443, %sub3A_4442, %select_n3A_4426 : vector<128x128xi1>, vector<128x128xf32>
    %add3A_4445 = arith.constant 6.400000e+03 : f32
    %add3A_4446 = vector.broadcast %add3A_4445 : f32 to vector<1x128xf32>
    %add3A_4447 = arith.addf %convert_element_type3A_11, %add3A_4446 : vector<1x128xf32>
    %broadcast_in_dim3A_4448 = vector.shape_cast %add3A_4447 : vector<1x128xf32> to vector<1x128xf32>
    %broadcast_in_dim3A_4449 = vector.broadcast %broadcast_in_dim3A_4448 : vector<1x128xf32> to vector<128x128xf32>
    %select_n3A_4450 = arith.select %lt3A_4443, %broadcast_in_dim3A_4449, %select_n3A_4432 : vector<128x128xi1>, vector<128x128xf32>
    %get3A_4451 = arith.constant 0 : index
    %get3A_4452 = arith.constant 6528 : index
    %get3A_4453 = vector.load %arg4[%get3A_4451, %get3A_4452] : memref<1x8192xf32, #tpu.memory_space<vmem>>, vector<1x128xf32>
    %get3A_4454 = arith.constant 384 : index
    %get3A_4455 = arith.constant 6528 : index
    %get3A_4456 = vector.load %arg5[%get3A_4454, %get3A_4455] : memref<512x8192xf32, #tpu.memory_space<vmem>>, vector<128x128xf32>
    %add3A_4457 = vector.broadcast %slice3A_3528 : vector<128x1xf32> to vector<128x128xf32>
    %add3A_4458 = vector.broadcast %get3A_4453 : vector<1x128xf32> to vector<128x128xf32>
    %add3A_4459 = arith.addf %add3A_4457, %add3A_4458 : vector<128x128xf32>
    %sub3A_4460 = arith.subf %add3A_4459, %get3A_4456 : vector<128x128xf32>
    %lt3A_4461 = arith.cmpf olt, %sub3A_4460, %select_n3A_4444 : vector<128x128xf32>
    %select_n3A_4462 = arith.select %lt3A_4461, %sub3A_4460, %select_n3A_4444 : vector<128x128xi1>, vector<128x128xf32>
    %add3A_4463 = arith.constant 6.528000e+03 : f32
    %add3A_4464 = vector.broadcast %add3A_4463 : f32 to vector<1x128xf32>
    %add3A_4465 = arith.addf %convert_element_type3A_11, %add3A_4464 : vector<1x128xf32>
    %broadcast_in_dim3A_4466 = vector.shape_cast %add3A_4465 : vector<1x128xf32> to vector<1x128xf32>
    %broadcast_in_dim3A_4467 = vector.broadcast %broadcast_in_dim3A_4466 : vector<1x128xf32> to vector<128x128xf32>
    %select_n3A_4468 = arith.select %lt3A_4461, %broadcast_in_dim3A_4467, %select_n3A_4450 : vector<128x128xi1>, vector<128x128xf32>
    %get3A_4469 = arith.constant 0 : index
    %get3A_4470 = arith.constant 6656 : index
    %get3A_4471 = vector.load %arg4[%get3A_4469, %get3A_4470] : memref<1x8192xf32, #tpu.memory_space<vmem>>, vector<1x128xf32>
    %get3A_4472 = arith.constant 384 : index
    %get3A_4473 = arith.constant 6656 : index
    %get3A_4474 = vector.load %arg5[%get3A_4472, %get3A_4473] : memref<512x8192xf32, #tpu.memory_space<vmem>>, vector<128x128xf32>
    %add3A_4475 = vector.broadcast %slice3A_3528 : vector<128x1xf32> to vector<128x128xf32>
    %add3A_4476 = vector.broadcast %get3A_4471 : vector<1x128xf32> to vector<128x128xf32>
    %add3A_4477 = arith.addf %add3A_4475, %add3A_4476 : vector<128x128xf32>
    %sub3A_4478 = arith.subf %add3A_4477, %get3A_4474 : vector<128x128xf32>
    %lt3A_4479 = arith.cmpf olt, %sub3A_4478, %select_n3A_4462 : vector<128x128xf32>
    %select_n3A_4480 = arith.select %lt3A_4479, %sub3A_4478, %select_n3A_4462 : vector<128x128xi1>, vector<128x128xf32>
    %add3A_4481 = arith.constant 6.656000e+03 : f32
    %add3A_4482 = vector.broadcast %add3A_4481 : f32 to vector<1x128xf32>
    %add3A_4483 = arith.addf %convert_element_type3A_11, %add3A_4482 : vector<1x128xf32>
    %broadcast_in_dim3A_4484 = vector.shape_cast %add3A_4483 : vector<1x128xf32> to vector<1x128xf32>
    %broadcast_in_dim3A_4485 = vector.broadcast %broadcast_in_dim3A_4484 : vector<1x128xf32> to vector<128x128xf32>
    %select_n3A_4486 = arith.select %lt3A_4479, %broadcast_in_dim3A_4485, %select_n3A_4468 : vector<128x128xi1>, vector<128x128xf32>
    %get3A_4487 = arith.constant 0 : index
    %get3A_4488 = arith.constant 6784 : index
    %get3A_4489 = vector.load %arg4[%get3A_4487, %get3A_4488] : memref<1x8192xf32, #tpu.memory_space<vmem>>, vector<1x128xf32>
    %get3A_4490 = arith.constant 384 : index
    %get3A_4491 = arith.constant 6784 : index
    %get3A_4492 = vector.load %arg5[%get3A_4490, %get3A_4491] : memref<512x8192xf32, #tpu.memory_space<vmem>>, vector<128x128xf32>
    %add3A_4493 = vector.broadcast %slice3A_3528 : vector<128x1xf32> to vector<128x128xf32>
    %add3A_4494 = vector.broadcast %get3A_4489 : vector<1x128xf32> to vector<128x128xf32>
    %add3A_4495 = arith.addf %add3A_4493, %add3A_4494 : vector<128x128xf32>
    %sub3A_4496 = arith.subf %add3A_4495, %get3A_4492 : vector<128x128xf32>
    %lt3A_4497 = arith.cmpf olt, %sub3A_4496, %select_n3A_4480 : vector<128x128xf32>
    %select_n3A_4498 = arith.select %lt3A_4497, %sub3A_4496, %select_n3A_4480 : vector<128x128xi1>, vector<128x128xf32>
    %add3A_4499 = arith.constant 6.784000e+03 : f32
    %add3A_4500 = vector.broadcast %add3A_4499 : f32 to vector<1x128xf32>
    %add3A_4501 = arith.addf %convert_element_type3A_11, %add3A_4500 : vector<1x128xf32>
    %broadcast_in_dim3A_4502 = vector.shape_cast %add3A_4501 : vector<1x128xf32> to vector<1x128xf32>
    %broadcast_in_dim3A_4503 = vector.broadcast %broadcast_in_dim3A_4502 : vector<1x128xf32> to vector<128x128xf32>
    %select_n3A_4504 = arith.select %lt3A_4497, %broadcast_in_dim3A_4503, %select_n3A_4486 : vector<128x128xi1>, vector<128x128xf32>
    %get3A_4505 = arith.constant 0 : index
    %get3A_4506 = arith.constant 6912 : index
    %get3A_4507 = vector.load %arg4[%get3A_4505, %get3A_4506] : memref<1x8192xf32, #tpu.memory_space<vmem>>, vector<1x128xf32>
    %get3A_4508 = arith.constant 384 : index
    %get3A_4509 = arith.constant 6912 : index
    %get3A_4510 = vector.load %arg5[%get3A_4508, %get3A_4509] : memref<512x8192xf32, #tpu.memory_space<vmem>>, vector<128x128xf32>
    %add3A_4511 = vector.broadcast %slice3A_3528 : vector<128x1xf32> to vector<128x128xf32>
    %add3A_4512 = vector.broadcast %get3A_4507 : vector<1x128xf32> to vector<128x128xf32>
    %add3A_4513 = arith.addf %add3A_4511, %add3A_4512 : vector<128x128xf32>
    %sub3A_4514 = arith.subf %add3A_4513, %get3A_4510 : vector<128x128xf32>
    %lt3A_4515 = arith.cmpf olt, %sub3A_4514, %select_n3A_4498 : vector<128x128xf32>
    %select_n3A_4516 = arith.select %lt3A_4515, %sub3A_4514, %select_n3A_4498 : vector<128x128xi1>, vector<128x128xf32>
    %add3A_4517 = arith.constant 6.912000e+03 : f32
    %add3A_4518 = vector.broadcast %add3A_4517 : f32 to vector<1x128xf32>
    %add3A_4519 = arith.addf %convert_element_type3A_11, %add3A_4518 : vector<1x128xf32>
    %broadcast_in_dim3A_4520 = vector.shape_cast %add3A_4519 : vector<1x128xf32> to vector<1x128xf32>
    %broadcast_in_dim3A_4521 = vector.broadcast %broadcast_in_dim3A_4520 : vector<1x128xf32> to vector<128x128xf32>
    %select_n3A_4522 = arith.select %lt3A_4515, %broadcast_in_dim3A_4521, %select_n3A_4504 : vector<128x128xi1>, vector<128x128xf32>
    %get3A_4523 = arith.constant 0 : index
    %get3A_4524 = arith.constant 7040 : index
    %get3A_4525 = vector.load %arg4[%get3A_4523, %get3A_4524] : memref<1x8192xf32, #tpu.memory_space<vmem>>, vector<1x128xf32>
    %get3A_4526 = arith.constant 384 : index
    %get3A_4527 = arith.constant 7040 : index
    %get3A_4528 = vector.load %arg5[%get3A_4526, %get3A_4527] : memref<512x8192xf32, #tpu.memory_space<vmem>>, vector<128x128xf32>
    %add3A_4529 = vector.broadcast %slice3A_3528 : vector<128x1xf32> to vector<128x128xf32>
    %add3A_4530 = vector.broadcast %get3A_4525 : vector<1x128xf32> to vector<128x128xf32>
    %add3A_4531 = arith.addf %add3A_4529, %add3A_4530 : vector<128x128xf32>
    %sub3A_4532 = arith.subf %add3A_4531, %get3A_4528 : vector<128x128xf32>
    %lt3A_4533 = arith.cmpf olt, %sub3A_4532, %select_n3A_4516 : vector<128x128xf32>
    %select_n3A_4534 = arith.select %lt3A_4533, %sub3A_4532, %select_n3A_4516 : vector<128x128xi1>, vector<128x128xf32>
    %add3A_4535 = arith.constant 7.040000e+03 : f32
    %add3A_4536 = vector.broadcast %add3A_4535 : f32 to vector<1x128xf32>
    %add3A_4537 = arith.addf %convert_element_type3A_11, %add3A_4536 : vector<1x128xf32>
    %broadcast_in_dim3A_4538 = vector.shape_cast %add3A_4537 : vector<1x128xf32> to vector<1x128xf32>
    %broadcast_in_dim3A_4539 = vector.broadcast %broadcast_in_dim3A_4538 : vector<1x128xf32> to vector<128x128xf32>
    %select_n3A_4540 = arith.select %lt3A_4533, %broadcast_in_dim3A_4539, %select_n3A_4522 : vector<128x128xi1>, vector<128x128xf32>
    %get3A_4541 = arith.constant 0 : index
    %get3A_4542 = arith.constant 7168 : index
    %get3A_4543 = vector.load %arg4[%get3A_4541, %get3A_4542] : memref<1x8192xf32, #tpu.memory_space<vmem>>, vector<1x128xf32>
    %get3A_4544 = arith.constant 384 : index
    %get3A_4545 = arith.constant 7168 : index
    %get3A_4546 = vector.load %arg5[%get3A_4544, %get3A_4545] : memref<512x8192xf32, #tpu.memory_space<vmem>>, vector<128x128xf32>
    %add3A_4547 = vector.broadcast %slice3A_3528 : vector<128x1xf32> to vector<128x128xf32>
    %add3A_4548 = vector.broadcast %get3A_4543 : vector<1x128xf32> to vector<128x128xf32>
    %add3A_4549 = arith.addf %add3A_4547, %add3A_4548 : vector<128x128xf32>
    %sub3A_4550 = arith.subf %add3A_4549, %get3A_4546 : vector<128x128xf32>
    %lt3A_4551 = arith.cmpf olt, %sub3A_4550, %select_n3A_4534 : vector<128x128xf32>
    %select_n3A_4552 = arith.select %lt3A_4551, %sub3A_4550, %select_n3A_4534 : vector<128x128xi1>, vector<128x128xf32>
    %add3A_4553 = arith.constant 7.168000e+03 : f32
    %add3A_4554 = vector.broadcast %add3A_4553 : f32 to vector<1x128xf32>
    %add3A_4555 = arith.addf %convert_element_type3A_11, %add3A_4554 : vector<1x128xf32>
    %broadcast_in_dim3A_4556 = vector.shape_cast %add3A_4555 : vector<1x128xf32> to vector<1x128xf32>
    %broadcast_in_dim3A_4557 = vector.broadcast %broadcast_in_dim3A_4556 : vector<1x128xf32> to vector<128x128xf32>
    %select_n3A_4558 = arith.select %lt3A_4551, %broadcast_in_dim3A_4557, %select_n3A_4540 : vector<128x128xi1>, vector<128x128xf32>
    %get3A_4559 = arith.constant 0 : index
    %get3A_4560 = arith.constant 7296 : index
    %get3A_4561 = vector.load %arg4[%get3A_4559, %get3A_4560] : memref<1x8192xf32, #tpu.memory_space<vmem>>, vector<1x128xf32>
    %get3A_4562 = arith.constant 384 : index
    %get3A_4563 = arith.constant 7296 : index
    %get3A_4564 = vector.load %arg5[%get3A_4562, %get3A_4563] : memref<512x8192xf32, #tpu.memory_space<vmem>>, vector<128x128xf32>
    %add3A_4565 = vector.broadcast %slice3A_3528 : vector<128x1xf32> to vector<128x128xf32>
    %add3A_4566 = vector.broadcast %get3A_4561 : vector<1x128xf32> to vector<128x128xf32>
    %add3A_4567 = arith.addf %add3A_4565, %add3A_4566 : vector<128x128xf32>
    %sub3A_4568 = arith.subf %add3A_4567, %get3A_4564 : vector<128x128xf32>
    %lt3A_4569 = arith.cmpf olt, %sub3A_4568, %select_n3A_4552 : vector<128x128xf32>
    %select_n3A_4570 = arith.select %lt3A_4569, %sub3A_4568, %select_n3A_4552 : vector<128x128xi1>, vector<128x128xf32>
    %add3A_4571 = arith.constant 7.296000e+03 : f32
    %add3A_4572 = vector.broadcast %add3A_4571 : f32 to vector<1x128xf32>
    %add3A_4573 = arith.addf %convert_element_type3A_11, %add3A_4572 : vector<1x128xf32>
    %broadcast_in_dim3A_4574 = vector.shape_cast %add3A_4573 : vector<1x128xf32> to vector<1x128xf32>
    %broadcast_in_dim3A_4575 = vector.broadcast %broadcast_in_dim3A_4574 : vector<1x128xf32> to vector<128x128xf32>
    %select_n3A_4576 = arith.select %lt3A_4569, %broadcast_in_dim3A_4575, %select_n3A_4558 : vector<128x128xi1>, vector<128x128xf32>
    %get3A_4577 = arith.constant 0 : index
    %get3A_4578 = arith.constant 7424 : index
    %get3A_4579 = vector.load %arg4[%get3A_4577, %get3A_4578] : memref<1x8192xf32, #tpu.memory_space<vmem>>, vector<1x128xf32>
    %get3A_4580 = arith.constant 384 : index
    %get3A_4581 = arith.constant 7424 : index
    %get3A_4582 = vector.load %arg5[%get3A_4580, %get3A_4581] : memref<512x8192xf32, #tpu.memory_space<vmem>>, vector<128x128xf32>
    %add3A_4583 = vector.broadcast %slice3A_3528 : vector<128x1xf32> to vector<128x128xf32>
    %add3A_4584 = vector.broadcast %get3A_4579 : vector<1x128xf32> to vector<128x128xf32>
    %add3A_4585 = arith.addf %add3A_4583, %add3A_4584 : vector<128x128xf32>
    %sub3A_4586 = arith.subf %add3A_4585, %get3A_4582 : vector<128x128xf32>
    %lt3A_4587 = arith.cmpf olt, %sub3A_4586, %select_n3A_4570 : vector<128x128xf32>
    %select_n3A_4588 = arith.select %lt3A_4587, %sub3A_4586, %select_n3A_4570 : vector<128x128xi1>, vector<128x128xf32>
    %add3A_4589 = arith.constant 7.424000e+03 : f32
    %add3A_4590 = vector.broadcast %add3A_4589 : f32 to vector<1x128xf32>
    %add3A_4591 = arith.addf %convert_element_type3A_11, %add3A_4590 : vector<1x128xf32>
    %broadcast_in_dim3A_4592 = vector.shape_cast %add3A_4591 : vector<1x128xf32> to vector<1x128xf32>
    %broadcast_in_dim3A_4593 = vector.broadcast %broadcast_in_dim3A_4592 : vector<1x128xf32> to vector<128x128xf32>
    %select_n3A_4594 = arith.select %lt3A_4587, %broadcast_in_dim3A_4593, %select_n3A_4576 : vector<128x128xi1>, vector<128x128xf32>
    %get3A_4595 = arith.constant 0 : index
    %get3A_4596 = arith.constant 7552 : index
    %get3A_4597 = vector.load %arg4[%get3A_4595, %get3A_4596] : memref<1x8192xf32, #tpu.memory_space<vmem>>, vector<1x128xf32>
    %get3A_4598 = arith.constant 384 : index
    %get3A_4599 = arith.constant 7552 : index
    %get3A_4600 = vector.load %arg5[%get3A_4598, %get3A_4599] : memref<512x8192xf32, #tpu.memory_space<vmem>>, vector<128x128xf32>
    %add3A_4601 = vector.broadcast %slice3A_3528 : vector<128x1xf32> to vector<128x128xf32>
    %add3A_4602 = vector.broadcast %get3A_4597 : vector<1x128xf32> to vector<128x128xf32>
    %add3A_4603 = arith.addf %add3A_4601, %add3A_4602 : vector<128x128xf32>
    %sub3A_4604 = arith.subf %add3A_4603, %get3A_4600 : vector<128x128xf32>
    %lt3A_4605 = arith.cmpf olt, %sub3A_4604, %select_n3A_4588 : vector<128x128xf32>
    %select_n3A_4606 = arith.select %lt3A_4605, %sub3A_4604, %select_n3A_4588 : vector<128x128xi1>, vector<128x128xf32>
    %add3A_4607 = arith.constant 7.552000e+03 : f32
    %add3A_4608 = vector.broadcast %add3A_4607 : f32 to vector<1x128xf32>
    %add3A_4609 = arith.addf %convert_element_type3A_11, %add3A_4608 : vector<1x128xf32>
    %broadcast_in_dim3A_4610 = vector.shape_cast %add3A_4609 : vector<1x128xf32> to vector<1x128xf32>
    %broadcast_in_dim3A_4611 = vector.broadcast %broadcast_in_dim3A_4610 : vector<1x128xf32> to vector<128x128xf32>
    %select_n3A_4612 = arith.select %lt3A_4605, %broadcast_in_dim3A_4611, %select_n3A_4594 : vector<128x128xi1>, vector<128x128xf32>
    %get3A_4613 = arith.constant 0 : index
    %get3A_4614 = arith.constant 7680 : index
    %get3A_4615 = vector.load %arg4[%get3A_4613, %get3A_4614] : memref<1x8192xf32, #tpu.memory_space<vmem>>, vector<1x128xf32>
    %get3A_4616 = arith.constant 384 : index
    %get3A_4617 = arith.constant 7680 : index
    %get3A_4618 = vector.load %arg5[%get3A_4616, %get3A_4617] : memref<512x8192xf32, #tpu.memory_space<vmem>>, vector<128x128xf32>
    %add3A_4619 = vector.broadcast %slice3A_3528 : vector<128x1xf32> to vector<128x128xf32>
    %add3A_4620 = vector.broadcast %get3A_4615 : vector<1x128xf32> to vector<128x128xf32>
    %add3A_4621 = arith.addf %add3A_4619, %add3A_4620 : vector<128x128xf32>
    %sub3A_4622 = arith.subf %add3A_4621, %get3A_4618 : vector<128x128xf32>
    %lt3A_4623 = arith.cmpf olt, %sub3A_4622, %select_n3A_4606 : vector<128x128xf32>
    %select_n3A_4624 = arith.select %lt3A_4623, %sub3A_4622, %select_n3A_4606 : vector<128x128xi1>, vector<128x128xf32>
    %add3A_4625 = arith.constant 7.680000e+03 : f32
    %add3A_4626 = vector.broadcast %add3A_4625 : f32 to vector<1x128xf32>
    %add3A_4627 = arith.addf %convert_element_type3A_11, %add3A_4626 : vector<1x128xf32>
    %broadcast_in_dim3A_4628 = vector.shape_cast %add3A_4627 : vector<1x128xf32> to vector<1x128xf32>
    %broadcast_in_dim3A_4629 = vector.broadcast %broadcast_in_dim3A_4628 : vector<1x128xf32> to vector<128x128xf32>
    %select_n3A_4630 = arith.select %lt3A_4623, %broadcast_in_dim3A_4629, %select_n3A_4612 : vector<128x128xi1>, vector<128x128xf32>
    %get3A_4631 = arith.constant 0 : index
    %get3A_4632 = arith.constant 7808 : index
    %get3A_4633 = vector.load %arg4[%get3A_4631, %get3A_4632] : memref<1x8192xf32, #tpu.memory_space<vmem>>, vector<1x128xf32>
    %get3A_4634 = arith.constant 384 : index
    %get3A_4635 = arith.constant 7808 : index
    %get3A_4636 = vector.load %arg5[%get3A_4634, %get3A_4635] : memref<512x8192xf32, #tpu.memory_space<vmem>>, vector<128x128xf32>
    %add3A_4637 = vector.broadcast %slice3A_3528 : vector<128x1xf32> to vector<128x128xf32>
    %add3A_4638 = vector.broadcast %get3A_4633 : vector<1x128xf32> to vector<128x128xf32>
    %add3A_4639 = arith.addf %add3A_4637, %add3A_4638 : vector<128x128xf32>
    %sub3A_4640 = arith.subf %add3A_4639, %get3A_4636 : vector<128x128xf32>
    %lt3A_4641 = arith.cmpf olt, %sub3A_4640, %select_n3A_4624 : vector<128x128xf32>
    %select_n3A_4642 = arith.select %lt3A_4641, %sub3A_4640, %select_n3A_4624 : vector<128x128xi1>, vector<128x128xf32>
    %add3A_4643 = arith.constant 7.808000e+03 : f32
    %add3A_4644 = vector.broadcast %add3A_4643 : f32 to vector<1x128xf32>
    %add3A_4645 = arith.addf %convert_element_type3A_11, %add3A_4644 : vector<1x128xf32>
    %broadcast_in_dim3A_4646 = vector.shape_cast %add3A_4645 : vector<1x128xf32> to vector<1x128xf32>
    %broadcast_in_dim3A_4647 = vector.broadcast %broadcast_in_dim3A_4646 : vector<1x128xf32> to vector<128x128xf32>
    %select_n3A_4648 = arith.select %lt3A_4641, %broadcast_in_dim3A_4647, %select_n3A_4630 : vector<128x128xi1>, vector<128x128xf32>
    %get3A_4649 = arith.constant 0 : index
    %get3A_4650 = arith.constant 7936 : index
    %get3A_4651 = vector.load %arg4[%get3A_4649, %get3A_4650] : memref<1x8192xf32, #tpu.memory_space<vmem>>, vector<1x128xf32>
    %get3A_4652 = arith.constant 384 : index
    %get3A_4653 = arith.constant 7936 : index
    %get3A_4654 = vector.load %arg5[%get3A_4652, %get3A_4653] : memref<512x8192xf32, #tpu.memory_space<vmem>>, vector<128x128xf32>
    %add3A_4655 = vector.broadcast %slice3A_3528 : vector<128x1xf32> to vector<128x128xf32>
    %add3A_4656 = vector.broadcast %get3A_4651 : vector<1x128xf32> to vector<128x128xf32>
    %add3A_4657 = arith.addf %add3A_4655, %add3A_4656 : vector<128x128xf32>
    %sub3A_4658 = arith.subf %add3A_4657, %get3A_4654 : vector<128x128xf32>
    %lt3A_4659 = arith.cmpf olt, %sub3A_4658, %select_n3A_4642 : vector<128x128xf32>
    %select_n3A_4660 = arith.select %lt3A_4659, %sub3A_4658, %select_n3A_4642 : vector<128x128xi1>, vector<128x128xf32>
    %add3A_4661 = arith.constant 7.936000e+03 : f32
    %add3A_4662 = vector.broadcast %add3A_4661 : f32 to vector<1x128xf32>
    %add3A_4663 = arith.addf %convert_element_type3A_11, %add3A_4662 : vector<1x128xf32>
    %broadcast_in_dim3A_4664 = vector.shape_cast %add3A_4663 : vector<1x128xf32> to vector<1x128xf32>
    %broadcast_in_dim3A_4665 = vector.broadcast %broadcast_in_dim3A_4664 : vector<1x128xf32> to vector<128x128xf32>
    %select_n3A_4666 = arith.select %lt3A_4659, %broadcast_in_dim3A_4665, %select_n3A_4648 : vector<128x128xi1>, vector<128x128xf32>
    %get3A_4667 = arith.constant 0 : index
    %get3A_4668 = arith.constant 8064 : index
    %get3A_4669 = vector.load %arg4[%get3A_4667, %get3A_4668] : memref<1x8192xf32, #tpu.memory_space<vmem>>, vector<1x128xf32>
    %get3A_4670 = arith.constant 384 : index
    %get3A_4671 = arith.constant 8064 : index
    %get3A_4672 = vector.load %arg5[%get3A_4670, %get3A_4671] : memref<512x8192xf32, #tpu.memory_space<vmem>>, vector<128x128xf32>
    %add3A_4673 = vector.broadcast %slice3A_3528 : vector<128x1xf32> to vector<128x128xf32>
    %add3A_4674 = vector.broadcast %get3A_4669 : vector<1x128xf32> to vector<128x128xf32>
    %add3A_4675 = arith.addf %add3A_4673, %add3A_4674 : vector<128x128xf32>
    %sub3A_4676 = arith.subf %add3A_4675, %get3A_4672 : vector<128x128xf32>
    %lt3A_4677 = arith.cmpf olt, %sub3A_4676, %select_n3A_4660 : vector<128x128xf32>
    %select_n3A_4678 = arith.select %lt3A_4677, %sub3A_4676, %select_n3A_4660 : vector<128x128xi1>, vector<128x128xf32>
    %add3A_4679 = arith.constant 8.064000e+03 : f32
    %add3A_4680 = vector.broadcast %add3A_4679 : f32 to vector<1x128xf32>
    %add3A_4681 = arith.addf %convert_element_type3A_11, %add3A_4680 : vector<1x128xf32>
    %broadcast_in_dim3A_4682 = vector.shape_cast %add3A_4681 : vector<1x128xf32> to vector<1x128xf32>
    %broadcast_in_dim3A_4683 = vector.broadcast %broadcast_in_dim3A_4682 : vector<1x128xf32> to vector<128x128xf32>
    %select_n3A_4684 = arith.select %lt3A_4677, %broadcast_in_dim3A_4683, %select_n3A_4666 : vector<128x128xi1>, vector<128x128xf32>
    %reduce_min3A_4685 = arith.constant dense<0x7F800000> : vector<128xf32>
    %reduce_min3A_4686 = vector.multi_reduction <minimumf>, %select_n3A_4678, %reduce_min3A_4685 [1] : vector<128x128xf32> to vector<128xf32>
    %broadcast_in_dim3A_4687 = vector.shape_cast %reduce_min3A_4686 : vector<128xf32> to vector<128x1xf32>
    %eq3A_4688 = vector.broadcast %broadcast_in_dim3A_4687 : vector<128x1xf32> to vector<128x128xf32>
    %eq3A_4689 = arith.cmpf oeq, %select_n3A_4678, %eq3A_4688 : vector<128x128xf32>
    %jit3A_4690 = arith.constant 8.192000e+03 : f32
    %broadcast_in_dim3A_4691 = vector.broadcast %jit3A_4690 : f32 to vector<128x128xf32>
    %select_n3A_4692 = arith.select %eq3A_4689, %select_n3A_4684, %broadcast_in_dim3A_4691 : vector<128x128xi1>, vector<128x128xf32>
    %reduce_min3A_4693 = arith.constant dense<0x7F800000> : vector<128xf32>
    %reduce_min3A_4694 = vector.multi_reduction <minimumf>, %select_n3A_4692, %reduce_min3A_4693 [1] : vector<128x128xf32> to vector<128xf32>
    %convert_element_type3A_4695 = arith.fptosi %reduce_min3A_4694 : vector<128xf32> to vector<128xi32>
    %swap3A_4696 = arith.constant 0 : index
    %swap3A_4697 = arith.constant 0 : index
    %swap3A_4698 = arith.constant 384 : index
    %swap3A_4699 = vector.load %arg3[%swap3A_4696, %swap3A_4697, %swap3A_4698] : memref<1x1x512xi32, #tpu.memory_space<vmem>>, vector<1x1x128xi32>
    %swap3A_4700 = vector.shape_cast %swap3A_4699 : vector<1x1x128xi32> to vector<128xi32>
    %swap3A_4701 = vector.shape_cast %convert_element_type3A_4695 : vector<128xi32> to vector<1x1x128xi32>
    tpu.vector_store %arg3[%swap3A_4696, %swap3A_4697, %swap3A_4698], %swap3A_4701 {strides = array<i32>} : memref<1x1x512xi32, #tpu.memory_space<vmem>>, vector<1x1x128xi32>,
    return
  }
  func.func @transform_0(%arg0: i32) -> (i32, i32) {
    %c0_i32 = arith.constant 0 : i32
    %c0_i32_0 = arith.constant 0 : i32
    return %arg0, %c0_i32 : i32, i32
  }
  func.func @transform_1(%arg0: i32) -> (i32, i32) {
    %c0_i32 = arith.constant 0 : i32
    %c0_i32_0 = arith.constant 0 : i32
    %c0_i32_1 = arith.constant 0 : i32
    return %c0_i32, %c0_i32_0 : i32, i32
  }
  func.func @transform_2(%arg0: i32) -> (i32, i32, i32) {
    %c0_i32 = arith.constant 0 : i32
    %c0_i32_0 = arith.constant 0 : i32
    %c0_i32_1 = arith.constant 0 : i32
    return %arg0, %c0_i32, %c0_i32_0 : i32, i32, i32
  }
}

</mosaic_0001>

<sc_bundles>
// kernel: kernel.4.cloned.1.call-start
scs
__scs_entry_jumppad:
0x0: {  	(pc) =	sbr.rel $0x88, $3  }
0x1: {  	(tag) =	ssettag $0x0;
	lr =	simm.s32 $0x1  }
0x2: {  	[smem:$0x3F9F] =	sst lr;
	_ =	strace $0xD0000000  }
0x3: {  	_ = 	snop  }
0x4: {  	_ = 	snop  }
0x5: {  	_ = 	snop  }
0x6: {  	_ = 	snop  }
0x7: {  	_ = 	snop  }
__scs_overlays_trampoline_lowered:
0x8: {  	[smem:$0x3FAE] =	sst s0  }
0x9: {  	[smem:$0x3FAF] =	sst s1  }
0xa: {  	[smem:$0x3FB0] =	sst s2  }
0xb: {  	[smem:$0x3FB1] =	sst s3  }
0xc: {  	[smem:$0x3FB2] =	sst s4  }
0xd: {  	[smem:$0x3FB3] =	sst s5  }
0xe: {  	[smem:$0x3FB4] =	sst s6  }
0xf: {  	[smem:$0x3FB5] =	sst s7  }
0x10: {  	[smem:$0x3FB6] =	sst s8  }
0x11: {  	[smem:$0x3FB7] =	sst s9;
	s0 =	simm.s32 @!p0 $0x0  }
0x12: {  	s1 =	sld [smem:$0x3F9D];
	s0 =	simm.s32 @p0 $0x1  }
0x13: {  	[smem:$0x3FB8] =	sst s0;
	s0 =	simm.s32 @!p1 $0x0  }
0x14: {  	s2 =	sld [smem:$0x3F9C];
	s0 =	simm.s32 @p1 $0x1  }
0x15: {  	[smem:$0x3FB9] =	sst s0;
	s0 =	simm.s32 @!p2 $0x0  }
0x16: {  	s3 =	sld [smem:$0x3FDB];
	s0 =	simm.s32 @p2 $0x1  }
0x17: {  	s4 =	simm.s32 $0x1BF5;
	[smem:$0x3FBB] =	sst s0  }
0x18: {  	s0 =	sld [smem:$0x3F9E];
	_ =	swait.ge [sflag:s4], $0x0  }
0x19: {  	s7 =	sld [smem:$0x3F9F]  }
0x1a: {  	s8 =	sadd.s32 $0xFFFFE003, lr  }
0x1b: {  	s9 =	sadd.s32 $0xFFFFFEF7, lr;
	s5 =	simm.s32 $0xFFFFFFFF;
	p2 =	slt.u32 s8, $0xFFFFF086  }
0x1c: {  	p1 =	slt.u32 s9, $0xF7A;
	s5 =	simm.s32 @!p2 $0x0  }
0x1d: {  	s5 =	simm.s32 @p1 $0x1;
	p0 =	seq.s32 s7, s2  }
0x1e: {  	s7 =	smul.u32 @!p0 $0xF7A, s2;
	p2 =	seq.s32 @!p0 s5, $0x0  }
0x1f: {  	s9 =	smul.u32 $0xF7A, s1;
	s8 =	simm.s32 @!p0 $0x1BF5;
	p2 =	por !p2, p0  }
0x20: {  	[sflag:s8] =	ssyncset.s32 @!p0 $0xFFFFF086;
	s6 =	sadd.s32 @!p0 s3, s7;
	s7 =	simm.s32 @!p0 $0x108  }
0x21: {  	s3 =	sadd.s32 s3, s9;
	s6 =	sadd.s32 @!p0 $0x88, s6;
	s7 =	simm.s32 @p2 $0x1082  }
0x22: {  	[simem:s7], [sflag:s8] =	dma.local @!p0 [hbm:s6], $0xF7A  }
0x23: {  	s9 =	sor.u32 $0xD0000000, s2;
	s6 =	simm.s32 $0x108;
	_ =	swait.ge @!p0 [sflag:s8], $0x0  }
0x24: {  	s3 =	sadd.s32 $0x88, s3;
	s6 =	simm.s32 @!p1 $0x1082;
	[sflag:s4] =	ssyncset.s32 $0xFFFFF086  }
0x25: {  	[simem:s6], [sflag:s4] =	dma.local [hbm:s3], $0xF7A  }
0x26: {  	[smem:$0x3F9F] =	sst s1;
	(tag) =	ssettag s2;
	_ =	strace s9  }
0x27: {  	s1 =	sld [smem:$0x3FAF]  }
0x28: {  	s2 =	sld [smem:$0x3FB0]  }
0x29: {  	s4 =	sld [smem:$0x3FB2]  }
0x2a: {  	p0 =	seq.s32 s5, $0x0;
	s5 =	sld [smem:$0x3FB3]  }
0x2b: {  	s6 =	sld [smem:$0x3FB4]  }
0x2c: {  	s7 =	sld [smem:$0x3FB5]  }
0x2d: {  	s3 =	simm.s32 $0x108;
	s8 =	sld [smem:$0x3FB6]  }
0x2e: {  	s3 =	simm.s32 @!p0 $0x1082;
	s9 =	sld [smem:$0x3FB7]  }
0x2f: {  	lr =	sadd.s32 s0, s3;
	s0 =	sld [smem:$0x3FAE]  }
0x30: {  	s3 =	sld [smem:$0x3FB1]  }
0x31: {  	[smem:$0x3FBA] =	sst s10  }
0x32: {  	s10 =	sld [smem:$0x3FB8];
	_ =	sdelay $0x3  }
0x33: {  	p0 =	seq.s32 s10, $0x1;
	s10 =	sld [smem:$0x3FBA];
	_ =	sdelay $0x3  }
0x34: {  	[smem:$0x3FBA] =	sst s10  }
0x35: {  	s10 =	sld [smem:$0x3FB9];
	_ =	sdelay $0x3  }
0x36: {  	p1 =	seq.s32 s10, $0x1;
	s10 =	sld [smem:$0x3FBA];
	_ =	sdelay $0x3  }
0x37: {  	[smem:$0x3FBA] =	sst s10  }
0x38: {  	s10 =	sld [smem:$0x3FBB]  }
0x39: {  	_ = 	snop;
	(pc) =	sbr.ind lr, $3  }
0x3a: {  	_ = 	snop  }
0x3b: {  	_ = 	snop  }
0x3c: {  	p2 =	seq.s32 s10, $0x1;
	s10 =	sld [smem:$0x3FBA]  }
0x3d: {  	_ =	shalt  }
0x3e: {  	_ =	shalt  }
0x3f: {  	_ =	shalt  }
0x40: {  	_ =	shalt  }
0x41: {  	_ =	shalt  }
0x42: {  	_ =	shalt  }
0x43: {  	_ =	shalt  }
0x44: {  	_ =	shalt  }
0x45: {  	_ =	shalt  }
0x46: {  	_ =	shalt  }
0x47: {  	_ =	shalt  }
0x48: {  	_ =	shalt  }
0x49: {  	_ =	shalt  }
0x4a: {  	_ =	shalt  }
0x4b: {  	_ =	shalt  }
0x4c: {  	_ =	shalt  }
0x4d: {  	_ =	shalt  }
0x4e: {  	_ =	shalt  }
0x4f: {  	_ =	shalt  }
0x50: {  	_ =	shalt  }
0x51: {  	_ =	shalt  }
0x52: {  	_ =	shalt  }
0x53: {  	_ =	shalt  }
0x54: {  	_ =	shalt  }
0x55: {  	_ =	shalt  }
0x56: {  	_ =	shalt  }
0x57: {  	_ =	shalt  }
0x58: {  	_ =	shalt  }
0x59: {  	_ =	shalt  }
0x5a: {  	_ =	shalt  }
0x5b: {  	_ =	shalt  }
0x5c: {  	_ =	shalt  }
0x5d: {  	_ =	shalt  }
0x5e: {  	_ =	shalt  }
0x5f: {  	_ =	shalt  }
0x60: {  	_ =	shalt  }
0x61: {  	_ =	shalt  }
0x62: {  	_ =	shalt  }
0x63: {  	_ =	shalt  }
0x64: {  	_ =	shalt  }
0x65: {  	_ =	shalt  }
0x66: {  	_ =	shalt  }
0x67: {  	_ =	shalt  }
0x68: {  	_ =	shalt  }
0x69: {  	_ =	shalt  }
0x6a: {  	_ =	shalt  }
0x6b: {  	_ =	shalt  }
0x6c: {  	_ =	shalt  }
0x6d: {  	_ =	shalt  }
0x6e: {  	_ =	shalt  }
0x6f: {  	_ =	shalt  }
0x70: {  	_ =	shalt  }
0x71: {  	_ =	shalt  }
0x72: {  	_ =	shalt  }
0x73: {  	_ =	shalt  }
0x74: {  	_ =	shalt  }
0x75: {  	_ =	shalt  }
0x76: {  	_ =	shalt  }
0x77: {  	_ =	shalt  }
0x78: {  	_ =	shalt  }
0x79: {  	_ =	shalt  }
0x7a: {  	_ =	shalt  }
0x7b: {  	_ =	shalt  }
0x7c: {  	_ =	shalt  }
0x7d: {  	_ =	shalt  }
0x7e: {  	_ =	shalt  }
0x7f: {  	_ =	shalt  }
0x80: {  	_ =	shalt  }
0x81: {  	_ =	shalt  }
0x82: {  	_ =	shalt  }
0x83: {  	_ =	shalt  }
0x84: {  	_ =	shalt  }
0x85: {  	_ =	shalt  }
0x86: {  	_ =	shalt  }
0x87: {  	_ =	shalt  }
.Lfunc_end0:
.L_simem_size_0:
called_computation_lowered:
.L_overlay_start_0:
0x88: {  	s2 =	sld [smem:$0x3FD9]  }
0x89: {  	s3 =	sld [smem:$0x3FFE];
	_ =	sdelay $0x1  }
0x8a: {  	s1 =	srdreg.scid  }
0x8b: {  	s0 =	sand.u32 $0x1, s1  }
0x8c: {  	s14 =	sshll.u32 s0, $0xA;
	s2 =	sadd.s32 s3, s2  }
0x8d: {  	s2 =	sadd.s32 s2, s14  }
0x8e: {  	[smem:$0x3FC6] =	sst s2  }
0x8f: {  	_ = 	snop  }
0x90: {  	s2 =	sld [smem:$0x3FD0];
	_ =	sdelay $0x2  }
0x91: {  	s15 =	simm.s32 $0xA;
	s4 =	simm.s32 $0x10  }
0x92: {  	[smem:s4], [sflag:s15] =	dma.local [hbm:s2], $0x1  }
0x93: {  	_ =	swait.eq [sflag:s15], $0x1  }
0x94: {  	[sflag:s15] =	ssyncset.done $0x0  }
0x95: {  	[sflag:s15] =	ssyncadd.s32 $0xFFFFFFFF  }
0x96: {  	s16 =	sld [smem:$0x11];
	(tm) =	ssettm $0x1  }
0x97: {  	s17 =	sld [smem:$0x3FFB];
	_ =	sdelay $0x3  }
0x98: {  	_ =	strace s17  }
0x99: {  	s3 =	sld [smem:$0x3FFC];
	_ =	sdelay $0x3  }
0x9a: {  	_ =	strace s3  }
0x9b: {  	s3 =	sld [smem:$0x3FFD];
	_ =	sdelay $0x3  }
0x9c: {  	_ =	strace s3  }
0x9d: {  	_ =	strace $0x8FFFFFFF  }
0x9e: {  	s18 =	sld [smem:$0x3FDB];
	_ =	sdelay $0x1  }
0x9f: {  	s19 =	simm.s32 $_scs_section_size  }
0xa0: {  	s5 =	simm.s32 $_size__tile_overlayer_lowered;
	s6 =	simm.s32 $_tile_overlayer_lowered  }
0xa1: {  	s22 =	simm.s32 $0x1BFF;
	s21 =	sshll.u32 s6, $0x1;
	s3 =	sadd.s32 s19, s18  }
0xa2: {  	s7 =	simm.s32 $0x0;
	s20 =	sshll.u32 s5, $0x1;
	s5 =	sadd.s32 s21, s3  }
0xa3: {  	[timem:s7], [sflag:s22] =	dma.local [hbm:s5], s20  }
0xa4: {  	_ =	swait.ge [sflag:s22], s20  }
0xa5: {  	s4 =	ssub.s32 $0x0, s20;
	[sflag:s22] =	ssyncset.done $0x0  }
0xa6: {  	[sflag:s22] =	ssyncadd.s32 s4;
	_ =	sdelay $0x1  }
0xa7: {  	s23 =	simm.s32 $0x1B8B  }
0xa8: {  	_ =	swait.ge [sflag:s23], $0x1  }
0xa9: {  	[sflag:s23] =	ssyncset.done $0x0  }
0xaa: {  	s25 =	simm.s32 $0x1B8E;
	s24 =	sld [smem:$0x3FFE];
	[sflag:s23] =	ssyncadd.s32 $0xFFFFFFFF  }
0xab: {  	s26 =	simm.s32 $execute0_lowered;
	[smem:$0x3FD2] =	sst s25  }
0xac: {  	s5 =	sshll.u32 s26, $0x1;
	_ =	strace $0x80000046;
	[dreg:$0x1] =	wrdreg $0xFFFFFFFF  }
0xad: {  	s28 =	simm.s32 $_size_execute0_lowered;
	s3 =	sadd.s32 s3, s5;
	[dreg:$0x0] =	wrdreg $0x0  }
0xae: {  	s5 =	sshll.u32 s28, $0x1;
	[dreg:$0x2] =	wrdreg s3  }
0xaf: {  	[dreg:$0x3] =	wrdreg s5  }
0xb0: {  	[dreg:$0x4] =	wrdreg $0xC0  }
0xb1: {  	_ =	task [dreg:s7], $0x5FFFF  }
0xb2: {  	[dreg:$0x1] =	wrdreg $0xFFFFFFFF  }
0xb3: {  	[dreg:$0x0] =	wrdreg $0x60  }
0xb4: {  	[dreg:$0x2] =	wrdreg s24  }
0xb5: {  	[dreg:$0x3] =	wrdreg s16  }
0xb6: {  	[dreg:$0x4] =	wrdreg $0x9  }
0xb7: {  	_ =	task.clear_ibuf [dreg:s7], $0x5FFFF;
	_ =	strace $0x90000046  }
0xb8: {  	s29 =	simm.s32 $0x9;
	_ =	strace $0x80000048  }
0xb9: {  	_ =	swait.ge [sflag:s29], $0x1  }
0xba: {  	[sflag:s29] =	ssyncadd.s32 $0xFFFFFFFF  }
0xbb: {  	_ =	strace $0x90000048  }
0xbc: {  	_ =	sfence  }
0xbd: {  	s30 =	sld [smem:$0x0];
	_ =	sdelay $0x2  }
0xbe: {  	s31 =	sshll.u32 s1, $0xD;
	s1 =	sshrl.u32 s1, $0x2  }
0xbf: {  	s3 =	sand.u32 $0x4000, s31;
	s1 =	sadd.s32 s1, s30  }
0xc0: {  	s0 =	sor.u32 s3, s0;
	s1 =	sshll.u32 s1, $0x11  }
0xc1: {  	s0 =	sor.u32 s1, s0  }
0xc2: {  	s0 =	sadd.s32 $0x8F2B, s0  }
0xc3: {  	[sflag:s0] =	ssyncadd.remote.s32 $0x1  }
0xc4: {  	_ =	sfence.sel $0xFFFF  }
0xc5: {  	[dreg:$0x0] =	wrdreg $0xFFFFFFFF;
	(pc) =	sbr.abs _section_cstart, $3  }
0xc6: {  	[dreg:$0x1] =	wrdreg $0xFFFFFFFF  }
0xc7: {  	_ =	task.clear_ibuf [dreg:s7], $0x2FFFF;
	_ =	strace $0x9FFFFFFF  }
0xc8: {  	(tm) =	ssettm $0x7FFFFFFF  }
0xc9: {  	_ =	shalt  }
tec
execute0_lowered:
.L_overlay_start_1:
0x0: {  	(tag) =	ssettag $0x1  }
0x1: {  	s1 =	srdreg.scid  }
0x2: {  	s0 =	stileid.u32;
	s9 =	rddreg [dreg:$0x0]  }
0x3: {  	s3 =	rddreg [dreg:$0x1];
	s6 =	sand.u32 $0x1, s1;
	s30 =	sshll.u32 s0, $0x1  }
0x4: {  	s2 =	simm.s32 $0x0;
	s1 =	rddreg [dreg:$0x2];
	s7 =	sor.u32 s6, s30  }
0x5: {  	s8 =	simm.s32 $0x1;
	[smem:$0x7FF] =	sst s2;
	s4 =	smul.u32 $0x24, s7  }
0x6: {  	s5 =	sadd.s32 $0x800, s9;
	_ =	strace $0x80000047;
	s11 =	ssub.s32 $0x2, s6  }
0x7: {  	s6 =	simm.s32 $0x120;
	s4 =	sadd.s32 s3, s4;
	s3 =	simm.s32 $0x2  }
0x8: {  	[tilespmem:s2], [sflag:$0x2] =	stream.linear.gather [hbm4b:s4+s2], $0x120, $0x38;
	[tilespmem:$0x9180] =	vst v63  }
0x9: {  	s10 =	smul.u32 $0x1200, s7;
	s12 =	sshrl.u32 s11, $0x1;
	_ =	swait.ge [sflag:s3], $0x120  }
0xa: {  	s7 =	simm.s32 $0x180;
	s31 =	ssub.s32 s11, s12;
	[sflag:s3] =	ssyncset.done $0x0  }
0xb: {  	s9 =	sadd.s32 s10, s9;
	s10 =	smax.u32 s31, $0x1;
	[sflag:s3] =	ssyncadd.s32 $0xFFFFFEE0  }
0xc: {  	[tilespmem:s7], [sflag:$0x1] =	stream.indirect.gather [hbm4b:s5+s6], $0x80, s2, s6, $0xb8;
	[tilespmem:$0x9180] =	vst v63  }
0xd: {  	p0 =	sne.s32 s10, $0x1;
	_ =	swait.ge [sflag:s8], $0x9000  }
.Ltmp0:
0xe: {  	[sflag:s8] =	ssyncset.done $0x0;
	(pc) =	sbr.rel @!p0 .LBB2_2-.Ltmp0, $4  }
0xf: {  	s9 =	sadd.s32 $0x20800, s9;
	[sflag:s8] =	ssyncadd.s32 $0xFFFF7000  }
0x10: {  	[hbm4b:s9+s2] =	stream.linear.scatter [tilespmem:s7], [sflag:$0x2], $0x9000, $0x38;
	[tilespmem:$0x9180] =	vst v63  }
0x11: {  	_ =	swait.ge [sflag:s3], $0x9000  }
0x12: {  	s10 =	sadd.s32 $0xFFFFFFFF, s10;
	[sflag:s3] =	ssyncset.done $0x0  }
.LBB2_1:
0x13: {  	p0 =	sne.s32 s10, $0x1;
	s10 =	sadd.s32 $0xFFFFFFFF, s10;
	[sflag:s3] =	ssyncadd.s32 $0xFFFF7000  }
0x14: {  	[tilespmem:s2], [sflag:$0x2] =	stream.linear.gather [hbm4b:s4+s2], $0x120, $0x38;
	[tilespmem:$0x9180] =	vst v63  }
0x15: {  	_ =	swait.ge [sflag:s3], $0x120  }
0x16: {  	[sflag:s3] =	ssyncset.done $0x0  }
0x17: {  	[sflag:s3] =	ssyncadd.s32 $0xFFFFFEE0  }
0x18: {  	[tilespmem:s7], [sflag:$0x1] =	stream.indirect.gather [hbm4b:s5+s6], $0x80, s2, s6, $0xb8;
	[tilespmem:$0x9180] =	vst v63  }
0x19: {  	_ =	swait.ge [sflag:s8], $0x9000  }
.Ltmp1:
0x1a: {  	[sflag:s8] =	ssyncset.done $0x0;
	(pc) =	sbr.rel @p0 .LBB2_1-.Ltmp1, $4  }
0x1b: {  	[sflag:s8] =	ssyncadd.s32 $0xFFFF7000  }
0x1c: {  	[hbm4b:s9+s2] =	stream.linear.scatter [tilespmem:s7], [sflag:$0x2], $0x9000, $0x38;
	[tilespmem:$0x9180] =	vst v63  }
0x1d: {  	_ =	swait.ge [sflag:s3], $0x9000  }
0x1e: {  	[sflag:s3] =	ssyncset.done $0x0  }
.LBB2_2:
0x1f: {  	[sflag:s3] =	ssyncadd.s32 $0xFFFF7000  }
0x20: {  	_ =	sfence.sel $0x180000  }
0x21: {  	[bflag:$0x0] =	sbarrier.arrive $0xFFFF  }
0x22: {  	p0 =	sne.s32 s0, $0x0;
	_ =	strace $0x90000047  }
0x23: {  	s0 =	sadd.s32 @!p0 $0x100000, s1;
	[bflag:$0x2] =	sbarrier.arrive $0xFFFF  }
0x24: {  	[sflag:s0] =	ssyncadd.tile.s32 @!p0 $0x1;
	_ =	shalt  }
.Lfunc_end2:
_tile_overlayer_lowered:
.L_overlay_start_2:
0x25: {  	(tag) =	ssettag $0x2  }
0x26: {  	s0 =	rddreg [dreg:$0x0];
	s2 =	stileid.u32  }
0x27: {  	s1 =	rddreg [dreg:$0x1];
	p0 =	sne.s32 s2, $0x0  }
0x28: {  	s3 =	rddreg [dreg:$0x2];
	[bflag:$0x3] =	sbarrier.arrive $0xFFFF;
	s2 =	simm.s32 @!p0 $0x1C02  }
0x29: {  	[timem:s3], [sflag:s2] =	dma.local @!p0 [hbm:s0], s1  }
0x2a: {  	s0 =	simm.s32 @!p0 $0x2  }
0x2b: {  	_ =	swait.ge @!p0 [sflag:s0], s1  }
0x2c: {  	s1 =	ssub.s32 @!p0 $0x0, s1;
	[sflag:s0] =	ssyncset.done @!p0 $0x0  }
0x2d: {  	[sflag:s0] =	ssyncadd.s32 @!p0 s1  }
0x2e: {  	[bflag:$0x3] =	sbarrier.arrive $0xFFFF  }
0x2f: {  	_ =	shalt  }

</sc_bundles>
